<compile_context>
chip_gen: v7x
topology: tpu7x:2x2x1
jax: 0.10.2.dev20260603
libtpu: 0.0.44.dev20260713+nightly
codegen_flags: <defaults>
</compile_context>

<pallas_src>
import jax
import jax.numpy as jnp
from jax import lax
from jax.experimental import pallas as pl
from jax.experimental.pallas import tpu as pltpu
from jax.experimental.pallas import tpu_sc as plsc

N = 10000
E = 320000
D = 128
NC = 2
NS = 16
CH = 128
NP = 10240
EPT = E // NS
EPT2 = 20480
NCHUNK = EPT2 // CH
PCH = 64
PNCHUNK = EPT2 // PCH
RPT = NP // NS
ZCH = 80
ZPT = NP // (NC * NS)
PAD_SRC = 10100
PAD_DST = 10200


_NB = 4


def _sc_prep_body(dedge_hbm, x_hbm, perm_hbm, zeros_hbm, ones_hbm,
                  deg_hbm, z_hbm,
                  deg_acc, idx_all, buf, idxz_v, sem):
    c = lax.axis_index("c")
    s = lax.axis_index("s")
    wid = s * NC + c
    pltpu.sync_copy(dedge_hbm.at[c * NS + s], idx_all)
    pltpu.sync_copy(zeros_hbm, buf)
    for k in range(RPT // CH):
        pltpu.sync_copy(buf, deg_acc.at[pl.ds(s * RPT + k * CH, CH)])
    pltpu.sync_copy(ones_hbm, buf)
    plsc.subcore_barrier()

    def deg_group(g, carry):
        for b in range(_NB):
            ch = g * _NB + b
            pltpu.sync_copy(buf, deg_acc.at[idx_all.at[ch]], add=True)
        return carry

    lax.fori_loop(0, NCHUNK // _NB, deg_group, 0)

    zrows = buf.at[pl.ds(0, ZCH)]

    def z_step(k, carry):
        zb = wid * ZPT + k * ZCH
        pltpu.sync_copy(perm_hbm.at[pl.ds(zb, ZCH)], idxz_v)
        pltpu.async_copy(x_hbm.at[idxz_v], zrows, sem).wait()
        pltpu.sync_copy(zrows, z_hbm.at[pl.ds(zb, ZCH)])
        return carry

    lax.fori_loop(0, ZPT // ZCH, z_step, 0)
    plsc.subcore_barrier()

    for k in range(RPT // CH):
        rb = s * RPT + k * CH
        pltpu.sync_copy(deg_acc.at[pl.ds(rb, CH)], buf)
        pltpu.sync_copy(buf, deg_hbm.at[c, pl.ds(rb, CH)])


_sc_prep = pl.kernel(
    _sc_prep_body,
    out_type=[jax.ShapeDtypeStruct((NC, NP, D), jnp.float32),
              jax.ShapeDtypeStruct((NP, D), jnp.float32)],
    mesh=plsc.VectorSubcoreMesh(core_axis_name="c", subcore_axis_name="s"),
    scratch_types=[
        pltpu.VMEM_SHARED((NP, D), jnp.float32),
        pltpu.VMEM((NCHUNK, CH), jnp.int32),
        pltpu.VMEM((CH, D), jnp.float32),
        pltpu.VMEM((ZCH,), jnp.int32),
        pltpu.SemaphoreType.DMA,
    ],
)


_BCH = 32
_NBLK = PNCHUNK // _BCH
_LOOK = 4


def _sc_prop_body(t_hbm, pidx_hbm, zeros_hbm,
                  agg_hbm,
                  acc, iblk, rows, gsem, isem):
    c = lax.axis_index("c")
    s = lax.axis_index("s")
    cs = c * NS + s
    pltpu.sync_copy(zeros_hbm.at[pl.ds(0, PCH)], rows[0])
    for k in range(RPT // PCH):
        pltpu.sync_copy(rows[0], acc.at[pl.ds(s * RPT + k * PCH, PCH)])
    plsc.subcore_barrier()

    pltpu.sync_copy(pidx_hbm.at[cs, pl.ds(0, _BCH)], iblk[0])
    for b in range(_LOOK):
        pltpu.async_copy(t_hbm.at[iblk[0].at[b, 0]], rows[b], gsem[b])

    def blockpair(g, carry):
        for bj in range(2):
            m = 2 * g + bj
            cur = iblk[bj]
            oth = iblk[1 - bj]
            last = (bj == 1)
            lastguard = _NBLK // 2 - 1

            if not last:
                pltpu.async_copy(
                    pidx_hbm.at[cs, pl.ds((m + 1) * _BCH, _BCH)], oth,
                    isem[1 - bj])
            else:
                @pl.when(g < lastguard)
                def _():
                    pltpu.async_copy(
                        pidx_hbm.at[cs, pl.ds((m + 1) * _BCH, _BCH)], oth,
                        isem[1 - bj])

            for j in range(_BCH):
                b = j % _LOOK
                pltpu.make_async_copy(t_hbm.at[cur.at[j, 0]], rows[b],
                                      gsem[b]).wait()
                pltpu.sync_copy(rows[b], acc.at[cur.at[j, 1]], add=True)
                if j < _BCH - _LOOK:
                    pltpu.async_copy(t_hbm.at[cur.at[j + _LOOK, 0]],
                                     rows[b], gsem[b])
                else:
                    if j == _BCH - _LOOK:
                        if not last:
                            pltpu.make_async_copy(
                                pidx_hbm.at[cs, pl.ds((m + 1) * _BCH,
                                                      _BCH)],
                                oth, isem[1 - bj]).wait()
                        else:
                            @pl.when(g < lastguard)
                            def _():
                                pltpu.make_async_copy(
                                    pidx_hbm.at[cs, pl.ds((m + 1) * _BCH,
                                                          _BCH)],
                                    oth, isem[1 - bj]).wait()
                    if not last:
                        pltpu.async_copy(
                            t_hbm.at[oth.at[j + _LOOK - _BCH, 0]], rows[b],
                            gsem[b])
                    else:
                        @pl.when(g < lastguard)
                        def _():
                            pltpu.async_copy(
                                t_hbm.at[oth.at[j + _LOOK - _BCH, 0]],
                                rows[b], gsem[b])
        return carry

    lax.fori_loop(0, _NBLK // 2, blockpair, 0)
    plsc.subcore_barrier()

    for k in range(RPT // PCH):
        rb = s * RPT + k * PCH
        pltpu.sync_copy(acc.at[pl.ds(rb, PCH)], rows[0])
        pltpu.sync_copy(rows[0], agg_hbm.at[c, pl.ds(rb, PCH)])


_sc_prop = pl.kernel(
    _sc_prop_body,
    out_type=jax.ShapeDtypeStruct((NC, NP, D), jnp.float32),
    mesh=plsc.VectorSubcoreMesh(core_axis_name="c", subcore_axis_name="s"),
    scratch_types=[
        pltpu.VMEM_SHARED((NP, D), jnp.float32),
        [pltpu.VMEM((_BCH, 2, PCH), jnp.int32)] * 2,
        [pltpu.VMEM((PCH, D), jnp.float32)] * _LOOK,
        [pltpu.SemaphoreType.DMA] * _LOOK,
        [pltpu.SemaphoreType.DMA] * 2,
    ],
)


_BS = 1024


def _tc_prep_body(x_ref, z_ref, deg_ref, t_ref):
    g = pl.program_id(0)
    u = lax.rsqrt(jnp.maximum(deg_ref[:, 0:1], 1.0))
    rows = lax.broadcasted_iota(jnp.int32, (_BS, 1), 0) + g * _BS
    um = jnp.where(rows < N, u, 0.0)
    t_ref[0] = x_ref[...] * um
    t_ref[1] = z_ref[...] * um


def _tc_prep(x_pad, z, deg_out):
    return pl.pallas_call(
        _tc_prep_body,
        grid=(NP // _BS,),
        in_specs=[
            pl.BlockSpec((_BS, D), lambda g: (g, 0)),
            pl.BlockSpec((_BS, D), lambda g: (g, 0)),
            pl.BlockSpec((_BS, D), lambda g: (g, 0)),
        ],
        out_specs=pl.BlockSpec((2, _BS, D), lambda g: (0, g, 0)),
        out_shape=jax.ShapeDtypeStruct((2, NP, D), jnp.float32),
    )(x_pad, z, deg_out)


def _tc_loss_body(agg_ref, degin_ref, w_ref, b_ref, wd_ref, out_ref):
    win = lax.rsqrt(jnp.maximum(degin_ref[:, 0:1], 1.0))
    rows = lax.broadcasted_iota(jnp.int32, (NP, 1), 0)
    maskf = (rows < N).astype(jnp.float32)
    w = w_ref[...]
    bvec = b_ref[...]
    h1 = jnp.maximum(
        jnp.dot(agg_ref[0] * win, w, preferred_element_type=jnp.float32)
        + bvec, 0.0) * maskf
    h2 = jnp.maximum(
        jnp.dot(agg_ref[1] * win, w, preferred_element_type=jnp.float32)
        + bvec, 0.0)
    sv = jax.nn.sigmoid(jnp.sum(h1, axis=0, keepdims=True) / N)
    v = jnp.sum(wd_ref[...] * sv, axis=1, keepdims=True)
    pos = jnp.dot(h1, v, preferred_element_type=jnp.float32)
    neg = jnp.dot(h2, v, preferred_element_type=jnp.float32)

    def softplus(t):
        return jnp.maximum(t, 0.0) + jnp.log1p(jnp.exp(-jnp.abs(t)))

    total = jnp.sum((softplus(-pos) + softplus(neg)) * maskf)
    out_ref[0, 0] = total / (2.0 * N)


def _tc_loss(agg, deg_in, W, b2, Wd):
    return pl.pallas_call(
        _tc_loss_body,
        in_specs=[
            pl.BlockSpec(memory_space=pltpu.VMEM),
            pl.BlockSpec(memory_space=pltpu.VMEM),
            pl.BlockSpec(memory_space=pltpu.VMEM),
            pl.BlockSpec(memory_space=pltpu.VMEM),
            pl.BlockSpec(memory_space=pltpu.VMEM),
        ],
        out_specs=pl.BlockSpec(memory_space=pltpu.SMEM),
        out_shape=jax.ShapeDtypeStruct((1, 1), jnp.float32),
    )(agg, deg_in, W, b2, Wd)


def kernel(x, edge_index, W, b, Wd):
    perm = jax.random.permutation(jax.random.key(42), N).astype(jnp.int32)
    perm_pad = jnp.concatenate([perm, jnp.zeros((NP - N,), jnp.int32)])
    x_pad = jnp.concatenate([x, jnp.zeros((NP - N, D), x.dtype)])

    src2d = edge_index[0].reshape(NS, EPT)
    dst2d = edge_index[1].reshape(NS, EPT)
    spad = jnp.full((NS, EPT2 - EPT), PAD_SRC, jnp.int32)
    dpad = jnp.full((NS, EPT2 - EPT), PAD_DST, jnp.int32)
    src_t = jnp.concatenate([src2d, spad], axis=1)
    dst_t = jnp.concatenate([dst2d, dpad], axis=1)
    dedge = jnp.concatenate(
        [src_t.reshape(NS, NCHUNK, CH), dst_t.reshape(NS, NCHUNK, CH)])
    sc = src_t.reshape(1, NS, PNCHUNK, PCH) + jnp.array(
        [0, NP], jnp.int32).reshape(NC, 1, 1, 1)
    dc = jnp.broadcast_to(dst_t.reshape(1, NS, PNCHUNK, PCH),
                          (NC, NS, PNCHUNK, PCH))
    pidx = jnp.stack([sc, dc], axis=3).reshape(NC * NS, PNCHUNK, 2, PCH)

    zeros128 = jnp.zeros((CH, D), jnp.float32)
    ones128 = jnp.ones((CH, D), jnp.float32)

    deg2d, z = _sc_prep(dedge, x, perm_pad, zeros128, ones128)
    t = _tc_prep(x_pad, z, deg2d[0])
    agg = _sc_prop(t.reshape(2 * NP, D), pidx, zeros128)
    loss = _tc_loss(agg, deg2d[1], W, b.reshape(1, D), Wd)
    return loss[0, 0]

# --- scband reference (transcript-rebuilt; emitter-appended) ---
"""Pipeline reference for scband-dgipipeline-25331717111892 (READ-ONLY COPY).

The authoritative reference and input builder live on the scoring server;
editing this copy changes nothing except your own understanding.
"""

import jax, jax.numpy as jnp
import numpy as np

N = 10000
E = 320000
D = 128
H = 128


def setup_inputs(seed: int = 0) -> dict:
    key = jax.random.key(seed)
    k1, k2, k3, k4 = jax.random.split(key, 4)
    x = jax.random.normal(k1, (N, D), dtype=jnp.float32)
    edge_index = jax.random.randint(k2, (2, E), 0, N, dtype=jnp.int32)
    # learned params: GCN layer weight/bias and DGI bilinear discriminator weight
    W = jax.random.normal(k3, (D, H), dtype=jnp.float32) * 0.05
    b = jnp.zeros((H,), dtype=jnp.float32)
    Wd = jax.random.normal(k4, (H, H), dtype=jnp.float32) * 0.05
    return {"x": x, "edge_index": edge_index, "W": W, "b": b, "Wd": Wd}


def _gcn_layer(x, edge_index, W, b):
    # DGL GraphConv with norm='both': h = D_out^{-1/2} A D_in^{-1/2} x W + b, then ReLU
    src = edge_index[0]
    dst = edge_index[1]
    n = x.shape[0]
    ones = jnp.ones((src.shape[0],), dtype=x.dtype)
    deg_out = jnp.maximum(jax.ops.segment_sum(ones, src, num_segments=n), 1.0)
    deg_in = jnp.maximum(jax.ops.segment_sum(ones, dst, num_segments=n), 1.0)
    h = x * jax.lax.rsqrt(deg_out)[:, None]
    msg = jnp.take(h, src, axis=0)
    agg = jax.ops.segment_sum(msg, dst, num_segments=n)
    agg = agg * jax.lax.rsqrt(deg_in)[:, None]
    return jax.nn.relu(agg @ W + b)


def reference(x, edge_index, W, b, Wd):
    # ShuffleNodeAug: permute node features (graph structure unchanged)
    perm = jax.random.permutation(jax.random.key(42), x.shape[0])
    x_shuf = jnp.take(x, perm, axis=0)
    # 1-layer GCN encoder on original and corrupted graphs
    h1 = _gcn_layer(x, edge_index, W, b)
    h2 = _gcn_layer(x_shuf, edge_index, W, b)
    # DGI contrast: summary vector + bilinear discriminator + BCEWithLogits
    s = jax.nn.sigmoid(jnp.mean(h1, axis=0))
    pos = h1 @ (Wd @ s)
    neg = h2 @ (Wd @ s)
    logits = jnp.concatenate([pos, neg])
    labels = jnp.concatenate([jnp.ones_like(pos), jnp.zeros_like(neg)])
    # BCEWithLogitsLoss: mean(softplus(x) - y*x)
    loss = jnp.mean(jax.nn.softplus(logits) - labels * logits)
    return loss

if __name__ == "__main__":
    import jax
    _d = setup_inputs()
    print(jax.jit(kernel)(*tuple(_d.values())))

</pallas_src>

<mosaic_0001>
#map = affine_map<(d0, d1) -> (0, 0, 0)>
#map1 = affine_map<(d0, d1) -> (0, 0)>
#map2 = affine_map<(d0, d1) -> (0)>
module attributes {stable_mosaic.version = 14 : i64} {
  func.func @_sc_prep_body(%arg0: i32, %arg1: i32, %arg2: memref<32x160x128xi32, #tpu.memory_space<hbm>>, %arg3: memref<10000x128xf32, #tpu.memory_space<hbm>>, %arg4: memref<10240xi32, #tpu.memory_space<hbm>>, %arg5: memref<128x128xf32, #tpu.memory_space<hbm>>, %arg6: memref<128x128xf32, #tpu.memory_space<hbm>>, %arg7: memref<2x10240x128xf32, #tpu.memory_space<hbm>>, %arg8: memref<10240x128xf32, #tpu.memory_space<hbm>>, %arg9: memref<10240x128xf32, #tpu.memory_space<vmem_shared>>, %arg10: memref<160x128xi32, #tpu.memory_space<vmem>>, %arg11: memref<128x128xf32, #tpu.memory_space<vmem>>, %arg12: memref<80xi32, #tpu.memory_space<vmem>>, %arg13: memref<!tpu.dma_semaphore, #tpu.memory_space<semaphore_mem>>) attributes {dimension_semantics = [#tpu.dimension_semantics<core_parallel>, #tpu.dimension_semantics<subcore_parallel>], iteration_bounds = array<i64: 2, 16>, scalar_prefetch = 0 : i64, scratch_operands = 5 : i64, tpu.core_type = #tpu.core_type<sc_vector_subcore>, window_params = [{transform_indices = #map}, {transform_indices = #map1}, {transform_indices = #map2}, {transform_indices = #map1}, {transform_indices = #map1}, {transform_indices = #map}, {transform_indices = #map1}]} {
    %mul3A = arith.constant 2 : i32
    %mul3A_0 = arith.muli %arg1, %mul3A : i32
    %add3A = arith.addi %mul3A_0, %arg0 : i32
    %mul3A_1 = arith.constant 16 : i32
    %mul3A_2 = arith.muli %arg0, %mul3A_1 : i32
    %add3A_3 = arith.addi %mul3A_2, %arg1 : i32
    "tpu.region"() ({
      %run_scoped3A = tpu.sem_alloc : memref<!tpu.dma_semaphore, #tpu.memory_space<semaphore_mem>>
      %dma_start3A = arith.constant 0 : i32
      %dma_start3A_56 = arith.constant 0 : i32
      %dma_start3A_57 = tpu.memref_slice %arg2[%add3A_3, %dma_start3A, %dma_start3A_56] : memref<32x160x128xi32, #tpu.memory_space<hbm>> -> memref<1x160x128xi32, #tpu.memory_space<hbm>>
      %dma_start3A_58 = tpu.memref_squeeze %dma_start3A_57 : memref<1x160x128xi32, #tpu.memory_space<hbm>> -> memref<160x128xi32, #tpu.memory_space<hbm>>
      %dma_start3A_59 = arith.constant 0 : i32
      %dma_start3A_60 = arith.constant 0 : i32
      %dma_start3A_61 = tpu.memref_slice %arg2[%add3A_3, %dma_start3A_59, %dma_start3A_60] : memref<32x160x128xi32, #tpu.memory_space<hbm>> -> memref<1x160x128xi32, #tpu.memory_space<hbm>>
      %dma_start3A_62 = tpu.memref_squeeze %dma_start3A_61 : memref<1x160x128xi32, #tpu.memory_space<hbm>> -> memref<160x128xi32, #tpu.memory_space<hbm>>
      tpu.enqueue_dma source(%dma_start3A_62 : memref<160x128xi32, #tpu.memory_space<hbm>>) target(%arg10 : memref<160x128xi32, #tpu.memory_space<vmem>>) target_semaphore(%run_scoped3A : memref<!tpu.dma_semaphore, #tpu.memory_space<semaphore_mem>>)
      %dma_wait3A = arith.constant 0 : i32
      %dma_wait3A_63 = arith.constant 0 : i32
      %dma_wait3A_64 = tpu.memref_slice %arg2[%add3A_3, %dma_wait3A, %dma_wait3A_63] : memref<32x160x128xi32, #tpu.memory_space<hbm>> -> memref<1x160x128xi32, #tpu.memory_space<hbm>>
      %dma_wait3A_65 = tpu.memref_squeeze %dma_wait3A_64 : memref<1x160x128xi32, #tpu.memory_space<hbm>> -> memref<160x128xi32, #tpu.memory_space<hbm>>
      %dma_wait3A_66 = arith.constant 0 : i32
      %dma_wait3A_67 = arith.constant 0 : i32
      %dma_wait3A_68 = tpu.memref_slice %arg2[%add3A_3, %dma_wait3A_66, %dma_wait3A_67] : memref<32x160x128xi32, #tpu.memory_space<hbm>> -> memref<1x160x128xi32, #tpu.memory_space<hbm>>
      %dma_wait3A_69 = tpu.memref_squeeze %dma_wait3A_68 : memref<1x160x128xi32, #tpu.memory_space<hbm>> -> memref<160x128xi32, #tpu.memory_space<hbm>>
      tpu.wait_dma2 semaphore(%run_scoped3A : memref<!tpu.dma_semaphore, #tpu.memory_space<semaphore_mem>>) src(%dma_wait3A_69 : memref<160x128xi32, #tpu.memory_space<hbm>>) dst(%arg10 : memref<160x128xi32, #tpu.memory_space<vmem>>)
      tpu.yield
    }) : () -> ()
    "tpu.region"() ({
      %run_scoped3A = tpu.sem_alloc : memref<!tpu.dma_semaphore, #tpu.memory_space<semaphore_mem>>
      tpu.enqueue_dma source(%arg5 : memref<128x128xf32, #tpu.memory_space<hbm>>) target(%arg11 : memref<128x128xf32, #tpu.memory_space<vmem>>) target_semaphore(%run_scoped3A : memref<!tpu.dma_semaphore, #tpu.memory_space<semaphore_mem>>)
      tpu.wait_dma2 semaphore(%run_scoped3A : memref<!tpu.dma_semaphore, #tpu.memory_space<semaphore_mem>>) src(%arg5 : memref<128x128xf32, #tpu.memory_space<hbm>>) dst(%arg11 : memref<128x128xf32, #tpu.memory_space<vmem>>)
      tpu.yield
    }) : () -> ()
    %mul3A_4 = arith.constant 640 : i32
    %mul3A_5 = arith.muli %arg1, %mul3A_4 : i32
    %add3A_6 = arith.constant 0 : i32
    %add3A_7 = arith.addi %mul3A_5, %add3A_6 : i32
    "tpu.region"() ({
      %run_scoped3A = tpu.sem_alloc : memref<!tpu.dma_semaphore, #tpu.memory_space<semaphore_mem>>
      %dma_start3A = arith.constant 0 : i32
      %dma_start3A_56 = tpu.memref_slice %arg9[%add3A_7, %dma_start3A] : memref<10240x128xf32, #tpu.memory_space<vmem_shared>> -> memref<128x128xf32, #tpu.memory_space<vmem_shared>>
      %dma_start3A_57 = arith.constant 0 : i32
      %dma_start3A_58 = tpu.memref_slice %arg9[%add3A_7, %dma_start3A_57] : memref<10240x128xf32, #tpu.memory_space<vmem_shared>> -> memref<128x128xf32, #tpu.memory_space<vmem_shared>>
      tpu.enqueue_dma source(%arg11 : memref<128x128xf32, #tpu.memory_space<vmem>>) target(%dma_start3A_58 : memref<128x128xf32, #tpu.memory_space<vmem_shared>>) target_semaphore(%run_scoped3A : memref<!tpu.dma_semaphore, #tpu.memory_space<semaphore_mem>>)
      %dma_wait3A = arith.constant 0 : i32
      %dma_wait3A_59 = tpu.memref_slice %arg9[%add3A_7, %dma_wait3A] : memref<10240x128xf32, #tpu.memory_space<vmem_shared>> -> memref<128x128xf32, #tpu.memory_space<vmem_shared>>
      %dma_wait3A_60 = arith.constant 0 : i32
      %dma_wait3A_61 = tpu.memref_slice %arg9[%add3A_7, %dma_wait3A_60] : memref<10240x128xf32, #tpu.memory_space<vmem_shared>> -> memref<128x128xf32, #tpu.memory_space<vmem_shared>>
      tpu.wait_dma2 semaphore(%run_scoped3A : memref<!tpu.dma_semaphore, #tpu.memory_space<semaphore_mem>>) src(%arg11 : memref<128x128xf32, #tpu.memory_space<vmem>>) dst(%dma_wait3A_61 : memref<128x128xf32, #tpu.memory_space<vmem_shared>>)
      tpu.yield
    }) : () -> ()
    %mul3A_8 = arith.constant 640 : i32
    %mul3A_9 = arith.muli %arg1, %mul3A_8 : i32
    %add3A_10 = arith.constant 128 : i32
    %add3A_11 = arith.addi %mul3A_9, %add3A_10 : i32
    "tpu.region"() ({
      %run_scoped3A = tpu.sem_alloc : memref<!tpu.dma_semaphore, #tpu.memory_space<semaphore_mem>>
      %dma_start3A = arith.constant 0 : i32
      %dma_start3A_56 = tpu.memref_slice %arg9[%add3A_11, %dma_start3A] : memref<10240x128xf32, #tpu.memory_space<vmem_shared>> -> memref<128x128xf32, #tpu.memory_space<vmem_shared>>
      %dma_start3A_57 = arith.constant 0 : i32
      %dma_start3A_58 = tpu.memref_slice %arg9[%add3A_11, %dma_start3A_57] : memref<10240x128xf32, #tpu.memory_space<vmem_shared>> -> memref<128x128xf32, #tpu.memory_space<vmem_shared>>
      tpu.enqueue_dma source(%arg11 : memref<128x128xf32, #tpu.memory_space<vmem>>) target(%dma_start3A_58 : memref<128x128xf32, #tpu.memory_space<vmem_shared>>) target_semaphore(%run_scoped3A : memref<!tpu.dma_semaphore, #tpu.memory_space<semaphore_mem>>)
      %dma_wait3A = arith.constant 0 : i32
      %dma_wait3A_59 = tpu.memref_slice %arg9[%add3A_11, %dma_wait3A] : memref<10240x128xf32, #tpu.memory_space<vmem_shared>> -> memref<128x128xf32, #tpu.memory_space<vmem_shared>>
      %dma_wait3A_60 = arith.constant 0 : i32
      %dma_wait3A_61 = tpu.memref_slice %arg9[%add3A_11, %dma_wait3A_60] : memref<10240x128xf32, #tpu.memory_space<vmem_shared>> -> memref<128x128xf32, #tpu.memory_space<vmem_shared>>
      tpu.wait_dma2 semaphore(%run_scoped3A : memref<!tpu.dma_semaphore, #tpu.memory_space<semaphore_mem>>) src(%arg11 : memref<128x128xf32, #tpu.memory_space<vmem>>) dst(%dma_wait3A_61 : memref<128x128xf32, #tpu.memory_space<vmem_shared>>)
      tpu.yield
    }) : () -> ()
    %mul3A_12 = arith.constant 640 : i32
    %mul3A_13 = arith.muli %arg1, %mul3A_12 : i32
    %add3A_14 = arith.constant 256 : i32
    %add3A_15 = arith.addi %mul3A_13, %add3A_14 : i32
    "tpu.region"() ({
      %run_scoped3A = tpu.sem_alloc : memref<!tpu.dma_semaphore, #tpu.memory_space<semaphore_mem>>
      %dma_start3A = arith.constant 0 : i32
      %dma_start3A_56 = tpu.memref_slice %arg9[%add3A_15, %dma_start3A] : memref<10240x128xf32, #tpu.memory_space<vmem_shared>> -> memref<128x128xf32, #tpu.memory_space<vmem_shared>>
      %dma_start3A_57 = arith.constant 0 : i32
      %dma_start3A_58 = tpu.memref_slice %arg9[%add3A_15, %dma_start3A_57] : memref<10240x128xf32, #tpu.memory_space<vmem_shared>> -> memref<128x128xf32, #tpu.memory_space<vmem_shared>>
      tpu.enqueue_dma source(%arg11 : memref<128x128xf32, #tpu.memory_space<vmem>>) target(%dma_start3A_58 : memref<128x128xf32, #tpu.memory_space<vmem_shared>>) target_semaphore(%run_scoped3A : memref<!tpu.dma_semaphore, #tpu.memory_space<semaphore_mem>>)
      %dma_wait3A = arith.constant 0 : i32
      %dma_wait3A_59 = tpu.memref_slice %arg9[%add3A_15, %dma_wait3A] : memref<10240x128xf32, #tpu.memory_space<vmem_shared>> -> memref<128x128xf32, #tpu.memory_space<vmem_shared>>
      %dma_wait3A_60 = arith.constant 0 : i32
      %dma_wait3A_61 = tpu.memref_slice %arg9[%add3A_15, %dma_wait3A_60] : memref<10240x128xf32, #tpu.memory_space<vmem_shared>> -> memref<128x128xf32, #tpu.memory_space<vmem_shared>>
      tpu.wait_dma2 semaphore(%run_scoped3A : memref<!tpu.dma_semaphore, #tpu.memory_space<semaphore_mem>>) src(%arg11 : memref<128x128xf32, #tpu.memory_space<vmem>>) dst(%dma_wait3A_61 : memref<128x128xf32, #tpu.memory_space<vmem_shared>>)
      tpu.yield
    }) : () -> ()
    %mul3A_16 = arith.constant 640 : i32
    %mul3A_17 = arith.muli %arg1, %mul3A_16 : i32
    %add3A_18 = arith.constant 384 : i32
    %add3A_19 = arith.addi %mul3A_17, %add3A_18 : i32
    "tpu.region"() ({
      %run_scoped3A = tpu.sem_alloc : memref<!tpu.dma_semaphore, #tpu.memory_space<semaphore_mem>>
      %dma_start3A = arith.constant 0 : i32
      %dma_start3A_56 = tpu.memref_slice %arg9[%add3A_19, %dma_start3A] : memref<10240x128xf32, #tpu.memory_space<vmem_shared>> -> memref<128x128xf32, #tpu.memory_space<vmem_shared>>
      %dma_start3A_57 = arith.constant 0 : i32
      %dma_start3A_58 = tpu.memref_slice %arg9[%add3A_19, %dma_start3A_57] : memref<10240x128xf32, #tpu.memory_space<vmem_shared>> -> memref<128x128xf32, #tpu.memory_space<vmem_shared>>
      tpu.enqueue_dma source(%arg11 : memref<128x128xf32, #tpu.memory_space<vmem>>) target(%dma_start3A_58 : memref<128x128xf32, #tpu.memory_space<vmem_shared>>) target_semaphore(%run_scoped3A : memref<!tpu.dma_semaphore, #tpu.memory_space<semaphore_mem>>)
      %dma_wait3A = arith.constant 0 : i32
      %dma_wait3A_59 = tpu.memref_slice %arg9[%add3A_19, %dma_wait3A] : memref<10240x128xf32, #tpu.memory_space<vmem_shared>> -> memref<128x128xf32, #tpu.memory_space<vmem_shared>>
      %dma_wait3A_60 = arith.constant 0 : i32
      %dma_wait3A_61 = tpu.memref_slice %arg9[%add3A_19, %dma_wait3A_60] : memref<10240x128xf32, #tpu.memory_space<vmem_shared>> -> memref<128x128xf32, #tpu.memory_space<vmem_shared>>
      tpu.wait_dma2 semaphore(%run_scoped3A : memref<!tpu.dma_semaphore, #tpu.memory_space<semaphore_mem>>) src(%arg11 : memref<128x128xf32, #tpu.memory_space<vmem>>) dst(%dma_wait3A_61 : memref<128x128xf32, #tpu.memory_space<vmem_shared>>)
      tpu.yield
    }) : () -> ()
    %mul3A_20 = arith.constant 640 : i32
    %mul3A_21 = arith.muli %arg1, %mul3A_20 : i32
    %add3A_22 = arith.constant 512 : i32
    %add3A_23 = arith.addi %mul3A_21, %add3A_22 : i32
    "tpu.region"() ({
      %run_scoped3A = tpu.sem_alloc : memref<!tpu.dma_semaphore, #tpu.memory_space<semaphore_mem>>
      %dma_start3A = arith.constant 0 : i32
      %dma_start3A_56 = tpu.memref_slice %arg9[%add3A_23, %dma_start3A] : memref<10240x128xf32, #tpu.memory_space<vmem_shared>> -> memref<128x128xf32, #tpu.memory_space<vmem_shared>>
      %dma_start3A_57 = arith.constant 0 : i32
      %dma_start3A_58 = tpu.memref_slice %arg9[%add3A_23, %dma_start3A_57] : memref<10240x128xf32, #tpu.memory_space<vmem_shared>> -> memref<128x128xf32, #tpu.memory_space<vmem_shared>>
      tpu.enqueue_dma source(%arg11 : memref<128x128xf32, #tpu.memory_space<vmem>>) target(%dma_start3A_58 : memref<128x128xf32, #tpu.memory_space<vmem_shared>>) target_semaphore(%run_scoped3A : memref<!tpu.dma_semaphore, #tpu.memory_space<semaphore_mem>>)
      %dma_wait3A = arith.constant 0 : i32
      %dma_wait3A_59 = tpu.memref_slice %arg9[%add3A_23, %dma_wait3A] : memref<10240x128xf32, #tpu.memory_space<vmem_shared>> -> memref<128x128xf32, #tpu.memory_space<vmem_shared>>
      %dma_wait3A_60 = arith.constant 0 : i32
      %dma_wait3A_61 = tpu.memref_slice %arg9[%add3A_23, %dma_wait3A_60] : memref<10240x128xf32, #tpu.memory_space<vmem_shared>> -> memref<128x128xf32, #tpu.memory_space<vmem_shared>>
      tpu.wait_dma2 semaphore(%run_scoped3A : memref<!tpu.dma_semaphore, #tpu.memory_space<semaphore_mem>>) src(%arg11 : memref<128x128xf32, #tpu.memory_space<vmem>>) dst(%dma_wait3A_61 : memref<128x128xf32, #tpu.memory_space<vmem_shared>>)
      tpu.yield
    }) : () -> ()
    "tpu.region"() ({
      %run_scoped3A = tpu.sem_alloc : memref<!tpu.dma_semaphore, #tpu.memory_space<semaphore_mem>>
      tpu.enqueue_dma source(%arg6 : memref<128x128xf32, #tpu.memory_space<hbm>>) target(%arg11 : memref<128x128xf32, #tpu.memory_space<vmem>>) target_semaphore(%run_scoped3A : memref<!tpu.dma_semaphore, #tpu.memory_space<semaphore_mem>>)
      tpu.wait_dma2 semaphore(%run_scoped3A : memref<!tpu.dma_semaphore, #tpu.memory_space<semaphore_mem>>) src(%arg6 : memref<128x128xf32, #tpu.memory_space<hbm>>) dst(%arg11 : memref<128x128xf32, #tpu.memory_space<vmem>>)
      tpu.yield
    }) : () -> ()
    %barrier3A = arith.constant 0 : index
    tpu.barrier barrier_id(%barrier3A)
    %scan3A = arith.constant 0 : i32
    %scan3A_24 = arith.constant 0 : i32
    %scan3A_25 = arith.constant 40 : i32
    %scan3A_26 = arith.addi %scan3A_24, %scan3A_25 : i32
    %scan3A_27 = arith.constant 1 : i32
    scf.for %scan3A_56 = %scan3A_24 to %scan3A_26 step %scan3A_27  : i32 {
      %mul3A_57 = arith.constant 4 : i32
      %mul3A_58 = arith.muli %scan3A_56, %mul3A_57 : i32
      %add3A_59 = arith.constant 0 : i32
      %add3A_60 = arith.addi %mul3A_58, %add3A_59 : i32
      "tpu.region"() ({
        %run_scoped3A = tpu.sem_alloc : memref<!tpu.dma_semaphore, #tpu.memory_space<semaphore_mem>>
        %dma_start3A = arith.constant 0 : i32
        %dma_start3A_73 = tpu.memref_slice %arg10[%add3A_60, %dma_start3A] : memref<160x128xi32, #tpu.memory_space<vmem>> -> memref<1x128xi32, #tpu.memory_space<vmem>>
        %dma_start3A_74 = tpu.memref_squeeze %dma_start3A_73 : memref<1x128xi32, #tpu.memory_space<vmem>> -> memref<128xi32, #tpu.memory_space<vmem>>
        %dma_start3A_75 = arith.constant 0 : i32
        %dma_start3A_76 = arith.constant 0 : i32
        %dma_start3A_77 = tpu.memref_slice %arg9[%dma_start3A_75, %dma_start3A_76] : memref<10240x128xf32, #tpu.memory_space<vmem_shared>> -> memref<10240x128xf32, #tpu.memory_space<vmem_shared>>
        tpu.enqueue_indirect_dma source(%arg11 : memref<128x128xf32, #tpu.memory_space<vmem>>) target(%dma_start3A_77 : memref<10240x128xf32, #tpu.memory_space<vmem_shared>>) offsets(%dma_start3A_74 : memref<128xi32, #tpu.memory_space<vmem>>) semaphore(%run_scoped3A : memref<!tpu.dma_semaphore, #tpu.memory_space<semaphore_mem>>) {add = true}
        %dma_wait3A = arith.constant 0 : i32
        %dma_wait3A_78 = tpu.memref_slice %arg10[%add3A_60, %dma_wait3A] : memref<160x128xi32, #tpu.memory_space<vmem>> -> memref<1x128xi32, #tpu.memory_space<vmem>>
        %dma_wait3A_79 = tpu.memref_squeeze %dma_wait3A_78 : memref<1x128xi32, #tpu.memory_space<vmem>> -> memref<128xi32, #tpu.memory_space<vmem>>
        %dma_wait3A_80 = arith.constant 0 : i32
        %dma_wait3A_81 = arith.constant 0 : i32
        %dma_wait3A_82 = tpu.memref_slice %arg9[%dma_wait3A_80, %dma_wait3A_81] : memref<10240x128xf32, #tpu.memory_space<vmem_shared>> -> memref<10240x128xf32, #tpu.memory_space<vmem_shared>>
        tpu.wait_indirect_dma semaphore(%run_scoped3A : memref<!tpu.dma_semaphore, #tpu.memory_space<semaphore_mem>>) src(%arg11 : memref<128x128xf32, #tpu.memory_space<vmem>>) dst(%dma_wait3A_82 : memref<10240x128xf32, #tpu.memory_space<vmem_shared>>)
        tpu.yield
      }) : () -> ()
      %mul3A_61 = arith.constant 4 : i32
      %mul3A_62 = arith.muli %scan3A_56, %mul3A_61 : i32
      %add3A_63 = arith.constant 1 : i32
      %add3A_64 = arith.addi %mul3A_62, %add3A_63 : i32
      "tpu.region"() ({
        %run_scoped3A = tpu.sem_alloc : memref<!tpu.dma_semaphore, #tpu.memory_space<semaphore_mem>>
        %dma_start3A = arith.constant 0 : i32
        %dma_start3A_73 = tpu.memref_slice %arg10[%add3A_64, %dma_start3A] : memref<160x128xi32, #tpu.memory_space<vmem>> -> memref<1x128xi32, #tpu.memory_space<vmem>>
        %dma_start3A_74 = tpu.memref_squeeze %dma_start3A_73 : memref<1x128xi32, #tpu.memory_space<vmem>> -> memref<128xi32, #tpu.memory_space<vmem>>
        %dma_start3A_75 = arith.constant 0 : i32
        %dma_start3A_76 = arith.constant 0 : i32
        %dma_start3A_77 = tpu.memref_slice %arg9[%dma_start3A_75, %dma_start3A_76] : memref<10240x128xf32, #tpu.memory_space<vmem_shared>> -> memref<10240x128xf32, #tpu.memory_space<vmem_shared>>
        tpu.enqueue_indirect_dma source(%arg11 : memref<128x128xf32, #tpu.memory_space<vmem>>) target(%dma_start3A_77 : memref<10240x128xf32, #tpu.memory_space<vmem_shared>>) offsets(%dma_start3A_74 : memref<128xi32, #tpu.memory_space<vmem>>) semaphore(%run_scoped3A : memref<!tpu.dma_semaphore, #tpu.memory_space<semaphore_mem>>) {add = true}
        %dma_wait3A = arith.constant 0 : i32
        %dma_wait3A_78 = tpu.memref_slice %arg10[%add3A_64, %dma_wait3A] : memref<160x128xi32, #tpu.memory_space<vmem>> -> memref<1x128xi32, #tpu.memory_space<vmem>>
        %dma_wait3A_79 = tpu.memref_squeeze %dma_wait3A_78 : memref<1x128xi32, #tpu.memory_space<vmem>> -> memref<128xi32, #tpu.memory_space<vmem>>
        %dma_wait3A_80 = arith.constant 0 : i32
        %dma_wait3A_81 = arith.constant 0 : i32
        %dma_wait3A_82 = tpu.memref_slice %arg9[%dma_wait3A_80, %dma_wait3A_81] : memref<10240x128xf32, #tpu.memory_space<vmem_shared>> -> memref<10240x128xf32, #tpu.memory_space<vmem_shared>>
        tpu.wait_indirect_dma semaphore(%run_scoped3A : memref<!tpu.dma_semaphore, #tpu.memory_space<semaphore_mem>>) src(%arg11 : memref<128x128xf32, #tpu.memory_space<vmem>>) dst(%dma_wait3A_82 : memref<10240x128xf32, #tpu.memory_space<vmem_shared>>)
        tpu.yield
      }) : () -> ()
      %mul3A_65 = arith.constant 4 : i32
      %mul3A_66 = arith.muli %scan3A_56, %mul3A_65 : i32
      %add3A_67 = arith.constant 2 : i32
      %add3A_68 = arith.addi %mul3A_66, %add3A_67 : i32
      "tpu.region"() ({
        %run_scoped3A = tpu.sem_alloc : memref<!tpu.dma_semaphore, #tpu.memory_space<semaphore_mem>>
        %dma_start3A = arith.constant 0 : i32
        %dma_start3A_73 = tpu.memref_slice %arg10[%add3A_68, %dma_start3A] : memref<160x128xi32, #tpu.memory_space<vmem>> -> memref<1x128xi32, #tpu.memory_space<vmem>>
        %dma_start3A_74 = tpu.memref_squeeze %dma_start3A_73 : memref<1x128xi32, #tpu.memory_space<vmem>> -> memref<128xi32, #tpu.memory_space<vmem>>
        %dma_start3A_75 = arith.constant 0 : i32
        %dma_start3A_76 = arith.constant 0 : i32
        %dma_start3A_77 = tpu.memref_slice %arg9[%dma_start3A_75, %dma_start3A_76] : memref<10240x128xf32, #tpu.memory_space<vmem_shared>> -> memref<10240x128xf32, #tpu.memory_space<vmem_shared>>
        tpu.enqueue_indirect_dma source(%arg11 : memref<128x128xf32, #tpu.memory_space<vmem>>) target(%dma_start3A_77 : memref<10240x128xf32, #tpu.memory_space<vmem_shared>>) offsets(%dma_start3A_74 : memref<128xi32, #tpu.memory_space<vmem>>) semaphore(%run_scoped3A : memref<!tpu.dma_semaphore, #tpu.memory_space<semaphore_mem>>) {add = true}
        %dma_wait3A = arith.constant 0 : i32
        %dma_wait3A_78 = tpu.memref_slice %arg10[%add3A_68, %dma_wait3A] : memref<160x128xi32, #tpu.memory_space<vmem>> -> memref<1x128xi32, #tpu.memory_space<vmem>>
        %dma_wait3A_79 = tpu.memref_squeeze %dma_wait3A_78 : memref<1x128xi32, #tpu.memory_space<vmem>> -> memref<128xi32, #tpu.memory_space<vmem>>
        %dma_wait3A_80 = arith.constant 0 : i32
        %dma_wait3A_81 = arith.constant 0 : i32
        %dma_wait3A_82 = tpu.memref_slice %arg9[%dma_wait3A_80, %dma_wait3A_81] : memref<10240x128xf32, #tpu.memory_space<vmem_shared>> -> memref<10240x128xf32, #tpu.memory_space<vmem_shared>>
        tpu.wait_indirect_dma semaphore(%run_scoped3A : memref<!tpu.dma_semaphore, #tpu.memory_space<semaphore_mem>>) src(%arg11 : memref<128x128xf32, #tpu.memory_space<vmem>>) dst(%dma_wait3A_82 : memref<10240x128xf32, #tpu.memory_space<vmem_shared>>)
        tpu.yield
      }) : () -> ()
      %mul3A_69 = arith.constant 4 : i32
      %mul3A_70 = arith.muli %scan3A_56, %mul3A_69 : i32
      %add3A_71 = arith.constant 3 : i32
      %add3A_72 = arith.addi %mul3A_70, %add3A_71 : i32
      "tpu.region"() ({
        %run_scoped3A = tpu.sem_alloc : memref<!tpu.dma_semaphore, #tpu.memory_space<semaphore_mem>>
        %dma_start3A = arith.constant 0 : i32
        %dma_start3A_73 = tpu.memref_slice %arg10[%add3A_72, %dma_start3A] : memref<160x128xi32, #tpu.memory_space<vmem>> -> memref<1x128xi32, #tpu.memory_space<vmem>>
        %dma_start3A_74 = tpu.memref_squeeze %dma_start3A_73 : memref<1x128xi32, #tpu.memory_space<vmem>> -> memref<128xi32, #tpu.memory_space<vmem>>
        %dma_start3A_75 = arith.constant 0 : i32
        %dma_start3A_76 = arith.constant 0 : i32
        %dma_start3A_77 = tpu.memref_slice %arg9[%dma_start3A_75, %dma_start3A_76] : memref<10240x128xf32, #tpu.memory_space<vmem_shared>> -> memref<10240x128xf32, #tpu.memory_space<vmem_shared>>
        tpu.enqueue_indirect_dma source(%arg11 : memref<128x128xf32, #tpu.memory_space<vmem>>) target(%dma_start3A_77 : memref<10240x128xf32, #tpu.memory_space<vmem_shared>>) offsets(%dma_start3A_74 : memref<128xi32, #tpu.memory_space<vmem>>) semaphore(%run_scoped3A : memref<!tpu.dma_semaphore, #tpu.memory_space<semaphore_mem>>) {add = true}
        %dma_wait3A = arith.constant 0 : i32
        %dma_wait3A_78 = tpu.memref_slice %arg10[%add3A_72, %dma_wait3A] : memref<160x128xi32, #tpu.memory_space<vmem>> -> memref<1x128xi32, #tpu.memory_space<vmem>>
        %dma_wait3A_79 = tpu.memref_squeeze %dma_wait3A_78 : memref<1x128xi32, #tpu.memory_space<vmem>> -> memref<128xi32, #tpu.memory_space<vmem>>
        %dma_wait3A_80 = arith.constant 0 : i32
        %dma_wait3A_81 = arith.constant 0 : i32
        %dma_wait3A_82 = tpu.memref_slice %arg9[%dma_wait3A_80, %dma_wait3A_81] : memref<10240x128xf32, #tpu.memory_space<vmem_shared>> -> memref<10240x128xf32, #tpu.memory_space<vmem_shared>>
        tpu.wait_indirect_dma semaphore(%run_scoped3A : memref<!tpu.dma_semaphore, #tpu.memory_space<semaphore_mem>>) src(%arg11 : memref<128x128xf32, #tpu.memory_space<vmem>>) dst(%dma_wait3A_82 : memref<10240x128xf32, #tpu.memory_space<vmem_shared>>)
        tpu.yield
      }) : () -> ()
    }
    %scan3A_28 = arith.constant 40 : i32
    %scan3A_29 = arith.constant 0 : i32
    %scan3A_30 = arith.constant 0 : i32
    %scan3A_31 = arith.constant 4 : i32
    %scan3A_32 = arith.addi %scan3A_30, %scan3A_31 : i32
    %scan3A_33 = arith.constant 1 : i32
    scf.for %scan3A_56 = %scan3A_30 to %scan3A_32 step %scan3A_33  : i32 {
      %mul3A_57 = arith.constant 320 : i32
      %mul3A_58 = arith.muli %add3A, %mul3A_57 : i32
      %mul3A_59 = arith.constant 80 : i32
      %mul3A_60 = arith.muli %scan3A_56, %mul3A_59 : i32
      %add3A_61 = arith.addi %mul3A_58, %mul3A_60 : i32
      "tpu.region"() ({
        %run_scoped3A = tpu.sem_alloc : memref<!tpu.dma_semaphore, #tpu.memory_space<semaphore_mem>>
        %dma_start3A_72 = tpu.memref_slice %arg4[%add3A_61] : memref<10240xi32, #tpu.memory_space<hbm>> -> memref<80xi32, #tpu.memory_space<hbm>>
        %dma_start3A_73 = tpu.memref_slice %arg4[%add3A_61] : memref<10240xi32, #tpu.memory_space<hbm>> -> memref<80xi32, #tpu.memory_space<hbm>>
        tpu.enqueue_dma source(%dma_start3A_73 : memref<80xi32, #tpu.memory_space<hbm>>) target(%arg12 : memref<80xi32, #tpu.memory_space<vmem>>) target_semaphore(%run_scoped3A : memref<!tpu.dma_semaphore, #tpu.memory_space<semaphore_mem>>)
        %dma_wait3A_74 = tpu.memref_slice %arg4[%add3A_61] : memref<10240xi32, #tpu.memory_space<hbm>> -> memref<80xi32, #tpu.memory_space<hbm>>
        %dma_wait3A_75 = tpu.memref_slice %arg4[%add3A_61] : memref<10240xi32, #tpu.memory_space<hbm>> -> memref<80xi32, #tpu.memory_space<hbm>>
        tpu.wait_dma2 semaphore(%run_scoped3A : memref<!tpu.dma_semaphore, #tpu.memory_space<semaphore_mem>>) src(%dma_wait3A_75 : memref<80xi32, #tpu.memory_space<hbm>>) dst(%arg12 : memref<80xi32, #tpu.memory_space<vmem>>)
        tpu.yield
      }) : () -> ()
      %dma_start3A = arith.constant 0 : i32
      %dma_start3A_62 = arith.constant 0 : i32
      %dma_start3A_63 = tpu.memref_slice %arg11[%dma_start3A, %dma_start3A_62] : memref<128x128xf32, #tpu.memory_space<vmem>> -> memref<80x128xf32, #tpu.memory_space<vmem>>
      %dma_start3A_64 = arith.constant 0 : i32
      %dma_start3A_65 = arith.constant 0 : i32
      %dma_start3A_66 = tpu.memref_slice %arg3[%dma_start3A_64, %dma_start3A_65] : memref<10000x128xf32, #tpu.memory_space<hbm>> -> memref<10000x128xf32, #tpu.memory_space<hbm>>
      tpu.enqueue_indirect_dma source(%dma_start3A_66 : memref<10000x128xf32, #tpu.memory_space<hbm>>) target(%dma_start3A_63 : memref<80x128xf32, #tpu.memory_space<vmem>>) offsets(%arg12 : memref<80xi32, #tpu.memory_space<vmem>>) semaphore(%arg13 : memref<!tpu.dma_semaphore, #tpu.memory_space<semaphore_mem>>)
      %dma_wait3A = arith.constant 0 : i32
      %dma_wait3A_67 = arith.constant 0 : i32
      %dma_wait3A_68 = tpu.memref_slice %arg11[%dma_wait3A, %dma_wait3A_67] : memref<128x128xf32, #tpu.memory_space<vmem>> -> memref<80x128xf32, #tpu.memory_space<vmem>>
      %dma_wait3A_69 = arith.constant 0 : i32
      %dma_wait3A_70 = arith.constant 0 : i32
      %dma_wait3A_71 = tpu.memref_slice %arg3[%dma_wait3A_69, %dma_wait3A_70] : memref<10000x128xf32, #tpu.memory_space<hbm>> -> memref<10000x128xf32, #tpu.memory_space<hbm>>
      tpu.wait_indirect_dma semaphore(%arg13 : memref<!tpu.dma_semaphore, #tpu.memory_space<semaphore_mem>>) src(%dma_wait3A_71 : memref<10000x128xf32, #tpu.memory_space<hbm>>) dst(%dma_wait3A_68 : memref<80x128xf32, #tpu.memory_space<vmem>>)
      "tpu.region"() ({
        %run_scoped3A = tpu.sem_alloc : memref<!tpu.dma_semaphore, #tpu.memory_space<semaphore_mem>>
        %dma_start3A_72 = arith.constant 0 : i32
        %dma_start3A_73 = arith.constant 0 : i32
        %dma_start3A_74 = tpu.memref_slice %arg11[%dma_start3A_72, %dma_start3A_73] : memref<128x128xf32, #tpu.memory_space<vmem>> -> memref<80x128xf32, #tpu.memory_space<vmem>>
        %dma_start3A_75 = arith.constant 0 : i32
        %dma_start3A_76 = tpu.memref_slice %arg8[%add3A_61, %dma_start3A_75] : memref<10240x128xf32, #tpu.memory_space<hbm>> -> memref<80x128xf32, #tpu.memory_space<hbm>>
        %dma_start3A_77 = arith.constant 0 : i32
        %dma_start3A_78 = tpu.memref_slice %arg8[%add3A_61, %dma_start3A_77] : memref<10240x128xf32, #tpu.memory_space<hbm>> -> memref<80x128xf32, #tpu.memory_space<hbm>>
        %dma_start3A_79 = arith.constant 0 : i32
        %dma_start3A_80 = arith.constant 0 : i32
        %dma_start3A_81 = tpu.memref_slice %arg11[%dma_start3A_79, %dma_start3A_80] : memref<128x128xf32, #tpu.memory_space<vmem>> -> memref<80x128xf32, #tpu.memory_space<vmem>>
        tpu.enqueue_dma source(%dma_start3A_81 : memref<80x128xf32, #tpu.memory_space<vmem>>) target(%dma_start3A_78 : memref<80x128xf32, #tpu.memory_space<hbm>>) target_semaphore(%run_scoped3A : memref<!tpu.dma_semaphore, #tpu.memory_space<semaphore_mem>>)
        %dma_wait3A_82 = arith.constant 0 : i32
        %dma_wait3A_83 = arith.constant 0 : i32
        %dma_wait3A_84 = tpu.memref_slice %arg11[%dma_wait3A_82, %dma_wait3A_83] : memref<128x128xf32, #tpu.memory_space<vmem>> -> memref<80x128xf32, #tpu.memory_space<vmem>>
        %dma_wait3A_85 = arith.constant 0 : i32
        %dma_wait3A_86 = tpu.memref_slice %arg8[%add3A_61, %dma_wait3A_85] : memref<10240x128xf32, #tpu.memory_space<hbm>> -> memref<80x128xf32, #tpu.memory_space<hbm>>
        %dma_wait3A_87 = arith.constant 0 : i32
        %dma_wait3A_88 = tpu.memref_slice %arg8[%add3A_61, %dma_wait3A_87] : memref<10240x128xf32, #tpu.memory_space<hbm>> -> memref<80x128xf32, #tpu.memory_space<hbm>>
        %dma_wait3A_89 = arith.constant 0 : i32
        %dma_wait3A_90 = arith.constant 0 : i32
        %dma_wait3A_91 = tpu.memref_slice %arg11[%dma_wait3A_89, %dma_wait3A_90] : memref<128x128xf32, #tpu.memory_space<vmem>> -> memref<80x128xf32, #tpu.memory_space<vmem>>
        tpu.wait_dma2 semaphore(%run_scoped3A : memref<!tpu.dma_semaphore, #tpu.memory_space<semaphore_mem>>) src(%dma_wait3A_91 : memref<80x128xf32, #tpu.memory_space<vmem>>) dst(%dma_wait3A_88 : memref<80x128xf32, #tpu.memory_space<hbm>>)
        tpu.yield
      }) : () -> ()
    }
    %scan3A_34 = arith.constant 4 : i32
    %barrier3A_35 = arith.constant 0 : index
    tpu.barrier barrier_id(%barrier3A_35)
    %mul3A_36 = arith.constant 640 : i32
    %mul3A_37 = arith.muli %arg1, %mul3A_36 : i32
    %add3A_38 = arith.constant 0 : i32
    %add3A_39 = arith.addi %mul3A_37, %add3A_38 : i32
    "tpu.region"() ({
      %run_scoped3A = tpu.sem_alloc : memref<!tpu.dma_semaphore, #tpu.memory_space<semaphore_mem>>
      %dma_start3A = arith.constant 0 : i32
      %dma_start3A_56 = tpu.memref_slice %arg9[%add3A_39, %dma_start3A] : memref<10240x128xf32, #tpu.memory_space<vmem_shared>> -> memref<128x128xf32, #tpu.memory_space<vmem_shared>>
      %dma_start3A_57 = arith.constant 0 : i32
      %dma_start3A_58 = tpu.memref_slice %arg9[%add3A_39, %dma_start3A_57] : memref<10240x128xf32, #tpu.memory_space<vmem_shared>> -> memref<128x128xf32, #tpu.memory_space<vmem_shared>>
      tpu.enqueue_dma source(%dma_start3A_58 : memref<128x128xf32, #tpu.memory_space<vmem_shared>>) target(%arg11 : memref<128x128xf32, #tpu.memory_space<vmem>>) target_semaphore(%run_scoped3A : memref<!tpu.dma_semaphore, #tpu.memory_space<semaphore_mem>>)
      %dma_wait3A = arith.constant 0 : i32
      %dma_wait3A_59 = tpu.memref_slice %arg9[%add3A_39, %dma_wait3A] : memref<10240x128xf32, #tpu.memory_space<vmem_shared>> -> memref<128x128xf32, #tpu.memory_space<vmem_shared>>
      %dma_wait3A_60 = arith.constant 0 : i32
      %dma_wait3A_61 = tpu.memref_slice %arg9[%add3A_39, %dma_wait3A_60] : memref<10240x128xf32, #tpu.memory_space<vmem_shared>> -> memref<128x128xf32, #tpu.memory_space<vmem_shared>>
      tpu.wait_dma2 semaphore(%run_scoped3A : memref<!tpu.dma_semaphore, #tpu.memory_space<semaphore_mem>>) src(%dma_wait3A_61 : memref<128x128xf32, #tpu.memory_space<vmem_shared>>) dst(%arg11 : memref<128x128xf32, #tpu.memory_space<vmem>>)
      tpu.yield
    }) : () -> ()
    "tpu.region"() ({
      %run_scoped3A = tpu.sem_alloc : memref<!tpu.dma_semaphore, #tpu.memory_space<semaphore_mem>>
      %dma_start3A = arith.constant 0 : i32
      %dma_start3A_56 = tpu.memref_slice %arg7[%arg0, %add3A_39, %dma_start3A] : memref<2x10240x128xf32, #tpu.memory_space<hbm>> -> memref<1x128x128xf32, #tpu.memory_space<hbm>>
      %dma_start3A_57 = tpu.memref_squeeze %dma_start3A_56 : memref<1x128x128xf32, #tpu.memory_space<hbm>> -> memref<128x128xf32, #tpu.memory_space<hbm>>
      %dma_start3A_58 = arith.constant 0 : i32
      %dma_start3A_59 = tpu.memref_slice %arg7[%arg0, %add3A_39, %dma_start3A_58] : memref<2x10240x128xf32, #tpu.memory_space<hbm>> -> memref<1x128x128xf32, #tpu.memory_space<hbm>>
      %dma_start3A_60 = tpu.memref_squeeze %dma_start3A_59 : memref<1x128x128xf32, #tpu.memory_space<hbm>> -> memref<128x128xf32, #tpu.memory_space<hbm>>
      tpu.enqueue_dma source(%arg11 : memref<128x128xf32, #tpu.memory_space<vmem>>) target(%dma_start3A_60 : memref<128x128xf32, #tpu.memory_space<hbm>>) target_semaphore(%run_scoped3A : memref<!tpu.dma_semaphore, #tpu.memory_space<semaphore_mem>>)
      %dma_wait3A = arith.constant 0 : i32
      %dma_wait3A_61 = tpu.memref_slice %arg7[%arg0, %add3A_39, %dma_wait3A] : memref<2x10240x128xf32, #tpu.memory_space<hbm>> -> memref<1x128x128xf32, #tpu.memory_space<hbm>>
      %dma_wait3A_62 = tpu.memref_squeeze %dma_wait3A_61 : memref<1x128x128xf32, #tpu.memory_space<hbm>> -> memref<128x128xf32, #tpu.memory_space<hbm>>
      %dma_wait3A_63 = arith.constant 0 : i32
      %dma_wait3A_64 = tpu.memref_slice %arg7[%arg0, %add3A_39, %dma_wait3A_63] : memref<2x10240x128xf32, #tpu.memory_space<hbm>> -> memref<1x128x128xf32, #tpu.memory_space<hbm>>
      %dma_wait3A_65 = tpu.memref_squeeze %dma_wait3A_64 : memref<1x128x128xf32, #tpu.memory_space<hbm>> -> memref<128x128xf32, #tpu.memory_space<hbm>>
      tpu.wait_dma2 semaphore(%run_scoped3A : memref<!tpu.dma_semaphore, #tpu.memory_space<semaphore_mem>>) src(%arg11 : memref<128x128xf32, #tpu.memory_space<vmem>>) dst(%dma_wait3A_65 : memref<128x128xf32, #tpu.memory_space<hbm>>)
      tpu.yield
    }) : () -> ()
    %mul3A_40 = arith.constant 640 : i32
    %mul3A_41 = arith.muli %arg1, %mul3A_40 : i32
    %add3A_42 = arith.constant 128 : i32
    %add3A_43 = arith.addi %mul3A_41, %add3A_42 : i32
    "tpu.region"() ({
      %run_scoped3A = tpu.sem_alloc : memref<!tpu.dma_semaphore, #tpu.memory_space<semaphore_mem>>
      %dma_start3A = arith.constant 0 : i32
      %dma_start3A_56 = tpu.memref_slice %arg9[%add3A_43, %dma_start3A] : memref<10240x128xf32, #tpu.memory_space<vmem_shared>> -> memref<128x128xf32, #tpu.memory_space<vmem_shared>>
      %dma_start3A_57 = arith.constant 0 : i32
      %dma_start3A_58 = tpu.memref_slice %arg9[%add3A_43, %dma_start3A_57] : memref<10240x128xf32, #tpu.memory_space<vmem_shared>> -> memref<128x128xf32, #tpu.memory_space<vmem_shared>>
      tpu.enqueue_dma source(%dma_start3A_58 : memref<128x128xf32, #tpu.memory_space<vmem_shared>>) target(%arg11 : memref<128x128xf32, #tpu.memory_space<vmem>>) target_semaphore(%run_scoped3A : memref<!tpu.dma_semaphore, #tpu.memory_space<semaphore_mem>>)
      %dma_wait3A = arith.constant 0 : i32
      %dma_wait3A_59 = tpu.memref_slice %arg9[%add3A_43, %dma_wait3A] : memref<10240x128xf32, #tpu.memory_space<vmem_shared>> -> memref<128x128xf32, #tpu.memory_space<vmem_shared>>
      %dma_wait3A_60 = arith.constant 0 : i32
      %dma_wait3A_61 = tpu.memref_slice %arg9[%add3A_43, %dma_wait3A_60] : memref<10240x128xf32, #tpu.memory_space<vmem_shared>> -> memref<128x128xf32, #tpu.memory_space<vmem_shared>>
      tpu.wait_dma2 semaphore(%run_scoped3A : memref<!tpu.dma_semaphore, #tpu.memory_space<semaphore_mem>>) src(%dma_wait3A_61 : memref<128x128xf32, #tpu.memory_space<vmem_shared>>) dst(%arg11 : memref<128x128xf32, #tpu.memory_space<vmem>>)
      tpu.yield
    }) : () -> ()
    "tpu.region"() ({
      %run_scoped3A = tpu.sem_alloc : memref<!tpu.dma_semaphore, #tpu.memory_space<semaphore_mem>>
      %dma_start3A = arith.constant 0 : i32
      %dma_start3A_56 = tpu.memref_slice %arg7[%arg0, %add3A_43, %dma_start3A] : memref<2x10240x128xf32, #tpu.memory_space<hbm>> -> memref<1x128x128xf32, #tpu.memory_space<hbm>>
      %dma_start3A_57 = tpu.memref_squeeze %dma_start3A_56 : memref<1x128x128xf32, #tpu.memory_space<hbm>> -> memref<128x128xf32, #tpu.memory_space<hbm>>
      %dma_start3A_58 = arith.constant 0 : i32
      %dma_start3A_59 = tpu.memref_slice %arg7[%arg0, %add3A_43, %dma_start3A_58] : memref<2x10240x128xf32, #tpu.memory_space<hbm>> -> memref<1x128x128xf32, #tpu.memory_space<hbm>>
      %dma_start3A_60 = tpu.memref_squeeze %dma_start3A_59 : memref<1x128x128xf32, #tpu.memory_space<hbm>> -> memref<128x128xf32, #tpu.memory_space<hbm>>
      tpu.enqueue_dma source(%arg11 : memref<128x128xf32, #tpu.memory_space<vmem>>) target(%dma_start3A_60 : memref<128x128xf32, #tpu.memory_space<hbm>>) target_semaphore(%run_scoped3A : memref<!tpu.dma_semaphore, #tpu.memory_space<semaphore_mem>>)
      %dma_wait3A = arith.constant 0 : i32
      %dma_wait3A_61 = tpu.memref_slice %arg7[%arg0, %add3A_43, %dma_wait3A] : memref<2x10240x128xf32, #tpu.memory_space<hbm>> -> memref<1x128x128xf32, #tpu.memory_space<hbm>>
      %dma_wait3A_62 = tpu.memref_squeeze %dma_wait3A_61 : memref<1x128x128xf32, #tpu.memory_space<hbm>> -> memref<128x128xf32, #tpu.memory_space<hbm>>
      %dma_wait3A_63 = arith.constant 0 : i32
      %dma_wait3A_64 = tpu.memref_slice %arg7[%arg0, %add3A_43, %dma_wait3A_63] : memref<2x10240x128xf32, #tpu.memory_space<hbm>> -> memref<1x128x128xf32, #tpu.memory_space<hbm>>
      %dma_wait3A_65 = tpu.memref_squeeze %dma_wait3A_64 : memref<1x128x128xf32, #tpu.memory_space<hbm>> -> memref<128x128xf32, #tpu.memory_space<hbm>>
      tpu.wait_dma2 semaphore(%run_scoped3A : memref<!tpu.dma_semaphore, #tpu.memory_space<semaphore_mem>>) src(%arg11 : memref<128x128xf32, #tpu.memory_space<vmem>>) dst(%dma_wait3A_65 : memref<128x128xf32, #tpu.memory_space<hbm>>)
      tpu.yield
    }) : () -> ()
    %mul3A_44 = arith.constant 640 : i32
    %mul3A_45 = arith.muli %arg1, %mul3A_44 : i32
    %add3A_46 = arith.constant 256 : i32
    %add3A_47 = arith.addi %mul3A_45, %add3A_46 : i32
    "tpu.region"() ({
      %run_scoped3A = tpu.sem_alloc : memref<!tpu.dma_semaphore, #tpu.memory_space<semaphore_mem>>
      %dma_start3A = arith.constant 0 : i32
      %dma_start3A_56 = tpu.memref_slice %arg9[%add3A_47, %dma_start3A] : memref<10240x128xf32, #tpu.memory_space<vmem_shared>> -> memref<128x128xf32, #tpu.memory_space<vmem_shared>>
      %dma_start3A_57 = arith.constant 0 : i32
      %dma_start3A_58 = tpu.memref_slice %arg9[%add3A_47, %dma_start3A_57] : memref<10240x128xf32, #tpu.memory_space<vmem_shared>> -> memref<128x128xf32, #tpu.memory_space<vmem_shared>>
      tpu.enqueue_dma source(%dma_start3A_58 : memref<128x128xf32, #tpu.memory_space<vmem_shared>>) target(%arg11 : memref<128x128xf32, #tpu.memory_space<vmem>>) target_semaphore(%run_scoped3A : memref<!tpu.dma_semaphore, #tpu.memory_space<semaphore_mem>>)
      %dma_wait3A = arith.constant 0 : i32
      %dma_wait3A_59 = tpu.memref_slice %arg9[%add3A_47, %dma_wait3A] : memref<10240x128xf32, #tpu.memory_space<vmem_shared>> -> memref<128x128xf32, #tpu.memory_space<vmem_shared>>
      %dma_wait3A_60 = arith.constant 0 : i32
      %dma_wait3A_61 = tpu.memref_slice %arg9[%add3A_47, %dma_wait3A_60] : memref<10240x128xf32, #tpu.memory_space<vmem_shared>> -> memref<128x128xf32, #tpu.memory_space<vmem_shared>>
      tpu.wait_dma2 semaphore(%run_scoped3A : memref<!tpu.dma_semaphore, #tpu.memory_space<semaphore_mem>>) src(%dma_wait3A_61 : memref<128x128xf32, #tpu.memory_space<vmem_shared>>) dst(%arg11 : memref<128x128xf32, #tpu.memory_space<vmem>>)
      tpu.yield
    }) : () -> ()
    "tpu.region"() ({
      %run_scoped3A = tpu.sem_alloc : memref<!tpu.dma_semaphore, #tpu.memory_space<semaphore_mem>>
      %dma_start3A = arith.constant 0 : i32
      %dma_start3A_56 = tpu.memref_slice %arg7[%arg0, %add3A_47, %dma_start3A] : memref<2x10240x128xf32, #tpu.memory_space<hbm>> -> memref<1x128x128xf32, #tpu.memory_space<hbm>>
      %dma_start3A_57 = tpu.memref_squeeze %dma_start3A_56 : memref<1x128x128xf32, #tpu.memory_space<hbm>> -> memref<128x128xf32, #tpu.memory_space<hbm>>
      %dma_start3A_58 = arith.constant 0 : i32
      %dma_start3A_59 = tpu.memref_slice %arg7[%arg0, %add3A_47, %dma_start3A_58] : memref<2x10240x128xf32, #tpu.memory_space<hbm>> -> memref<1x128x128xf32, #tpu.memory_space<hbm>>
      %dma_start3A_60 = tpu.memref_squeeze %dma_start3A_59 : memref<1x128x128xf32, #tpu.memory_space<hbm>> -> memref<128x128xf32, #tpu.memory_space<hbm>>
      tpu.enqueue_dma source(%arg11 : memref<128x128xf32, #tpu.memory_space<vmem>>) target(%dma_start3A_60 : memref<128x128xf32, #tpu.memory_space<hbm>>) target_semaphore(%run_scoped3A : memref<!tpu.dma_semaphore, #tpu.memory_space<semaphore_mem>>)
      %dma_wait3A = arith.constant 0 : i32
      %dma_wait3A_61 = tpu.memref_slice %arg7[%arg0, %add3A_47, %dma_wait3A] : memref<2x10240x128xf32, #tpu.memory_space<hbm>> -> memref<1x128x128xf32, #tpu.memory_space<hbm>>
      %dma_wait3A_62 = tpu.memref_squeeze %dma_wait3A_61 : memref<1x128x128xf32, #tpu.memory_space<hbm>> -> memref<128x128xf32, #tpu.memory_space<hbm>>
      %dma_wait3A_63 = arith.constant 0 : i32
      %dma_wait3A_64 = tpu.memref_slice %arg7[%arg0, %add3A_47, %dma_wait3A_63] : memref<2x10240x128xf32, #tpu.memory_space<hbm>> -> memref<1x128x128xf32, #tpu.memory_space<hbm>>
      %dma_wait3A_65 = tpu.memref_squeeze %dma_wait3A_64 : memref<1x128x128xf32, #tpu.memory_space<hbm>> -> memref<128x128xf32, #tpu.memory_space<hbm>>
      tpu.wait_dma2 semaphore(%run_scoped3A : memref<!tpu.dma_semaphore, #tpu.memory_space<semaphore_mem>>) src(%arg11 : memref<128x128xf32, #tpu.memory_space<vmem>>) dst(%dma_wait3A_65 : memref<128x128xf32, #tpu.memory_space<hbm>>)
      tpu.yield
    }) : () -> ()
    %mul3A_48 = arith.constant 640 : i32
    %mul3A_49 = arith.muli %arg1, %mul3A_48 : i32
    %add3A_50 = arith.constant 384 : i32
    %add3A_51 = arith.addi %mul3A_49, %add3A_50 : i32
    "tpu.region"() ({
      %run_scoped3A = tpu.sem_alloc : memref<!tpu.dma_semaphore, #tpu.memory_space<semaphore_mem>>
      %dma_start3A = arith.constant 0 : i32
      %dma_start3A_56 = tpu.memref_slice %arg9[%add3A_51, %dma_start3A] : memref<10240x128xf32, #tpu.memory_space<vmem_shared>> -> memref<128x128xf32, #tpu.memory_space<vmem_shared>>
      %dma_start3A_57 = arith.constant 0 : i32
      %dma_start3A_58 = tpu.memref_slice %arg9[%add3A_51, %dma_start3A_57] : memref<10240x128xf32, #tpu.memory_space<vmem_shared>> -> memref<128x128xf32, #tpu.memory_space<vmem_shared>>
      tpu.enqueue_dma source(%dma_start3A_58 : memref<128x128xf32, #tpu.memory_space<vmem_shared>>) target(%arg11 : memref<128x128xf32, #tpu.memory_space<vmem>>) target_semaphore(%run_scoped3A : memref<!tpu.dma_semaphore, #tpu.memory_space<semaphore_mem>>)
      %dma_wait3A = arith.constant 0 : i32
      %dma_wait3A_59 = tpu.memref_slice %arg9[%add3A_51, %dma_wait3A] : memref<10240x128xf32, #tpu.memory_space<vmem_shared>> -> memref<128x128xf32, #tpu.memory_space<vmem_shared>>
      %dma_wait3A_60 = arith.constant 0 : i32
      %dma_wait3A_61 = tpu.memref_slice %arg9[%add3A_51, %dma_wait3A_60] : memref<10240x128xf32, #tpu.memory_space<vmem_shared>> -> memref<128x128xf32, #tpu.memory_space<vmem_shared>>
      tpu.wait_dma2 semaphore(%run_scoped3A : memref<!tpu.dma_semaphore, #tpu.memory_space<semaphore_mem>>) src(%dma_wait3A_61 : memref<128x128xf32, #tpu.memory_space<vmem_shared>>) dst(%arg11 : memref<128x128xf32, #tpu.memory_space<vmem>>)
      tpu.yield
    }) : () -> ()
    "tpu.region"() ({
      %run_scoped3A = tpu.sem_alloc : memref<!tpu.dma_semaphore, #tpu.memory_space<semaphore_mem>>
      %dma_start3A = arith.constant 0 : i32
      %dma_start3A_56 = tpu.memref_slice %arg7[%arg0, %add3A_51, %dma_start3A] : memref<2x10240x128xf32, #tpu.memory_space<hbm>> -> memref<1x128x128xf32, #tpu.memory_space<hbm>>
      %dma_start3A_57 = tpu.memref_squeeze %dma_start3A_56 : memref<1x128x128xf32, #tpu.memory_space<hbm>> -> memref<128x128xf32, #tpu.memory_space<hbm>>
      %dma_start3A_58 = arith.constant 0 : i32
      %dma_start3A_59 = tpu.memref_slice %arg7[%arg0, %add3A_51, %dma_start3A_58] : memref<2x10240x128xf32, #tpu.memory_space<hbm>> -> memref<1x128x128xf32, #tpu.memory_space<hbm>>
      %dma_start3A_60 = tpu.memref_squeeze %dma_start3A_59 : memref<1x128x128xf32, #tpu.memory_space<hbm>> -> memref<128x128xf32, #tpu.memory_space<hbm>>
      tpu.enqueue_dma source(%arg11 : memref<128x128xf32, #tpu.memory_space<vmem>>) target(%dma_start3A_60 : memref<128x128xf32, #tpu.memory_space<hbm>>) target_semaphore(%run_scoped3A : memref<!tpu.dma_semaphore, #tpu.memory_space<semaphore_mem>>)
      %dma_wait3A = arith.constant 0 : i32
      %dma_wait3A_61 = tpu.memref_slice %arg7[%arg0, %add3A_51, %dma_wait3A] : memref<2x10240x128xf32, #tpu.memory_space<hbm>> -> memref<1x128x128xf32, #tpu.memory_space<hbm>>
      %dma_wait3A_62 = tpu.memref_squeeze %dma_wait3A_61 : memref<1x128x128xf32, #tpu.memory_space<hbm>> -> memref<128x128xf32, #tpu.memory_space<hbm>>
      %dma_wait3A_63 = arith.constant 0 : i32
      %dma_wait3A_64 = tpu.memref_slice %arg7[%arg0, %add3A_51, %dma_wait3A_63] : memref<2x10240x128xf32, #tpu.memory_space<hbm>> -> memref<1x128x128xf32, #tpu.memory_space<hbm>>
      %dma_wait3A_65 = tpu.memref_squeeze %dma_wait3A_64 : memref<1x128x128xf32, #tpu.memory_space<hbm>> -> memref<128x128xf32, #tpu.memory_space<hbm>>
      tpu.wait_dma2 semaphore(%run_scoped3A : memref<!tpu.dma_semaphore, #tpu.memory_space<semaphore_mem>>) src(%arg11 : memref<128x128xf32, #tpu.memory_space<vmem>>) dst(%dma_wait3A_65 : memref<128x128xf32, #tpu.memory_space<hbm>>)
      tpu.yield
    }) : () -> ()
    %mul3A_52 = arith.constant 640 : i32
    %mul3A_53 = arith.muli %arg1, %mul3A_52 : i32
    %add3A_54 = arith.constant 512 : i32
    %add3A_55 = arith.addi %mul3A_53, %add3A_54 : i32
    "tpu.region"() ({
      %run_scoped3A = tpu.sem_alloc : memref<!tpu.dma_semaphore, #tpu.memory_space<semaphore_mem>>
      %dma_start3A = arith.constant 0 : i32
      %dma_start3A_56 = tpu.memref_slice %arg9[%add3A_55, %dma_start3A] : memref<10240x128xf32, #tpu.memory_space<vmem_shared>> -> memref<128x128xf32, #tpu.memory_space<vmem_shared>>
      %dma_start3A_57 = arith.constant 0 : i32
      %dma_start3A_58 = tpu.memref_slice %arg9[%add3A_55, %dma_start3A_57] : memref<10240x128xf32, #tpu.memory_space<vmem_shared>> -> memref<128x128xf32, #tpu.memory_space<vmem_shared>>
      tpu.enqueue_dma source(%dma_start3A_58 : memref<128x128xf32, #tpu.memory_space<vmem_shared>>) target(%arg11 : memref<128x128xf32, #tpu.memory_space<vmem>>) target_semaphore(%run_scoped3A : memref<!tpu.dma_semaphore, #tpu.memory_space<semaphore_mem>>)
      %dma_wait3A = arith.constant 0 : i32
      %dma_wait3A_59 = tpu.memref_slice %arg9[%add3A_55, %dma_wait3A] : memref<10240x128xf32, #tpu.memory_space<vmem_shared>> -> memref<128x128xf32, #tpu.memory_space<vmem_shared>>
      %dma_wait3A_60 = arith.constant 0 : i32
      %dma_wait3A_61 = tpu.memref_slice %arg9[%add3A_55, %dma_wait3A_60] : memref<10240x128xf32, #tpu.memory_space<vmem_shared>> -> memref<128x128xf32, #tpu.memory_space<vmem_shared>>
      tpu.wait_dma2 semaphore(%run_scoped3A : memref<!tpu.dma_semaphore, #tpu.memory_space<semaphore_mem>>) src(%dma_wait3A_61 : memref<128x128xf32, #tpu.memory_space<vmem_shared>>) dst(%arg11 : memref<128x128xf32, #tpu.memory_space<vmem>>)
      tpu.yield
    }) : () -> ()
    "tpu.region"() ({
      %run_scoped3A = tpu.sem_alloc : memref<!tpu.dma_semaphore, #tpu.memory_space<semaphore_mem>>
      %dma_start3A = arith.constant 0 : i32
      %dma_start3A_56 = tpu.memref_slice %arg7[%arg0, %add3A_55, %dma_start3A] : memref<2x10240x128xf32, #tpu.memory_space<hbm>> -> memref<1x128x128xf32, #tpu.memory_space<hbm>>
      %dma_start3A_57 = tpu.memref_squeeze %dma_start3A_56 : memref<1x128x128xf32, #tpu.memory_space<hbm>> -> memref<128x128xf32, #tpu.memory_space<hbm>>
      %dma_start3A_58 = arith.constant 0 : i32
      %dma_start3A_59 = tpu.memref_slice %arg7[%arg0, %add3A_55, %dma_start3A_58] : memref<2x10240x128xf32, #tpu.memory_space<hbm>> -> memref<1x128x128xf32, #tpu.memory_space<hbm>>
      %dma_start3A_60 = tpu.memref_squeeze %dma_start3A_59 : memref<1x128x128xf32, #tpu.memory_space<hbm>> -> memref<128x128xf32, #tpu.memory_space<hbm>>
      tpu.enqueue_dma source(%arg11 : memref<128x128xf32, #tpu.memory_space<vmem>>) target(%dma_start3A_60 : memref<128x128xf32, #tpu.memory_space<hbm>>) target_semaphore(%run_scoped3A : memref<!tpu.dma_semaphore, #tpu.memory_space<semaphore_mem>>)
      %dma_wait3A = arith.constant 0 : i32
      %dma_wait3A_61 = tpu.memref_slice %arg7[%arg0, %add3A_55, %dma_wait3A] : memref<2x10240x128xf32, #tpu.memory_space<hbm>> -> memref<1x128x128xf32, #tpu.memory_space<hbm>>
      %dma_wait3A_62 = tpu.memref_squeeze %dma_wait3A_61 : memref<1x128x128xf32, #tpu.memory_space<hbm>> -> memref<128x128xf32, #tpu.memory_space<hbm>>
      %dma_wait3A_63 = arith.constant 0 : i32
      %dma_wait3A_64 = tpu.memref_slice %arg7[%arg0, %add3A_55, %dma_wait3A_63] : memref<2x10240x128xf32, #tpu.memory_space<hbm>> -> memref<1x128x128xf32, #tpu.memory_space<hbm>>
      %dma_wait3A_65 = tpu.memref_squeeze %dma_wait3A_64 : memref<1x128x128xf32, #tpu.memory_space<hbm>> -> memref<128x128xf32, #tpu.memory_space<hbm>>
      tpu.wait_dma2 semaphore(%run_scoped3A : memref<!tpu.dma_semaphore, #tpu.memory_space<semaphore_mem>>) src(%arg11 : memref<128x128xf32, #tpu.memory_space<vmem>>) dst(%dma_wait3A_65 : memref<128x128xf32, #tpu.memory_space<hbm>>)
      tpu.yield
    }) : () -> ()
    return
  }
}

#map = affine_map<(d0, d1) -> (0, 0)>
#map1 = affine_map<(d0, d1) -> (0, 0, 0, 0)>
#map2 = affine_map<(d0, d1) -> (0, 0, 0)>
module attributes {stable_mosaic.version = 14 : i64} {
  func.func @_sc_prop_body(%arg0: i32, %arg1: i32, %arg2: memref<20480x128xf32, #tpu.memory_space<hbm>>, %arg3: memref<32x320x2x64xi32, #tpu.memory_space<hbm>>, %arg4: memref<128x128xf32, #tpu.memory_space<hbm>>, %arg5: memref<2x10240x128xf32, #tpu.memory_space<hbm>>, %arg6: memref<10240x128xf32, #tpu.memory_space<vmem_shared>>, %arg7: memref<32x2x64xi32, #tpu.memory_space<vmem>>, %arg8: memref<32x2x64xi32, #tpu.memory_space<vmem>>, %arg9: memref<64x128xf32, #tpu.memory_space<vmem>>, %arg10: memref<64x128xf32, #tpu.memory_space<vmem>>, %arg11: memref<64x128xf32, #tpu.memory_space<vmem>>, %arg12: memref<64x128xf32, #tpu.memory_space<vmem>>, %arg13: memref<!tpu.dma_semaphore, #tpu.memory_space<semaphore_mem>>, %arg14: memref<!tpu.dma_semaphore, #tpu.memory_space<semaphore_mem>>, %arg15: memref<!tpu.dma_semaphore, #tpu.memory_space<semaphore_mem>>, %arg16: memref<!tpu.dma_semaphore, #tpu.memory_space<semaphore_mem>>, %arg17: memref<!tpu.dma_semaphore, #tpu.memory_space<semaphore_mem>>, %arg18: memref<!tpu.dma_semaphore, #tpu.memory_space<semaphore_mem>>) attributes {dimension_semantics = [#tpu.dimension_semantics<core_parallel>, #tpu.dimension_semantics<subcore_parallel>], iteration_bounds = array<i64: 2, 16>, scalar_prefetch = 0 : i64, scratch_operands = 13 : i64, tpu.core_type = #tpu.core_type<sc_vector_subcore>, window_params = [{transform_indices = #map}, {transform_indices = #map1}, {transform_indices = #map}, {transform_indices = #map2}]} {
    %mul3A = arith.constant 16 : i32
    %mul3A_0 = arith.muli %arg0, %mul3A : i32
    %add3A = arith.addi %mul3A_0, %arg1 : i32
    "tpu.region"() ({
      %run_scoped3A = tpu.sem_alloc : memref<!tpu.dma_semaphore, #tpu.memory_space<semaphore_mem>>
      %dma_start3A_118 = arith.constant 0 : i32
      %dma_start3A_119 = arith.constant 0 : i32
      %dma_start3A_120 = tpu.memref_slice %arg4[%dma_start3A_118, %dma_start3A_119] : memref<128x128xf32, #tpu.memory_space<hbm>> -> memref<64x128xf32, #tpu.memory_space<hbm>>
      %dma_start3A_121 = arith.constant 0 : i32
      %dma_start3A_122 = arith.constant 0 : i32
      %dma_start3A_123 = tpu.memref_slice %arg4[%dma_start3A_121, %dma_start3A_122] : memref<128x128xf32, #tpu.memory_space<hbm>> -> memref<64x128xf32, #tpu.memory_space<hbm>>
      tpu.enqueue_dma source(%dma_start3A_123 : memref<64x128xf32, #tpu.memory_space<hbm>>) target(%arg9 : memref<64x128xf32, #tpu.memory_space<vmem>>) target_semaphore(%run_scoped3A : memref<!tpu.dma_semaphore, #tpu.memory_space<semaphore_mem>>)
      %dma_wait3A = arith.constant 0 : i32
      %dma_wait3A_124 = arith.constant 0 : i32
      %dma_wait3A_125 = tpu.memref_slice %arg4[%dma_wait3A, %dma_wait3A_124] : memref<128x128xf32, #tpu.memory_space<hbm>> -> memref<64x128xf32, #tpu.memory_space<hbm>>
      %dma_wait3A_126 = arith.constant 0 : i32
      %dma_wait3A_127 = arith.constant 0 : i32
      %dma_wait3A_128 = tpu.memref_slice %arg4[%dma_wait3A_126, %dma_wait3A_127] : memref<128x128xf32, #tpu.memory_space<hbm>> -> memref<64x128xf32, #tpu.memory_space<hbm>>
      tpu.wait_dma2 semaphore(%run_scoped3A : memref<!tpu.dma_semaphore, #tpu.memory_space<semaphore_mem>>) src(%dma_wait3A_128 : memref<64x128xf32, #tpu.memory_space<hbm>>) dst(%arg9 : memref<64x128xf32, #tpu.memory_space<vmem>>)
      tpu.yield
    }) : () -> ()
    %mul3A_1 = arith.constant 640 : i32
    %mul3A_2 = arith.muli %arg1, %mul3A_1 : i32
    %add3A_3 = arith.constant 0 : i32
    %add3A_4 = arith.addi %mul3A_2, %add3A_3 : i32
    "tpu.region"() ({
      %run_scoped3A = tpu.sem_alloc : memref<!tpu.dma_semaphore, #tpu.memory_space<semaphore_mem>>
      %dma_start3A_118 = arith.constant 0 : i32
      %dma_start3A_119 = tpu.memref_slice %arg6[%add3A_4, %dma_start3A_118] : memref<10240x128xf32, #tpu.memory_space<vmem_shared>> -> memref<64x128xf32, #tpu.memory_space<vmem_shared>>
      %dma_start3A_120 = arith.constant 0 : i32
      %dma_start3A_121 = tpu.memref_slice %arg6[%add3A_4, %dma_start3A_120] : memref<10240x128xf32, #tpu.memory_space<vmem_shared>> -> memref<64x128xf32, #tpu.memory_space<vmem_shared>>
      tpu.enqueue_dma source(%arg9 : memref<64x128xf32, #tpu.memory_space<vmem>>) target(%dma_start3A_121 : memref<64x128xf32, #tpu.memory_space<vmem_shared>>) target_semaphore(%run_scoped3A : memref<!tpu.dma_semaphore, #tpu.memory_space<semaphore_mem>>)
      %dma_wait3A = arith.constant 0 : i32
      %dma_wait3A_122 = tpu.memref_slice %arg6[%add3A_4, %dma_wait3A] : memref<10240x128xf32, #tpu.memory_space<vmem_shared>> -> memref<64x128xf32, #tpu.memory_space<vmem_shared>>
      %dma_wait3A_123 = arith.constant 0 : i32
      %dma_wait3A_124 = tpu.memref_slice %arg6[%add3A_4, %dma_wait3A_123] : memref<10240x128xf32, #tpu.memory_space<vmem_shared>> -> memref<64x128xf32, #tpu.memory_space<vmem_shared>>
      tpu.wait_dma2 semaphore(%run_scoped3A : memref<!tpu.dma_semaphore, #tpu.memory_space<semaphore_mem>>) src(%arg9 : memref<64x128xf32, #tpu.memory_space<vmem>>) dst(%dma_wait3A_124 : memref<64x128xf32, #tpu.memory_space<vmem_shared>>)
      tpu.yield
    }) : () -> ()
    %mul3A_5 = arith.constant 640 : i32
    %mul3A_6 = arith.muli %arg1, %mul3A_5 : i32
    %add3A_7 = arith.constant 64 : i32
    %add3A_8 = arith.addi %mul3A_6, %add3A_7 : i32
    "tpu.region"() ({
      %run_scoped3A = tpu.sem_alloc : memref<!tpu.dma_semaphore, #tpu.memory_space<semaphore_mem>>
      %dma_start3A_118 = arith.constant 0 : i32
      %dma_start3A_119 = tpu.memref_slice %arg6[%add3A_8, %dma_start3A_118] : memref<10240x128xf32, #tpu.memory_space<vmem_shared>> -> memref<64x128xf32, #tpu.memory_space<vmem_shared>>
      %dma_start3A_120 = arith.constant 0 : i32
      %dma_start3A_121 = tpu.memref_slice %arg6[%add3A_8, %dma_start3A_120] : memref<10240x128xf32, #tpu.memory_space<vmem_shared>> -> memref<64x128xf32, #tpu.memory_space<vmem_shared>>
      tpu.enqueue_dma source(%arg9 : memref<64x128xf32, #tpu.memory_space<vmem>>) target(%dma_start3A_121 : memref<64x128xf32, #tpu.memory_space<vmem_shared>>) target_semaphore(%run_scoped3A : memref<!tpu.dma_semaphore, #tpu.memory_space<semaphore_mem>>)
      %dma_wait3A = arith.constant 0 : i32
      %dma_wait3A_122 = tpu.memref_slice %arg6[%add3A_8, %dma_wait3A] : memref<10240x128xf32, #tpu.memory_space<vmem_shared>> -> memref<64x128xf32, #tpu.memory_space<vmem_shared>>
      %dma_wait3A_123 = arith.constant 0 : i32
      %dma_wait3A_124 = tpu.memref_slice %arg6[%add3A_8, %dma_wait3A_123] : memref<10240x128xf32, #tpu.memory_space<vmem_shared>> -> memref<64x128xf32, #tpu.memory_space<vmem_shared>>
      tpu.wait_dma2 semaphore(%run_scoped3A : memref<!tpu.dma_semaphore, #tpu.memory_space<semaphore_mem>>) src(%arg9 : memref<64x128xf32, #tpu.memory_space<vmem>>) dst(%dma_wait3A_124 : memref<64x128xf32, #tpu.memory_space<vmem_shared>>)
      tpu.yield
    }) : () -> ()
    %mul3A_9 = arith.constant 640 : i32
    %mul3A_10 = arith.muli %arg1, %mul3A_9 : i32
    %add3A_11 = arith.constant 128 : i32
    %add3A_12 = arith.addi %mul3A_10, %add3A_11 : i32
    "tpu.region"() ({
      %run_scoped3A = tpu.sem_alloc : memref<!tpu.dma_semaphore, #tpu.memory_space<semaphore_mem>>
      %dma_start3A_118 = arith.constant 0 : i32
      %dma_start3A_119 = tpu.memref_slice %arg6[%add3A_12, %dma_start3A_118] : memref<10240x128xf32, #tpu.memory_space<vmem_shared>> -> memref<64x128xf32, #tpu.memory_space<vmem_shared>>
      %dma_start3A_120 = arith.constant 0 : i32
      %dma_start3A_121 = tpu.memref_slice %arg6[%add3A_12, %dma_start3A_120] : memref<10240x128xf32, #tpu.memory_space<vmem_shared>> -> memref<64x128xf32, #tpu.memory_space<vmem_shared>>
      tpu.enqueue_dma source(%arg9 : memref<64x128xf32, #tpu.memory_space<vmem>>) target(%dma_start3A_121 : memref<64x128xf32, #tpu.memory_space<vmem_shared>>) target_semaphore(%run_scoped3A : memref<!tpu.dma_semaphore, #tpu.memory_space<semaphore_mem>>)
      %dma_wait3A = arith.constant 0 : i32
      %dma_wait3A_122 = tpu.memref_slice %arg6[%add3A_12, %dma_wait3A] : memref<10240x128xf32, #tpu.memory_space<vmem_shared>> -> memref<64x128xf32, #tpu.memory_space<vmem_shared>>
      %dma_wait3A_123 = arith.constant 0 : i32
      %dma_wait3A_124 = tpu.memref_slice %arg6[%add3A_12, %dma_wait3A_123] : memref<10240x128xf32, #tpu.memory_space<vmem_shared>> -> memref<64x128xf32, #tpu.memory_space<vmem_shared>>
      tpu.wait_dma2 semaphore(%run_scoped3A : memref<!tpu.dma_semaphore, #tpu.memory_space<semaphore_mem>>) src(%arg9 : memref<64x128xf32, #tpu.memory_space<vmem>>) dst(%dma_wait3A_124 : memref<64x128xf32, #tpu.memory_space<vmem_shared>>)
      tpu.yield
    }) : () -> ()
    %mul3A_13 = arith.constant 640 : i32
    %mul3A_14 = arith.muli %arg1, %mul3A_13 : i32
    %add3A_15 = arith.constant 192 : i32
    %add3A_16 = arith.addi %mul3A_14, %add3A_15 : i32
    "tpu.region"() ({
      %run_scoped3A = tpu.sem_alloc : memref<!tpu.dma_semaphore, #tpu.memory_space<semaphore_mem>>
      %dma_start3A_118 = arith.constant 0 : i32
      %dma_start3A_119 = tpu.memref_slice %arg6[%add3A_16, %dma_start3A_118] : memref<10240x128xf32, #tpu.memory_space<vmem_shared>> -> memref<64x128xf32, #tpu.memory_space<vmem_shared>>
      %dma_start3A_120 = arith.constant 0 : i32
      %dma_start3A_121 = tpu.memref_slice %arg6[%add3A_16, %dma_start3A_120] : memref<10240x128xf32, #tpu.memory_space<vmem_shared>> -> memref<64x128xf32, #tpu.memory_space<vmem_shared>>
      tpu.enqueue_dma source(%arg9 : memref<64x128xf32, #tpu.memory_space<vmem>>) target(%dma_start3A_121 : memref<64x128xf32, #tpu.memory_space<vmem_shared>>) target_semaphore(%run_scoped3A : memref<!tpu.dma_semaphore, #tpu.memory_space<semaphore_mem>>)
      %dma_wait3A = arith.constant 0 : i32
      %dma_wait3A_122 = tpu.memref_slice %arg6[%add3A_16, %dma_wait3A] : memref<10240x128xf32, #tpu.memory_space<vmem_shared>> -> memref<64x128xf32, #tpu.memory_space<vmem_shared>>
      %dma_wait3A_123 = arith.constant 0 : i32
      %dma_wait3A_124 = tpu.memref_slice %arg6[%add3A_16, %dma_wait3A_123] : memref<10240x128xf32, #tpu.memory_space<vmem_shared>> -> memref<64x128xf32, #tpu.memory_space<vmem_shared>>
      tpu.wait_dma2 semaphore(%run_scoped3A : memref<!tpu.dma_semaphore, #tpu.memory_space<semaphore_mem>>) src(%arg9 : memref<64x128xf32, #tpu.memory_space<vmem>>) dst(%dma_wait3A_124 : memref<64x128xf32, #tpu.memory_space<vmem_shared>>)
      tpu.yield
    }) : () -> ()
    %mul3A_17 = arith.constant 640 : i32
    %mul3A_18 = arith.muli %arg1, %mul3A_17 : i32
    %add3A_19 = arith.constant 256 : i32
    %add3A_20 = arith.addi %mul3A_18, %add3A_19 : i32
    "tpu.region"() ({
      %run_scoped3A = tpu.sem_alloc : memref<!tpu.dma_semaphore, #tpu.memory_space<semaphore_mem>>
      %dma_start3A_118 = arith.constant 0 : i32
      %dma_start3A_119 = tpu.memref_slice %arg6[%add3A_20, %dma_start3A_118] : memref<10240x128xf32, #tpu.memory_space<vmem_shared>> -> memref<64x128xf32, #tpu.memory_space<vmem_shared>>
      %dma_start3A_120 = arith.constant 0 : i32
      %dma_start3A_121 = tpu.memref_slice %arg6[%add3A_20, %dma_start3A_120] : memref<10240x128xf32, #tpu.memory_space<vmem_shared>> -> memref<64x128xf32, #tpu.memory_space<vmem_shared>>
      tpu.enqueue_dma source(%arg9 : memref<64x128xf32, #tpu.memory_space<vmem>>) target(%dma_start3A_121 : memref<64x128xf32, #tpu.memory_space<vmem_shared>>) target_semaphore(%run_scoped3A : memref<!tpu.dma_semaphore, #tpu.memory_space<semaphore_mem>>)
      %dma_wait3A = arith.constant 0 : i32
      %dma_wait3A_122 = tpu.memref_slice %arg6[%add3A_20, %dma_wait3A] : memref<10240x128xf32, #tpu.memory_space<vmem_shared>> -> memref<64x128xf32, #tpu.memory_space<vmem_shared>>
      %dma_wait3A_123 = arith.constant 0 : i32
      %dma_wait3A_124 = tpu.memref_slice %arg6[%add3A_20, %dma_wait3A_123] : memref<10240x128xf32, #tpu.memory_space<vmem_shared>> -> memref<64x128xf32, #tpu.memory_space<vmem_shared>>
      tpu.wait_dma2 semaphore(%run_scoped3A : memref<!tpu.dma_semaphore, #tpu.memory_space<semaphore_mem>>) src(%arg9 : memref<64x128xf32, #tpu.memory_space<vmem>>) dst(%dma_wait3A_124 : memref<64x128xf32, #tpu.memory_space<vmem_shared>>)
      tpu.yield
    }) : () -> ()
    %mul3A_21 = arith.constant 640 : i32
    %mul3A_22 = arith.muli %arg1, %mul3A_21 : i32
    %add3A_23 = arith.constant 320 : i32
    %add3A_24 = arith.addi %mul3A_22, %add3A_23 : i32
    "tpu.region"() ({
      %run_scoped3A = tpu.sem_alloc : memref<!tpu.dma_semaphore, #tpu.memory_space<semaphore_mem>>
      %dma_start3A_118 = arith.constant 0 : i32
      %dma_start3A_119 = tpu.memref_slice %arg6[%add3A_24, %dma_start3A_118] : memref<10240x128xf32, #tpu.memory_space<vmem_shared>> -> memref<64x128xf32, #tpu.memory_space<vmem_shared>>
      %dma_start3A_120 = arith.constant 0 : i32
      %dma_start3A_121 = tpu.memref_slice %arg6[%add3A_24, %dma_start3A_120] : memref<10240x128xf32, #tpu.memory_space<vmem_shared>> -> memref<64x128xf32, #tpu.memory_space<vmem_shared>>
      tpu.enqueue_dma source(%arg9 : memref<64x128xf32, #tpu.memory_space<vmem>>) target(%dma_start3A_121 : memref<64x128xf32, #tpu.memory_space<vmem_shared>>) target_semaphore(%run_scoped3A : memref<!tpu.dma_semaphore, #tpu.memory_space<semaphore_mem>>)
      %dma_wait3A = arith.constant 0 : i32
      %dma_wait3A_122 = tpu.memref_slice %arg6[%add3A_24, %dma_wait3A] : memref<10240x128xf32, #tpu.memory_space<vmem_shared>> -> memref<64x128xf32, #tpu.memory_space<vmem_shared>>
      %dma_wait3A_123 = arith.constant 0 : i32
      %dma_wait3A_124 = tpu.memref_slice %arg6[%add3A_24, %dma_wait3A_123] : memref<10240x128xf32, #tpu.memory_space<vmem_shared>> -> memref<64x128xf32, #tpu.memory_space<vmem_shared>>
      tpu.wait_dma2 semaphore(%run_scoped3A : memref<!tpu.dma_semaphore, #tpu.memory_space<semaphore_mem>>) src(%arg9 : memref<64x128xf32, #tpu.memory_space<vmem>>) dst(%dma_wait3A_124 : memref<64x128xf32, #tpu.memory_space<vmem_shared>>)
      tpu.yield
    }) : () -> ()
    %mul3A_25 = arith.constant 640 : i32
    %mul3A_26 = arith.muli %arg1, %mul3A_25 : i32
    %add3A_27 = arith.constant 384 : i32
    %add3A_28 = arith.addi %mul3A_26, %add3A_27 : i32
    "tpu.region"() ({
      %run_scoped3A = tpu.sem_alloc : memref<!tpu.dma_semaphore, #tpu.memory_space<semaphore_mem>>
      %dma_start3A_118 = arith.constant 0 : i32
      %dma_start3A_119 = tpu.memref_slice %arg6[%add3A_28, %dma_start3A_118] : memref<10240x128xf32, #tpu.memory_space<vmem_shared>> -> memref<64x128xf32, #tpu.memory_space<vmem_shared>>
      %dma_start3A_120 = arith.constant 0 : i32
      %dma_start3A_121 = tpu.memref_slice %arg6[%add3A_28, %dma_start3A_120] : memref<10240x128xf32, #tpu.memory_space<vmem_shared>> -> memref<64x128xf32, #tpu.memory_space<vmem_shared>>
      tpu.enqueue_dma source(%arg9 : memref<64x128xf32, #tpu.memory_space<vmem>>) target(%dma_start3A_121 : memref<64x128xf32, #tpu.memory_space<vmem_shared>>) target_semaphore(%run_scoped3A : memref<!tpu.dma_semaphore, #tpu.memory_space<semaphore_mem>>)
      %dma_wait3A = arith.constant 0 : i32
      %dma_wait3A_122 = tpu.memref_slice %arg6[%add3A_28, %dma_wait3A] : memref<10240x128xf32, #tpu.memory_space<vmem_shared>> -> memref<64x128xf32, #tpu.memory_space<vmem_shared>>
      %dma_wait3A_123 = arith.constant 0 : i32
      %dma_wait3A_124 = tpu.memref_slice %arg6[%add3A_28, %dma_wait3A_123] : memref<10240x128xf32, #tpu.memory_space<vmem_shared>> -> memref<64x128xf32, #tpu.memory_space<vmem_shared>>
      tpu.wait_dma2 semaphore(%run_scoped3A : memref<!tpu.dma_semaphore, #tpu.memory_space<semaphore_mem>>) src(%arg9 : memref<64x128xf32, #tpu.memory_space<vmem>>) dst(%dma_wait3A_124 : memref<64x128xf32, #tpu.memory_space<vmem_shared>>)
      tpu.yield
    }) : () -> ()
    %mul3A_29 = arith.constant 640 : i32
    %mul3A_30 = arith.muli %arg1, %mul3A_29 : i32
    %add3A_31 = arith.constant 448 : i32
    %add3A_32 = arith.addi %mul3A_30, %add3A_31 : i32
    "tpu.region"() ({
      %run_scoped3A = tpu.sem_alloc : memref<!tpu.dma_semaphore, #tpu.memory_space<semaphore_mem>>
      %dma_start3A_118 = arith.constant 0 : i32
      %dma_start3A_119 = tpu.memref_slice %arg6[%add3A_32, %dma_start3A_118] : memref<10240x128xf32, #tpu.memory_space<vmem_shared>> -> memref<64x128xf32, #tpu.memory_space<vmem_shared>>
      %dma_start3A_120 = arith.constant 0 : i32
      %dma_start3A_121 = tpu.memref_slice %arg6[%add3A_32, %dma_start3A_120] : memref<10240x128xf32, #tpu.memory_space<vmem_shared>> -> memref<64x128xf32, #tpu.memory_space<vmem_shared>>
      tpu.enqueue_dma source(%arg9 : memref<64x128xf32, #tpu.memory_space<vmem>>) target(%dma_start3A_121 : memref<64x128xf32, #tpu.memory_space<vmem_shared>>) target_semaphore(%run_scoped3A : memref<!tpu.dma_semaphore, #tpu.memory_space<semaphore_mem>>)
      %dma_wait3A = arith.constant 0 : i32
      %dma_wait3A_122 = tpu.memref_slice %arg6[%add3A_32, %dma_wait3A] : memref<10240x128xf32, #tpu.memory_space<vmem_shared>> -> memref<64x128xf32, #tpu.memory_space<vmem_shared>>
      %dma_wait3A_123 = arith.constant 0 : i32
      %dma_wait3A_124 = tpu.memref_slice %arg6[%add3A_32, %dma_wait3A_123] : memref<10240x128xf32, #tpu.memory_space<vmem_shared>> -> memref<64x128xf32, #tpu.memory_space<vmem_shared>>
      tpu.wait_dma2 semaphore(%run_scoped3A : memref<!tpu.dma_semaphore, #tpu.memory_space<semaphore_mem>>) src(%arg9 : memref<64x128xf32, #tpu.memory_space<vmem>>) dst(%dma_wait3A_124 : memref<64x128xf32, #tpu.memory_space<vmem_shared>>)
      tpu.yield
    }) : () -> ()
    %mul3A_33 = arith.constant 640 : i32
    %mul3A_34 = arith.muli %arg1, %mul3A_33 : i32
    %add3A_35 = arith.constant 512 : i32
    %add3A_36 = arith.addi %mul3A_34, %add3A_35 : i32
    "tpu.region"() ({
      %run_scoped3A = tpu.sem_alloc : memref<!tpu.dma_semaphore, #tpu.memory_space<semaphore_mem>>
      %dma_start3A_118 = arith.constant 0 : i32
      %dma_start3A_119 = tpu.memref_slice %arg6[%add3A_36, %dma_start3A_118] : memref<10240x128xf32, #tpu.memory_space<vmem_shared>> -> memref<64x128xf32, #tpu.memory_space<vmem_shared>>
      %dma_start3A_120 = arith.constant 0 : i32
      %dma_start3A_121 = tpu.memref_slice %arg6[%add3A_36, %dma_start3A_120] : memref<10240x128xf32, #tpu.memory_space<vmem_shared>> -> memref<64x128xf32, #tpu.memory_space<vmem_shared>>
      tpu.enqueue_dma source(%arg9 : memref<64x128xf32, #tpu.memory_space<vmem>>) target(%dma_start3A_121 : memref<64x128xf32, #tpu.memory_space<vmem_shared>>) target_semaphore(%run_scoped3A : memref<!tpu.dma_semaphore, #tpu.memory_space<semaphore_mem>>)
      %dma_wait3A = arith.constant 0 : i32
      %dma_wait3A_122 = tpu.memref_slice %arg6[%add3A_36, %dma_wait3A] : memref<10240x128xf32, #tpu.memory_space<vmem_shared>> -> memref<64x128xf32, #tpu.memory_space<vmem_shared>>
      %dma_wait3A_123 = arith.constant 0 : i32
      %dma_wait3A_124 = tpu.memref_slice %arg6[%add3A_36, %dma_wait3A_123] : memref<10240x128xf32, #tpu.memory_space<vmem_shared>> -> memref<64x128xf32, #tpu.memory_space<vmem_shared>>
      tpu.wait_dma2 semaphore(%run_scoped3A : memref<!tpu.dma_semaphore, #tpu.memory_space<semaphore_mem>>) src(%arg9 : memref<64x128xf32, #tpu.memory_space<vmem>>) dst(%dma_wait3A_124 : memref<64x128xf32, #tpu.memory_space<vmem_shared>>)
      tpu.yield
    }) : () -> ()
    %mul3A_37 = arith.constant 640 : i32
    %mul3A_38 = arith.muli %arg1, %mul3A_37 : i32
    %add3A_39 = arith.constant 576 : i32
    %add3A_40 = arith.addi %mul3A_38, %add3A_39 : i32
    "tpu.region"() ({
      %run_scoped3A = tpu.sem_alloc : memref<!tpu.dma_semaphore, #tpu.memory_space<semaphore_mem>>
      %dma_start3A_118 = arith.constant 0 : i32
      %dma_start3A_119 = tpu.memref_slice %arg6[%add3A_40, %dma_start3A_118] : memref<10240x128xf32, #tpu.memory_space<vmem_shared>> -> memref<64x128xf32, #tpu.memory_space<vmem_shared>>
      %dma_start3A_120 = arith.constant 0 : i32
      %dma_start3A_121 = tpu.memref_slice %arg6[%add3A_40, %dma_start3A_120] : memref<10240x128xf32, #tpu.memory_space<vmem_shared>> -> memref<64x128xf32, #tpu.memory_space<vmem_shared>>
      tpu.enqueue_dma source(%arg9 : memref<64x128xf32, #tpu.memory_space<vmem>>) target(%dma_start3A_121 : memref<64x128xf32, #tpu.memory_space<vmem_shared>>) target_semaphore(%run_scoped3A : memref<!tpu.dma_semaphore, #tpu.memory_space<semaphore_mem>>)
      %dma_wait3A = arith.constant 0 : i32
      %dma_wait3A_122 = tpu.memref_slice %arg6[%add3A_40, %dma_wait3A] : memref<10240x128xf32, #tpu.memory_space<vmem_shared>> -> memref<64x128xf32, #tpu.memory_space<vmem_shared>>
      %dma_wait3A_123 = arith.constant 0 : i32
      %dma_wait3A_124 = tpu.memref_slice %arg6[%add3A_40, %dma_wait3A_123] : memref<10240x128xf32, #tpu.memory_space<vmem_shared>> -> memref<64x128xf32, #tpu.memory_space<vmem_shared>>
      tpu.wait_dma2 semaphore(%run_scoped3A : memref<!tpu.dma_semaphore, #tpu.memory_space<semaphore_mem>>) src(%arg9 : memref<64x128xf32, #tpu.memory_space<vmem>>) dst(%dma_wait3A_124 : memref<64x128xf32, #tpu.memory_space<vmem_shared>>)
      tpu.yield
    }) : () -> ()
    %barrier3A = arith.constant 0 : index
    tpu.barrier barrier_id(%barrier3A)
    "tpu.region"() ({
      %run_scoped3A = tpu.sem_alloc : memref<!tpu.dma_semaphore, #tpu.memory_space<semaphore_mem>>
      %dma_start3A_118 = arith.constant 0 : i32
      %dma_start3A_119 = arith.constant 0 : i32
      %dma_start3A_120 = arith.constant 0 : i32
      %dma_start3A_121 = tpu.memref_slice %arg3[%add3A, %dma_start3A_118, %dma_start3A_119, %dma_start3A_120] : memref<32x320x2x64xi32, #tpu.memory_space<hbm>> -> memref<1x32x2x64xi32, #tpu.memory_space<hbm>>
      %dma_start3A_122 = tpu.memref_squeeze %dma_start3A_121 : memref<1x32x2x64xi32, #tpu.memory_space<hbm>> -> memref<32x2x64xi32, #tpu.memory_space<hbm>>
      %dma_start3A_123 = arith.constant 0 : i32
      %dma_start3A_124 = arith.constant 0 : i32
      %dma_start3A_125 = arith.constant 0 : i32
      %dma_start3A_126 = tpu.memref_slice %arg3[%add3A, %dma_start3A_123, %dma_start3A_124, %dma_start3A_125] : memref<32x320x2x64xi32, #tpu.memory_space<hbm>> -> memref<1x32x2x64xi32, #tpu.memory_space<hbm>>
      %dma_start3A_127 = tpu.memref_squeeze %dma_start3A_126 : memref<1x32x2x64xi32, #tpu.memory_space<hbm>> -> memref<32x2x64xi32, #tpu.memory_space<hbm>>
      tpu.enqueue_dma source(%dma_start3A_127 : memref<32x2x64xi32, #tpu.memory_space<hbm>>) target(%arg7 : memref<32x2x64xi32, #tpu.memory_space<vmem>>) target_semaphore(%run_scoped3A : memref<!tpu.dma_semaphore, #tpu.memory_space<semaphore_mem>>)
      %dma_wait3A = arith.constant 0 : i32
      %dma_wait3A_128 = arith.constant 0 : i32
      %dma_wait3A_129 = arith.constant 0 : i32
      %dma_wait3A_130 = tpu.memref_slice %arg3[%add3A, %dma_wait3A, %dma_wait3A_128, %dma_wait3A_129] : memref<32x320x2x64xi32, #tpu.memory_space<hbm>> -> memref<1x32x2x64xi32, #tpu.memory_space<hbm>>
      %dma_wait3A_131 = tpu.memref_squeeze %dma_wait3A_130 : memref<1x32x2x64xi32, #tpu.memory_space<hbm>> -> memref<32x2x64xi32, #tpu.memory_space<hbm>>
      %dma_wait3A_132 = arith.constant 0 : i32
      %dma_wait3A_133 = arith.constant 0 : i32
      %dma_wait3A_134 = arith.constant 0 : i32
      %dma_wait3A_135 = tpu.memref_slice %arg3[%add3A, %dma_wait3A_132, %dma_wait3A_133, %dma_wait3A_134] : memref<32x320x2x64xi32, #tpu.memory_space<hbm>> -> memref<1x32x2x64xi32, #tpu.memory_space<hbm>>
      %dma_wait3A_136 = tpu.memref_squeeze %dma_wait3A_135 : memref<1x32x2x64xi32, #tpu.memory_space<hbm>> -> memref<32x2x64xi32, #tpu.memory_space<hbm>>
      tpu.wait_dma2 semaphore(%run_scoped3A : memref<!tpu.dma_semaphore, #tpu.memory_space<semaphore_mem>>) src(%dma_wait3A_136 : memref<32x2x64xi32, #tpu.memory_space<hbm>>) dst(%arg7 : memref<32x2x64xi32, #tpu.memory_space<vmem>>)
      tpu.yield
    }) : () -> ()
    %dma_start3A = arith.constant 0 : i32
    %dma_start3A_41 = arith.constant 0 : i32
    %dma_start3A_42 = arith.constant 0 : i32
    %dma_start3A_43 = tpu.memref_slice %arg7[%dma_start3A, %dma_start3A_41, %dma_start3A_42] : memref<32x2x64xi32, #tpu.memory_space<vmem>> -> memref<1x1x64xi32, #tpu.memory_space<vmem>>
    %dma_start3A_44 = tpu.memref_squeeze %dma_start3A_43 : memref<1x1x64xi32, #tpu.memory_space<vmem>> -> memref<64xi32, #tpu.memory_space<vmem>>
    %dma_start3A_45 = arith.constant 0 : i32
    %dma_start3A_46 = arith.constant 0 : i32
    %dma_start3A_47 = tpu.memref_slice %arg2[%dma_start3A_45, %dma_start3A_46] : memref<20480x128xf32, #tpu.memory_space<hbm>> -> memref<20480x128xf32, #tpu.memory_space<hbm>>
    tpu.enqueue_indirect_dma source(%dma_start3A_47 : memref<20480x128xf32, #tpu.memory_space<hbm>>) target(%arg9 : memref<64x128xf32, #tpu.memory_space<vmem>>) offsets(%dma_start3A_44 : memref<64xi32, #tpu.memory_space<vmem>>) semaphore(%arg13 : memref<!tpu.dma_semaphore, #tpu.memory_space<semaphore_mem>>)
    %dma_start3A_48 = arith.constant 1 : i32
    %dma_start3A_49 = arith.constant 0 : i32
    %dma_start3A_50 = arith.constant 0 : i32
    %dma_start3A_51 = tpu.memref_slice %arg7[%dma_start3A_48, %dma_start3A_49, %dma_start3A_50] : memref<32x2x64xi32, #tpu.memory_space<vmem>> -> memref<1x1x64xi32, #tpu.memory_space<vmem>>
    %dma_start3A_52 = tpu.memref_squeeze %dma_start3A_51 : memref<1x1x64xi32, #tpu.memory_space<vmem>> -> memref<64xi32, #tpu.memory_space<vmem>>
    %dma_start3A_53 = arith.constant 0 : i32
    %dma_start3A_54 = arith.constant 0 : i32
    %dma_start3A_55 = tpu.memref_slice %arg2[%dma_start3A_53, %dma_start3A_54] : memref<20480x128xf32, #tpu.memory_space<hbm>> -> memref<20480x128xf32, #tpu.memory_space<hbm>>
    tpu.enqueue_indirect_dma source(%dma_start3A_55 : memref<20480x128xf32, #tpu.memory_space<hbm>>) target(%arg10 : memref<64x128xf32, #tpu.memory_space<vmem>>) offsets(%dma_start3A_52 : memref<64xi32, #tpu.memory_space<vmem>>) semaphore(%arg14 : memref<!tpu.dma_semaphore, #tpu.memory_space<semaphore_mem>>)
    %dma_start3A_56 = arith.constant 2 : i32
    %dma_start3A_57 = arith.constant 0 : i32
    %dma_start3A_58 = arith.constant 0 : i32
    %dma_start3A_59 = tpu.memref_slice %arg7[%dma_start3A_56, %dma_start3A_57, %dma_start3A_58] : memref<32x2x64xi32, #tpu.memory_space<vmem>> -> memref<1x1x64xi32, #tpu.memory_space<vmem>>
    %dma_start3A_60 = tpu.memref_squeeze %dma_start3A_59 : memref<1x1x64xi32, #tpu.memory_space<vmem>> -> memref<64xi32, #tpu.memory_space<vmem>>
    %dma_start3A_61 = arith.constant 0 : i32
    %dma_start3A_62 = arith.constant 0 : i32
    %dma_start3A_63 = tpu.memref_slice %arg2[%dma_start3A_61, %dma_start3A_62] : memref<20480x128xf32, #tpu.memory_space<hbm>> -> memref<20480x128xf32, #tpu.memory_space<hbm>>
    tpu.enqueue_indirect_dma source(%dma_start3A_63 : memref<20480x128xf32, #tpu.memory_space<hbm>>) target(%arg11 : memref<64x128xf32, #tpu.memory_space<vmem>>) offsets(%dma_start3A_60 : memref<64xi32, #tpu.memory_space<vmem>>) semaphore(%arg15 : memref<!tpu.dma_semaphore, #tpu.memory_space<semaphore_mem>>)
    %dma_start3A_64 = arith.constant 3 : i32
    %dma_start3A_65 = arith.constant 0 : i32
    %dma_start3A_66 = arith.constant 0 : i32
    %dma_start3A_67 = tpu.memref_slice %arg7[%dma_start3A_64, %dma_start3A_65, %dma_start3A_66] : memref<32x2x64xi32, #tpu.memory_space<vmem>> -> memref<1x1x64xi32, #tpu.memory_space<vmem>>
    %dma_start3A_68 = tpu.memref_squeeze %dma_start3A_67 : memref<1x1x64xi32, #tpu.memory_space<vmem>> -> memref<64xi32, #tpu.memory_space<vmem>>
    %dma_start3A_69 = arith.constant 0 : i32
    %dma_start3A_70 = arith.constant 0 : i32
    %dma_start3A_71 = tpu.memref_slice %arg2[%dma_start3A_69, %dma_start3A_70] : memref<20480x128xf32, #tpu.memory_space<hbm>> -> memref<20480x128xf32, #tpu.memory_space<hbm>>
    tpu.enqueue_indirect_dma source(%dma_start3A_71 : memref<20480x128xf32, #tpu.memory_space<hbm>>) target(%arg12 : memref<64x128xf32, #tpu.memory_space<vmem>>) offsets(%dma_start3A_68 : memref<64xi32, #tpu.memory_space<vmem>>) semaphore(%arg16 : memref<!tpu.dma_semaphore, #tpu.memory_space<semaphore_mem>>)
    %scan3A = arith.constant 0 : i32
    %scan3A_72 = arith.constant 0 : i32
    %scan3A_73 = arith.constant 5 : i32
    %scan3A_74 = arith.addi %scan3A_72, %scan3A_73 : i32
    %scan3A_75 = arith.constant 1 : i32
    scf.for %scan3A_118 = %scan3A_72 to %scan3A_74 step %scan3A_75  : i32 {
      %mul3A_119 = arith.constant 2 : i32
      %mul3A_120 = arith.muli %mul3A_119, %scan3A_118 : i32
      %add3A_121 = arith.constant 0 : i32
      %add3A_122 = arith.addi %mul3A_120, %add3A_121 : i32
      %add3A_123 = arith.constant 1 : i32
      %add3A_124 = arith.addi %add3A_122, %add3A_123 : i32
      %mul3A_125 = arith.constant 32 : i32
      %mul3A_126 = arith.muli %add3A_124, %mul3A_125 : i32
      %dma_start3A_127 = arith.constant 0 : i32
      %dma_start3A_128 = arith.constant 0 : i32
      %dma_start3A_129 = tpu.memref_slice %arg3[%add3A, %mul3A_126, %dma_start3A_127, %dma_start3A_128] : memref<32x320x2x64xi32, #tpu.memory_space<hbm>> -> memref<1x32x2x64xi32, #tpu.memory_space<hbm>>
      %dma_start3A_130 = tpu.memref_squeeze %dma_start3A_129 : memref<1x32x2x64xi32, #tpu.memory_space<hbm>> -> memref<32x2x64xi32, #tpu.memory_space<hbm>>
      %dma_start3A_131 = arith.constant 0 : i32
      %dma_start3A_132 = arith.constant 0 : i32
      %dma_start3A_133 = tpu.memref_slice %arg3[%add3A, %mul3A_126, %dma_start3A_131, %dma_start3A_132] : memref<32x320x2x64xi32, #tpu.memory_space<hbm>> -> memref<1x32x2x64xi32, #tpu.memory_space<hbm>>
      %dma_start3A_134 = tpu.memref_squeeze %dma_start3A_133 : memref<1x32x2x64xi32, #tpu.memory_space<hbm>> -> memref<32x2x64xi32, #tpu.memory_space<hbm>>
      tpu.enqueue_dma source(%dma_start3A_134 : memref<32x2x64xi32, #tpu.memory_space<hbm>>) target(%arg8 : memref<32x2x64xi32, #tpu.memory_space<vmem>>) target_semaphore(%arg18 : memref<!tpu.dma_semaphore, #tpu.memory_space<semaphore_mem>>)
      %dma_wait3A = arith.constant 0 : i32
      %dma_wait3A_135 = arith.constant 0 : i32
      %dma_wait3A_136 = arith.constant 0 : i32
      %dma_wait3A_137 = tpu.memref_slice %arg7[%dma_wait3A, %dma_wait3A_135, %dma_wait3A_136] : memref<32x2x64xi32, #tpu.memory_space<vmem>> -> memref<1x1x64xi32, #tpu.memory_space<vmem>>
      %dma_wait3A_138 = tpu.memref_squeeze %dma_wait3A_137 : memref<1x1x64xi32, #tpu.memory_space<vmem>> -> memref<64xi32, #tpu.memory_space<vmem>>
      %dma_wait3A_139 = arith.constant 0 : i32
      %dma_wait3A_140 = arith.constant 0 : i32
      %dma_wait3A_141 = tpu.memref_slice %arg2[%dma_wait3A_139, %dma_wait3A_140] : memref<20480x128xf32, #tpu.memory_space<hbm>> -> memref<20480x128xf32, #tpu.memory_space<hbm>>
      tpu.wait_indirect_dma semaphore(%arg13 : memref<!tpu.dma_semaphore, #tpu.memory_space<semaphore_mem>>) src(%dma_wait3A_141 : memref<20480x128xf32, #tpu.memory_space<hbm>>) dst(%arg9 : memref<64x128xf32, #tpu.memory_space<vmem>>)
      %run_scoped3A = arith.constant 0 : i32
      %run_scoped3A_142 = arith.constant 1 : i32
      "tpu.region"() ({
        %run_scoped3A_1296 = tpu.sem_alloc : memref<!tpu.dma_semaphore, #tpu.memory_space<semaphore_mem>>
        %dma_start3A_1297 = arith.constant 0 : i32
        %dma_start3A_1298 = tpu.memref_slice %arg7[%run_scoped3A, %run_scoped3A_142, %dma_start3A_1297] : memref<32x2x64xi32, #tpu.memory_space<vmem>> -> memref<1x1x64xi32, #tpu.memory_space<vmem>>
        %dma_start3A_1299 = tpu.memref_squeeze %dma_start3A_1298 : memref<1x1x64xi32, #tpu.memory_space<vmem>> -> memref<64xi32, #tpu.memory_space<vmem>>
        %dma_start3A_1300 = arith.constant 0 : i32
        %dma_start3A_1301 = arith.constant 0 : i32
        %dma_start3A_1302 = tpu.memref_slice %arg6[%dma_start3A_1300, %dma_start3A_1301] : memref<10240x128xf32, #tpu.memory_space<vmem_shared>> -> memref<10240x128xf32, #tpu.memory_space<vmem_shared>>
        tpu.enqueue_indirect_dma source(%arg9 : memref<64x128xf32, #tpu.memory_space<vmem>>) target(%dma_start3A_1302 : memref<10240x128xf32, #tpu.memory_space<vmem_shared>>) offsets(%dma_start3A_1299 : memref<64xi32, #tpu.memory_space<vmem>>) semaphore(%run_scoped3A_1296 : memref<!tpu.dma_semaphore, #tpu.memory_space<semaphore_mem>>) {add = true}
        %dma_wait3A_1303 = arith.constant 0 : i32
        %dma_wait3A_1304 = tpu.memref_slice %arg7[%run_scoped3A, %run_scoped3A_142, %dma_wait3A_1303] : memref<32x2x64xi32, #tpu.memory_space<vmem>> -> memref<1x1x64xi32, #tpu.memory_space<vmem>>
        %dma_wait3A_1305 = tpu.memref_squeeze %dma_wait3A_1304 : memref<1x1x64xi32, #tpu.memory_space<vmem>> -> memref<64xi32, #tpu.memory_space<vmem>>
        %dma_wait3A_1306 = arith.constant 0 : i32
        %dma_wait3A_1307 = arith.constant 0 : i32
        %dma_wait3A_1308 = tpu.memref_slice %arg6[%dma_wait3A_1306, %dma_wait3A_1307] : memref<10240x128xf32, #tpu.memory_space<vmem_shared>> -> memref<10240x128xf32, #tpu.memory_space<vmem_shared>>
        tpu.wait_indirect_dma semaphore(%run_scoped3A_1296 : memref<!tpu.dma_semaphore, #tpu.memory_space<semaphore_mem>>) src(%arg9 : memref<64x128xf32, #tpu.memory_space<vmem>>) dst(%dma_wait3A_1308 : memref<10240x128xf32, #tpu.memory_space<vmem_shared>>)
        tpu.yield
      }) : () -> ()
      %dma_start3A_143 = arith.constant 4 : i32
      %dma_start3A_144 = arith.constant 0 : i32
      %dma_start3A_145 = arith.constant 0 : i32
      %dma_start3A_146 = tpu.memref_slice %arg7[%dma_start3A_143, %dma_start3A_144, %dma_start3A_145] : memref<32x2x64xi32, #tpu.memory_space<vmem>> -> memref<1x1x64xi32, #tpu.memory_space<vmem>>
      %dma_start3A_147 = tpu.memref_squeeze %dma_start3A_146 : memref<1x1x64xi32, #tpu.memory_space<vmem>> -> memref<64xi32, #tpu.memory_space<vmem>>
      %dma_start3A_148 = arith.constant 0 : i32
      %dma_start3A_149 = arith.constant 0 : i32
      %dma_start3A_150 = tpu.memref_slice %arg2[%dma_start3A_148, %dma_start3A_149] : memref<20480x128xf32, #tpu.memory_space<hbm>> -> memref<20480x128xf32, #tpu.memory_space<hbm>>
      tpu.enqueue_indirect_dma source(%dma_start3A_150 : memref<20480x128xf32, #tpu.memory_space<hbm>>) target(%arg9 : memref<64x128xf32, #tpu.memory_space<vmem>>) offsets(%dma_start3A_147 : memref<64xi32, #tpu.memory_space<vmem>>) semaphore(%arg13 : memref<!tpu.dma_semaphore, #tpu.memory_space<semaphore_mem>>)
      %dma_wait3A_151 = arith.constant 1 : i32
      %dma_wait3A_152 = arith.constant 0 : i32
      %dma_wait3A_153 = arith.constant 0 : i32
      %dma_wait3A_154 = tpu.memref_slice %arg7[%dma_wait3A_151, %dma_wait3A_152, %dma_wait3A_153] : memref<32x2x64xi32, #tpu.memory_space<vmem>> -> memref<1x1x64xi32, #tpu.memory_space<vmem>>
      %dma_wait3A_155 = tpu.memref_squeeze %dma_wait3A_154 : memref<1x1x64xi32, #tpu.memory_space<vmem>> -> memref<64xi32, #tpu.memory_space<vmem>>
      %dma_wait3A_156 = arith.constant 0 : i32
      %dma_wait3A_157 = arith.constant 0 : i32
      %dma_wait3A_158 = tpu.memref_slice %arg2[%dma_wait3A_156, %dma_wait3A_157] : memref<20480x128xf32, #tpu.memory_space<hbm>> -> memref<20480x128xf32, #tpu.memory_space<hbm>>
      tpu.wait_indirect_dma semaphore(%arg14 : memref<!tpu.dma_semaphore, #tpu.memory_space<semaphore_mem>>) src(%dma_wait3A_158 : memref<20480x128xf32, #tpu.memory_space<hbm>>) dst(%arg10 : memref<64x128xf32, #tpu.memory_space<vmem>>)
      %run_scoped3A_159 = arith.constant 1 : i32
      %run_scoped3A_160 = arith.constant 1 : i32
      "tpu.region"() ({
        %run_scoped3A_1296 = tpu.sem_alloc : memref<!tpu.dma_semaphore, #tpu.memory_space<semaphore_mem>>
        %dma_start3A_1297 = arith.constant 0 : i32
        %dma_start3A_1298 = tpu.memref_slice %arg7[%run_scoped3A_159, %run_scoped3A_160, %dma_start3A_1297] : memref<32x2x64xi32, #tpu.memory_space<vmem>> -> memref<1x1x64xi32, #tpu.memory_space<vmem>>
        %dma_start3A_1299 = tpu.memref_squeeze %dma_start3A_1298 : memref<1x1x64xi32, #tpu.memory_space<vmem>> -> memref<64xi32, #tpu.memory_space<vmem>>
        %dma_start3A_1300 = arith.constant 0 : i32
        %dma_start3A_1301 = arith.constant 0 : i32
        %dma_start3A_1302 = tpu.memref_slice %arg6[%dma_start3A_1300, %dma_start3A_1301] : memref<10240x128xf32, #tpu.memory_space<vmem_shared>> -> memref<10240x128xf32, #tpu.memory_space<vmem_shared>>
        tpu.enqueue_indirect_dma source(%arg10 : memref<64x128xf32, #tpu.memory_space<vmem>>) target(%dma_start3A_1302 : memref<10240x128xf32, #tpu.memory_space<vmem_shared>>) offsets(%dma_start3A_1299 : memref<64xi32, #tpu.memory_space<vmem>>) semaphore(%run_scoped3A_1296 : memref<!tpu.dma_semaphore, #tpu.memory_space<semaphore_mem>>) {add = true}
        %dma_wait3A_1303 = arith.constant 0 : i32
        %dma_wait3A_1304 = tpu.memref_slice %arg7[%run_scoped3A_159, %run_scoped3A_160, %dma_wait3A_1303] : memref<32x2x64xi32, #tpu.memory_space<vmem>> -> memref<1x1x64xi32, #tpu.memory_space<vmem>>
        %dma_wait3A_1305 = tpu.memref_squeeze %dma_wait3A_1304 : memref<1x1x64xi32, #tpu.memory_space<vmem>> -> memref<64xi32, #tpu.memory_space<vmem>>
        %dma_wait3A_1306 = arith.constant 0 : i32
        %dma_wait3A_1307 = arith.constant 0 : i32
        %dma_wait3A_1308 = tpu.memref_slice %arg6[%dma_wait3A_1306, %dma_wait3A_1307] : memref<10240x128xf32, #tpu.memory_space<vmem_shared>> -> memref<10240x128xf32, #tpu.memory_space<vmem_shared>>
        tpu.wait_indirect_dma semaphore(%run_scoped3A_1296 : memref<!tpu.dma_semaphore, #tpu.memory_space<semaphore_mem>>) src(%arg10 : memref<64x128xf32, #tpu.memory_space<vmem>>) dst(%dma_wait3A_1308 : memref<10240x128xf32, #tpu.memory_space<vmem_shared>>)
        tpu.yield
      }) : () -> ()
      %dma_start3A_161 = arith.constant 5 : i32
      %dma_start3A_162 = arith.constant 0 : i32
      %dma_start3A_163 = arith.constant 0 : i32
      %dma_start3A_164 = tpu.memref_slice %arg7[%dma_start3A_161, %dma_start3A_162, %dma_start3A_163] : memref<32x2x64xi32, #tpu.memory_space<vmem>> -> memref<1x1x64xi32, #tpu.memory_space<vmem>>
      %dma_start3A_165 = tpu.memref_squeeze %dma_start3A_164 : memref<1x1x64xi32, #tpu.memory_space<vmem>> -> memref<64xi32, #tpu.memory_space<vmem>>
      %dma_start3A_166 = arith.constant 0 : i32
      %dma_start3A_167 = arith.constant 0 : i32
      %dma_start3A_168 = tpu.memref_slice %arg2[%dma_start3A_166, %dma_start3A_167] : memref<20480x128xf32, #tpu.memory_space<hbm>> -> memref<20480x128xf32, #tpu.memory_space<hbm>>
      tpu.enqueue_indirect_dma source(%dma_start3A_168 : memref<20480x128xf32, #tpu.memory_space<hbm>>) target(%arg10 : memref<64x128xf32, #tpu.memory_space<vmem>>) offsets(%dma_start3A_165 : memref<64xi32, #tpu.memory_space<vmem>>) semaphore(%arg14 : memref<!tpu.dma_semaphore, #tpu.memory_space<semaphore_mem>>)
      %dma_wait3A_169 = arith.constant 2 : i32
      %dma_wait3A_170 = arith.constant 0 : i32
      %dma_wait3A_171 = arith.constant 0 : i32
      %dma_wait3A_172 = tpu.memref_slice %arg7[%dma_wait3A_169, %dma_wait3A_170, %dma_wait3A_171] : memref<32x2x64xi32, #tpu.memory_space<vmem>> -> memref<1x1x64xi32, #tpu.memory_space<vmem>>
      %dma_wait3A_173 = tpu.memref_squeeze %dma_wait3A_172 : memref<1x1x64xi32, #tpu.memory_space<vmem>> -> memref<64xi32, #tpu.memory_space<vmem>>
      %dma_wait3A_174 = arith.constant 0 : i32
      %dma_wait3A_175 = arith.constant 0 : i32
      %dma_wait3A_176 = tpu.memref_slice %arg2[%dma_wait3A_174, %dma_wait3A_175] : memref<20480x128xf32, #tpu.memory_space<hbm>> -> memref<20480x128xf32, #tpu.memory_space<hbm>>
      tpu.wait_indirect_dma semaphore(%arg15 : memref<!tpu.dma_semaphore, #tpu.memory_space<semaphore_mem>>) src(%dma_wait3A_176 : memref<20480x128xf32, #tpu.memory_space<hbm>>) dst(%arg11 : memref<64x128xf32, #tpu.memory_space<vmem>>)
      %run_scoped3A_177 = arith.constant 2 : i32
      %run_scoped3A_178 = arith.constant 1 : i32
      "tpu.region"() ({
        %run_scoped3A_1296 = tpu.sem_alloc : memref<!tpu.dma_semaphore, #tpu.memory_space<semaphore_mem>>
        %dma_start3A_1297 = arith.constant 0 : i32
        %dma_start3A_1298 = tpu.memref_slice %arg7[%run_scoped3A_177, %run_scoped3A_178, %dma_start3A_1297] : memref<32x2x64xi32, #tpu.memory_space<vmem>> -> memref<1x1x64xi32, #tpu.memory_space<vmem>>
        %dma_start3A_1299 = tpu.memref_squeeze %dma_start3A_1298 : memref<1x1x64xi32, #tpu.memory_space<vmem>> -> memref<64xi32, #tpu.memory_space<vmem>>
        %dma_start3A_1300 = arith.constant 0 : i32
        %dma_start3A_1301 = arith.constant 0 : i32
        %dma_start3A_1302 = tpu.memref_slice %arg6[%dma_start3A_1300, %dma_start3A_1301] : memref<10240x128xf32, #tpu.memory_space<vmem_shared>> -> memref<10240x128xf32, #tpu.memory_space<vmem_shared>>
        tpu.enqueue_indirect_dma source(%arg11 : memref<64x128xf32, #tpu.memory_space<vmem>>) target(%dma_start3A_1302 : memref<10240x128xf32, #tpu.memory_space<vmem_shared>>) offsets(%dma_start3A_1299 : memref<64xi32, #tpu.memory_space<vmem>>) semaphore(%run_scoped3A_1296 : memref<!tpu.dma_semaphore, #tpu.memory_space<semaphore_mem>>) {add = true}
        %dma_wait3A_1303 = arith.constant 0 : i32
        %dma_wait3A_1304 = tpu.memref_slice %arg7[%run_scoped3A_177, %run_scoped3A_178, %dma_wait3A_1303] : memref<32x2x64xi32, #tpu.memory_space<vmem>> -> memref<1x1x64xi32, #tpu.memory_space<vmem>>
        %dma_wait3A_1305 = tpu.memref_squeeze %dma_wait3A_1304 : memref<1x1x64xi32, #tpu.memory_space<vmem>> -> memref<64xi32, #tpu.memory_space<vmem>>
        %dma_wait3A_1306 = arith.constant 0 : i32
        %dma_wait3A_1307 = arith.constant 0 : i32
        %dma_wait3A_1308 = tpu.memref_slice %arg6[%dma_wait3A_1306, %dma_wait3A_1307] : memref<10240x128xf32, #tpu.memory_space<vmem_shared>> -> memref<10240x128xf32, #tpu.memory_space<vmem_shared>>
        tpu.wait_indirect_dma semaphore(%run_scoped3A_1296 : memref<!tpu.dma_semaphore, #tpu.memory_space<semaphore_mem>>) src(%arg11 : memref<64x128xf32, #tpu.memory_space<vmem>>) dst(%dma_wait3A_1308 : memref<10240x128xf32, #tpu.memory_space<vmem_shared>>)
        tpu.yield
      }) : () -> ()
      %dma_start3A_179 = arith.constant 6 : i32
      %dma_start3A_180 = arith.constant 0 : i32
      %dma_start3A_181 = arith.constant 0 : i32
      %dma_start3A_182 = tpu.memref_slice %arg7[%dma_start3A_179, %dma_start3A_180, %dma_start3A_181] : memref<32x2x64xi32, #tpu.memory_space<vmem>> -> memref<1x1x64xi32, #tpu.memory_space<vmem>>
      %dma_start3A_183 = tpu.memref_squeeze %dma_start3A_182 : memref<1x1x64xi32, #tpu.memory_space<vmem>> -> memref<64xi32, #tpu.memory_space<vmem>>
      %dma_start3A_184 = arith.constant 0 : i32
      %dma_start3A_185 = arith.constant 0 : i32
      %dma_start3A_186 = tpu.memref_slice %arg2[%dma_start3A_184, %dma_start3A_185] : memref<20480x128xf32, #tpu.memory_space<hbm>> -> memref<20480x128xf32, #tpu.memory_space<hbm>>
      tpu.enqueue_indirect_dma source(%dma_start3A_186 : memref<20480x128xf32, #tpu.memory_space<hbm>>) target(%arg11 : memref<64x128xf32, #tpu.memory_space<vmem>>) offsets(%dma_start3A_183 : memref<64xi32, #tpu.memory_space<vmem>>) semaphore(%arg15 : memref<!tpu.dma_semaphore, #tpu.memory_space<semaphore_mem>>)
      %dma_wait3A_187 = arith.constant 3 : i32
      %dma_wait3A_188 = arith.constant 0 : i32
      %dma_wait3A_189 = arith.constant 0 : i32
      %dma_wait3A_190 = tpu.memref_slice %arg7[%dma_wait3A_187, %dma_wait3A_188, %dma_wait3A_189] : memref<32x2x64xi32, #tpu.memory_space<vmem>> -> memref<1x1x64xi32, #tpu.memory_space<vmem>>
      %dma_wait3A_191 = tpu.memref_squeeze %dma_wait3A_190 : memref<1x1x64xi32, #tpu.memory_space<vmem>> -> memref<64xi32, #tpu.memory_space<vmem>>
      %dma_wait3A_192 = arith.constant 0 : i32
      %dma_wait3A_193 = arith.constant 0 : i32
      %dma_wait3A_194 = tpu.memref_slice %arg2[%dma_wait3A_192, %dma_wait3A_193] : memref<20480x128xf32, #tpu.memory_space<hbm>> -> memref<20480x128xf32, #tpu.memory_space<hbm>>
      tpu.wait_indirect_dma semaphore(%arg16 : memref<!tpu.dma_semaphore, #tpu.memory_space<semaphore_mem>>) src(%dma_wait3A_194 : memref<20480x128xf32, #tpu.memory_space<hbm>>) dst(%arg12 : memref<64x128xf32, #tpu.memory_space<vmem>>)
      %run_scoped3A_195 = arith.constant 3 : i32
      %run_scoped3A_196 = arith.constant 1 : i32
      "tpu.region"() ({
        %run_scoped3A_1296 = tpu.sem_alloc : memref<!tpu.dma_semaphore, #tpu.memory_space<semaphore_mem>>
        %dma_start3A_1297 = arith.constant 0 : i32
        %dma_start3A_1298 = tpu.memref_slice %arg7[%run_scoped3A_195, %run_scoped3A_196, %dma_start3A_1297] : memref<32x2x64xi32, #tpu.memory_space<vmem>> -> memref<1x1x64xi32, #tpu.memory_space<vmem>>
        %dma_start3A_1299 = tpu.memref_squeeze %dma_start3A_1298 : memref<1x1x64xi32, #tpu.memory_space<vmem>> -> memref<64xi32, #tpu.memory_space<vmem>>
        %dma_start3A_1300 = arith.constant 0 : i32
        %dma_start3A_1301 = arith.constant 0 : i32
        %dma_start3A_1302 = tpu.memref_slice %arg6[%dma_start3A_1300, %dma_start3A_1301] : memref<10240x128xf32, #tpu.memory_space<vmem_shared>> -> memref<10240x128xf32, #tpu.memory_space<vmem_shared>>
        tpu.enqueue_indirect_dma source(%arg12 : memref<64x128xf32, #tpu.memory_space<vmem>>) target(%dma_start3A_1302 : memref<10240x128xf32, #tpu.memory_space<vmem_shared>>) offsets(%dma_start3A_1299 : memref<64xi32, #tpu.memory_space<vmem>>) semaphore(%run_scoped3A_1296 : memref<!tpu.dma_semaphore, #tpu.memory_space<semaphore_mem>>) {add = true}
        %dma_wait3A_1303 = arith.constant 0 : i32
        %dma_wait3A_1304 = tpu.memref_slice %arg7[%run_scoped3A_195, %run_scoped3A_196, %dma_wait3A_1303] : memref<32x2x64xi32, #tpu.memory_space<vmem>> -> memref<1x1x64xi32, #tpu.memory_space<vmem>>
        %dma_wait3A_1305 = tpu.memref_squeeze %dma_wait3A_1304 : memref<1x1x64xi32, #tpu.memory_space<vmem>> -> memref<64xi32, #tpu.memory_space<vmem>>
        %dma_wait3A_1306 = arith.constant 0 : i32
        %dma_wait3A_1307 = arith.constant 0 : i32
        %dma_wait3A_1308 = tpu.memref_slice %arg6[%dma_wait3A_1306, %dma_wait3A_1307] : memref<10240x128xf32, #tpu.memory_space<vmem_shared>> -> memref<10240x128xf32, #tpu.memory_space<vmem_shared>>
        tpu.wait_indirect_dma semaphore(%run_scoped3A_1296 : memref<!tpu.dma_semaphore, #tpu.memory_space<semaphore_mem>>) src(%arg12 : memref<64x128xf32, #tpu.memory_space<vmem>>) dst(%dma_wait3A_1308 : memref<10240x128xf32, #tpu.memory_space<vmem_shared>>)
        tpu.yield
      }) : () -> ()
      %dma_start3A_197 = arith.constant 7 : i32
      %dma_start3A_198 = arith.constant 0 : i32
      %dma_start3A_199 = arith.constant 0 : i32
      %dma_start3A_200 = tpu.memref_slice %arg7[%dma_start3A_197, %dma_start3A_198, %dma_start3A_199] : memref<32x2x64xi32, #tpu.memory_space<vmem>> -> memref<1x1x64xi32, #tpu.memory_space<vmem>>
      %dma_start3A_201 = tpu.memref_squeeze %dma_start3A_200 : memref<1x1x64xi32, #tpu.memory_space<vmem>> -> memref<64xi32, #tpu.memory_space<vmem>>
      %dma_start3A_202 = arith.constant 0 : i32
      %dma_start3A_203 = arith.constant 0 : i32
      %dma_start3A_204 = tpu.memref_slice %arg2[%dma_start3A_202, %dma_start3A_203] : memref<20480x128xf32, #tpu.memory_space<hbm>> -> memref<20480x128xf32, #tpu.memory_space<hbm>>
      tpu.enqueue_indirect_dma source(%dma_start3A_204 : memref<20480x128xf32, #tpu.memory_space<hbm>>) target(%arg12 : memref<64x128xf32, #tpu.memory_space<vmem>>) offsets(%dma_start3A_201 : memref<64xi32, #tpu.memory_space<vmem>>) semaphore(%arg16 : memref<!tpu.dma_semaphore, #tpu.memory_space<semaphore_mem>>)
      %dma_wait3A_205 = arith.constant 4 : i32
      %dma_wait3A_206 = arith.constant 0 : i32
      %dma_wait3A_207 = arith.constant 0 : i32
      %dma_wait3A_208 = tpu.memref_slice %arg7[%dma_wait3A_205, %dma_wait3A_206, %dma_wait3A_207] : memref<32x2x64xi32, #tpu.memory_space<vmem>> -> memref<1x1x64xi32, #tpu.memory_space<vmem>>
      %dma_wait3A_209 = tpu.memref_squeeze %dma_wait3A_208 : memref<1x1x64xi32, #tpu.memory_space<vmem>> -> memref<64xi32, #tpu.memory_space<vmem>>
      %dma_wait3A_210 = arith.constant 0 : i32
      %dma_wait3A_211 = arith.constant 0 : i32
      %dma_wait3A_212 = tpu.memref_slice %arg2[%dma_wait3A_210, %dma_wait3A_211] : memref<20480x128xf32, #tpu.memory_space<hbm>> -> memref<20480x128xf32, #tpu.memory_space<hbm>>
      tpu.wait_indirect_dma semaphore(%arg13 : memref<!tpu.dma_semaphore, #tpu.memory_space<semaphore_mem>>) src(%dma_wait3A_212 : memref<20480x128xf32, #tpu.memory_space<hbm>>) dst(%arg9 : memref<64x128xf32, #tpu.memory_space<vmem>>)
      %run_scoped3A_213 = arith.constant 4 : i32
      %run_scoped3A_214 = arith.constant 1 : i32
      "tpu.region"() ({
        %run_scoped3A_1296 = tpu.sem_alloc : memref<!tpu.dma_semaphore, #tpu.memory_space<semaphore_mem>>
        %dma_start3A_1297 = arith.constant 0 : i32
        %dma_start3A_1298 = tpu.memref_slice %arg7[%run_scoped3A_213, %run_scoped3A_214, %dma_start3A_1297] : memref<32x2x64xi32, #tpu.memory_space<vmem>> -> memref<1x1x64xi32, #tpu.memory_space<vmem>>
        %dma_start3A_1299 = tpu.memref_squeeze %dma_start3A_1298 : memref<1x1x64xi32, #tpu.memory_space<vmem>> -> memref<64xi32, #tpu.memory_space<vmem>>
        %dma_start3A_1300 = arith.constant 0 : i32
        %dma_start3A_1301 = arith.constant 0 : i32
        %dma_start3A_1302 = tpu.memref_slice %arg6[%dma_start3A_1300, %dma_start3A_1301] : memref<10240x128xf32, #tpu.memory_space<vmem_shared>> -> memref<10240x128xf32, #tpu.memory_space<vmem_shared>>
        tpu.enqueue_indirect_dma source(%arg9 : memref<64x128xf32, #tpu.memory_space<vmem>>) target(%dma_start3A_1302 : memref<10240x128xf32, #tpu.memory_space<vmem_shared>>) offsets(%dma_start3A_1299 : memref<64xi32, #tpu.memory_space<vmem>>) semaphore(%run_scoped3A_1296 : memref<!tpu.dma_semaphore, #tpu.memory_space<semaphore_mem>>) {add = true}
        %dma_wait3A_1303 = arith.constant 0 : i32
        %dma_wait3A_1304 = tpu.memref_slice %arg7[%run_scoped3A_213, %run_scoped3A_214, %dma_wait3A_1303] : memref<32x2x64xi32, #tpu.memory_space<vmem>> -> memref<1x1x64xi32, #tpu.memory_space<vmem>>
        %dma_wait3A_1305 = tpu.memref_squeeze %dma_wait3A_1304 : memref<1x1x64xi32, #tpu.memory_space<vmem>> -> memref<64xi32, #tpu.memory_space<vmem>>
        %dma_wait3A_1306 = arith.constant 0 : i32
        %dma_wait3A_1307 = arith.constant 0 : i32
        %dma_wait3A_1308 = tpu.memref_slice %arg6[%dma_wait3A_1306, %dma_wait3A_1307] : memref<10240x128xf32, #tpu.memory_space<vmem_shared>> -> memref<10240x128xf32, #tpu.memory_space<vmem_shared>>
        tpu.wait_indirect_dma semaphore(%run_scoped3A_1296 : memref<!tpu.dma_semaphore, #tpu.memory_space<semaphore_mem>>) src(%arg9 : memref<64x128xf32, #tpu.memory_space<vmem>>) dst(%dma_wait3A_1308 : memref<10240x128xf32, #tpu.memory_space<vmem_shared>>)
        tpu.yield
      }) : () -> ()
      %dma_start3A_215 = arith.constant 8 : i32
      %dma_start3A_216 = arith.constant 0 : i32
      %dma_start3A_217 = arith.constant 0 : i32
      %dma_start3A_218 = tpu.memref_slice %arg7[%dma_start3A_215, %dma_start3A_216, %dma_start3A_217] : memref<32x2x64xi32, #tpu.memory_space<vmem>> -> memref<1x1x64xi32, #tpu.memory_space<vmem>>
      %dma_start3A_219 = tpu.memref_squeeze %dma_start3A_218 : memref<1x1x64xi32, #tpu.memory_space<vmem>> -> memref<64xi32, #tpu.memory_space<vmem>>
      %dma_start3A_220 = arith.constant 0 : i32
      %dma_start3A_221 = arith.constant 0 : i32
      %dma_start3A_222 = tpu.memref_slice %arg2[%dma_start3A_220, %dma_start3A_221] : memref<20480x128xf32, #tpu.memory_space<hbm>> -> memref<20480x128xf32, #tpu.memory_space<hbm>>
      tpu.enqueue_indirect_dma source(%dma_start3A_222 : memref<20480x128xf32, #tpu.memory_space<hbm>>) target(%arg9 : memref<64x128xf32, #tpu.memory_space<vmem>>) offsets(%dma_start3A_219 : memref<64xi32, #tpu.memory_space<vmem>>) semaphore(%arg13 : memref<!tpu.dma_semaphore, #tpu.memory_space<semaphore_mem>>)
      %dma_wait3A_223 = arith.constant 5 : i32
      %dma_wait3A_224 = arith.constant 0 : i32
      %dma_wait3A_225 = arith.constant 0 : i32
      %dma_wait3A_226 = tpu.memref_slice %arg7[%dma_wait3A_223, %dma_wait3A_224, %dma_wait3A_225] : memref<32x2x64xi32, #tpu.memory_space<vmem>> -> memref<1x1x64xi32, #tpu.memory_space<vmem>>
      %dma_wait3A_227 = tpu.memref_squeeze %dma_wait3A_226 : memref<1x1x64xi32, #tpu.memory_space<vmem>> -> memref<64xi32, #tpu.memory_space<vmem>>
      %dma_wait3A_228 = arith.constant 0 : i32
      %dma_wait3A_229 = arith.constant 0 : i32
      %dma_wait3A_230 = tpu.memref_slice %arg2[%dma_wait3A_228, %dma_wait3A_229] : memref<20480x128xf32, #tpu.memory_space<hbm>> -> memref<20480x128xf32, #tpu.memory_space<hbm>>
      tpu.wait_indirect_dma semaphore(%arg14 : memref<!tpu.dma_semaphore, #tpu.memory_space<semaphore_mem>>) src(%dma_wait3A_230 : memref<20480x128xf32, #tpu.memory_space<hbm>>) dst(%arg10 : memref<64x128xf32, #tpu.memory_space<vmem>>)
      %run_scoped3A_231 = arith.constant 5 : i32
      %run_scoped3A_232 = arith.constant 1 : i32
      "tpu.region"() ({
        %run_scoped3A_1296 = tpu.sem_alloc : memref<!tpu.dma_semaphore, #tpu.memory_space<semaphore_mem>>
        %dma_start3A_1297 = arith.constant 0 : i32
        %dma_start3A_1298 = tpu.memref_slice %arg7[%run_scoped3A_231, %run_scoped3A_232, %dma_start3A_1297] : memref<32x2x64xi32, #tpu.memory_space<vmem>> -> memref<1x1x64xi32, #tpu.memory_space<vmem>>
        %dma_start3A_1299 = tpu.memref_squeeze %dma_start3A_1298 : memref<1x1x64xi32, #tpu.memory_space<vmem>> -> memref<64xi32, #tpu.memory_space<vmem>>
        %dma_start3A_1300 = arith.constant 0 : i32
        %dma_start3A_1301 = arith.constant 0 : i32
        %dma_start3A_1302 = tpu.memref_slice %arg6[%dma_start3A_1300, %dma_start3A_1301] : memref<10240x128xf32, #tpu.memory_space<vmem_shared>> -> memref<10240x128xf32, #tpu.memory_space<vmem_shared>>
        tpu.enqueue_indirect_dma source(%arg10 : memref<64x128xf32, #tpu.memory_space<vmem>>) target(%dma_start3A_1302 : memref<10240x128xf32, #tpu.memory_space<vmem_shared>>) offsets(%dma_start3A_1299 : memref<64xi32, #tpu.memory_space<vmem>>) semaphore(%run_scoped3A_1296 : memref<!tpu.dma_semaphore, #tpu.memory_space<semaphore_mem>>) {add = true}
        %dma_wait3A_1303 = arith.constant 0 : i32
        %dma_wait3A_1304 = tpu.memref_slice %arg7[%run_scoped3A_231, %run_scoped3A_232, %dma_wait3A_1303] : memref<32x2x64xi32, #tpu.memory_space<vmem>> -> memref<1x1x64xi32, #tpu.memory_space<vmem>>
        %dma_wait3A_1305 = tpu.memref_squeeze %dma_wait3A_1304 : memref<1x1x64xi32, #tpu.memory_space<vmem>> -> memref<64xi32, #tpu.memory_space<vmem>>
        %dma_wait3A_1306 = arith.constant 0 : i32
        %dma_wait3A_1307 = arith.constant 0 : i32
        %dma_wait3A_1308 = tpu.memref_slice %arg6[%dma_wait3A_1306, %dma_wait3A_1307] : memref<10240x128xf32, #tpu.memory_space<vmem_shared>> -> memref<10240x128xf32, #tpu.memory_space<vmem_shared>>
        tpu.wait_indirect_dma semaphore(%run_scoped3A_1296 : memref<!tpu.dma_semaphore, #tpu.memory_space<semaphore_mem>>) src(%arg10 : memref<64x128xf32, #tpu.memory_space<vmem>>) dst(%dma_wait3A_1308 : memref<10240x128xf32, #tpu.memory_space<vmem_shared>>)
        tpu.yield
      }) : () -> ()
      %dma_start3A_233 = arith.constant 9 : i32
      %dma_start3A_234 = arith.constant 0 : i32
      %dma_start3A_235 = arith.constant 0 : i32
      %dma_start3A_236 = tpu.memref_slice %arg7[%dma_start3A_233, %dma_start3A_234, %dma_start3A_235] : memref<32x2x64xi32, #tpu.memory_space<vmem>> -> memref<1x1x64xi32, #tpu.memory_space<vmem>>
      %dma_start3A_237 = tpu.memref_squeeze %dma_start3A_236 : memref<1x1x64xi32, #tpu.memory_space<vmem>> -> memref<64xi32, #tpu.memory_space<vmem>>
      %dma_start3A_238 = arith.constant 0 : i32
      %dma_start3A_239 = arith.constant 0 : i32
      %dma_start3A_240 = tpu.memref_slice %arg2[%dma_start3A_238, %dma_start3A_239] : memref<20480x128xf32, #tpu.memory_space<hbm>> -> memref<20480x128xf32, #tpu.memory_space<hbm>>
      tpu.enqueue_indirect_dma source(%dma_start3A_240 : memref<20480x128xf32, #tpu.memory_space<hbm>>) target(%arg10 : memref<64x128xf32, #tpu.memory_space<vmem>>) offsets(%dma_start3A_237 : memref<64xi32, #tpu.memory_space<vmem>>) semaphore(%arg14 : memref<!tpu.dma_semaphore, #tpu.memory_space<semaphore_mem>>)
      %dma_wait3A_241 = arith.constant 6 : i32
      %dma_wait3A_242 = arith.constant 0 : i32
      %dma_wait3A_243 = arith.constant 0 : i32
      %dma_wait3A_244 = tpu.memref_slice %arg7[%dma_wait3A_241, %dma_wait3A_242, %dma_wait3A_243] : memref<32x2x64xi32, #tpu.memory_space<vmem>> -> memref<1x1x64xi32, #tpu.memory_space<vmem>>
      %dma_wait3A_245 = tpu.memref_squeeze %dma_wait3A_244 : memref<1x1x64xi32, #tpu.memory_space<vmem>> -> memref<64xi32, #tpu.memory_space<vmem>>
      %dma_wait3A_246 = arith.constant 0 : i32
      %dma_wait3A_247 = arith.constant 0 : i32
      %dma_wait3A_248 = tpu.memref_slice %arg2[%dma_wait3A_246, %dma_wait3A_247] : memref<20480x128xf32, #tpu.memory_space<hbm>> -> memref<20480x128xf32, #tpu.memory_space<hbm>>
      tpu.wait_indirect_dma semaphore(%arg15 : memref<!tpu.dma_semaphore, #tpu.memory_space<semaphore_mem>>) src(%dma_wait3A_248 : memref<20480x128xf32, #tpu.memory_space<hbm>>) dst(%arg11 : memref<64x128xf32, #tpu.memory_space<vmem>>)
      %run_scoped3A_249 = arith.constant 6 : i32
      %run_scoped3A_250 = arith.constant 1 : i32
      "tpu.region"() ({
        %run_scoped3A_1296 = tpu.sem_alloc : memref<!tpu.dma_semaphore, #tpu.memory_space<semaphore_mem>>
        %dma_start3A_1297 = arith.constant 0 : i32
        %dma_start3A_1298 = tpu.memref_slice %arg7[%run_scoped3A_249, %run_scoped3A_250, %dma_start3A_1297] : memref<32x2x64xi32, #tpu.memory_space<vmem>> -> memref<1x1x64xi32, #tpu.memory_space<vmem>>
        %dma_start3A_1299 = tpu.memref_squeeze %dma_start3A_1298 : memref<1x1x64xi32, #tpu.memory_space<vmem>> -> memref<64xi32, #tpu.memory_space<vmem>>
        %dma_start3A_1300 = arith.constant 0 : i32
        %dma_start3A_1301 = arith.constant 0 : i32
        %dma_start3A_1302 = tpu.memref_slice %arg6[%dma_start3A_1300, %dma_start3A_1301] : memref<10240x128xf32, #tpu.memory_space<vmem_shared>> -> memref<10240x128xf32, #tpu.memory_space<vmem_shared>>
        tpu.enqueue_indirect_dma source(%arg11 : memref<64x128xf32, #tpu.memory_space<vmem>>) target(%dma_start3A_1302 : memref<10240x128xf32, #tpu.memory_space<vmem_shared>>) offsets(%dma_start3A_1299 : memref<64xi32, #tpu.memory_space<vmem>>) semaphore(%run_scoped3A_1296 : memref<!tpu.dma_semaphore, #tpu.memory_space<semaphore_mem>>) {add = true}
        %dma_wait3A_1303 = arith.constant 0 : i32
        %dma_wait3A_1304 = tpu.memref_slice %arg7[%run_scoped3A_249, %run_scoped3A_250, %dma_wait3A_1303] : memref<32x2x64xi32, #tpu.memory_space<vmem>> -> memref<1x1x64xi32, #tpu.memory_space<vmem>>
        %dma_wait3A_1305 = tpu.memref_squeeze %dma_wait3A_1304 : memref<1x1x64xi32, #tpu.memory_space<vmem>> -> memref<64xi32, #tpu.memory_space<vmem>>
        %dma_wait3A_1306 = arith.constant 0 : i32
        %dma_wait3A_1307 = arith.constant 0 : i32
        %dma_wait3A_1308 = tpu.memref_slice %arg6[%dma_wait3A_1306, %dma_wait3A_1307] : memref<10240x128xf32, #tpu.memory_space<vmem_shared>> -> memref<10240x128xf32, #tpu.memory_space<vmem_shared>>
        tpu.wait_indirect_dma semaphore(%run_scoped3A_1296 : memref<!tpu.dma_semaphore, #tpu.memory_space<semaphore_mem>>) src(%arg11 : memref<64x128xf32, #tpu.memory_space<vmem>>) dst(%dma_wait3A_1308 : memref<10240x128xf32, #tpu.memory_space<vmem_shared>>)
        tpu.yield
      }) : () -> ()
      %dma_start3A_251 = arith.constant 10 : i32
      %dma_start3A_252 = arith.constant 0 : i32
      %dma_start3A_253 = arith.constant 0 : i32
      %dma_start3A_254 = tpu.memref_slice %arg7[%dma_start3A_251, %dma_start3A_252, %dma_start3A_253] : memref<32x2x64xi32, #tpu.memory_space<vmem>> -> memref<1x1x64xi32, #tpu.memory_space<vmem>>
      %dma_start3A_255 = tpu.memref_squeeze %dma_start3A_254 : memref<1x1x64xi32, #tpu.memory_space<vmem>> -> memref<64xi32, #tpu.memory_space<vmem>>
      %dma_start3A_256 = arith.constant 0 : i32
      %dma_start3A_257 = arith.constant 0 : i32
      %dma_start3A_258 = tpu.memref_slice %arg2[%dma_start3A_256, %dma_start3A_257] : memref<20480x128xf32, #tpu.memory_space<hbm>> -> memref<20480x128xf32, #tpu.memory_space<hbm>>
      tpu.enqueue_indirect_dma source(%dma_start3A_258 : memref<20480x128xf32, #tpu.memory_space<hbm>>) target(%arg11 : memref<64x128xf32, #tpu.memory_space<vmem>>) offsets(%dma_start3A_255 : memref<64xi32, #tpu.memory_space<vmem>>) semaphore(%arg15 : memref<!tpu.dma_semaphore, #tpu.memory_space<semaphore_mem>>)
      %dma_wait3A_259 = arith.constant 7 : i32
      %dma_wait3A_260 = arith.constant 0 : i32
      %dma_wait3A_261 = arith.constant 0 : i32
      %dma_wait3A_262 = tpu.memref_slice %arg7[%dma_wait3A_259, %dma_wait3A_260, %dma_wait3A_261] : memref<32x2x64xi32, #tpu.memory_space<vmem>> -> memref<1x1x64xi32, #tpu.memory_space<vmem>>
      %dma_wait3A_263 = tpu.memref_squeeze %dma_wait3A_262 : memref<1x1x64xi32, #tpu.memory_space<vmem>> -> memref<64xi32, #tpu.memory_space<vmem>>
      %dma_wait3A_264 = arith.constant 0 : i32
      %dma_wait3A_265 = arith.constant 0 : i32
      %dma_wait3A_266 = tpu.memref_slice %arg2[%dma_wait3A_264, %dma_wait3A_265] : memref<20480x128xf32, #tpu.memory_space<hbm>> -> memref<20480x128xf32, #tpu.memory_space<hbm>>
      tpu.wait_indirect_dma semaphore(%arg16 : memref<!tpu.dma_semaphore, #tpu.memory_space<semaphore_mem>>) src(%dma_wait3A_266 : memref<20480x128xf32, #tpu.memory_space<hbm>>) dst(%arg12 : memref<64x128xf32, #tpu.memory_space<vmem>>)
      %run_scoped3A_267 = arith.constant 7 : i32
      %run_scoped3A_268 = arith.constant 1 : i32
      "tpu.region"() ({
        %run_scoped3A_1296 = tpu.sem_alloc : memref<!tpu.dma_semaphore, #tpu.memory_space<semaphore_mem>>
        %dma_start3A_1297 = arith.constant 0 : i32
        %dma_start3A_1298 = tpu.memref_slice %arg7[%run_scoped3A_267, %run_scoped3A_268, %dma_start3A_1297] : memref<32x2x64xi32, #tpu.memory_space<vmem>> -> memref<1x1x64xi32, #tpu.memory_space<vmem>>
        %dma_start3A_1299 = tpu.memref_squeeze %dma_start3A_1298 : memref<1x1x64xi32, #tpu.memory_space<vmem>> -> memref<64xi32, #tpu.memory_space<vmem>>
        %dma_start3A_1300 = arith.constant 0 : i32
        %dma_start3A_1301 = arith.constant 0 : i32
        %dma_start3A_1302 = tpu.memref_slice %arg6[%dma_start3A_1300, %dma_start3A_1301] : memref<10240x128xf32, #tpu.memory_space<vmem_shared>> -> memref<10240x128xf32, #tpu.memory_space<vmem_shared>>
        tpu.enqueue_indirect_dma source(%arg12 : memref<64x128xf32, #tpu.memory_space<vmem>>) target(%dma_start3A_1302 : memref<10240x128xf32, #tpu.memory_space<vmem_shared>>) offsets(%dma_start3A_1299 : memref<64xi32, #tpu.memory_space<vmem>>) semaphore(%run_scoped3A_1296 : memref<!tpu.dma_semaphore, #tpu.memory_space<semaphore_mem>>) {add = true}
        %dma_wait3A_1303 = arith.constant 0 : i32
        %dma_wait3A_1304 = tpu.memref_slice %arg7[%run_scoped3A_267, %run_scoped3A_268, %dma_wait3A_1303] : memref<32x2x64xi32, #tpu.memory_space<vmem>> -> memref<1x1x64xi32, #tpu.memory_space<vmem>>
        %dma_wait3A_1305 = tpu.memref_squeeze %dma_wait3A_1304 : memref<1x1x64xi32, #tpu.memory_space<vmem>> -> memref<64xi32, #tpu.memory_space<vmem>>
        %dma_wait3A_1306 = arith.constant 0 : i32
        %dma_wait3A_1307 = arith.constant 0 : i32
        %dma_wait3A_1308 = tpu.memref_slice %arg6[%dma_wait3A_1306, %dma_wait3A_1307] : memref<10240x128xf32, #tpu.memory_space<vmem_shared>> -> memref<10240x128xf32, #tpu.memory_space<vmem_shared>>
        tpu.wait_indirect_dma semaphore(%run_scoped3A_1296 : memref<!tpu.dma_semaphore, #tpu.memory_space<semaphore_mem>>) src(%arg12 : memref<64x128xf32, #tpu.memory_space<vmem>>) dst(%dma_wait3A_1308 : memref<10240x128xf32, #tpu.memory_space<vmem_shared>>)
        tpu.yield
      }) : () -> ()
      %dma_start3A_269 = arith.constant 11 : i32
      %dma_start3A_270 = arith.constant 0 : i32
      %dma_start3A_271 = arith.constant 0 : i32
      %dma_start3A_272 = tpu.memref_slice %arg7[%dma_start3A_269, %dma_start3A_270, %dma_start3A_271] : memref<32x2x64xi32, #tpu.memory_space<vmem>> -> memref<1x1x64xi32, #tpu.memory_space<vmem>>
      %dma_start3A_273 = tpu.memref_squeeze %dma_start3A_272 : memref<1x1x64xi32, #tpu.memory_space<vmem>> -> memref<64xi32, #tpu.memory_space<vmem>>
      %dma_start3A_274 = arith.constant 0 : i32
      %dma_start3A_275 = arith.constant 0 : i32
      %dma_start3A_276 = tpu.memref_slice %arg2[%dma_start3A_274, %dma_start3A_275] : memref<20480x128xf32, #tpu.memory_space<hbm>> -> memref<20480x128xf32, #tpu.memory_space<hbm>>
      tpu.enqueue_indirect_dma source(%dma_start3A_276 : memref<20480x128xf32, #tpu.memory_space<hbm>>) target(%arg12 : memref<64x128xf32, #tpu.memory_space<vmem>>) offsets(%dma_start3A_273 : memref<64xi32, #tpu.memory_space<vmem>>) semaphore(%arg16 : memref<!tpu.dma_semaphore, #tpu.memory_space<semaphore_mem>>)
      %dma_wait3A_277 = arith.constant 8 : i32
      %dma_wait3A_278 = arith.constant 0 : i32
      %dma_wait3A_279 = arith.constant 0 : i32
      %dma_wait3A_280 = tpu.memref_slice %arg7[%dma_wait3A_277, %dma_wait3A_278, %dma_wait3A_279] : memref<32x2x64xi32, #tpu.memory_space<vmem>> -> memref<1x1x64xi32, #tpu.memory_space<vmem>>
      %dma_wait3A_281 = tpu.memref_squeeze %dma_wait3A_280 : memref<1x1x64xi32, #tpu.memory_space<vmem>> -> memref<64xi32, #tpu.memory_space<vmem>>
      %dma_wait3A_282 = arith.constant 0 : i32
      %dma_wait3A_283 = arith.constant 0 : i32
      %dma_wait3A_284 = tpu.memref_slice %arg2[%dma_wait3A_282, %dma_wait3A_283] : memref<20480x128xf32, #tpu.memory_space<hbm>> -> memref<20480x128xf32, #tpu.memory_space<hbm>>
      tpu.wait_indirect_dma semaphore(%arg13 : memref<!tpu.dma_semaphore, #tpu.memory_space<semaphore_mem>>) src(%dma_wait3A_284 : memref<20480x128xf32, #tpu.memory_space<hbm>>) dst(%arg9 : memref<64x128xf32, #tpu.memory_space<vmem>>)
      %run_scoped3A_285 = arith.constant 8 : i32
      %run_scoped3A_286 = arith.constant 1 : i32
      "tpu.region"() ({
        %run_scoped3A_1296 = tpu.sem_alloc : memref<!tpu.dma_semaphore, #tpu.memory_space<semaphore_mem>>
        %dma_start3A_1297 = arith.constant 0 : i32
        %dma_start3A_1298 = tpu.memref_slice %arg7[%run_scoped3A_285, %run_scoped3A_286, %dma_start3A_1297] : memref<32x2x64xi32, #tpu.memory_space<vmem>> -> memref<1x1x64xi32, #tpu.memory_space<vmem>>
        %dma_start3A_1299 = tpu.memref_squeeze %dma_start3A_1298 : memref<1x1x64xi32, #tpu.memory_space<vmem>> -> memref<64xi32, #tpu.memory_space<vmem>>
        %dma_start3A_1300 = arith.constant 0 : i32
        %dma_start3A_1301 = arith.constant 0 : i32
        %dma_start3A_1302 = tpu.memref_slice %arg6[%dma_start3A_1300, %dma_start3A_1301] : memref<10240x128xf32, #tpu.memory_space<vmem_shared>> -> memref<10240x128xf32, #tpu.memory_space<vmem_shared>>
        tpu.enqueue_indirect_dma source(%arg9 : memref<64x128xf32, #tpu.memory_space<vmem>>) target(%dma_start3A_1302 : memref<10240x128xf32, #tpu.memory_space<vmem_shared>>) offsets(%dma_start3A_1299 : memref<64xi32, #tpu.memory_space<vmem>>) semaphore(%run_scoped3A_1296 : memref<!tpu.dma_semaphore, #tpu.memory_space<semaphore_mem>>) {add = true}
        %dma_wait3A_1303 = arith.constant 0 : i32
        %dma_wait3A_1304 = tpu.memref_slice %arg7[%run_scoped3A_285, %run_scoped3A_286, %dma_wait3A_1303] : memref<32x2x64xi32, #tpu.memory_space<vmem>> -> memref<1x1x64xi32, #tpu.memory_space<vmem>>
        %dma_wait3A_1305 = tpu.memref_squeeze %dma_wait3A_1304 : memref<1x1x64xi32, #tpu.memory_space<vmem>> -> memref<64xi32, #tpu.memory_space<vmem>>
        %dma_wait3A_1306 = arith.constant 0 : i32
        %dma_wait3A_1307 = arith.constant 0 : i32
        %dma_wait3A_1308 = tpu.memref_slice %arg6[%dma_wait3A_1306, %dma_wait3A_1307] : memref<10240x128xf32, #tpu.memory_space<vmem_shared>> -> memref<10240x128xf32, #tpu.memory_space<vmem_shared>>
        tpu.wait_indirect_dma semaphore(%run_scoped3A_1296 : memref<!tpu.dma_semaphore, #tpu.memory_space<semaphore_mem>>) src(%arg9 : memref<64x128xf32, #tpu.memory_space<vmem>>) dst(%dma_wait3A_1308 : memref<10240x128xf32, #tpu.memory_space<vmem_shared>>)
        tpu.yield
      }) : () -> ()
      %dma_start3A_287 = arith.constant 12 : i32
      %dma_start3A_288 = arith.constant 0 : i32
      %dma_start3A_289 = arith.constant 0 : i32
      %dma_start3A_290 = tpu.memref_slice %arg7[%dma_start3A_287, %dma_start3A_288, %dma_start3A_289] : memref<32x2x64xi32, #tpu.memory_space<vmem>> -> memref<1x1x64xi32, #tpu.memory_space<vmem>>
      %dma_start3A_291 = tpu.memref_squeeze %dma_start3A_290 : memref<1x1x64xi32, #tpu.memory_space<vmem>> -> memref<64xi32, #tpu.memory_space<vmem>>
      %dma_start3A_292 = arith.constant 0 : i32
      %dma_start3A_293 = arith.constant 0 : i32
      %dma_start3A_294 = tpu.memref_slice %arg2[%dma_start3A_292, %dma_start3A_293] : memref<20480x128xf32, #tpu.memory_space<hbm>> -> memref<20480x128xf32, #tpu.memory_space<hbm>>
      tpu.enqueue_indirect_dma source(%dma_start3A_294 : memref<20480x128xf32, #tpu.memory_space<hbm>>) target(%arg9 : memref<64x128xf32, #tpu.memory_space<vmem>>) offsets(%dma_start3A_291 : memref<64xi32, #tpu.memory_space<vmem>>) semaphore(%arg13 : memref<!tpu.dma_semaphore, #tpu.memory_space<semaphore_mem>>)
      %dma_wait3A_295 = arith.constant 9 : i32
      %dma_wait3A_296 = arith.constant 0 : i32
      %dma_wait3A_297 = arith.constant 0 : i32
      %dma_wait3A_298 = tpu.memref_slice %arg7[%dma_wait3A_295, %dma_wait3A_296, %dma_wait3A_297] : memref<32x2x64xi32, #tpu.memory_space<vmem>> -> memref<1x1x64xi32, #tpu.memory_space<vmem>>
      %dma_wait3A_299 = tpu.memref_squeeze %dma_wait3A_298 : memref<1x1x64xi32, #tpu.memory_space<vmem>> -> memref<64xi32, #tpu.memory_space<vmem>>
      %dma_wait3A_300 = arith.constant 0 : i32
      %dma_wait3A_301 = arith.constant 0 : i32
      %dma_wait3A_302 = tpu.memref_slice %arg2[%dma_wait3A_300, %dma_wait3A_301] : memref<20480x128xf32, #tpu.memory_space<hbm>> -> memref<20480x128xf32, #tpu.memory_space<hbm>>
      tpu.wait_indirect_dma semaphore(%arg14 : memref<!tpu.dma_semaphore, #tpu.memory_space<semaphore_mem>>) src(%dma_wait3A_302 : memref<20480x128xf32, #tpu.memory_space<hbm>>) dst(%arg10 : memref<64x128xf32, #tpu.memory_space<vmem>>)
      %run_scoped3A_303 = arith.constant 9 : i32
      %run_scoped3A_304 = arith.constant 1 : i32
      "tpu.region"() ({
        %run_scoped3A_1296 = tpu.sem_alloc : memref<!tpu.dma_semaphore, #tpu.memory_space<semaphore_mem>>
        %dma_start3A_1297 = arith.constant 0 : i32
        %dma_start3A_1298 = tpu.memref_slice %arg7[%run_scoped3A_303, %run_scoped3A_304, %dma_start3A_1297] : memref<32x2x64xi32, #tpu.memory_space<vmem>> -> memref<1x1x64xi32, #tpu.memory_space<vmem>>
        %dma_start3A_1299 = tpu.memref_squeeze %dma_start3A_1298 : memref<1x1x64xi32, #tpu.memory_space<vmem>> -> memref<64xi32, #tpu.memory_space<vmem>>
        %dma_start3A_1300 = arith.constant 0 : i32
        %dma_start3A_1301 = arith.constant 0 : i32
        %dma_start3A_1302 = tpu.memref_slice %arg6[%dma_start3A_1300, %dma_start3A_1301] : memref<10240x128xf32, #tpu.memory_space<vmem_shared>> -> memref<10240x128xf32, #tpu.memory_space<vmem_shared>>
        tpu.enqueue_indirect_dma source(%arg10 : memref<64x128xf32, #tpu.memory_space<vmem>>) target(%dma_start3A_1302 : memref<10240x128xf32, #tpu.memory_space<vmem_shared>>) offsets(%dma_start3A_1299 : memref<64xi32, #tpu.memory_space<vmem>>) semaphore(%run_scoped3A_1296 : memref<!tpu.dma_semaphore, #tpu.memory_space<semaphore_mem>>) {add = true}
        %dma_wait3A_1303 = arith.constant 0 : i32
        %dma_wait3A_1304 = tpu.memref_slice %arg7[%run_scoped3A_303, %run_scoped3A_304, %dma_wait3A_1303] : memref<32x2x64xi32, #tpu.memory_space<vmem>> -> memref<1x1x64xi32, #tpu.memory_space<vmem>>
        %dma_wait3A_1305 = tpu.memref_squeeze %dma_wait3A_1304 : memref<1x1x64xi32, #tpu.memory_space<vmem>> -> memref<64xi32, #tpu.memory_space<vmem>>
        %dma_wait3A_1306 = arith.constant 0 : i32
        %dma_wait3A_1307 = arith.constant 0 : i32
        %dma_wait3A_1308 = tpu.memref_slice %arg6[%dma_wait3A_1306, %dma_wait3A_1307] : memref<10240x128xf32, #tpu.memory_space<vmem_shared>> -> memref<10240x128xf32, #tpu.memory_space<vmem_shared>>
        tpu.wait_indirect_dma semaphore(%run_scoped3A_1296 : memref<!tpu.dma_semaphore, #tpu.memory_space<semaphore_mem>>) src(%arg10 : memref<64x128xf32, #tpu.memory_space<vmem>>) dst(%dma_wait3A_1308 : memref<10240x128xf32, #tpu.memory_space<vmem_shared>>)
        tpu.yield
      }) : () -> ()
      %dma_start3A_305 = arith.constant 13 : i32
      %dma_start3A_306 = arith.constant 0 : i32
      %dma_start3A_307 = arith.constant 0 : i32
      %dma_start3A_308 = tpu.memref_slice %arg7[%dma_start3A_305, %dma_start3A_306, %dma_start3A_307] : memref<32x2x64xi32, #tpu.memory_space<vmem>> -> memref<1x1x64xi32, #tpu.memory_space<vmem>>
      %dma_start3A_309 = tpu.memref_squeeze %dma_start3A_308 : memref<1x1x64xi32, #tpu.memory_space<vmem>> -> memref<64xi32, #tpu.memory_space<vmem>>
      %dma_start3A_310 = arith.constant 0 : i32
      %dma_start3A_311 = arith.constant 0 : i32
      %dma_start3A_312 = tpu.memref_slice %arg2[%dma_start3A_310, %dma_start3A_311] : memref<20480x128xf32, #tpu.memory_space<hbm>> -> memref<20480x128xf32, #tpu.memory_space<hbm>>
      tpu.enqueue_indirect_dma source(%dma_start3A_312 : memref<20480x128xf32, #tpu.memory_space<hbm>>) target(%arg10 : memref<64x128xf32, #tpu.memory_space<vmem>>) offsets(%dma_start3A_309 : memref<64xi32, #tpu.memory_space<vmem>>) semaphore(%arg14 : memref<!tpu.dma_semaphore, #tpu.memory_space<semaphore_mem>>)
      %dma_wait3A_313 = arith.constant 10 : i32
      %dma_wait3A_314 = arith.constant 0 : i32
      %dma_wait3A_315 = arith.constant 0 : i32
      %dma_wait3A_316 = tpu.memref_slice %arg7[%dma_wait3A_313, %dma_wait3A_314, %dma_wait3A_315] : memref<32x2x64xi32, #tpu.memory_space<vmem>> -> memref<1x1x64xi32, #tpu.memory_space<vmem>>
      %dma_wait3A_317 = tpu.memref_squeeze %dma_wait3A_316 : memref<1x1x64xi32, #tpu.memory_space<vmem>> -> memref<64xi32, #tpu.memory_space<vmem>>
      %dma_wait3A_318 = arith.constant 0 : i32
      %dma_wait3A_319 = arith.constant 0 : i32
      %dma_wait3A_320 = tpu.memref_slice %arg2[%dma_wait3A_318, %dma_wait3A_319] : memref<20480x128xf32, #tpu.memory_space<hbm>> -> memref<20480x128xf32, #tpu.memory_space<hbm>>
      tpu.wait_indirect_dma semaphore(%arg15 : memref<!tpu.dma_semaphore, #tpu.memory_space<semaphore_mem>>) src(%dma_wait3A_320 : memref<20480x128xf32, #tpu.memory_space<hbm>>) dst(%arg11 : memref<64x128xf32, #tpu.memory_space<vmem>>)
      %run_scoped3A_321 = arith.constant 10 : i32
      %run_scoped3A_322 = arith.constant 1 : i32
      "tpu.region"() ({
        %run_scoped3A_1296 = tpu.sem_alloc : memref<!tpu.dma_semaphore, #tpu.memory_space<semaphore_mem>>
        %dma_start3A_1297 = arith.constant 0 : i32
        %dma_start3A_1298 = tpu.memref_slice %arg7[%run_scoped3A_321, %run_scoped3A_322, %dma_start3A_1297] : memref<32x2x64xi32, #tpu.memory_space<vmem>> -> memref<1x1x64xi32, #tpu.memory_space<vmem>>
        %dma_start3A_1299 = tpu.memref_squeeze %dma_start3A_1298 : memref<1x1x64xi32, #tpu.memory_space<vmem>> -> memref<64xi32, #tpu.memory_space<vmem>>
        %dma_start3A_1300 = arith.constant 0 : i32
        %dma_start3A_1301 = arith.constant 0 : i32
        %dma_start3A_1302 = tpu.memref_slice %arg6[%dma_start3A_1300, %dma_start3A_1301] : memref<10240x128xf32, #tpu.memory_space<vmem_shared>> -> memref<10240x128xf32, #tpu.memory_space<vmem_shared>>
        tpu.enqueue_indirect_dma source(%arg11 : memref<64x128xf32, #tpu.memory_space<vmem>>) target(%dma_start3A_1302 : memref<10240x128xf32, #tpu.memory_space<vmem_shared>>) offsets(%dma_start3A_1299 : memref<64xi32, #tpu.memory_space<vmem>>) semaphore(%run_scoped3A_1296 : memref<!tpu.dma_semaphore, #tpu.memory_space<semaphore_mem>>) {add = true}
        %dma_wait3A_1303 = arith.constant 0 : i32
        %dma_wait3A_1304 = tpu.memref_slice %arg7[%run_scoped3A_321, %run_scoped3A_322, %dma_wait3A_1303] : memref<32x2x64xi32, #tpu.memory_space<vmem>> -> memref<1x1x64xi32, #tpu.memory_space<vmem>>
        %dma_wait3A_1305 = tpu.memref_squeeze %dma_wait3A_1304 : memref<1x1x64xi32, #tpu.memory_space<vmem>> -> memref<64xi32, #tpu.memory_space<vmem>>
        %dma_wait3A_1306 = arith.constant 0 : i32
        %dma_wait3A_1307 = arith.constant 0 : i32
        %dma_wait3A_1308 = tpu.memref_slice %arg6[%dma_wait3A_1306, %dma_wait3A_1307] : memref<10240x128xf32, #tpu.memory_space<vmem_shared>> -> memref<10240x128xf32, #tpu.memory_space<vmem_shared>>
        tpu.wait_indirect_dma semaphore(%run_scoped3A_1296 : memref<!tpu.dma_semaphore, #tpu.memory_space<semaphore_mem>>) src(%arg11 : memref<64x128xf32, #tpu.memory_space<vmem>>) dst(%dma_wait3A_1308 : memref<10240x128xf32, #tpu.memory_space<vmem_shared>>)
        tpu.yield
      }) : () -> ()
      %dma_start3A_323 = arith.constant 14 : i32
      %dma_start3A_324 = arith.constant 0 : i32
      %dma_start3A_325 = arith.constant 0 : i32
      %dma_start3A_326 = tpu.memref_slice %arg7[%dma_start3A_323, %dma_start3A_324, %dma_start3A_325] : memref<32x2x64xi32, #tpu.memory_space<vmem>> -> memref<1x1x64xi32, #tpu.memory_space<vmem>>
      %dma_start3A_327 = tpu.memref_squeeze %dma_start3A_326 : memref<1x1x64xi32, #tpu.memory_space<vmem>> -> memref<64xi32, #tpu.memory_space<vmem>>
      %dma_start3A_328 = arith.constant 0 : i32
      %dma_start3A_329 = arith.constant 0 : i32
      %dma_start3A_330 = tpu.memref_slice %arg2[%dma_start3A_328, %dma_start3A_329] : memref<20480x128xf32, #tpu.memory_space<hbm>> -> memref<20480x128xf32, #tpu.memory_space<hbm>>
      tpu.enqueue_indirect_dma source(%dma_start3A_330 : memref<20480x128xf32, #tpu.memory_space<hbm>>) target(%arg11 : memref<64x128xf32, #tpu.memory_space<vmem>>) offsets(%dma_start3A_327 : memref<64xi32, #tpu.memory_space<vmem>>) semaphore(%arg15 : memref<!tpu.dma_semaphore, #tpu.memory_space<semaphore_mem>>)
      %dma_wait3A_331 = arith.constant 11 : i32
      %dma_wait3A_332 = arith.constant 0 : i32
      %dma_wait3A_333 = arith.constant 0 : i32
      %dma_wait3A_334 = tpu.memref_slice %arg7[%dma_wait3A_331, %dma_wait3A_332, %dma_wait3A_333] : memref<32x2x64xi32, #tpu.memory_space<vmem>> -> memref<1x1x64xi32, #tpu.memory_space<vmem>>
      %dma_wait3A_335 = tpu.memref_squeeze %dma_wait3A_334 : memref<1x1x64xi32, #tpu.memory_space<vmem>> -> memref<64xi32, #tpu.memory_space<vmem>>
      %dma_wait3A_336 = arith.constant 0 : i32
      %dma_wait3A_337 = arith.constant 0 : i32
      %dma_wait3A_338 = tpu.memref_slice %arg2[%dma_wait3A_336, %dma_wait3A_337] : memref<20480x128xf32, #tpu.memory_space<hbm>> -> memref<20480x128xf32, #tpu.memory_space<hbm>>
      tpu.wait_indirect_dma semaphore(%arg16 : memref<!tpu.dma_semaphore, #tpu.memory_space<semaphore_mem>>) src(%dma_wait3A_338 : memref<20480x128xf32, #tpu.memory_space<hbm>>) dst(%arg12 : memref<64x128xf32, #tpu.memory_space<vmem>>)
      %run_scoped3A_339 = arith.constant 11 : i32
      %run_scoped3A_340 = arith.constant 1 : i32
      "tpu.region"() ({
        %run_scoped3A_1296 = tpu.sem_alloc : memref<!tpu.dma_semaphore, #tpu.memory_space<semaphore_mem>>
        %dma_start3A_1297 = arith.constant 0 : i32
        %dma_start3A_1298 = tpu.memref_slice %arg7[%run_scoped3A_339, %run_scoped3A_340, %dma_start3A_1297] : memref<32x2x64xi32, #tpu.memory_space<vmem>> -> memref<1x1x64xi32, #tpu.memory_space<vmem>>
        %dma_start3A_1299 = tpu.memref_squeeze %dma_start3A_1298 : memref<1x1x64xi32, #tpu.memory_space<vmem>> -> memref<64xi32, #tpu.memory_space<vmem>>
        %dma_start3A_1300 = arith.constant 0 : i32
        %dma_start3A_1301 = arith.constant 0 : i32
        %dma_start3A_1302 = tpu.memref_slice %arg6[%dma_start3A_1300, %dma_start3A_1301] : memref<10240x128xf32, #tpu.memory_space<vmem_shared>> -> memref<10240x128xf32, #tpu.memory_space<vmem_shared>>
        tpu.enqueue_indirect_dma source(%arg12 : memref<64x128xf32, #tpu.memory_space<vmem>>) target(%dma_start3A_1302 : memref<10240x128xf32, #tpu.memory_space<vmem_shared>>) offsets(%dma_start3A_1299 : memref<64xi32, #tpu.memory_space<vmem>>) semaphore(%run_scoped3A_1296 : memref<!tpu.dma_semaphore, #tpu.memory_space<semaphore_mem>>) {add = true}
        %dma_wait3A_1303 = arith.constant 0 : i32
        %dma_wait3A_1304 = tpu.memref_slice %arg7[%run_scoped3A_339, %run_scoped3A_340, %dma_wait3A_1303] : memref<32x2x64xi32, #tpu.memory_space<vmem>> -> memref<1x1x64xi32, #tpu.memory_space<vmem>>
        %dma_wait3A_1305 = tpu.memref_squeeze %dma_wait3A_1304 : memref<1x1x64xi32, #tpu.memory_space<vmem>> -> memref<64xi32, #tpu.memory_space<vmem>>
        %dma_wait3A_1306 = arith.constant 0 : i32
        %dma_wait3A_1307 = arith.constant 0 : i32
        %dma_wait3A_1308 = tpu.memref_slice %arg6[%dma_wait3A_1306, %dma_wait3A_1307] : memref<10240x128xf32, #tpu.memory_space<vmem_shared>> -> memref<10240x128xf32, #tpu.memory_space<vmem_shared>>
        tpu.wait_indirect_dma semaphore(%run_scoped3A_1296 : memref<!tpu.dma_semaphore, #tpu.memory_space<semaphore_mem>>) src(%arg12 : memref<64x128xf32, #tpu.memory_space<vmem>>) dst(%dma_wait3A_1308 : memref<10240x128xf32, #tpu.memory_space<vmem_shared>>)
        tpu.yield
      }) : () -> ()
      %dma_start3A_341 = arith.constant 15 : i32
      %dma_start3A_342 = arith.constant 0 : i32
      %dma_start3A_343 = arith.constant 0 : i32
      %dma_start3A_344 = tpu.memref_slice %arg7[%dma_start3A_341, %dma_start3A_342, %dma_start3A_343] : memref<32x2x64xi32, #tpu.memory_space<vmem>> -> memref<1x1x64xi32, #tpu.memory_space<vmem>>
      %dma_start3A_345 = tpu.memref_squeeze %dma_start3A_344 : memref<1x1x64xi32, #tpu.memory_space<vmem>> -> memref<64xi32, #tpu.memory_space<vmem>>
      %dma_start3A_346 = arith.constant 0 : i32
      %dma_start3A_347 = arith.constant 0 : i32
      %dma_start3A_348 = tpu.memref_slice %arg2[%dma_start3A_346, %dma_start3A_347] : memref<20480x128xf32, #tpu.memory_space<hbm>> -> memref<20480x128xf32, #tpu.memory_space<hbm>>
      tpu.enqueue_indirect_dma source(%dma_start3A_348 : memref<20480x128xf32, #tpu.memory_space<hbm>>) target(%arg12 : memref<64x128xf32, #tpu.memory_space<vmem>>) offsets(%dma_start3A_345 : memref<64xi32, #tpu.memory_space<vmem>>) semaphore(%arg16 : memref<!tpu.dma_semaphore, #tpu.memory_space<semaphore_mem>>)
      %dma_wait3A_349 = arith.constant 12 : i32
      %dma_wait3A_350 = arith.constant 0 : i32
      %dma_wait3A_351 = arith.constant 0 : i32
      %dma_wait3A_352 = tpu.memref_slice %arg7[%dma_wait3A_349, %dma_wait3A_350, %dma_wait3A_351] : memref<32x2x64xi32, #tpu.memory_space<vmem>> -> memref<1x1x64xi32, #tpu.memory_space<vmem>>
      %dma_wait3A_353 = tpu.memref_squeeze %dma_wait3A_352 : memref<1x1x64xi32, #tpu.memory_space<vmem>> -> memref<64xi32, #tpu.memory_space<vmem>>
      %dma_wait3A_354 = arith.constant 0 : i32
      %dma_wait3A_355 = arith.constant 0 : i32
      %dma_wait3A_356 = tpu.memref_slice %arg2[%dma_wait3A_354, %dma_wait3A_355] : memref<20480x128xf32, #tpu.memory_space<hbm>> -> memref<20480x128xf32, #tpu.memory_space<hbm>>
      tpu.wait_indirect_dma semaphore(%arg13 : memref<!tpu.dma_semaphore, #tpu.memory_space<semaphore_mem>>) src(%dma_wait3A_356 : memref<20480x128xf32, #tpu.memory_space<hbm>>) dst(%arg9 : memref<64x128xf32, #tpu.memory_space<vmem>>)
      %run_scoped3A_357 = arith.constant 12 : i32
      %run_scoped3A_358 = arith.constant 1 : i32
      "tpu.region"() ({
        %run_scoped3A_1296 = tpu.sem_alloc : memref<!tpu.dma_semaphore, #tpu.memory_space<semaphore_mem>>
        %dma_start3A_1297 = arith.constant 0 : i32
        %dma_start3A_1298 = tpu.memref_slice %arg7[%run_scoped3A_357, %run_scoped3A_358, %dma_start3A_1297] : memref<32x2x64xi32, #tpu.memory_space<vmem>> -> memref<1x1x64xi32, #tpu.memory_space<vmem>>
        %dma_start3A_1299 = tpu.memref_squeeze %dma_start3A_1298 : memref<1x1x64xi32, #tpu.memory_space<vmem>> -> memref<64xi32, #tpu.memory_space<vmem>>
        %dma_start3A_1300 = arith.constant 0 : i32
        %dma_start3A_1301 = arith.constant 0 : i32
        %dma_start3A_1302 = tpu.memref_slice %arg6[%dma_start3A_1300, %dma_start3A_1301] : memref<10240x128xf32, #tpu.memory_space<vmem_shared>> -> memref<10240x128xf32, #tpu.memory_space<vmem_shared>>
        tpu.enqueue_indirect_dma source(%arg9 : memref<64x128xf32, #tpu.memory_space<vmem>>) target(%dma_start3A_1302 : memref<10240x128xf32, #tpu.memory_space<vmem_shared>>) offsets(%dma_start3A_1299 : memref<64xi32, #tpu.memory_space<vmem>>) semaphore(%run_scoped3A_1296 : memref<!tpu.dma_semaphore, #tpu.memory_space<semaphore_mem>>) {add = true}
        %dma_wait3A_1303 = arith.constant 0 : i32
        %dma_wait3A_1304 = tpu.memref_slice %arg7[%run_scoped3A_357, %run_scoped3A_358, %dma_wait3A_1303] : memref<32x2x64xi32, #tpu.memory_space<vmem>> -> memref<1x1x64xi32, #tpu.memory_space<vmem>>
        %dma_wait3A_1305 = tpu.memref_squeeze %dma_wait3A_1304 : memref<1x1x64xi32, #tpu.memory_space<vmem>> -> memref<64xi32, #tpu.memory_space<vmem>>
        %dma_wait3A_1306 = arith.constant 0 : i32
        %dma_wait3A_1307 = arith.constant 0 : i32
        %dma_wait3A_1308 = tpu.memref_slice %arg6[%dma_wait3A_1306, %dma_wait3A_1307] : memref<10240x128xf32, #tpu.memory_space<vmem_shared>> -> memref<10240x128xf32, #tpu.memory_space<vmem_shared>>
        tpu.wait_indirect_dma semaphore(%run_scoped3A_1296 : memref<!tpu.dma_semaphore, #tpu.memory_space<semaphore_mem>>) src(%arg9 : memref<64x128xf32, #tpu.memory_space<vmem>>) dst(%dma_wait3A_1308 : memref<10240x128xf32, #tpu.memory_space<vmem_shared>>)
        tpu.yield
      }) : () -> ()
      %dma_start3A_359 = arith.constant 16 : i32
      %dma_start3A_360 = arith.constant 0 : i32
      %dma_start3A_361 = arith.constant 0 : i32
      %dma_start3A_362 = tpu.memref_slice %arg7[%dma_start3A_359, %dma_start3A_360, %dma_start3A_361] : memref<32x2x64xi32, #tpu.memory_space<vmem>> -> memref<1x1x64xi32, #tpu.memory_space<vmem>>
      %dma_start3A_363 = tpu.memref_squeeze %dma_start3A_362 : memref<1x1x64xi32, #tpu.memory_space<vmem>> -> memref<64xi32, #tpu.memory_space<vmem>>
      %dma_start3A_364 = arith.constant 0 : i32
      %dma_start3A_365 = arith.constant 0 : i32
      %dma_start3A_366 = tpu.memref_slice %arg2[%dma_start3A_364, %dma_start3A_365] : memref<20480x128xf32, #tpu.memory_space<hbm>> -> memref<20480x128xf32, #tpu.memory_space<hbm>>
      tpu.enqueue_indirect_dma source(%dma_start3A_366 : memref<20480x128xf32, #tpu.memory_space<hbm>>) target(%arg9 : memref<64x128xf32, #tpu.memory_space<vmem>>) offsets(%dma_start3A_363 : memref<64xi32, #tpu.memory_space<vmem>>) semaphore(%arg13 : memref<!tpu.dma_semaphore, #tpu.memory_space<semaphore_mem>>)
      %dma_wait3A_367 = arith.constant 13 : i32
      %dma_wait3A_368 = arith.constant 0 : i32
      %dma_wait3A_369 = arith.constant 0 : i32
      %dma_wait3A_370 = tpu.memref_slice %arg7[%dma_wait3A_367, %dma_wait3A_368, %dma_wait3A_369] : memref<32x2x64xi32, #tpu.memory_space<vmem>> -> memref<1x1x64xi32, #tpu.memory_space<vmem>>
      %dma_wait3A_371 = tpu.memref_squeeze %dma_wait3A_370 : memref<1x1x64xi32, #tpu.memory_space<vmem>> -> memref<64xi32, #tpu.memory_space<vmem>>
      %dma_wait3A_372 = arith.constant 0 : i32
      %dma_wait3A_373 = arith.constant 0 : i32
      %dma_wait3A_374 = tpu.memref_slice %arg2[%dma_wait3A_372, %dma_wait3A_373] : memref<20480x128xf32, #tpu.memory_space<hbm>> -> memref<20480x128xf32, #tpu.memory_space<hbm>>
      tpu.wait_indirect_dma semaphore(%arg14 : memref<!tpu.dma_semaphore, #tpu.memory_space<semaphore_mem>>) src(%dma_wait3A_374 : memref<20480x128xf32, #tpu.memory_space<hbm>>) dst(%arg10 : memref<64x128xf32, #tpu.memory_space<vmem>>)
      %run_scoped3A_375 = arith.constant 13 : i32
      %run_scoped3A_376 = arith.constant 1 : i32
      "tpu.region"() ({
        %run_scoped3A_1296 = tpu.sem_alloc : memref<!tpu.dma_semaphore, #tpu.memory_space<semaphore_mem>>
        %dma_start3A_1297 = arith.constant 0 : i32
        %dma_start3A_1298 = tpu.memref_slice %arg7[%run_scoped3A_375, %run_scoped3A_376, %dma_start3A_1297] : memref<32x2x64xi32, #tpu.memory_space<vmem>> -> memref<1x1x64xi32, #tpu.memory_space<vmem>>
        %dma_start3A_1299 = tpu.memref_squeeze %dma_start3A_1298 : memref<1x1x64xi32, #tpu.memory_space<vmem>> -> memref<64xi32, #tpu.memory_space<vmem>>
        %dma_start3A_1300 = arith.constant 0 : i32
        %dma_start3A_1301 = arith.constant 0 : i32
        %dma_start3A_1302 = tpu.memref_slice %arg6[%dma_start3A_1300, %dma_start3A_1301] : memref<10240x128xf32, #tpu.memory_space<vmem_shared>> -> memref<10240x128xf32, #tpu.memory_space<vmem_shared>>
        tpu.enqueue_indirect_dma source(%arg10 : memref<64x128xf32, #tpu.memory_space<vmem>>) target(%dma_start3A_1302 : memref<10240x128xf32, #tpu.memory_space<vmem_shared>>) offsets(%dma_start3A_1299 : memref<64xi32, #tpu.memory_space<vmem>>) semaphore(%run_scoped3A_1296 : memref<!tpu.dma_semaphore, #tpu.memory_space<semaphore_mem>>) {add = true}
        %dma_wait3A_1303 = arith.constant 0 : i32
        %dma_wait3A_1304 = tpu.memref_slice %arg7[%run_scoped3A_375, %run_scoped3A_376, %dma_wait3A_1303] : memref<32x2x64xi32, #tpu.memory_space<vmem>> -> memref<1x1x64xi32, #tpu.memory_space<vmem>>
        %dma_wait3A_1305 = tpu.memref_squeeze %dma_wait3A_1304 : memref<1x1x64xi32, #tpu.memory_space<vmem>> -> memref<64xi32, #tpu.memory_space<vmem>>
        %dma_wait3A_1306 = arith.constant 0 : i32
        %dma_wait3A_1307 = arith.constant 0 : i32
        %dma_wait3A_1308 = tpu.memref_slice %arg6[%dma_wait3A_1306, %dma_wait3A_1307] : memref<10240x128xf32, #tpu.memory_space<vmem_shared>> -> memref<10240x128xf32, #tpu.memory_space<vmem_shared>>
        tpu.wait_indirect_dma semaphore(%run_scoped3A_1296 : memref<!tpu.dma_semaphore, #tpu.memory_space<semaphore_mem>>) src(%arg10 : memref<64x128xf32, #tpu.memory_space<vmem>>) dst(%dma_wait3A_1308 : memref<10240x128xf32, #tpu.memory_space<vmem_shared>>)
        tpu.yield
      }) : () -> ()
      %dma_start3A_377 = arith.constant 17 : i32
      %dma_start3A_378 = arith.constant 0 : i32
      %dma_start3A_379 = arith.constant 0 : i32
      %dma_start3A_380 = tpu.memref_slice %arg7[%dma_start3A_377, %dma_start3A_378, %dma_start3A_379] : memref<32x2x64xi32, #tpu.memory_space<vmem>> -> memref<1x1x64xi32, #tpu.memory_space<vmem>>
      %dma_start3A_381 = tpu.memref_squeeze %dma_start3A_380 : memref<1x1x64xi32, #tpu.memory_space<vmem>> -> memref<64xi32, #tpu.memory_space<vmem>>
      %dma_start3A_382 = arith.constant 0 : i32
      %dma_start3A_383 = arith.constant 0 : i32
      %dma_start3A_384 = tpu.memref_slice %arg2[%dma_start3A_382, %dma_start3A_383] : memref<20480x128xf32, #tpu.memory_space<hbm>> -> memref<20480x128xf32, #tpu.memory_space<hbm>>
      tpu.enqueue_indirect_dma source(%dma_start3A_384 : memref<20480x128xf32, #tpu.memory_space<hbm>>) target(%arg10 : memref<64x128xf32, #tpu.memory_space<vmem>>) offsets(%dma_start3A_381 : memref<64xi32, #tpu.memory_space<vmem>>) semaphore(%arg14 : memref<!tpu.dma_semaphore, #tpu.memory_space<semaphore_mem>>)
      %dma_wait3A_385 = arith.constant 14 : i32
      %dma_wait3A_386 = arith.constant 0 : i32
      %dma_wait3A_387 = arith.constant 0 : i32
      %dma_wait3A_388 = tpu.memref_slice %arg7[%dma_wait3A_385, %dma_wait3A_386, %dma_wait3A_387] : memref<32x2x64xi32, #tpu.memory_space<vmem>> -> memref<1x1x64xi32, #tpu.memory_space<vmem>>
      %dma_wait3A_389 = tpu.memref_squeeze %dma_wait3A_388 : memref<1x1x64xi32, #tpu.memory_space<vmem>> -> memref<64xi32, #tpu.memory_space<vmem>>
      %dma_wait3A_390 = arith.constant 0 : i32
      %dma_wait3A_391 = arith.constant 0 : i32
      %dma_wait3A_392 = tpu.memref_slice %arg2[%dma_wait3A_390, %dma_wait3A_391] : memref<20480x128xf32, #tpu.memory_space<hbm>> -> memref<20480x128xf32, #tpu.memory_space<hbm>>
      tpu.wait_indirect_dma semaphore(%arg15 : memref<!tpu.dma_semaphore, #tpu.memory_space<semaphore_mem>>) src(%dma_wait3A_392 : memref<20480x128xf32, #tpu.memory_space<hbm>>) dst(%arg11 : memref<64x128xf32, #tpu.memory_space<vmem>>)
      %run_scoped3A_393 = arith.constant 14 : i32
      %run_scoped3A_394 = arith.constant 1 : i32
      "tpu.region"() ({
        %run_scoped3A_1296 = tpu.sem_alloc : memref<!tpu.dma_semaphore, #tpu.memory_space<semaphore_mem>>
        %dma_start3A_1297 = arith.constant 0 : i32
        %dma_start3A_1298 = tpu.memref_slice %arg7[%run_scoped3A_393, %run_scoped3A_394, %dma_start3A_1297] : memref<32x2x64xi32, #tpu.memory_space<vmem>> -> memref<1x1x64xi32, #tpu.memory_space<vmem>>
        %dma_start3A_1299 = tpu.memref_squeeze %dma_start3A_1298 : memref<1x1x64xi32, #tpu.memory_space<vmem>> -> memref<64xi32, #tpu.memory_space<vmem>>
        %dma_start3A_1300 = arith.constant 0 : i32
        %dma_start3A_1301 = arith.constant 0 : i32
        %dma_start3A_1302 = tpu.memref_slice %arg6[%dma_start3A_1300, %dma_start3A_1301] : memref<10240x128xf32, #tpu.memory_space<vmem_shared>> -> memref<10240x128xf32, #tpu.memory_space<vmem_shared>>
        tpu.enqueue_indirect_dma source(%arg11 : memref<64x128xf32, #tpu.memory_space<vmem>>) target(%dma_start3A_1302 : memref<10240x128xf32, #tpu.memory_space<vmem_shared>>) offsets(%dma_start3A_1299 : memref<64xi32, #tpu.memory_space<vmem>>) semaphore(%run_scoped3A_1296 : memref<!tpu.dma_semaphore, #tpu.memory_space<semaphore_mem>>) {add = true}
        %dma_wait3A_1303 = arith.constant 0 : i32
        %dma_wait3A_1304 = tpu.memref_slice %arg7[%run_scoped3A_393, %run_scoped3A_394, %dma_wait3A_1303] : memref<32x2x64xi32, #tpu.memory_space<vmem>> -> memref<1x1x64xi32, #tpu.memory_space<vmem>>
        %dma_wait3A_1305 = tpu.memref_squeeze %dma_wait3A_1304 : memref<1x1x64xi32, #tpu.memory_space<vmem>> -> memref<64xi32, #tpu.memory_space<vmem>>
        %dma_wait3A_1306 = arith.constant 0 : i32
        %dma_wait3A_1307 = arith.constant 0 : i32
        %dma_wait3A_1308 = tpu.memref_slice %arg6[%dma_wait3A_1306, %dma_wait3A_1307] : memref<10240x128xf32, #tpu.memory_space<vmem_shared>> -> memref<10240x128xf32, #tpu.memory_space<vmem_shared>>
        tpu.wait_indirect_dma semaphore(%run_scoped3A_1296 : memref<!tpu.dma_semaphore, #tpu.memory_space<semaphore_mem>>) src(%arg11 : memref<64x128xf32, #tpu.memory_space<vmem>>) dst(%dma_wait3A_1308 : memref<10240x128xf32, #tpu.memory_space<vmem_shared>>)
        tpu.yield
      }) : () -> ()
      %dma_start3A_395 = arith.constant 18 : i32
      %dma_start3A_396 = arith.constant 0 : i32
      %dma_start3A_397 = arith.constant 0 : i32
      %dma_start3A_398 = tpu.memref_slice %arg7[%dma_start3A_395, %dma_start3A_396, %dma_start3A_397] : memref<32x2x64xi32, #tpu.memory_space<vmem>> -> memref<1x1x64xi32, #tpu.memory_space<vmem>>
      %dma_start3A_399 = tpu.memref_squeeze %dma_start3A_398 : memref<1x1x64xi32, #tpu.memory_space<vmem>> -> memref<64xi32, #tpu.memory_space<vmem>>
      %dma_start3A_400 = arith.constant 0 : i32
      %dma_start3A_401 = arith.constant 0 : i32
      %dma_start3A_402 = tpu.memref_slice %arg2[%dma_start3A_400, %dma_start3A_401] : memref<20480x128xf32, #tpu.memory_space<hbm>> -> memref<20480x128xf32, #tpu.memory_space<hbm>>
      tpu.enqueue_indirect_dma source(%dma_start3A_402 : memref<20480x128xf32, #tpu.memory_space<hbm>>) target(%arg11 : memref<64x128xf32, #tpu.memory_space<vmem>>) offsets(%dma_start3A_399 : memref<64xi32, #tpu.memory_space<vmem>>) semaphore(%arg15 : memref<!tpu.dma_semaphore, #tpu.memory_space<semaphore_mem>>)
      %dma_wait3A_403 = arith.constant 15 : i32
      %dma_wait3A_404 = arith.constant 0 : i32
      %dma_wait3A_405 = arith.constant 0 : i32
      %dma_wait3A_406 = tpu.memref_slice %arg7[%dma_wait3A_403, %dma_wait3A_404, %dma_wait3A_405] : memref<32x2x64xi32, #tpu.memory_space<vmem>> -> memref<1x1x64xi32, #tpu.memory_space<vmem>>
      %dma_wait3A_407 = tpu.memref_squeeze %dma_wait3A_406 : memref<1x1x64xi32, #tpu.memory_space<vmem>> -> memref<64xi32, #tpu.memory_space<vmem>>
      %dma_wait3A_408 = arith.constant 0 : i32
      %dma_wait3A_409 = arith.constant 0 : i32
      %dma_wait3A_410 = tpu.memref_slice %arg2[%dma_wait3A_408, %dma_wait3A_409] : memref<20480x128xf32, #tpu.memory_space<hbm>> -> memref<20480x128xf32, #tpu.memory_space<hbm>>
      tpu.wait_indirect_dma semaphore(%arg16 : memref<!tpu.dma_semaphore, #tpu.memory_space<semaphore_mem>>) src(%dma_wait3A_410 : memref<20480x128xf32, #tpu.memory_space<hbm>>) dst(%arg12 : memref<64x128xf32, #tpu.memory_space<vmem>>)
      %run_scoped3A_411 = arith.constant 15 : i32
      %run_scoped3A_412 = arith.constant 1 : i32
      "tpu.region"() ({
        %run_scoped3A_1296 = tpu.sem_alloc : memref<!tpu.dma_semaphore, #tpu.memory_space<semaphore_mem>>
        %dma_start3A_1297 = arith.constant 0 : i32
        %dma_start3A_1298 = tpu.memref_slice %arg7[%run_scoped3A_411, %run_scoped3A_412, %dma_start3A_1297] : memref<32x2x64xi32, #tpu.memory_space<vmem>> -> memref<1x1x64xi32, #tpu.memory_space<vmem>>
        %dma_start3A_1299 = tpu.memref_squeeze %dma_start3A_1298 : memref<1x1x64xi32, #tpu.memory_space<vmem>> -> memref<64xi32, #tpu.memory_space<vmem>>
        %dma_start3A_1300 = arith.constant 0 : i32
        %dma_start3A_1301 = arith.constant 0 : i32
        %dma_start3A_1302 = tpu.memref_slice %arg6[%dma_start3A_1300, %dma_start3A_1301] : memref<10240x128xf32, #tpu.memory_space<vmem_shared>> -> memref<10240x128xf32, #tpu.memory_space<vmem_shared>>
        tpu.enqueue_indirect_dma source(%arg12 : memref<64x128xf32, #tpu.memory_space<vmem>>) target(%dma_start3A_1302 : memref<10240x128xf32, #tpu.memory_space<vmem_shared>>) offsets(%dma_start3A_1299 : memref<64xi32, #tpu.memory_space<vmem>>) semaphore(%run_scoped3A_1296 : memref<!tpu.dma_semaphore, #tpu.memory_space<semaphore_mem>>) {add = true}
        %dma_wait3A_1303 = arith.constant 0 : i32
        %dma_wait3A_1304 = tpu.memref_slice %arg7[%run_scoped3A_411, %run_scoped3A_412, %dma_wait3A_1303] : memref<32x2x64xi32, #tpu.memory_space<vmem>> -> memref<1x1x64xi32, #tpu.memory_space<vmem>>
        %dma_wait3A_1305 = tpu.memref_squeeze %dma_wait3A_1304 : memref<1x1x64xi32, #tpu.memory_space<vmem>> -> memref<64xi32, #tpu.memory_space<vmem>>
        %dma_wait3A_1306 = arith.constant 0 : i32
        %dma_wait3A_1307 = arith.constant 0 : i32
        %dma_wait3A_1308 = tpu.memref_slice %arg6[%dma_wait3A_1306, %dma_wait3A_1307] : memref<10240x128xf32, #tpu.memory_space<vmem_shared>> -> memref<10240x128xf32, #tpu.memory_space<vmem_shared>>
        tpu.wait_indirect_dma semaphore(%run_scoped3A_1296 : memref<!tpu.dma_semaphore, #tpu.memory_space<semaphore_mem>>) src(%arg12 : memref<64x128xf32, #tpu.memory_space<vmem>>) dst(%dma_wait3A_1308 : memref<10240x128xf32, #tpu.memory_space<vmem_shared>>)
        tpu.yield
      }) : () -> ()
      %dma_start3A_413 = arith.constant 19 : i32
      %dma_start3A_414 = arith.constant 0 : i32
      %dma_start3A_415 = arith.constant 0 : i32
      %dma_start3A_416 = tpu.memref_slice %arg7[%dma_start3A_413, %dma_start3A_414, %dma_start3A_415] : memref<32x2x64xi32, #tpu.memory_space<vmem>> -> memref<1x1x64xi32, #tpu.memory_space<vmem>>
      %dma_start3A_417 = tpu.memref_squeeze %dma_start3A_416 : memref<1x1x64xi32, #tpu.memory_space<vmem>> -> memref<64xi32, #tpu.memory_space<vmem>>
      %dma_start3A_418 = arith.constant 0 : i32
      %dma_start3A_419 = arith.constant 0 : i32
      %dma_start3A_420 = tpu.memref_slice %arg2[%dma_start3A_418, %dma_start3A_419] : memref<20480x128xf32, #tpu.memory_space<hbm>> -> memref<20480x128xf32, #tpu.memory_space<hbm>>
      tpu.enqueue_indirect_dma source(%dma_start3A_420 : memref<20480x128xf32, #tpu.memory_space<hbm>>) target(%arg12 : memref<64x128xf32, #tpu.memory_space<vmem>>) offsets(%dma_start3A_417 : memref<64xi32, #tpu.memory_space<vmem>>) semaphore(%arg16 : memref<!tpu.dma_semaphore, #tpu.memory_space<semaphore_mem>>)
      %dma_wait3A_421 = arith.constant 16 : i32
      %dma_wait3A_422 = arith.constant 0 : i32
      %dma_wait3A_423 = arith.constant 0 : i32
      %dma_wait3A_424 = tpu.memref_slice %arg7[%dma_wait3A_421, %dma_wait3A_422, %dma_wait3A_423] : memref<32x2x64xi32, #tpu.memory_space<vmem>> -> memref<1x1x64xi32, #tpu.memory_space<vmem>>
      %dma_wait3A_425 = tpu.memref_squeeze %dma_wait3A_424 : memref<1x1x64xi32, #tpu.memory_space<vmem>> -> memref<64xi32, #tpu.memory_space<vmem>>
      %dma_wait3A_426 = arith.constant 0 : i32
      %dma_wait3A_427 = arith.constant 0 : i32
      %dma_wait3A_428 = tpu.memref_slice %arg2[%dma_wait3A_426, %dma_wait3A_427] : memref<20480x128xf32, #tpu.memory_space<hbm>> -> memref<20480x128xf32, #tpu.memory_space<hbm>>
      tpu.wait_indirect_dma semaphore(%arg13 : memref<!tpu.dma_semaphore, #tpu.memory_space<semaphore_mem>>) src(%dma_wait3A_428 : memref<20480x128xf32, #tpu.memory_space<hbm>>) dst(%arg9 : memref<64x128xf32, #tpu.memory_space<vmem>>)
      %run_scoped3A_429 = arith.constant 16 : i32
      %run_scoped3A_430 = arith.constant 1 : i32
      "tpu.region"() ({
        %run_scoped3A_1296 = tpu.sem_alloc : memref<!tpu.dma_semaphore, #tpu.memory_space<semaphore_mem>>
        %dma_start3A_1297 = arith.constant 0 : i32
        %dma_start3A_1298 = tpu.memref_slice %arg7[%run_scoped3A_429, %run_scoped3A_430, %dma_start3A_1297] : memref<32x2x64xi32, #tpu.memory_space<vmem>> -> memref<1x1x64xi32, #tpu.memory_space<vmem>>
        %dma_start3A_1299 = tpu.memref_squeeze %dma_start3A_1298 : memref<1x1x64xi32, #tpu.memory_space<vmem>> -> memref<64xi32, #tpu.memory_space<vmem>>
        %dma_start3A_1300 = arith.constant 0 : i32
        %dma_start3A_1301 = arith.constant 0 : i32
        %dma_start3A_1302 = tpu.memref_slice %arg6[%dma_start3A_1300, %dma_start3A_1301] : memref<10240x128xf32, #tpu.memory_space<vmem_shared>> -> memref<10240x128xf32, #tpu.memory_space<vmem_shared>>
        tpu.enqueue_indirect_dma source(%arg9 : memref<64x128xf32, #tpu.memory_space<vmem>>) target(%dma_start3A_1302 : memref<10240x128xf32, #tpu.memory_space<vmem_shared>>) offsets(%dma_start3A_1299 : memref<64xi32, #tpu.memory_space<vmem>>) semaphore(%run_scoped3A_1296 : memref<!tpu.dma_semaphore, #tpu.memory_space<semaphore_mem>>) {add = true}
        %dma_wait3A_1303 = arith.constant 0 : i32
        %dma_wait3A_1304 = tpu.memref_slice %arg7[%run_scoped3A_429, %run_scoped3A_430, %dma_wait3A_1303] : memref<32x2x64xi32, #tpu.memory_space<vmem>> -> memref<1x1x64xi32, #tpu.memory_space<vmem>>
        %dma_wait3A_1305 = tpu.memref_squeeze %dma_wait3A_1304 : memref<1x1x64xi32, #tpu.memory_space<vmem>> -> memref<64xi32, #tpu.memory_space<vmem>>
        %dma_wait3A_1306 = arith.constant 0 : i32
        %dma_wait3A_1307 = arith.constant 0 : i32
        %dma_wait3A_1308 = tpu.memref_slice %arg6[%dma_wait3A_1306, %dma_wait3A_1307] : memref<10240x128xf32, #tpu.memory_space<vmem_shared>> -> memref<10240x128xf32, #tpu.memory_space<vmem_shared>>
        tpu.wait_indirect_dma semaphore(%run_scoped3A_1296 : memref<!tpu.dma_semaphore, #tpu.memory_space<semaphore_mem>>) src(%arg9 : memref<64x128xf32, #tpu.memory_space<vmem>>) dst(%dma_wait3A_1308 : memref<10240x128xf32, #tpu.memory_space<vmem_shared>>)
        tpu.yield
      }) : () -> ()
      %dma_start3A_431 = arith.constant 20 : i32
      %dma_start3A_432 = arith.constant 0 : i32
      %dma_start3A_433 = arith.constant 0 : i32
      %dma_start3A_434 = tpu.memref_slice %arg7[%dma_start3A_431, %dma_start3A_432, %dma_start3A_433] : memref<32x2x64xi32, #tpu.memory_space<vmem>> -> memref<1x1x64xi32, #tpu.memory_space<vmem>>
      %dma_start3A_435 = tpu.memref_squeeze %dma_start3A_434 : memref<1x1x64xi32, #tpu.memory_space<vmem>> -> memref<64xi32, #tpu.memory_space<vmem>>
      %dma_start3A_436 = arith.constant 0 : i32
      %dma_start3A_437 = arith.constant 0 : i32
      %dma_start3A_438 = tpu.memref_slice %arg2[%dma_start3A_436, %dma_start3A_437] : memref<20480x128xf32, #tpu.memory_space<hbm>> -> memref<20480x128xf32, #tpu.memory_space<hbm>>
      tpu.enqueue_indirect_dma source(%dma_start3A_438 : memref<20480x128xf32, #tpu.memory_space<hbm>>) target(%arg9 : memref<64x128xf32, #tpu.memory_space<vmem>>) offsets(%dma_start3A_435 : memref<64xi32, #tpu.memory_space<vmem>>) semaphore(%arg13 : memref<!tpu.dma_semaphore, #tpu.memory_space<semaphore_mem>>)
      %dma_wait3A_439 = arith.constant 17 : i32
      %dma_wait3A_440 = arith.constant 0 : i32
      %dma_wait3A_441 = arith.constant 0 : i32
      %dma_wait3A_442 = tpu.memref_slice %arg7[%dma_wait3A_439, %dma_wait3A_440, %dma_wait3A_441] : memref<32x2x64xi32, #tpu.memory_space<vmem>> -> memref<1x1x64xi32, #tpu.memory_space<vmem>>
      %dma_wait3A_443 = tpu.memref_squeeze %dma_wait3A_442 : memref<1x1x64xi32, #tpu.memory_space<vmem>> -> memref<64xi32, #tpu.memory_space<vmem>>
      %dma_wait3A_444 = arith.constant 0 : i32
      %dma_wait3A_445 = arith.constant 0 : i32
      %dma_wait3A_446 = tpu.memref_slice %arg2[%dma_wait3A_444, %dma_wait3A_445] : memref<20480x128xf32, #tpu.memory_space<hbm>> -> memref<20480x128xf32, #tpu.memory_space<hbm>>
      tpu.wait_indirect_dma semaphore(%arg14 : memref<!tpu.dma_semaphore, #tpu.memory_space<semaphore_mem>>) src(%dma_wait3A_446 : memref<20480x128xf32, #tpu.memory_space<hbm>>) dst(%arg10 : memref<64x128xf32, #tpu.memory_space<vmem>>)
      %run_scoped3A_447 = arith.constant 17 : i32
      %run_scoped3A_448 = arith.constant 1 : i32
      "tpu.region"() ({
        %run_scoped3A_1296 = tpu.sem_alloc : memref<!tpu.dma_semaphore, #tpu.memory_space<semaphore_mem>>
        %dma_start3A_1297 = arith.constant 0 : i32
        %dma_start3A_1298 = tpu.memref_slice %arg7[%run_scoped3A_447, %run_scoped3A_448, %dma_start3A_1297] : memref<32x2x64xi32, #tpu.memory_space<vmem>> -> memref<1x1x64xi32, #tpu.memory_space<vmem>>
        %dma_start3A_1299 = tpu.memref_squeeze %dma_start3A_1298 : memref<1x1x64xi32, #tpu.memory_space<vmem>> -> memref<64xi32, #tpu.memory_space<vmem>>
        %dma_start3A_1300 = arith.constant 0 : i32
        %dma_start3A_1301 = arith.constant 0 : i32
        %dma_start3A_1302 = tpu.memref_slice %arg6[%dma_start3A_1300, %dma_start3A_1301] : memref<10240x128xf32, #tpu.memory_space<vmem_shared>> -> memref<10240x128xf32, #tpu.memory_space<vmem_shared>>
        tpu.enqueue_indirect_dma source(%arg10 : memref<64x128xf32, #tpu.memory_space<vmem>>) target(%dma_start3A_1302 : memref<10240x128xf32, #tpu.memory_space<vmem_shared>>) offsets(%dma_start3A_1299 : memref<64xi32, #tpu.memory_space<vmem>>) semaphore(%run_scoped3A_1296 : memref<!tpu.dma_semaphore, #tpu.memory_space<semaphore_mem>>) {add = true}
        %dma_wait3A_1303 = arith.constant 0 : i32
        %dma_wait3A_1304 = tpu.memref_slice %arg7[%run_scoped3A_447, %run_scoped3A_448, %dma_wait3A_1303] : memref<32x2x64xi32, #tpu.memory_space<vmem>> -> memref<1x1x64xi32, #tpu.memory_space<vmem>>
        %dma_wait3A_1305 = tpu.memref_squeeze %dma_wait3A_1304 : memref<1x1x64xi32, #tpu.memory_space<vmem>> -> memref<64xi32, #tpu.memory_space<vmem>>
        %dma_wait3A_1306 = arith.constant 0 : i32
        %dma_wait3A_1307 = arith.constant 0 : i32
        %dma_wait3A_1308 = tpu.memref_slice %arg6[%dma_wait3A_1306, %dma_wait3A_1307] : memref<10240x128xf32, #tpu.memory_space<vmem_shared>> -> memref<10240x128xf32, #tpu.memory_space<vmem_shared>>
        tpu.wait_indirect_dma semaphore(%run_scoped3A_1296 : memref<!tpu.dma_semaphore, #tpu.memory_space<semaphore_mem>>) src(%arg10 : memref<64x128xf32, #tpu.memory_space<vmem>>) dst(%dma_wait3A_1308 : memref<10240x128xf32, #tpu.memory_space<vmem_shared>>)
        tpu.yield
      }) : () -> ()
      %dma_start3A_449 = arith.constant 21 : i32
      %dma_start3A_450 = arith.constant 0 : i32
      %dma_start3A_451 = arith.constant 0 : i32
      %dma_start3A_452 = tpu.memref_slice %arg7[%dma_start3A_449, %dma_start3A_450, %dma_start3A_451] : memref<32x2x64xi32, #tpu.memory_space<vmem>> -> memref<1x1x64xi32, #tpu.memory_space<vmem>>
      %dma_start3A_453 = tpu.memref_squeeze %dma_start3A_452 : memref<1x1x64xi32, #tpu.memory_space<vmem>> -> memref<64xi32, #tpu.memory_space<vmem>>
      %dma_start3A_454 = arith.constant 0 : i32
      %dma_start3A_455 = arith.constant 0 : i32
      %dma_start3A_456 = tpu.memref_slice %arg2[%dma_start3A_454, %dma_start3A_455] : memref<20480x128xf32, #tpu.memory_space<hbm>> -> memref<20480x128xf32, #tpu.memory_space<hbm>>
      tpu.enqueue_indirect_dma source(%dma_start3A_456 : memref<20480x128xf32, #tpu.memory_space<hbm>>) target(%arg10 : memref<64x128xf32, #tpu.memory_space<vmem>>) offsets(%dma_start3A_453 : memref<64xi32, #tpu.memory_space<vmem>>) semaphore(%arg14 : memref<!tpu.dma_semaphore, #tpu.memory_space<semaphore_mem>>)
      %dma_wait3A_457 = arith.constant 18 : i32
      %dma_wait3A_458 = arith.constant 0 : i32
      %dma_wait3A_459 = arith.constant 0 : i32
      %dma_wait3A_460 = tpu.memref_slice %arg7[%dma_wait3A_457, %dma_wait3A_458, %dma_wait3A_459] : memref<32x2x64xi32, #tpu.memory_space<vmem>> -> memref<1x1x64xi32, #tpu.memory_space<vmem>>
      %dma_wait3A_461 = tpu.memref_squeeze %dma_wait3A_460 : memref<1x1x64xi32, #tpu.memory_space<vmem>> -> memref<64xi32, #tpu.memory_space<vmem>>
      %dma_wait3A_462 = arith.constant 0 : i32
      %dma_wait3A_463 = arith.constant 0 : i32
      %dma_wait3A_464 = tpu.memref_slice %arg2[%dma_wait3A_462, %dma_wait3A_463] : memref<20480x128xf32, #tpu.memory_space<hbm>> -> memref<20480x128xf32, #tpu.memory_space<hbm>>
      tpu.wait_indirect_dma semaphore(%arg15 : memref<!tpu.dma_semaphore, #tpu.memory_space<semaphore_mem>>) src(%dma_wait3A_464 : memref<20480x128xf32, #tpu.memory_space<hbm>>) dst(%arg11 : memref<64x128xf32, #tpu.memory_space<vmem>>)
      %run_scoped3A_465 = arith.constant 18 : i32
      %run_scoped3A_466 = arith.constant 1 : i32
      "tpu.region"() ({
        %run_scoped3A_1296 = tpu.sem_alloc : memref<!tpu.dma_semaphore, #tpu.memory_space<semaphore_mem>>
        %dma_start3A_1297 = arith.constant 0 : i32
        %dma_start3A_1298 = tpu.memref_slice %arg7[%run_scoped3A_465, %run_scoped3A_466, %dma_start3A_1297] : memref<32x2x64xi32, #tpu.memory_space<vmem>> -> memref<1x1x64xi32, #tpu.memory_space<vmem>>
        %dma_start3A_1299 = tpu.memref_squeeze %dma_start3A_1298 : memref<1x1x64xi32, #tpu.memory_space<vmem>> -> memref<64xi32, #tpu.memory_space<vmem>>
        %dma_start3A_1300 = arith.constant 0 : i32
        %dma_start3A_1301 = arith.constant 0 : i32
        %dma_start3A_1302 = tpu.memref_slice %arg6[%dma_start3A_1300, %dma_start3A_1301] : memref<10240x128xf32, #tpu.memory_space<vmem_shared>> -> memref<10240x128xf32, #tpu.memory_space<vmem_shared>>
        tpu.enqueue_indirect_dma source(%arg11 : memref<64x128xf32, #tpu.memory_space<vmem>>) target(%dma_start3A_1302 : memref<10240x128xf32, #tpu.memory_space<vmem_shared>>) offsets(%dma_start3A_1299 : memref<64xi32, #tpu.memory_space<vmem>>) semaphore(%run_scoped3A_1296 : memref<!tpu.dma_semaphore, #tpu.memory_space<semaphore_mem>>) {add = true}
        %dma_wait3A_1303 = arith.constant 0 : i32
        %dma_wait3A_1304 = tpu.memref_slice %arg7[%run_scoped3A_465, %run_scoped3A_466, %dma_wait3A_1303] : memref<32x2x64xi32, #tpu.memory_space<vmem>> -> memref<1x1x64xi32, #tpu.memory_space<vmem>>
        %dma_wait3A_1305 = tpu.memref_squeeze %dma_wait3A_1304 : memref<1x1x64xi32, #tpu.memory_space<vmem>> -> memref<64xi32, #tpu.memory_space<vmem>>
        %dma_wait3A_1306 = arith.constant 0 : i32
        %dma_wait3A_1307 = arith.constant 0 : i32
        %dma_wait3A_1308 = tpu.memref_slice %arg6[%dma_wait3A_1306, %dma_wait3A_1307] : memref<10240x128xf32, #tpu.memory_space<vmem_shared>> -> memref<10240x128xf32, #tpu.memory_space<vmem_shared>>
        tpu.wait_indirect_dma semaphore(%run_scoped3A_1296 : memref<!tpu.dma_semaphore, #tpu.memory_space<semaphore_mem>>) src(%arg11 : memref<64x128xf32, #tpu.memory_space<vmem>>) dst(%dma_wait3A_1308 : memref<10240x128xf32, #tpu.memory_space<vmem_shared>>)
        tpu.yield
      }) : () -> ()
      %dma_start3A_467 = arith.constant 22 : i32
      %dma_start3A_468 = arith.constant 0 : i32
      %dma_start3A_469 = arith.constant 0 : i32
      %dma_start3A_470 = tpu.memref_slice %arg7[%dma_start3A_467, %dma_start3A_468, %dma_start3A_469] : memref<32x2x64xi32, #tpu.memory_space<vmem>> -> memref<1x1x64xi32, #tpu.memory_space<vmem>>
      %dma_start3A_471 = tpu.memref_squeeze %dma_start3A_470 : memref<1x1x64xi32, #tpu.memory_space<vmem>> -> memref<64xi32, #tpu.memory_space<vmem>>
      %dma_start3A_472 = arith.constant 0 : i32
      %dma_start3A_473 = arith.constant 0 : i32
      %dma_start3A_474 = tpu.memref_slice %arg2[%dma_start3A_472, %dma_start3A_473] : memref<20480x128xf32, #tpu.memory_space<hbm>> -> memref<20480x128xf32, #tpu.memory_space<hbm>>
      tpu.enqueue_indirect_dma source(%dma_start3A_474 : memref<20480x128xf32, #tpu.memory_space<hbm>>) target(%arg11 : memref<64x128xf32, #tpu.memory_space<vmem>>) offsets(%dma_start3A_471 : memref<64xi32, #tpu.memory_space<vmem>>) semaphore(%arg15 : memref<!tpu.dma_semaphore, #tpu.memory_space<semaphore_mem>>)
      %dma_wait3A_475 = arith.constant 19 : i32
      %dma_wait3A_476 = arith.constant 0 : i32
      %dma_wait3A_477 = arith.constant 0 : i32
      %dma_wait3A_478 = tpu.memref_slice %arg7[%dma_wait3A_475, %dma_wait3A_476, %dma_wait3A_477] : memref<32x2x64xi32, #tpu.memory_space<vmem>> -> memref<1x1x64xi32, #tpu.memory_space<vmem>>
      %dma_wait3A_479 = tpu.memref_squeeze %dma_wait3A_478 : memref<1x1x64xi32, #tpu.memory_space<vmem>> -> memref<64xi32, #tpu.memory_space<vmem>>
      %dma_wait3A_480 = arith.constant 0 : i32
      %dma_wait3A_481 = arith.constant 0 : i32
      %dma_wait3A_482 = tpu.memref_slice %arg2[%dma_wait3A_480, %dma_wait3A_481] : memref<20480x128xf32, #tpu.memory_space<hbm>> -> memref<20480x128xf32, #tpu.memory_space<hbm>>
      tpu.wait_indirect_dma semaphore(%arg16 : memref<!tpu.dma_semaphore, #tpu.memory_space<semaphore_mem>>) src(%dma_wait3A_482 : memref<20480x128xf32, #tpu.memory_space<hbm>>) dst(%arg12 : memref<64x128xf32, #tpu.memory_space<vmem>>)
      %run_scoped3A_483 = arith.constant 19 : i32
      %run_scoped3A_484 = arith.constant 1 : i32
      "tpu.region"() ({
        %run_scoped3A_1296 = tpu.sem_alloc : memref<!tpu.dma_semaphore, #tpu.memory_space<semaphore_mem>>
        %dma_start3A_1297 = arith.constant 0 : i32
        %dma_start3A_1298 = tpu.memref_slice %arg7[%run_scoped3A_483, %run_scoped3A_484, %dma_start3A_1297] : memref<32x2x64xi32, #tpu.memory_space<vmem>> -> memref<1x1x64xi32, #tpu.memory_space<vmem>>
        %dma_start3A_1299 = tpu.memref_squeeze %dma_start3A_1298 : memref<1x1x64xi32, #tpu.memory_space<vmem>> -> memref<64xi32, #tpu.memory_space<vmem>>
        %dma_start3A_1300 = arith.constant 0 : i32
        %dma_start3A_1301 = arith.constant 0 : i32
        %dma_start3A_1302 = tpu.memref_slice %arg6[%dma_start3A_1300, %dma_start3A_1301] : memref<10240x128xf32, #tpu.memory_space<vmem_shared>> -> memref<10240x128xf32, #tpu.memory_space<vmem_shared>>
        tpu.enqueue_indirect_dma source(%arg12 : memref<64x128xf32, #tpu.memory_space<vmem>>) target(%dma_start3A_1302 : memref<10240x128xf32, #tpu.memory_space<vmem_shared>>) offsets(%dma_start3A_1299 : memref<64xi32, #tpu.memory_space<vmem>>) semaphore(%run_scoped3A_1296 : memref<!tpu.dma_semaphore, #tpu.memory_space<semaphore_mem>>) {add = true}
        %dma_wait3A_1303 = arith.constant 0 : i32
        %dma_wait3A_1304 = tpu.memref_slice %arg7[%run_scoped3A_483, %run_scoped3A_484, %dma_wait3A_1303] : memref<32x2x64xi32, #tpu.memory_space<vmem>> -> memref<1x1x64xi32, #tpu.memory_space<vmem>>
        %dma_wait3A_1305 = tpu.memref_squeeze %dma_wait3A_1304 : memref<1x1x64xi32, #tpu.memory_space<vmem>> -> memref<64xi32, #tpu.memory_space<vmem>>
        %dma_wait3A_1306 = arith.constant 0 : i32
        %dma_wait3A_1307 = arith.constant 0 : i32
        %dma_wait3A_1308 = tpu.memref_slice %arg6[%dma_wait3A_1306, %dma_wait3A_1307] : memref<10240x128xf32, #tpu.memory_space<vmem_shared>> -> memref<10240x128xf32, #tpu.memory_space<vmem_shared>>
        tpu.wait_indirect_dma semaphore(%run_scoped3A_1296 : memref<!tpu.dma_semaphore, #tpu.memory_space<semaphore_mem>>) src(%arg12 : memref<64x128xf32, #tpu.memory_space<vmem>>) dst(%dma_wait3A_1308 : memref<10240x128xf32, #tpu.memory_space<vmem_shared>>)
        tpu.yield
      }) : () -> ()
      %dma_start3A_485 = arith.constant 23 : i32
      %dma_start3A_486 = arith.constant 0 : i32
      %dma_start3A_487 = arith.constant 0 : i32
      %dma_start3A_488 = tpu.memref_slice %arg7[%dma_start3A_485, %dma_start3A_486, %dma_start3A_487] : memref<32x2x64xi32, #tpu.memory_space<vmem>> -> memref<1x1x64xi32, #tpu.memory_space<vmem>>
      %dma_start3A_489 = tpu.memref_squeeze %dma_start3A_488 : memref<1x1x64xi32, #tpu.memory_space<vmem>> -> memref<64xi32, #tpu.memory_space<vmem>>
      %dma_start3A_490 = arith.constant 0 : i32
      %dma_start3A_491 = arith.constant 0 : i32
      %dma_start3A_492 = tpu.memref_slice %arg2[%dma_start3A_490, %dma_start3A_491] : memref<20480x128xf32, #tpu.memory_space<hbm>> -> memref<20480x128xf32, #tpu.memory_space<hbm>>
      tpu.enqueue_indirect_dma source(%dma_start3A_492 : memref<20480x128xf32, #tpu.memory_space<hbm>>) target(%arg12 : memref<64x128xf32, #tpu.memory_space<vmem>>) offsets(%dma_start3A_489 : memref<64xi32, #tpu.memory_space<vmem>>) semaphore(%arg16 : memref<!tpu.dma_semaphore, #tpu.memory_space<semaphore_mem>>)
      %dma_wait3A_493 = arith.constant 20 : i32
      %dma_wait3A_494 = arith.constant 0 : i32
      %dma_wait3A_495 = arith.constant 0 : i32
      %dma_wait3A_496 = tpu.memref_slice %arg7[%dma_wait3A_493, %dma_wait3A_494, %dma_wait3A_495] : memref<32x2x64xi32, #tpu.memory_space<vmem>> -> memref<1x1x64xi32, #tpu.memory_space<vmem>>
      %dma_wait3A_497 = tpu.memref_squeeze %dma_wait3A_496 : memref<1x1x64xi32, #tpu.memory_space<vmem>> -> memref<64xi32, #tpu.memory_space<vmem>>
      %dma_wait3A_498 = arith.constant 0 : i32
      %dma_wait3A_499 = arith.constant 0 : i32
      %dma_wait3A_500 = tpu.memref_slice %arg2[%dma_wait3A_498, %dma_wait3A_499] : memref<20480x128xf32, #tpu.memory_space<hbm>> -> memref<20480x128xf32, #tpu.memory_space<hbm>>
      tpu.wait_indirect_dma semaphore(%arg13 : memref<!tpu.dma_semaphore, #tpu.memory_space<semaphore_mem>>) src(%dma_wait3A_500 : memref<20480x128xf32, #tpu.memory_space<hbm>>) dst(%arg9 : memref<64x128xf32, #tpu.memory_space<vmem>>)
      %run_scoped3A_501 = arith.constant 20 : i32
      %run_scoped3A_502 = arith.constant 1 : i32
      "tpu.region"() ({
        %run_scoped3A_1296 = tpu.sem_alloc : memref<!tpu.dma_semaphore, #tpu.memory_space<semaphore_mem>>
        %dma_start3A_1297 = arith.constant 0 : i32
        %dma_start3A_1298 = tpu.memref_slice %arg7[%run_scoped3A_501, %run_scoped3A_502, %dma_start3A_1297] : memref<32x2x64xi32, #tpu.memory_space<vmem>> -> memref<1x1x64xi32, #tpu.memory_space<vmem>>
        %dma_start3A_1299 = tpu.memref_squeeze %dma_start3A_1298 : memref<1x1x64xi32, #tpu.memory_space<vmem>> -> memref<64xi32, #tpu.memory_space<vmem>>
        %dma_start3A_1300 = arith.constant 0 : i32
        %dma_start3A_1301 = arith.constant 0 : i32
        %dma_start3A_1302 = tpu.memref_slice %arg6[%dma_start3A_1300, %dma_start3A_1301] : memref<10240x128xf32, #tpu.memory_space<vmem_shared>> -> memref<10240x128xf32, #tpu.memory_space<vmem_shared>>
        tpu.enqueue_indirect_dma source(%arg9 : memref<64x128xf32, #tpu.memory_space<vmem>>) target(%dma_start3A_1302 : memref<10240x128xf32, #tpu.memory_space<vmem_shared>>) offsets(%dma_start3A_1299 : memref<64xi32, #tpu.memory_space<vmem>>) semaphore(%run_scoped3A_1296 : memref<!tpu.dma_semaphore, #tpu.memory_space<semaphore_mem>>) {add = true}
        %dma_wait3A_1303 = arith.constant 0 : i32
        %dma_wait3A_1304 = tpu.memref_slice %arg7[%run_scoped3A_501, %run_scoped3A_502, %dma_wait3A_1303] : memref<32x2x64xi32, #tpu.memory_space<vmem>> -> memref<1x1x64xi32, #tpu.memory_space<vmem>>
        %dma_wait3A_1305 = tpu.memref_squeeze %dma_wait3A_1304 : memref<1x1x64xi32, #tpu.memory_space<vmem>> -> memref<64xi32, #tpu.memory_space<vmem>>
        %dma_wait3A_1306 = arith.constant 0 : i32
        %dma_wait3A_1307 = arith.constant 0 : i32
        %dma_wait3A_1308 = tpu.memref_slice %arg6[%dma_wait3A_1306, %dma_wait3A_1307] : memref<10240x128xf32, #tpu.memory_space<vmem_shared>> -> memref<10240x128xf32, #tpu.memory_space<vmem_shared>>
        tpu.wait_indirect_dma semaphore(%run_scoped3A_1296 : memref<!tpu.dma_semaphore, #tpu.memory_space<semaphore_mem>>) src(%arg9 : memref<64x128xf32, #tpu.memory_space<vmem>>) dst(%dma_wait3A_1308 : memref<10240x128xf32, #tpu.memory_space<vmem_shared>>)
        tpu.yield
      }) : () -> ()
      %dma_start3A_503 = arith.constant 24 : i32
      %dma_start3A_504 = arith.constant 0 : i32
      %dma_start3A_505 = arith.constant 0 : i32
      %dma_start3A_506 = tpu.memref_slice %arg7[%dma_start3A_503, %dma_start3A_504, %dma_start3A_505] : memref<32x2x64xi32, #tpu.memory_space<vmem>> -> memref<1x1x64xi32, #tpu.memory_space<vmem>>
      %dma_start3A_507 = tpu.memref_squeeze %dma_start3A_506 : memref<1x1x64xi32, #tpu.memory_space<vmem>> -> memref<64xi32, #tpu.memory_space<vmem>>
      %dma_start3A_508 = arith.constant 0 : i32
      %dma_start3A_509 = arith.constant 0 : i32
      %dma_start3A_510 = tpu.memref_slice %arg2[%dma_start3A_508, %dma_start3A_509] : memref<20480x128xf32, #tpu.memory_space<hbm>> -> memref<20480x128xf32, #tpu.memory_space<hbm>>
      tpu.enqueue_indirect_dma source(%dma_start3A_510 : memref<20480x128xf32, #tpu.memory_space<hbm>>) target(%arg9 : memref<64x128xf32, #tpu.memory_space<vmem>>) offsets(%dma_start3A_507 : memref<64xi32, #tpu.memory_space<vmem>>) semaphore(%arg13 : memref<!tpu.dma_semaphore, #tpu.memory_space<semaphore_mem>>)
      %dma_wait3A_511 = arith.constant 21 : i32
      %dma_wait3A_512 = arith.constant 0 : i32
      %dma_wait3A_513 = arith.constant 0 : i32
      %dma_wait3A_514 = tpu.memref_slice %arg7[%dma_wait3A_511, %dma_wait3A_512, %dma_wait3A_513] : memref<32x2x64xi32, #tpu.memory_space<vmem>> -> memref<1x1x64xi32, #tpu.memory_space<vmem>>
      %dma_wait3A_515 = tpu.memref_squeeze %dma_wait3A_514 : memref<1x1x64xi32, #tpu.memory_space<vmem>> -> memref<64xi32, #tpu.memory_space<vmem>>
      %dma_wait3A_516 = arith.constant 0 : i32
      %dma_wait3A_517 = arith.constant 0 : i32
      %dma_wait3A_518 = tpu.memref_slice %arg2[%dma_wait3A_516, %dma_wait3A_517] : memref<20480x128xf32, #tpu.memory_space<hbm>> -> memref<20480x128xf32, #tpu.memory_space<hbm>>
      tpu.wait_indirect_dma semaphore(%arg14 : memref<!tpu.dma_semaphore, #tpu.memory_space<semaphore_mem>>) src(%dma_wait3A_518 : memref<20480x128xf32, #tpu.memory_space<hbm>>) dst(%arg10 : memref<64x128xf32, #tpu.memory_space<vmem>>)
      %run_scoped3A_519 = arith.constant 21 : i32
      %run_scoped3A_520 = arith.constant 1 : i32
      "tpu.region"() ({
        %run_scoped3A_1296 = tpu.sem_alloc : memref<!tpu.dma_semaphore, #tpu.memory_space<semaphore_mem>>
        %dma_start3A_1297 = arith.constant 0 : i32
        %dma_start3A_1298 = tpu.memref_slice %arg7[%run_scoped3A_519, %run_scoped3A_520, %dma_start3A_1297] : memref<32x2x64xi32, #tpu.memory_space<vmem>> -> memref<1x1x64xi32, #tpu.memory_space<vmem>>
        %dma_start3A_1299 = tpu.memref_squeeze %dma_start3A_1298 : memref<1x1x64xi32, #tpu.memory_space<vmem>> -> memref<64xi32, #tpu.memory_space<vmem>>
        %dma_start3A_1300 = arith.constant 0 : i32
        %dma_start3A_1301 = arith.constant 0 : i32
        %dma_start3A_1302 = tpu.memref_slice %arg6[%dma_start3A_1300, %dma_start3A_1301] : memref<10240x128xf32, #tpu.memory_space<vmem_shared>> -> memref<10240x128xf32, #tpu.memory_space<vmem_shared>>
        tpu.enqueue_indirect_dma source(%arg10 : memref<64x128xf32, #tpu.memory_space<vmem>>) target(%dma_start3A_1302 : memref<10240x128xf32, #tpu.memory_space<vmem_shared>>) offsets(%dma_start3A_1299 : memref<64xi32, #tpu.memory_space<vmem>>) semaphore(%run_scoped3A_1296 : memref<!tpu.dma_semaphore, #tpu.memory_space<semaphore_mem>>) {add = true}
        %dma_wait3A_1303 = arith.constant 0 : i32
        %dma_wait3A_1304 = tpu.memref_slice %arg7[%run_scoped3A_519, %run_scoped3A_520, %dma_wait3A_1303] : memref<32x2x64xi32, #tpu.memory_space<vmem>> -> memref<1x1x64xi32, #tpu.memory_space<vmem>>
        %dma_wait3A_1305 = tpu.memref_squeeze %dma_wait3A_1304 : memref<1x1x64xi32, #tpu.memory_space<vmem>> -> memref<64xi32, #tpu.memory_space<vmem>>
        %dma_wait3A_1306 = arith.constant 0 : i32
        %dma_wait3A_1307 = arith.constant 0 : i32
        %dma_wait3A_1308 = tpu.memref_slice %arg6[%dma_wait3A_1306, %dma_wait3A_1307] : memref<10240x128xf32, #tpu.memory_space<vmem_shared>> -> memref<10240x128xf32, #tpu.memory_space<vmem_shared>>
        tpu.wait_indirect_dma semaphore(%run_scoped3A_1296 : memref<!tpu.dma_semaphore, #tpu.memory_space<semaphore_mem>>) src(%arg10 : memref<64x128xf32, #tpu.memory_space<vmem>>) dst(%dma_wait3A_1308 : memref<10240x128xf32, #tpu.memory_space<vmem_shared>>)
        tpu.yield
      }) : () -> ()
      %dma_start3A_521 = arith.constant 25 : i32
      %dma_start3A_522 = arith.constant 0 : i32
      %dma_start3A_523 = arith.constant 0 : i32
      %dma_start3A_524 = tpu.memref_slice %arg7[%dma_start3A_521, %dma_start3A_522, %dma_start3A_523] : memref<32x2x64xi32, #tpu.memory_space<vmem>> -> memref<1x1x64xi32, #tpu.memory_space<vmem>>
      %dma_start3A_525 = tpu.memref_squeeze %dma_start3A_524 : memref<1x1x64xi32, #tpu.memory_space<vmem>> -> memref<64xi32, #tpu.memory_space<vmem>>
      %dma_start3A_526 = arith.constant 0 : i32
      %dma_start3A_527 = arith.constant 0 : i32
      %dma_start3A_528 = tpu.memref_slice %arg2[%dma_start3A_526, %dma_start3A_527] : memref<20480x128xf32, #tpu.memory_space<hbm>> -> memref<20480x128xf32, #tpu.memory_space<hbm>>
      tpu.enqueue_indirect_dma source(%dma_start3A_528 : memref<20480x128xf32, #tpu.memory_space<hbm>>) target(%arg10 : memref<64x128xf32, #tpu.memory_space<vmem>>) offsets(%dma_start3A_525 : memref<64xi32, #tpu.memory_space<vmem>>) semaphore(%arg14 : memref<!tpu.dma_semaphore, #tpu.memory_space<semaphore_mem>>)
      %dma_wait3A_529 = arith.constant 22 : i32
      %dma_wait3A_530 = arith.constant 0 : i32
      %dma_wait3A_531 = arith.constant 0 : i32
      %dma_wait3A_532 = tpu.memref_slice %arg7[%dma_wait3A_529, %dma_wait3A_530, %dma_wait3A_531] : memref<32x2x64xi32, #tpu.memory_space<vmem>> -> memref<1x1x64xi32, #tpu.memory_space<vmem>>
      %dma_wait3A_533 = tpu.memref_squeeze %dma_wait3A_532 : memref<1x1x64xi32, #tpu.memory_space<vmem>> -> memref<64xi32, #tpu.memory_space<vmem>>
      %dma_wait3A_534 = arith.constant 0 : i32
      %dma_wait3A_535 = arith.constant 0 : i32
      %dma_wait3A_536 = tpu.memref_slice %arg2[%dma_wait3A_534, %dma_wait3A_535] : memref<20480x128xf32, #tpu.memory_space<hbm>> -> memref<20480x128xf32, #tpu.memory_space<hbm>>
      tpu.wait_indirect_dma semaphore(%arg15 : memref<!tpu.dma_semaphore, #tpu.memory_space<semaphore_mem>>) src(%dma_wait3A_536 : memref<20480x128xf32, #tpu.memory_space<hbm>>) dst(%arg11 : memref<64x128xf32, #tpu.memory_space<vmem>>)
      %run_scoped3A_537 = arith.constant 22 : i32
      %run_scoped3A_538 = arith.constant 1 : i32
      "tpu.region"() ({
        %run_scoped3A_1296 = tpu.sem_alloc : memref<!tpu.dma_semaphore, #tpu.memory_space<semaphore_mem>>
        %dma_start3A_1297 = arith.constant 0 : i32
        %dma_start3A_1298 = tpu.memref_slice %arg7[%run_scoped3A_537, %run_scoped3A_538, %dma_start3A_1297] : memref<32x2x64xi32, #tpu.memory_space<vmem>> -> memref<1x1x64xi32, #tpu.memory_space<vmem>>
        %dma_start3A_1299 = tpu.memref_squeeze %dma_start3A_1298 : memref<1x1x64xi32, #tpu.memory_space<vmem>> -> memref<64xi32, #tpu.memory_space<vmem>>
        %dma_start3A_1300 = arith.constant 0 : i32
        %dma_start3A_1301 = arith.constant 0 : i32
        %dma_start3A_1302 = tpu.memref_slice %arg6[%dma_start3A_1300, %dma_start3A_1301] : memref<10240x128xf32, #tpu.memory_space<vmem_shared>> -> memref<10240x128xf32, #tpu.memory_space<vmem_shared>>
        tpu.enqueue_indirect_dma source(%arg11 : memref<64x128xf32, #tpu.memory_space<vmem>>) target(%dma_start3A_1302 : memref<10240x128xf32, #tpu.memory_space<vmem_shared>>) offsets(%dma_start3A_1299 : memref<64xi32, #tpu.memory_space<vmem>>) semaphore(%run_scoped3A_1296 : memref<!tpu.dma_semaphore, #tpu.memory_space<semaphore_mem>>) {add = true}
        %dma_wait3A_1303 = arith.constant 0 : i32
        %dma_wait3A_1304 = tpu.memref_slice %arg7[%run_scoped3A_537, %run_scoped3A_538, %dma_wait3A_1303] : memref<32x2x64xi32, #tpu.memory_space<vmem>> -> memref<1x1x64xi32, #tpu.memory_space<vmem>>
        %dma_wait3A_1305 = tpu.memref_squeeze %dma_wait3A_1304 : memref<1x1x64xi32, #tpu.memory_space<vmem>> -> memref<64xi32, #tpu.memory_space<vmem>>
        %dma_wait3A_1306 = arith.constant 0 : i32
        %dma_wait3A_1307 = arith.constant 0 : i32
        %dma_wait3A_1308 = tpu.memref_slice %arg6[%dma_wait3A_1306, %dma_wait3A_1307] : memref<10240x128xf32, #tpu.memory_space<vmem_shared>> -> memref<10240x128xf32, #tpu.memory_space<vmem_shared>>
        tpu.wait_indirect_dma semaphore(%run_scoped3A_1296 : memref<!tpu.dma_semaphore, #tpu.memory_space<semaphore_mem>>) src(%arg11 : memref<64x128xf32, #tpu.memory_space<vmem>>) dst(%dma_wait3A_1308 : memref<10240x128xf32, #tpu.memory_space<vmem_shared>>)
        tpu.yield
      }) : () -> ()
      %dma_start3A_539 = arith.constant 26 : i32
      %dma_start3A_540 = arith.constant 0 : i32
      %dma_start3A_541 = arith.constant 0 : i32
      %dma_start3A_542 = tpu.memref_slice %arg7[%dma_start3A_539, %dma_start3A_540, %dma_start3A_541] : memref<32x2x64xi32, #tpu.memory_space<vmem>> -> memref<1x1x64xi32, #tpu.memory_space<vmem>>
      %dma_start3A_543 = tpu.memref_squeeze %dma_start3A_542 : memref<1x1x64xi32, #tpu.memory_space<vmem>> -> memref<64xi32, #tpu.memory_space<vmem>>
      %dma_start3A_544 = arith.constant 0 : i32
      %dma_start3A_545 = arith.constant 0 : i32
      %dma_start3A_546 = tpu.memref_slice %arg2[%dma_start3A_544, %dma_start3A_545] : memref<20480x128xf32, #tpu.memory_space<hbm>> -> memref<20480x128xf32, #tpu.memory_space<hbm>>
      tpu.enqueue_indirect_dma source(%dma_start3A_546 : memref<20480x128xf32, #tpu.memory_space<hbm>>) target(%arg11 : memref<64x128xf32, #tpu.memory_space<vmem>>) offsets(%dma_start3A_543 : memref<64xi32, #tpu.memory_space<vmem>>) semaphore(%arg15 : memref<!tpu.dma_semaphore, #tpu.memory_space<semaphore_mem>>)
      %dma_wait3A_547 = arith.constant 23 : i32
      %dma_wait3A_548 = arith.constant 0 : i32
      %dma_wait3A_549 = arith.constant 0 : i32
      %dma_wait3A_550 = tpu.memref_slice %arg7[%dma_wait3A_547, %dma_wait3A_548, %dma_wait3A_549] : memref<32x2x64xi32, #tpu.memory_space<vmem>> -> memref<1x1x64xi32, #tpu.memory_space<vmem>>
      %dma_wait3A_551 = tpu.memref_squeeze %dma_wait3A_550 : memref<1x1x64xi32, #tpu.memory_space<vmem>> -> memref<64xi32, #tpu.memory_space<vmem>>
      %dma_wait3A_552 = arith.constant 0 : i32
      %dma_wait3A_553 = arith.constant 0 : i32
      %dma_wait3A_554 = tpu.memref_slice %arg2[%dma_wait3A_552, %dma_wait3A_553] : memref<20480x128xf32, #tpu.memory_space<hbm>> -> memref<20480x128xf32, #tpu.memory_space<hbm>>
      tpu.wait_indirect_dma semaphore(%arg16 : memref<!tpu.dma_semaphore, #tpu.memory_space<semaphore_mem>>) src(%dma_wait3A_554 : memref<20480x128xf32, #tpu.memory_space<hbm>>) dst(%arg12 : memref<64x128xf32, #tpu.memory_space<vmem>>)
      %run_scoped3A_555 = arith.constant 23 : i32
      %run_scoped3A_556 = arith.constant 1 : i32
      "tpu.region"() ({
        %run_scoped3A_1296 = tpu.sem_alloc : memref<!tpu.dma_semaphore, #tpu.memory_space<semaphore_mem>>
        %dma_start3A_1297 = arith.constant 0 : i32
        %dma_start3A_1298 = tpu.memref_slice %arg7[%run_scoped3A_555, %run_scoped3A_556, %dma_start3A_1297] : memref<32x2x64xi32, #tpu.memory_space<vmem>> -> memref<1x1x64xi32, #tpu.memory_space<vmem>>
        %dma_start3A_1299 = tpu.memref_squeeze %dma_start3A_1298 : memref<1x1x64xi32, #tpu.memory_space<vmem>> -> memref<64xi32, #tpu.memory_space<vmem>>
        %dma_start3A_1300 = arith.constant 0 : i32
        %dma_start3A_1301 = arith.constant 0 : i32
        %dma_start3A_1302 = tpu.memref_slice %arg6[%dma_start3A_1300, %dma_start3A_1301] : memref<10240x128xf32, #tpu.memory_space<vmem_shared>> -> memref<10240x128xf32, #tpu.memory_space<vmem_shared>>
        tpu.enqueue_indirect_dma source(%arg12 : memref<64x128xf32, #tpu.memory_space<vmem>>) target(%dma_start3A_1302 : memref<10240x128xf32, #tpu.memory_space<vmem_shared>>) offsets(%dma_start3A_1299 : memref<64xi32, #tpu.memory_space<vmem>>) semaphore(%run_scoped3A_1296 : memref<!tpu.dma_semaphore, #tpu.memory_space<semaphore_mem>>) {add = true}
        %dma_wait3A_1303 = arith.constant 0 : i32
        %dma_wait3A_1304 = tpu.memref_slice %arg7[%run_scoped3A_555, %run_scoped3A_556, %dma_wait3A_1303] : memref<32x2x64xi32, #tpu.memory_space<vmem>> -> memref<1x1x64xi32, #tpu.memory_space<vmem>>
        %dma_wait3A_1305 = tpu.memref_squeeze %dma_wait3A_1304 : memref<1x1x64xi32, #tpu.memory_space<vmem>> -> memref<64xi32, #tpu.memory_space<vmem>>
        %dma_wait3A_1306 = arith.constant 0 : i32
        %dma_wait3A_1307 = arith.constant 0 : i32
        %dma_wait3A_1308 = tpu.memref_slice %arg6[%dma_wait3A_1306, %dma_wait3A_1307] : memref<10240x128xf32, #tpu.memory_space<vmem_shared>> -> memref<10240x128xf32, #tpu.memory_space<vmem_shared>>
        tpu.wait_indirect_dma semaphore(%run_scoped3A_1296 : memref<!tpu.dma_semaphore, #tpu.memory_space<semaphore_mem>>) src(%arg12 : memref<64x128xf32, #tpu.memory_space<vmem>>) dst(%dma_wait3A_1308 : memref<10240x128xf32, #tpu.memory_space<vmem_shared>>)
        tpu.yield
      }) : () -> ()
      %dma_start3A_557 = arith.constant 27 : i32
      %dma_start3A_558 = arith.constant 0 : i32
      %dma_start3A_559 = arith.constant 0 : i32
      %dma_start3A_560 = tpu.memref_slice %arg7[%dma_start3A_557, %dma_start3A_558, %dma_start3A_559] : memref<32x2x64xi32, #tpu.memory_space<vmem>> -> memref<1x1x64xi32, #tpu.memory_space<vmem>>
      %dma_start3A_561 = tpu.memref_squeeze %dma_start3A_560 : memref<1x1x64xi32, #tpu.memory_space<vmem>> -> memref<64xi32, #tpu.memory_space<vmem>>
      %dma_start3A_562 = arith.constant 0 : i32
      %dma_start3A_563 = arith.constant 0 : i32
      %dma_start3A_564 = tpu.memref_slice %arg2[%dma_start3A_562, %dma_start3A_563] : memref<20480x128xf32, #tpu.memory_space<hbm>> -> memref<20480x128xf32, #tpu.memory_space<hbm>>
      tpu.enqueue_indirect_dma source(%dma_start3A_564 : memref<20480x128xf32, #tpu.memory_space<hbm>>) target(%arg12 : memref<64x128xf32, #tpu.memory_space<vmem>>) offsets(%dma_start3A_561 : memref<64xi32, #tpu.memory_space<vmem>>) semaphore(%arg16 : memref<!tpu.dma_semaphore, #tpu.memory_space<semaphore_mem>>)
      %dma_wait3A_565 = arith.constant 24 : i32
      %dma_wait3A_566 = arith.constant 0 : i32
      %dma_wait3A_567 = arith.constant 0 : i32
      %dma_wait3A_568 = tpu.memref_slice %arg7[%dma_wait3A_565, %dma_wait3A_566, %dma_wait3A_567] : memref<32x2x64xi32, #tpu.memory_space<vmem>> -> memref<1x1x64xi32, #tpu.memory_space<vmem>>
      %dma_wait3A_569 = tpu.memref_squeeze %dma_wait3A_568 : memref<1x1x64xi32, #tpu.memory_space<vmem>> -> memref<64xi32, #tpu.memory_space<vmem>>
      %dma_wait3A_570 = arith.constant 0 : i32
      %dma_wait3A_571 = arith.constant 0 : i32
      %dma_wait3A_572 = tpu.memref_slice %arg2[%dma_wait3A_570, %dma_wait3A_571] : memref<20480x128xf32, #tpu.memory_space<hbm>> -> memref<20480x128xf32, #tpu.memory_space<hbm>>
      tpu.wait_indirect_dma semaphore(%arg13 : memref<!tpu.dma_semaphore, #tpu.memory_space<semaphore_mem>>) src(%dma_wait3A_572 : memref<20480x128xf32, #tpu.memory_space<hbm>>) dst(%arg9 : memref<64x128xf32, #tpu.memory_space<vmem>>)
      %run_scoped3A_573 = arith.constant 24 : i32
      %run_scoped3A_574 = arith.constant 1 : i32
      "tpu.region"() ({
        %run_scoped3A_1296 = tpu.sem_alloc : memref<!tpu.dma_semaphore, #tpu.memory_space<semaphore_mem>>
        %dma_start3A_1297 = arith.constant 0 : i32
        %dma_start3A_1298 = tpu.memref_slice %arg7[%run_scoped3A_573, %run_scoped3A_574, %dma_start3A_1297] : memref<32x2x64xi32, #tpu.memory_space<vmem>> -> memref<1x1x64xi32, #tpu.memory_space<vmem>>
        %dma_start3A_1299 = tpu.memref_squeeze %dma_start3A_1298 : memref<1x1x64xi32, #tpu.memory_space<vmem>> -> memref<64xi32, #tpu.memory_space<vmem>>
        %dma_start3A_1300 = arith.constant 0 : i32
        %dma_start3A_1301 = arith.constant 0 : i32
        %dma_start3A_1302 = tpu.memref_slice %arg6[%dma_start3A_1300, %dma_start3A_1301] : memref<10240x128xf32, #tpu.memory_space<vmem_shared>> -> memref<10240x128xf32, #tpu.memory_space<vmem_shared>>
        tpu.enqueue_indirect_dma source(%arg9 : memref<64x128xf32, #tpu.memory_space<vmem>>) target(%dma_start3A_1302 : memref<10240x128xf32, #tpu.memory_space<vmem_shared>>) offsets(%dma_start3A_1299 : memref<64xi32, #tpu.memory_space<vmem>>) semaphore(%run_scoped3A_1296 : memref<!tpu.dma_semaphore, #tpu.memory_space<semaphore_mem>>) {add = true}
        %dma_wait3A_1303 = arith.constant 0 : i32
        %dma_wait3A_1304 = tpu.memref_slice %arg7[%run_scoped3A_573, %run_scoped3A_574, %dma_wait3A_1303] : memref<32x2x64xi32, #tpu.memory_space<vmem>> -> memref<1x1x64xi32, #tpu.memory_space<vmem>>
        %dma_wait3A_1305 = tpu.memref_squeeze %dma_wait3A_1304 : memref<1x1x64xi32, #tpu.memory_space<vmem>> -> memref<64xi32, #tpu.memory_space<vmem>>
        %dma_wait3A_1306 = arith.constant 0 : i32
        %dma_wait3A_1307 = arith.constant 0 : i32
        %dma_wait3A_1308 = tpu.memref_slice %arg6[%dma_wait3A_1306, %dma_wait3A_1307] : memref<10240x128xf32, #tpu.memory_space<vmem_shared>> -> memref<10240x128xf32, #tpu.memory_space<vmem_shared>>
        tpu.wait_indirect_dma semaphore(%run_scoped3A_1296 : memref<!tpu.dma_semaphore, #tpu.memory_space<semaphore_mem>>) src(%arg9 : memref<64x128xf32, #tpu.memory_space<vmem>>) dst(%dma_wait3A_1308 : memref<10240x128xf32, #tpu.memory_space<vmem_shared>>)
        tpu.yield
      }) : () -> ()
      %dma_start3A_575 = arith.constant 28 : i32
      %dma_start3A_576 = arith.constant 0 : i32
      %dma_start3A_577 = arith.constant 0 : i32
      %dma_start3A_578 = tpu.memref_slice %arg7[%dma_start3A_575, %dma_start3A_576, %dma_start3A_577] : memref<32x2x64xi32, #tpu.memory_space<vmem>> -> memref<1x1x64xi32, #tpu.memory_space<vmem>>
      %dma_start3A_579 = tpu.memref_squeeze %dma_start3A_578 : memref<1x1x64xi32, #tpu.memory_space<vmem>> -> memref<64xi32, #tpu.memory_space<vmem>>
      %dma_start3A_580 = arith.constant 0 : i32
      %dma_start3A_581 = arith.constant 0 : i32
      %dma_start3A_582 = tpu.memref_slice %arg2[%dma_start3A_580, %dma_start3A_581] : memref<20480x128xf32, #tpu.memory_space<hbm>> -> memref<20480x128xf32, #tpu.memory_space<hbm>>
      tpu.enqueue_indirect_dma source(%dma_start3A_582 : memref<20480x128xf32, #tpu.memory_space<hbm>>) target(%arg9 : memref<64x128xf32, #tpu.memory_space<vmem>>) offsets(%dma_start3A_579 : memref<64xi32, #tpu.memory_space<vmem>>) semaphore(%arg13 : memref<!tpu.dma_semaphore, #tpu.memory_space<semaphore_mem>>)
      %dma_wait3A_583 = arith.constant 25 : i32
      %dma_wait3A_584 = arith.constant 0 : i32
      %dma_wait3A_585 = arith.constant 0 : i32
      %dma_wait3A_586 = tpu.memref_slice %arg7[%dma_wait3A_583, %dma_wait3A_584, %dma_wait3A_585] : memref<32x2x64xi32, #tpu.memory_space<vmem>> -> memref<1x1x64xi32, #tpu.memory_space<vmem>>
      %dma_wait3A_587 = tpu.memref_squeeze %dma_wait3A_586 : memref<1x1x64xi32, #tpu.memory_space<vmem>> -> memref<64xi32, #tpu.memory_space<vmem>>
      %dma_wait3A_588 = arith.constant 0 : i32
      %dma_wait3A_589 = arith.constant 0 : i32
      %dma_wait3A_590 = tpu.memref_slice %arg2[%dma_wait3A_588, %dma_wait3A_589] : memref<20480x128xf32, #tpu.memory_space<hbm>> -> memref<20480x128xf32, #tpu.memory_space<hbm>>
      tpu.wait_indirect_dma semaphore(%arg14 : memref<!tpu.dma_semaphore, #tpu.memory_space<semaphore_mem>>) src(%dma_wait3A_590 : memref<20480x128xf32, #tpu.memory_space<hbm>>) dst(%arg10 : memref<64x128xf32, #tpu.memory_space<vmem>>)
      %run_scoped3A_591 = arith.constant 25 : i32
      %run_scoped3A_592 = arith.constant 1 : i32
      "tpu.region"() ({
        %run_scoped3A_1296 = tpu.sem_alloc : memref<!tpu.dma_semaphore, #tpu.memory_space<semaphore_mem>>
        %dma_start3A_1297 = arith.constant 0 : i32
        %dma_start3A_1298 = tpu.memref_slice %arg7[%run_scoped3A_591, %run_scoped3A_592, %dma_start3A_1297] : memref<32x2x64xi32, #tpu.memory_space<vmem>> -> memref<1x1x64xi32, #tpu.memory_space<vmem>>
        %dma_start3A_1299 = tpu.memref_squeeze %dma_start3A_1298 : memref<1x1x64xi32, #tpu.memory_space<vmem>> -> memref<64xi32, #tpu.memory_space<vmem>>
        %dma_start3A_1300 = arith.constant 0 : i32
        %dma_start3A_1301 = arith.constant 0 : i32
        %dma_start3A_1302 = tpu.memref_slice %arg6[%dma_start3A_1300, %dma_start3A_1301] : memref<10240x128xf32, #tpu.memory_space<vmem_shared>> -> memref<10240x128xf32, #tpu.memory_space<vmem_shared>>
        tpu.enqueue_indirect_dma source(%arg10 : memref<64x128xf32, #tpu.memory_space<vmem>>) target(%dma_start3A_1302 : memref<10240x128xf32, #tpu.memory_space<vmem_shared>>) offsets(%dma_start3A_1299 : memref<64xi32, #tpu.memory_space<vmem>>) semaphore(%run_scoped3A_1296 : memref<!tpu.dma_semaphore, #tpu.memory_space<semaphore_mem>>) {add = true}
        %dma_wait3A_1303 = arith.constant 0 : i32
        %dma_wait3A_1304 = tpu.memref_slice %arg7[%run_scoped3A_591, %run_scoped3A_592, %dma_wait3A_1303] : memref<32x2x64xi32, #tpu.memory_space<vmem>> -> memref<1x1x64xi32, #tpu.memory_space<vmem>>
        %dma_wait3A_1305 = tpu.memref_squeeze %dma_wait3A_1304 : memref<1x1x64xi32, #tpu.memory_space<vmem>> -> memref<64xi32, #tpu.memory_space<vmem>>
        %dma_wait3A_1306 = arith.constant 0 : i32
        %dma_wait3A_1307 = arith.constant 0 : i32
        %dma_wait3A_1308 = tpu.memref_slice %arg6[%dma_wait3A_1306, %dma_wait3A_1307] : memref<10240x128xf32, #tpu.memory_space<vmem_shared>> -> memref<10240x128xf32, #tpu.memory_space<vmem_shared>>
        tpu.wait_indirect_dma semaphore(%run_scoped3A_1296 : memref<!tpu.dma_semaphore, #tpu.memory_space<semaphore_mem>>) src(%arg10 : memref<64x128xf32, #tpu.memory_space<vmem>>) dst(%dma_wait3A_1308 : memref<10240x128xf32, #tpu.memory_space<vmem_shared>>)
        tpu.yield
      }) : () -> ()
      %dma_start3A_593 = arith.constant 29 : i32
      %dma_start3A_594 = arith.constant 0 : i32
      %dma_start3A_595 = arith.constant 0 : i32
      %dma_start3A_596 = tpu.memref_slice %arg7[%dma_start3A_593, %dma_start3A_594, %dma_start3A_595] : memref<32x2x64xi32, #tpu.memory_space<vmem>> -> memref<1x1x64xi32, #tpu.memory_space<vmem>>
      %dma_start3A_597 = tpu.memref_squeeze %dma_start3A_596 : memref<1x1x64xi32, #tpu.memory_space<vmem>> -> memref<64xi32, #tpu.memory_space<vmem>>
      %dma_start3A_598 = arith.constant 0 : i32
      %dma_start3A_599 = arith.constant 0 : i32
      %dma_start3A_600 = tpu.memref_slice %arg2[%dma_start3A_598, %dma_start3A_599] : memref<20480x128xf32, #tpu.memory_space<hbm>> -> memref<20480x128xf32, #tpu.memory_space<hbm>>
      tpu.enqueue_indirect_dma source(%dma_start3A_600 : memref<20480x128xf32, #tpu.memory_space<hbm>>) target(%arg10 : memref<64x128xf32, #tpu.memory_space<vmem>>) offsets(%dma_start3A_597 : memref<64xi32, #tpu.memory_space<vmem>>) semaphore(%arg14 : memref<!tpu.dma_semaphore, #tpu.memory_space<semaphore_mem>>)
      %dma_wait3A_601 = arith.constant 26 : i32
      %dma_wait3A_602 = arith.constant 0 : i32
      %dma_wait3A_603 = arith.constant 0 : i32
      %dma_wait3A_604 = tpu.memref_slice %arg7[%dma_wait3A_601, %dma_wait3A_602, %dma_wait3A_603] : memref<32x2x64xi32, #tpu.memory_space<vmem>> -> memref<1x1x64xi32, #tpu.memory_space<vmem>>
      %dma_wait3A_605 = tpu.memref_squeeze %dma_wait3A_604 : memref<1x1x64xi32, #tpu.memory_space<vmem>> -> memref<64xi32, #tpu.memory_space<vmem>>
      %dma_wait3A_606 = arith.constant 0 : i32
      %dma_wait3A_607 = arith.constant 0 : i32
      %dma_wait3A_608 = tpu.memref_slice %arg2[%dma_wait3A_606, %dma_wait3A_607] : memref<20480x128xf32, #tpu.memory_space<hbm>> -> memref<20480x128xf32, #tpu.memory_space<hbm>>
      tpu.wait_indirect_dma semaphore(%arg15 : memref<!tpu.dma_semaphore, #tpu.memory_space<semaphore_mem>>) src(%dma_wait3A_608 : memref<20480x128xf32, #tpu.memory_space<hbm>>) dst(%arg11 : memref<64x128xf32, #tpu.memory_space<vmem>>)
      %run_scoped3A_609 = arith.constant 26 : i32
      %run_scoped3A_610 = arith.constant 1 : i32
      "tpu.region"() ({
        %run_scoped3A_1296 = tpu.sem_alloc : memref<!tpu.dma_semaphore, #tpu.memory_space<semaphore_mem>>
        %dma_start3A_1297 = arith.constant 0 : i32
        %dma_start3A_1298 = tpu.memref_slice %arg7[%run_scoped3A_609, %run_scoped3A_610, %dma_start3A_1297] : memref<32x2x64xi32, #tpu.memory_space<vmem>> -> memref<1x1x64xi32, #tpu.memory_space<vmem>>
        %dma_start3A_1299 = tpu.memref_squeeze %dma_start3A_1298 : memref<1x1x64xi32, #tpu.memory_space<vmem>> -> memref<64xi32, #tpu.memory_space<vmem>>
        %dma_start3A_1300 = arith.constant 0 : i32
        %dma_start3A_1301 = arith.constant 0 : i32
        %dma_start3A_1302 = tpu.memref_slice %arg6[%dma_start3A_1300, %dma_start3A_1301] : memref<10240x128xf32, #tpu.memory_space<vmem_shared>> -> memref<10240x128xf32, #tpu.memory_space<vmem_shared>>
        tpu.enqueue_indirect_dma source(%arg11 : memref<64x128xf32, #tpu.memory_space<vmem>>) target(%dma_start3A_1302 : memref<10240x128xf32, #tpu.memory_space<vmem_shared>>) offsets(%dma_start3A_1299 : memref<64xi32, #tpu.memory_space<vmem>>) semaphore(%run_scoped3A_1296 : memref<!tpu.dma_semaphore, #tpu.memory_space<semaphore_mem>>) {add = true}
        %dma_wait3A_1303 = arith.constant 0 : i32
        %dma_wait3A_1304 = tpu.memref_slice %arg7[%run_scoped3A_609, %run_scoped3A_610, %dma_wait3A_1303] : memref<32x2x64xi32, #tpu.memory_space<vmem>> -> memref<1x1x64xi32, #tpu.memory_space<vmem>>
        %dma_wait3A_1305 = tpu.memref_squeeze %dma_wait3A_1304 : memref<1x1x64xi32, #tpu.memory_space<vmem>> -> memref<64xi32, #tpu.memory_space<vmem>>
        %dma_wait3A_1306 = arith.constant 0 : i32
        %dma_wait3A_1307 = arith.constant 0 : i32
        %dma_wait3A_1308 = tpu.memref_slice %arg6[%dma_wait3A_1306, %dma_wait3A_1307] : memref<10240x128xf32, #tpu.memory_space<vmem_shared>> -> memref<10240x128xf32, #tpu.memory_space<vmem_shared>>
        tpu.wait_indirect_dma semaphore(%run_scoped3A_1296 : memref<!tpu.dma_semaphore, #tpu.memory_space<semaphore_mem>>) src(%arg11 : memref<64x128xf32, #tpu.memory_space<vmem>>) dst(%dma_wait3A_1308 : memref<10240x128xf32, #tpu.memory_space<vmem_shared>>)
        tpu.yield
      }) : () -> ()
      %dma_start3A_611 = arith.constant 30 : i32
      %dma_start3A_612 = arith.constant 0 : i32
      %dma_start3A_613 = arith.constant 0 : i32
      %dma_start3A_614 = tpu.memref_slice %arg7[%dma_start3A_611, %dma_start3A_612, %dma_start3A_613] : memref<32x2x64xi32, #tpu.memory_space<vmem>> -> memref<1x1x64xi32, #tpu.memory_space<vmem>>
      %dma_start3A_615 = tpu.memref_squeeze %dma_start3A_614 : memref<1x1x64xi32, #tpu.memory_space<vmem>> -> memref<64xi32, #tpu.memory_space<vmem>>
      %dma_start3A_616 = arith.constant 0 : i32
      %dma_start3A_617 = arith.constant 0 : i32
      %dma_start3A_618 = tpu.memref_slice %arg2[%dma_start3A_616, %dma_start3A_617] : memref<20480x128xf32, #tpu.memory_space<hbm>> -> memref<20480x128xf32, #tpu.memory_space<hbm>>
      tpu.enqueue_indirect_dma source(%dma_start3A_618 : memref<20480x128xf32, #tpu.memory_space<hbm>>) target(%arg11 : memref<64x128xf32, #tpu.memory_space<vmem>>) offsets(%dma_start3A_615 : memref<64xi32, #tpu.memory_space<vmem>>) semaphore(%arg15 : memref<!tpu.dma_semaphore, #tpu.memory_space<semaphore_mem>>)
      %dma_wait3A_619 = arith.constant 27 : i32
      %dma_wait3A_620 = arith.constant 0 : i32
      %dma_wait3A_621 = arith.constant 0 : i32
      %dma_wait3A_622 = tpu.memref_slice %arg7[%dma_wait3A_619, %dma_wait3A_620, %dma_wait3A_621] : memref<32x2x64xi32, #tpu.memory_space<vmem>> -> memref<1x1x64xi32, #tpu.memory_space<vmem>>
      %dma_wait3A_623 = tpu.memref_squeeze %dma_wait3A_622 : memref<1x1x64xi32, #tpu.memory_space<vmem>> -> memref<64xi32, #tpu.memory_space<vmem>>
      %dma_wait3A_624 = arith.constant 0 : i32
      %dma_wait3A_625 = arith.constant 0 : i32
      %dma_wait3A_626 = tpu.memref_slice %arg2[%dma_wait3A_624, %dma_wait3A_625] : memref<20480x128xf32, #tpu.memory_space<hbm>> -> memref<20480x128xf32, #tpu.memory_space<hbm>>
      tpu.wait_indirect_dma semaphore(%arg16 : memref<!tpu.dma_semaphore, #tpu.memory_space<semaphore_mem>>) src(%dma_wait3A_626 : memref<20480x128xf32, #tpu.memory_space<hbm>>) dst(%arg12 : memref<64x128xf32, #tpu.memory_space<vmem>>)
      %run_scoped3A_627 = arith.constant 27 : i32
      %run_scoped3A_628 = arith.constant 1 : i32
      "tpu.region"() ({
        %run_scoped3A_1296 = tpu.sem_alloc : memref<!tpu.dma_semaphore, #tpu.memory_space<semaphore_mem>>
        %dma_start3A_1297 = arith.constant 0 : i32
        %dma_start3A_1298 = tpu.memref_slice %arg7[%run_scoped3A_627, %run_scoped3A_628, %dma_start3A_1297] : memref<32x2x64xi32, #tpu.memory_space<vmem>> -> memref<1x1x64xi32, #tpu.memory_space<vmem>>
        %dma_start3A_1299 = tpu.memref_squeeze %dma_start3A_1298 : memref<1x1x64xi32, #tpu.memory_space<vmem>> -> memref<64xi32, #tpu.memory_space<vmem>>
        %dma_start3A_1300 = arith.constant 0 : i32
        %dma_start3A_1301 = arith.constant 0 : i32
        %dma_start3A_1302 = tpu.memref_slice %arg6[%dma_start3A_1300, %dma_start3A_1301] : memref<10240x128xf32, #tpu.memory_space<vmem_shared>> -> memref<10240x128xf32, #tpu.memory_space<vmem_shared>>
        tpu.enqueue_indirect_dma source(%arg12 : memref<64x128xf32, #tpu.memory_space<vmem>>) target(%dma_start3A_1302 : memref<10240x128xf32, #tpu.memory_space<vmem_shared>>) offsets(%dma_start3A_1299 : memref<64xi32, #tpu.memory_space<vmem>>) semaphore(%run_scoped3A_1296 : memref<!tpu.dma_semaphore, #tpu.memory_space<semaphore_mem>>) {add = true}
        %dma_wait3A_1303 = arith.constant 0 : i32
        %dma_wait3A_1304 = tpu.memref_slice %arg7[%run_scoped3A_627, %run_scoped3A_628, %dma_wait3A_1303] : memref<32x2x64xi32, #tpu.memory_space<vmem>> -> memref<1x1x64xi32, #tpu.memory_space<vmem>>
        %dma_wait3A_1305 = tpu.memref_squeeze %dma_wait3A_1304 : memref<1x1x64xi32, #tpu.memory_space<vmem>> -> memref<64xi32, #tpu.memory_space<vmem>>
        %dma_wait3A_1306 = arith.constant 0 : i32
        %dma_wait3A_1307 = arith.constant 0 : i32
        %dma_wait3A_1308 = tpu.memref_slice %arg6[%dma_wait3A_1306, %dma_wait3A_1307] : memref<10240x128xf32, #tpu.memory_space<vmem_shared>> -> memref<10240x128xf32, #tpu.memory_space<vmem_shared>>
        tpu.wait_indirect_dma semaphore(%run_scoped3A_1296 : memref<!tpu.dma_semaphore, #tpu.memory_space<semaphore_mem>>) src(%arg12 : memref<64x128xf32, #tpu.memory_space<vmem>>) dst(%dma_wait3A_1308 : memref<10240x128xf32, #tpu.memory_space<vmem_shared>>)
        tpu.yield
      }) : () -> ()
      %dma_start3A_629 = arith.constant 31 : i32
      %dma_start3A_630 = arith.constant 0 : i32
      %dma_start3A_631 = arith.constant 0 : i32
      %dma_start3A_632 = tpu.memref_slice %arg7[%dma_start3A_629, %dma_start3A_630, %dma_start3A_631] : memref<32x2x64xi32, #tpu.memory_space<vmem>> -> memref<1x1x64xi32, #tpu.memory_space<vmem>>
      %dma_start3A_633 = tpu.memref_squeeze %dma_start3A_632 : memref<1x1x64xi32, #tpu.memory_space<vmem>> -> memref<64xi32, #tpu.memory_space<vmem>>
      %dma_start3A_634 = arith.constant 0 : i32
      %dma_start3A_635 = arith.constant 0 : i32
      %dma_start3A_636 = tpu.memref_slice %arg2[%dma_start3A_634, %dma_start3A_635] : memref<20480x128xf32, #tpu.memory_space<hbm>> -> memref<20480x128xf32, #tpu.memory_space<hbm>>
      tpu.enqueue_indirect_dma source(%dma_start3A_636 : memref<20480x128xf32, #tpu.memory_space<hbm>>) target(%arg12 : memref<64x128xf32, #tpu.memory_space<vmem>>) offsets(%dma_start3A_633 : memref<64xi32, #tpu.memory_space<vmem>>) semaphore(%arg16 : memref<!tpu.dma_semaphore, #tpu.memory_space<semaphore_mem>>)
      %dma_wait3A_637 = arith.constant 28 : i32
      %dma_wait3A_638 = arith.constant 0 : i32
      %dma_wait3A_639 = arith.constant 0 : i32
      %dma_wait3A_640 = tpu.memref_slice %arg7[%dma_wait3A_637, %dma_wait3A_638, %dma_wait3A_639] : memref<32x2x64xi32, #tpu.memory_space<vmem>> -> memref<1x1x64xi32, #tpu.memory_space<vmem>>
      %dma_wait3A_641 = tpu.memref_squeeze %dma_wait3A_640 : memref<1x1x64xi32, #tpu.memory_space<vmem>> -> memref<64xi32, #tpu.memory_space<vmem>>
      %dma_wait3A_642 = arith.constant 0 : i32
      %dma_wait3A_643 = arith.constant 0 : i32
      %dma_wait3A_644 = tpu.memref_slice %arg2[%dma_wait3A_642, %dma_wait3A_643] : memref<20480x128xf32, #tpu.memory_space<hbm>> -> memref<20480x128xf32, #tpu.memory_space<hbm>>
      tpu.wait_indirect_dma semaphore(%arg13 : memref<!tpu.dma_semaphore, #tpu.memory_space<semaphore_mem>>) src(%dma_wait3A_644 : memref<20480x128xf32, #tpu.memory_space<hbm>>) dst(%arg9 : memref<64x128xf32, #tpu.memory_space<vmem>>)
      %run_scoped3A_645 = arith.constant 28 : i32
      %run_scoped3A_646 = arith.constant 1 : i32
      "tpu.region"() ({
        %run_scoped3A_1296 = tpu.sem_alloc : memref<!tpu.dma_semaphore, #tpu.memory_space<semaphore_mem>>
        %dma_start3A_1297 = arith.constant 0 : i32
        %dma_start3A_1298 = tpu.memref_slice %arg7[%run_scoped3A_645, %run_scoped3A_646, %dma_start3A_1297] : memref<32x2x64xi32, #tpu.memory_space<vmem>> -> memref<1x1x64xi32, #tpu.memory_space<vmem>>
        %dma_start3A_1299 = tpu.memref_squeeze %dma_start3A_1298 : memref<1x1x64xi32, #tpu.memory_space<vmem>> -> memref<64xi32, #tpu.memory_space<vmem>>
        %dma_start3A_1300 = arith.constant 0 : i32
        %dma_start3A_1301 = arith.constant 0 : i32
        %dma_start3A_1302 = tpu.memref_slice %arg6[%dma_start3A_1300, %dma_start3A_1301] : memref<10240x128xf32, #tpu.memory_space<vmem_shared>> -> memref<10240x128xf32, #tpu.memory_space<vmem_shared>>
        tpu.enqueue_indirect_dma source(%arg9 : memref<64x128xf32, #tpu.memory_space<vmem>>) target(%dma_start3A_1302 : memref<10240x128xf32, #tpu.memory_space<vmem_shared>>) offsets(%dma_start3A_1299 : memref<64xi32, #tpu.memory_space<vmem>>) semaphore(%run_scoped3A_1296 : memref<!tpu.dma_semaphore, #tpu.memory_space<semaphore_mem>>) {add = true}
        %dma_wait3A_1303 = arith.constant 0 : i32
        %dma_wait3A_1304 = tpu.memref_slice %arg7[%run_scoped3A_645, %run_scoped3A_646, %dma_wait3A_1303] : memref<32x2x64xi32, #tpu.memory_space<vmem>> -> memref<1x1x64xi32, #tpu.memory_space<vmem>>
        %dma_wait3A_1305 = tpu.memref_squeeze %dma_wait3A_1304 : memref<1x1x64xi32, #tpu.memory_space<vmem>> -> memref<64xi32, #tpu.memory_space<vmem>>
        %dma_wait3A_1306 = arith.constant 0 : i32
        %dma_wait3A_1307 = arith.constant 0 : i32
        %dma_wait3A_1308 = tpu.memref_slice %arg6[%dma_wait3A_1306, %dma_wait3A_1307] : memref<10240x128xf32, #tpu.memory_space<vmem_shared>> -> memref<10240x128xf32, #tpu.memory_space<vmem_shared>>
        tpu.wait_indirect_dma semaphore(%run_scoped3A_1296 : memref<!tpu.dma_semaphore, #tpu.memory_space<semaphore_mem>>) src(%arg9 : memref<64x128xf32, #tpu.memory_space<vmem>>) dst(%dma_wait3A_1308 : memref<10240x128xf32, #tpu.memory_space<vmem_shared>>)
        tpu.yield
      }) : () -> ()
      %add3A_647 = arith.constant 1 : i32
      %add3A_648 = arith.addi %add3A_122, %add3A_647 : i32
      %mul3A_649 = arith.constant 32 : i32
      %mul3A_650 = arith.muli %add3A_648, %mul3A_649 : i32
      %dma_wait3A_651 = arith.constant 0 : i32
      %dma_wait3A_652 = arith.constant 0 : i32
      %dma_wait3A_653 = tpu.memref_slice %arg3[%add3A, %mul3A_650, %dma_wait3A_651, %dma_wait3A_652] : memref<32x320x2x64xi32, #tpu.memory_space<hbm>> -> memref<1x32x2x64xi32, #tpu.memory_space<hbm>>
      %dma_wait3A_654 = tpu.memref_squeeze %dma_wait3A_653 : memref<1x32x2x64xi32, #tpu.memory_space<hbm>> -> memref<32x2x64xi32, #tpu.memory_space<hbm>>
      %dma_wait3A_655 = arith.constant 0 : i32
      %dma_wait3A_656 = arith.constant 0 : i32
      %dma_wait3A_657 = tpu.memref_slice %arg3[%add3A, %mul3A_650, %dma_wait3A_655, %dma_wait3A_656] : memref<32x320x2x64xi32, #tpu.memory_space<hbm>> -> memref<1x32x2x64xi32, #tpu.memory_space<hbm>>
      %dma_wait3A_658 = tpu.memref_squeeze %dma_wait3A_657 : memref<1x32x2x64xi32, #tpu.memory_space<hbm>> -> memref<32x2x64xi32, #tpu.memory_space<hbm>>
      tpu.wait_dma2 semaphore(%arg18 : memref<!tpu.dma_semaphore, #tpu.memory_space<semaphore_mem>>) src(%dma_wait3A_658 : memref<32x2x64xi32, #tpu.memory_space<hbm>>) dst(%arg8 : memref<32x2x64xi32, #tpu.memory_space<vmem>>)
      %dma_start3A_659 = arith.constant 0 : i32
      %dma_start3A_660 = arith.constant 0 : i32
      %dma_start3A_661 = arith.constant 0 : i32
      %dma_start3A_662 = tpu.memref_slice %arg8[%dma_start3A_659, %dma_start3A_660, %dma_start3A_661] : memref<32x2x64xi32, #tpu.memory_space<vmem>> -> memref<1x1x64xi32, #tpu.memory_space<vmem>>
      %dma_start3A_663 = tpu.memref_squeeze %dma_start3A_662 : memref<1x1x64xi32, #tpu.memory_space<vmem>> -> memref<64xi32, #tpu.memory_space<vmem>>
      %dma_start3A_664 = arith.constant 0 : i32
      %dma_start3A_665 = arith.constant 0 : i32
      %dma_start3A_666 = tpu.memref_slice %arg2[%dma_start3A_664, %dma_start3A_665] : memref<20480x128xf32, #tpu.memory_space<hbm>> -> memref<20480x128xf32, #tpu.memory_space<hbm>>
      tpu.enqueue_indirect_dma source(%dma_start3A_666 : memref<20480x128xf32, #tpu.memory_space<hbm>>) target(%arg9 : memref<64x128xf32, #tpu.memory_space<vmem>>) offsets(%dma_start3A_663 : memref<64xi32, #tpu.memory_space<vmem>>) semaphore(%arg13 : memref<!tpu.dma_semaphore, #tpu.memory_space<semaphore_mem>>)
      %dma_wait3A_667 = arith.constant 29 : i32
      %dma_wait3A_668 = arith.constant 0 : i32
      %dma_wait3A_669 = arith.constant 0 : i32
      %dma_wait3A_670 = tpu.memref_slice %arg7[%dma_wait3A_667, %dma_wait3A_668, %dma_wait3A_669] : memref<32x2x64xi32, #tpu.memory_space<vmem>> -> memref<1x1x64xi32, #tpu.memory_space<vmem>>
      %dma_wait3A_671 = tpu.memref_squeeze %dma_wait3A_670 : memref<1x1x64xi32, #tpu.memory_space<vmem>> -> memref<64xi32, #tpu.memory_space<vmem>>
      %dma_wait3A_672 = arith.constant 0 : i32
      %dma_wait3A_673 = arith.constant 0 : i32
      %dma_wait3A_674 = tpu.memref_slice %arg2[%dma_wait3A_672, %dma_wait3A_673] : memref<20480x128xf32, #tpu.memory_space<hbm>> -> memref<20480x128xf32, #tpu.memory_space<hbm>>
      tpu.wait_indirect_dma semaphore(%arg14 : memref<!tpu.dma_semaphore, #tpu.memory_space<semaphore_mem>>) src(%dma_wait3A_674 : memref<20480x128xf32, #tpu.memory_space<hbm>>) dst(%arg10 : memref<64x128xf32, #tpu.memory_space<vmem>>)
      %run_scoped3A_675 = arith.constant 29 : i32
      %run_scoped3A_676 = arith.constant 1 : i32
      "tpu.region"() ({
        %run_scoped3A_1296 = tpu.sem_alloc : memref<!tpu.dma_semaphore, #tpu.memory_space<semaphore_mem>>
        %dma_start3A_1297 = arith.constant 0 : i32
        %dma_start3A_1298 = tpu.memref_slice %arg7[%run_scoped3A_675, %run_scoped3A_676, %dma_start3A_1297] : memref<32x2x64xi32, #tpu.memory_space<vmem>> -> memref<1x1x64xi32, #tpu.memory_space<vmem>>
        %dma_start3A_1299 = tpu.memref_squeeze %dma_start3A_1298 : memref<1x1x64xi32, #tpu.memory_space<vmem>> -> memref<64xi32, #tpu.memory_space<vmem>>
        %dma_start3A_1300 = arith.constant 0 : i32
        %dma_start3A_1301 = arith.constant 0 : i32
        %dma_start3A_1302 = tpu.memref_slice %arg6[%dma_start3A_1300, %dma_start3A_1301] : memref<10240x128xf32, #tpu.memory_space<vmem_shared>> -> memref<10240x128xf32, #tpu.memory_space<vmem_shared>>
        tpu.enqueue_indirect_dma source(%arg10 : memref<64x128xf32, #tpu.memory_space<vmem>>) target(%dma_start3A_1302 : memref<10240x128xf32, #tpu.memory_space<vmem_shared>>) offsets(%dma_start3A_1299 : memref<64xi32, #tpu.memory_space<vmem>>) semaphore(%run_scoped3A_1296 : memref<!tpu.dma_semaphore, #tpu.memory_space<semaphore_mem>>) {add = true}
        %dma_wait3A_1303 = arith.constant 0 : i32
        %dma_wait3A_1304 = tpu.memref_slice %arg7[%run_scoped3A_675, %run_scoped3A_676, %dma_wait3A_1303] : memref<32x2x64xi32, #tpu.memory_space<vmem>> -> memref<1x1x64xi32, #tpu.memory_space<vmem>>
        %dma_wait3A_1305 = tpu.memref_squeeze %dma_wait3A_1304 : memref<1x1x64xi32, #tpu.memory_space<vmem>> -> memref<64xi32, #tpu.memory_space<vmem>>
        %dma_wait3A_1306 = arith.constant 0 : i32
        %dma_wait3A_1307 = arith.constant 0 : i32
        %dma_wait3A_1308 = tpu.memref_slice %arg6[%dma_wait3A_1306, %dma_wait3A_1307] : memref<10240x128xf32, #tpu.memory_space<vmem_shared>> -> memref<10240x128xf32, #tpu.memory_space<vmem_shared>>
        tpu.wait_indirect_dma semaphore(%run_scoped3A_1296 : memref<!tpu.dma_semaphore, #tpu.memory_space<semaphore_mem>>) src(%arg10 : memref<64x128xf32, #tpu.memory_space<vmem>>) dst(%dma_wait3A_1308 : memref<10240x128xf32, #tpu.memory_space<vmem_shared>>)
        tpu.yield
      }) : () -> ()
      %dma_start3A_677 = arith.constant 1 : i32
      %dma_start3A_678 = arith.constant 0 : i32
      %dma_start3A_679 = arith.constant 0 : i32
      %dma_start3A_680 = tpu.memref_slice %arg8[%dma_start3A_677, %dma_start3A_678, %dma_start3A_679] : memref<32x2x64xi32, #tpu.memory_space<vmem>> -> memref<1x1x64xi32, #tpu.memory_space<vmem>>
      %dma_start3A_681 = tpu.memref_squeeze %dma_start3A_680 : memref<1x1x64xi32, #tpu.memory_space<vmem>> -> memref<64xi32, #tpu.memory_space<vmem>>
      %dma_start3A_682 = arith.constant 0 : i32
      %dma_start3A_683 = arith.constant 0 : i32
      %dma_start3A_684 = tpu.memref_slice %arg2[%dma_start3A_682, %dma_start3A_683] : memref<20480x128xf32, #tpu.memory_space<hbm>> -> memref<20480x128xf32, #tpu.memory_space<hbm>>
      tpu.enqueue_indirect_dma source(%dma_start3A_684 : memref<20480x128xf32, #tpu.memory_space<hbm>>) target(%arg10 : memref<64x128xf32, #tpu.memory_space<vmem>>) offsets(%dma_start3A_681 : memref<64xi32, #tpu.memory_space<vmem>>) semaphore(%arg14 : memref<!tpu.dma_semaphore, #tpu.memory_space<semaphore_mem>>)
      %dma_wait3A_685 = arith.constant 30 : i32
      %dma_wait3A_686 = arith.constant 0 : i32
      %dma_wait3A_687 = arith.constant 0 : i32
      %dma_wait3A_688 = tpu.memref_slice %arg7[%dma_wait3A_685, %dma_wait3A_686, %dma_wait3A_687] : memref<32x2x64xi32, #tpu.memory_space<vmem>> -> memref<1x1x64xi32, #tpu.memory_space<vmem>>
      %dma_wait3A_689 = tpu.memref_squeeze %dma_wait3A_688 : memref<1x1x64xi32, #tpu.memory_space<vmem>> -> memref<64xi32, #tpu.memory_space<vmem>>
      %dma_wait3A_690 = arith.constant 0 : i32
      %dma_wait3A_691 = arith.constant 0 : i32
      %dma_wait3A_692 = tpu.memref_slice %arg2[%dma_wait3A_690, %dma_wait3A_691] : memref<20480x128xf32, #tpu.memory_space<hbm>> -> memref<20480x128xf32, #tpu.memory_space<hbm>>
      tpu.wait_indirect_dma semaphore(%arg15 : memref<!tpu.dma_semaphore, #tpu.memory_space<semaphore_mem>>) src(%dma_wait3A_692 : memref<20480x128xf32, #tpu.memory_space<hbm>>) dst(%arg11 : memref<64x128xf32, #tpu.memory_space<vmem>>)
      %run_scoped3A_693 = arith.constant 30 : i32
      %run_scoped3A_694 = arith.constant 1 : i32
      "tpu.region"() ({
        %run_scoped3A_1296 = tpu.sem_alloc : memref<!tpu.dma_semaphore, #tpu.memory_space<semaphore_mem>>
        %dma_start3A_1297 = arith.constant 0 : i32
        %dma_start3A_1298 = tpu.memref_slice %arg7[%run_scoped3A_693, %run_scoped3A_694, %dma_start3A_1297] : memref<32x2x64xi32, #tpu.memory_space<vmem>> -> memref<1x1x64xi32, #tpu.memory_space<vmem>>
        %dma_start3A_1299 = tpu.memref_squeeze %dma_start3A_1298 : memref<1x1x64xi32, #tpu.memory_space<vmem>> -> memref<64xi32, #tpu.memory_space<vmem>>
        %dma_start3A_1300 = arith.constant 0 : i32
        %dma_start3A_1301 = arith.constant 0 : i32
        %dma_start3A_1302 = tpu.memref_slice %arg6[%dma_start3A_1300, %dma_start3A_1301] : memref<10240x128xf32, #tpu.memory_space<vmem_shared>> -> memref<10240x128xf32, #tpu.memory_space<vmem_shared>>
        tpu.enqueue_indirect_dma source(%arg11 : memref<64x128xf32, #tpu.memory_space<vmem>>) target(%dma_start3A_1302 : memref<10240x128xf32, #tpu.memory_space<vmem_shared>>) offsets(%dma_start3A_1299 : memref<64xi32, #tpu.memory_space<vmem>>) semaphore(%run_scoped3A_1296 : memref<!tpu.dma_semaphore, #tpu.memory_space<semaphore_mem>>) {add = true}
        %dma_wait3A_1303 = arith.constant 0 : i32
        %dma_wait3A_1304 = tpu.memref_slice %arg7[%run_scoped3A_693, %run_scoped3A_694, %dma_wait3A_1303] : memref<32x2x64xi32, #tpu.memory_space<vmem>> -> memref<1x1x64xi32, #tpu.memory_space<vmem>>
        %dma_wait3A_1305 = tpu.memref_squeeze %dma_wait3A_1304 : memref<1x1x64xi32, #tpu.memory_space<vmem>> -> memref<64xi32, #tpu.memory_space<vmem>>
        %dma_wait3A_1306 = arith.constant 0 : i32
        %dma_wait3A_1307 = arith.constant 0 : i32
        %dma_wait3A_1308 = tpu.memref_slice %arg6[%dma_wait3A_1306, %dma_wait3A_1307] : memref<10240x128xf32, #tpu.memory_space<vmem_shared>> -> memref<10240x128xf32, #tpu.memory_space<vmem_shared>>
        tpu.wait_indirect_dma semaphore(%run_scoped3A_1296 : memref<!tpu.dma_semaphore, #tpu.memory_space<semaphore_mem>>) src(%arg11 : memref<64x128xf32, #tpu.memory_space<vmem>>) dst(%dma_wait3A_1308 : memref<10240x128xf32, #tpu.memory_space<vmem_shared>>)
        tpu.yield
      }) : () -> ()
      %dma_start3A_695 = arith.constant 2 : i32
      %dma_start3A_696 = arith.constant 0 : i32
      %dma_start3A_697 = arith.constant 0 : i32
      %dma_start3A_698 = tpu.memref_slice %arg8[%dma_start3A_695, %dma_start3A_696, %dma_start3A_697] : memref<32x2x64xi32, #tpu.memory_space<vmem>> -> memref<1x1x64xi32, #tpu.memory_space<vmem>>
      %dma_start3A_699 = tpu.memref_squeeze %dma_start3A_698 : memref<1x1x64xi32, #tpu.memory_space<vmem>> -> memref<64xi32, #tpu.memory_space<vmem>>
      %dma_start3A_700 = arith.constant 0 : i32
      %dma_start3A_701 = arith.constant 0 : i32
      %dma_start3A_702 = tpu.memref_slice %arg2[%dma_start3A_700, %dma_start3A_701] : memref<20480x128xf32, #tpu.memory_space<hbm>> -> memref<20480x128xf32, #tpu.memory_space<hbm>>
      tpu.enqueue_indirect_dma source(%dma_start3A_702 : memref<20480x128xf32, #tpu.memory_space<hbm>>) target(%arg11 : memref<64x128xf32, #tpu.memory_space<vmem>>) offsets(%dma_start3A_699 : memref<64xi32, #tpu.memory_space<vmem>>) semaphore(%arg15 : memref<!tpu.dma_semaphore, #tpu.memory_space<semaphore_mem>>)
      %dma_wait3A_703 = arith.constant 31 : i32
      %dma_wait3A_704 = arith.constant 0 : i32
      %dma_wait3A_705 = arith.constant 0 : i32
      %dma_wait3A_706 = tpu.memref_slice %arg7[%dma_wait3A_703, %dma_wait3A_704, %dma_wait3A_705] : memref<32x2x64xi32, #tpu.memory_space<vmem>> -> memref<1x1x64xi32, #tpu.memory_space<vmem>>
      %dma_wait3A_707 = tpu.memref_squeeze %dma_wait3A_706 : memref<1x1x64xi32, #tpu.memory_space<vmem>> -> memref<64xi32, #tpu.memory_space<vmem>>
      %dma_wait3A_708 = arith.constant 0 : i32
      %dma_wait3A_709 = arith.constant 0 : i32
      %dma_wait3A_710 = tpu.memref_slice %arg2[%dma_wait3A_708, %dma_wait3A_709] : memref<20480x128xf32, #tpu.memory_space<hbm>> -> memref<20480x128xf32, #tpu.memory_space<hbm>>
      tpu.wait_indirect_dma semaphore(%arg16 : memref<!tpu.dma_semaphore, #tpu.memory_space<semaphore_mem>>) src(%dma_wait3A_710 : memref<20480x128xf32, #tpu.memory_space<hbm>>) dst(%arg12 : memref<64x128xf32, #tpu.memory_space<vmem>>)
      %run_scoped3A_711 = arith.constant 31 : i32
      %run_scoped3A_712 = arith.constant 1 : i32
      "tpu.region"() ({
        %run_scoped3A_1296 = tpu.sem_alloc : memref<!tpu.dma_semaphore, #tpu.memory_space<semaphore_mem>>
        %dma_start3A_1297 = arith.constant 0 : i32
        %dma_start3A_1298 = tpu.memref_slice %arg7[%run_scoped3A_711, %run_scoped3A_712, %dma_start3A_1297] : memref<32x2x64xi32, #tpu.memory_space<vmem>> -> memref<1x1x64xi32, #tpu.memory_space<vmem>>
        %dma_start3A_1299 = tpu.memref_squeeze %dma_start3A_1298 : memref<1x1x64xi32, #tpu.memory_space<vmem>> -> memref<64xi32, #tpu.memory_space<vmem>>
        %dma_start3A_1300 = arith.constant 0 : i32
        %dma_start3A_1301 = arith.constant 0 : i32
        %dma_start3A_1302 = tpu.memref_slice %arg6[%dma_start3A_1300, %dma_start3A_1301] : memref<10240x128xf32, #tpu.memory_space<vmem_shared>> -> memref<10240x128xf32, #tpu.memory_space<vmem_shared>>
        tpu.enqueue_indirect_dma source(%arg12 : memref<64x128xf32, #tpu.memory_space<vmem>>) target(%dma_start3A_1302 : memref<10240x128xf32, #tpu.memory_space<vmem_shared>>) offsets(%dma_start3A_1299 : memref<64xi32, #tpu.memory_space<vmem>>) semaphore(%run_scoped3A_1296 : memref<!tpu.dma_semaphore, #tpu.memory_space<semaphore_mem>>) {add = true}
        %dma_wait3A_1303 = arith.constant 0 : i32
        %dma_wait3A_1304 = tpu.memref_slice %arg7[%run_scoped3A_711, %run_scoped3A_712, %dma_wait3A_1303] : memref<32x2x64xi32, #tpu.memory_space<vmem>> -> memref<1x1x64xi32, #tpu.memory_space<vmem>>
        %dma_wait3A_1305 = tpu.memref_squeeze %dma_wait3A_1304 : memref<1x1x64xi32, #tpu.memory_space<vmem>> -> memref<64xi32, #tpu.memory_space<vmem>>
        %dma_wait3A_1306 = arith.constant 0 : i32
        %dma_wait3A_1307 = arith.constant 0 : i32
        %dma_wait3A_1308 = tpu.memref_slice %arg6[%dma_wait3A_1306, %dma_wait3A_1307] : memref<10240x128xf32, #tpu.memory_space<vmem_shared>> -> memref<10240x128xf32, #tpu.memory_space<vmem_shared>>
        tpu.wait_indirect_dma semaphore(%run_scoped3A_1296 : memref<!tpu.dma_semaphore, #tpu.memory_space<semaphore_mem>>) src(%arg12 : memref<64x128xf32, #tpu.memory_space<vmem>>) dst(%dma_wait3A_1308 : memref<10240x128xf32, #tpu.memory_space<vmem_shared>>)
        tpu.yield
      }) : () -> ()
      %dma_start3A_713 = arith.constant 3 : i32
      %dma_start3A_714 = arith.constant 0 : i32
      %dma_start3A_715 = arith.constant 0 : i32
      %dma_start3A_716 = tpu.memref_slice %arg8[%dma_start3A_713, %dma_start3A_714, %dma_start3A_715] : memref<32x2x64xi32, #tpu.memory_space<vmem>> -> memref<1x1x64xi32, #tpu.memory_space<vmem>>
      %dma_start3A_717 = tpu.memref_squeeze %dma_start3A_716 : memref<1x1x64xi32, #tpu.memory_space<vmem>> -> memref<64xi32, #tpu.memory_space<vmem>>
      %dma_start3A_718 = arith.constant 0 : i32
      %dma_start3A_719 = arith.constant 0 : i32
      %dma_start3A_720 = tpu.memref_slice %arg2[%dma_start3A_718, %dma_start3A_719] : memref<20480x128xf32, #tpu.memory_space<hbm>> -> memref<20480x128xf32, #tpu.memory_space<hbm>>
      tpu.enqueue_indirect_dma source(%dma_start3A_720 : memref<20480x128xf32, #tpu.memory_space<hbm>>) target(%arg12 : memref<64x128xf32, #tpu.memory_space<vmem>>) offsets(%dma_start3A_717 : memref<64xi32, #tpu.memory_space<vmem>>) semaphore(%arg16 : memref<!tpu.dma_semaphore, #tpu.memory_space<semaphore_mem>>)
      %mul3A_721 = arith.constant 2 : i32
      %mul3A_722 = arith.muli %mul3A_721, %scan3A_118 : i32
      %add3A_723 = arith.constant 1 : i32
      %add3A_724 = arith.addi %mul3A_722, %add3A_723 : i32
      %lt3A = arith.constant 4 : i32
      %lt3A_725 = arith.cmpi slt, %scan3A_118, %lt3A : i32
      %convert_element_type3A = arith.extui %lt3A_725 : i1 to i32
      %cond3A = arith.constant 0 : i32
      %cond3A_726 = arith.cmpi ne, %convert_element_type3A, %cond3A : i32
      scf.if %cond3A_726 {
        %add3A_1296 = arith.constant 1 : i32
        %add3A_1297 = arith.addi %add3A_724, %add3A_1296 : i32
        %mul3A_1298 = arith.constant 32 : i32
        %mul3A_1299 = arith.muli %add3A_1297, %mul3A_1298 : i32
        %dma_start3A_1300 = arith.constant 0 : i32
        %dma_start3A_1301 = arith.constant 0 : i32
        %dma_start3A_1302 = tpu.memref_slice %arg3[%add3A, %mul3A_1299, %dma_start3A_1300, %dma_start3A_1301] : memref<32x320x2x64xi32, #tpu.memory_space<hbm>> -> memref<1x32x2x64xi32, #tpu.memory_space<hbm>>
        %dma_start3A_1303 = tpu.memref_squeeze %dma_start3A_1302 : memref<1x32x2x64xi32, #tpu.memory_space<hbm>> -> memref<32x2x64xi32, #tpu.memory_space<hbm>>
        %dma_start3A_1304 = arith.constant 0 : i32
        %dma_start3A_1305 = arith.constant 0 : i32
        %dma_start3A_1306 = tpu.memref_slice %arg3[%add3A, %mul3A_1299, %dma_start3A_1304, %dma_start3A_1305] : memref<32x320x2x64xi32, #tpu.memory_space<hbm>> -> memref<1x32x2x64xi32, #tpu.memory_space<hbm>>
        %dma_start3A_1307 = tpu.memref_squeeze %dma_start3A_1306 : memref<1x32x2x64xi32, #tpu.memory_space<hbm>> -> memref<32x2x64xi32, #tpu.memory_space<hbm>>
        tpu.enqueue_dma source(%dma_start3A_1307 : memref<32x2x64xi32, #tpu.memory_space<hbm>>) target(%arg7 : memref<32x2x64xi32, #tpu.memory_space<vmem>>) target_semaphore(%arg17 : memref<!tpu.dma_semaphore, #tpu.memory_space<semaphore_mem>>)
      } else {
      }
      %dma_wait3A_727 = arith.constant 0 : i32
      %dma_wait3A_728 = arith.constant 0 : i32
      %dma_wait3A_729 = arith.constant 0 : i32
      %dma_wait3A_730 = tpu.memref_slice %arg8[%dma_wait3A_727, %dma_wait3A_728, %dma_wait3A_729] : memref<32x2x64xi32, #tpu.memory_space<vmem>> -> memref<1x1x64xi32, #tpu.memory_space<vmem>>
      %dma_wait3A_731 = tpu.memref_squeeze %dma_wait3A_730 : memref<1x1x64xi32, #tpu.memory_space<vmem>> -> memref<64xi32, #tpu.memory_space<vmem>>
      %dma_wait3A_732 = arith.constant 0 : i32
      %dma_wait3A_733 = arith.constant 0 : i32
      %dma_wait3A_734 = tpu.memref_slice %arg2[%dma_wait3A_732, %dma_wait3A_733] : memref<20480x128xf32, #tpu.memory_space<hbm>> -> memref<20480x128xf32, #tpu.memory_space<hbm>>
      tpu.wait_indirect_dma semaphore(%arg13 : memref<!tpu.dma_semaphore, #tpu.memory_space<semaphore_mem>>) src(%dma_wait3A_734 : memref<20480x128xf32, #tpu.memory_space<hbm>>) dst(%arg9 : memref<64x128xf32, #tpu.memory_space<vmem>>)
      %run_scoped3A_735 = arith.constant 0 : i32
      %run_scoped3A_736 = arith.constant 1 : i32
      "tpu.region"() ({
        %run_scoped3A_1296 = tpu.sem_alloc : memref<!tpu.dma_semaphore, #tpu.memory_space<semaphore_mem>>
        %dma_start3A_1297 = arith.constant 0 : i32
        %dma_start3A_1298 = tpu.memref_slice %arg8[%run_scoped3A_735, %run_scoped3A_736, %dma_start3A_1297] : memref<32x2x64xi32, #tpu.memory_space<vmem>> -> memref<1x1x64xi32, #tpu.memory_space<vmem>>
        %dma_start3A_1299 = tpu.memref_squeeze %dma_start3A_1298 : memref<1x1x64xi32, #tpu.memory_space<vmem>> -> memref<64xi32, #tpu.memory_space<vmem>>
        %dma_start3A_1300 = arith.constant 0 : i32
        %dma_start3A_1301 = arith.constant 0 : i32
        %dma_start3A_1302 = tpu.memref_slice %arg6[%dma_start3A_1300, %dma_start3A_1301] : memref<10240x128xf32, #tpu.memory_space<vmem_shared>> -> memref<10240x128xf32, #tpu.memory_space<vmem_shared>>
        tpu.enqueue_indirect_dma source(%arg9 : memref<64x128xf32, #tpu.memory_space<vmem>>) target(%dma_start3A_1302 : memref<10240x128xf32, #tpu.memory_space<vmem_shared>>) offsets(%dma_start3A_1299 : memref<64xi32, #tpu.memory_space<vmem>>) semaphore(%run_scoped3A_1296 : memref<!tpu.dma_semaphore, #tpu.memory_space<semaphore_mem>>) {add = true}
        %dma_wait3A_1303 = arith.constant 0 : i32
        %dma_wait3A_1304 = tpu.memref_slice %arg8[%run_scoped3A_735, %run_scoped3A_736, %dma_wait3A_1303] : memref<32x2x64xi32, #tpu.memory_space<vmem>> -> memref<1x1x64xi32, #tpu.memory_space<vmem>>
        %dma_wait3A_1305 = tpu.memref_squeeze %dma_wait3A_1304 : memref<1x1x64xi32, #tpu.memory_space<vmem>> -> memref<64xi32, #tpu.memory_space<vmem>>
        %dma_wait3A_1306 = arith.constant 0 : i32
        %dma_wait3A_1307 = arith.constant 0 : i32
        %dma_wait3A_1308 = tpu.memref_slice %arg6[%dma_wait3A_1306, %dma_wait3A_1307] : memref<10240x128xf32, #tpu.memory_space<vmem_shared>> -> memref<10240x128xf32, #tpu.memory_space<vmem_shared>>
        tpu.wait_indirect_dma semaphore(%run_scoped3A_1296 : memref<!tpu.dma_semaphore, #tpu.memory_space<semaphore_mem>>) src(%arg9 : memref<64x128xf32, #tpu.memory_space<vmem>>) dst(%dma_wait3A_1308 : memref<10240x128xf32, #tpu.memory_space<vmem_shared>>)
        tpu.yield
      }) : () -> ()
      %dma_start3A_737 = arith.constant 4 : i32
      %dma_start3A_738 = arith.constant 0 : i32
      %dma_start3A_739 = arith.constant 0 : i32
      %dma_start3A_740 = tpu.memref_slice %arg8[%dma_start3A_737, %dma_start3A_738, %dma_start3A_739] : memref<32x2x64xi32, #tpu.memory_space<vmem>> -> memref<1x1x64xi32, #tpu.memory_space<vmem>>
      %dma_start3A_741 = tpu.memref_squeeze %dma_start3A_740 : memref<1x1x64xi32, #tpu.memory_space<vmem>> -> memref<64xi32, #tpu.memory_space<vmem>>
      %dma_start3A_742 = arith.constant 0 : i32
      %dma_start3A_743 = arith.constant 0 : i32
      %dma_start3A_744 = tpu.memref_slice %arg2[%dma_start3A_742, %dma_start3A_743] : memref<20480x128xf32, #tpu.memory_space<hbm>> -> memref<20480x128xf32, #tpu.memory_space<hbm>>
      tpu.enqueue_indirect_dma source(%dma_start3A_744 : memref<20480x128xf32, #tpu.memory_space<hbm>>) target(%arg9 : memref<64x128xf32, #tpu.memory_space<vmem>>) offsets(%dma_start3A_741 : memref<64xi32, #tpu.memory_space<vmem>>) semaphore(%arg13 : memref<!tpu.dma_semaphore, #tpu.memory_space<semaphore_mem>>)
      %dma_wait3A_745 = arith.constant 1 : i32
      %dma_wait3A_746 = arith.constant 0 : i32
      %dma_wait3A_747 = arith.constant 0 : i32
      %dma_wait3A_748 = tpu.memref_slice %arg8[%dma_wait3A_745, %dma_wait3A_746, %dma_wait3A_747] : memref<32x2x64xi32, #tpu.memory_space<vmem>> -> memref<1x1x64xi32, #tpu.memory_space<vmem>>
      %dma_wait3A_749 = tpu.memref_squeeze %dma_wait3A_748 : memref<1x1x64xi32, #tpu.memory_space<vmem>> -> memref<64xi32, #tpu.memory_space<vmem>>
      %dma_wait3A_750 = arith.constant 0 : i32
      %dma_wait3A_751 = arith.constant 0 : i32
      %dma_wait3A_752 = tpu.memref_slice %arg2[%dma_wait3A_750, %dma_wait3A_751] : memref<20480x128xf32, #tpu.memory_space<hbm>> -> memref<20480x128xf32, #tpu.memory_space<hbm>>
      tpu.wait_indirect_dma semaphore(%arg14 : memref<!tpu.dma_semaphore, #tpu.memory_space<semaphore_mem>>) src(%dma_wait3A_752 : memref<20480x128xf32, #tpu.memory_space<hbm>>) dst(%arg10 : memref<64x128xf32, #tpu.memory_space<vmem>>)
      %run_scoped3A_753 = arith.constant 1 : i32
      %run_scoped3A_754 = arith.constant 1 : i32
      "tpu.region"() ({
        %run_scoped3A_1296 = tpu.sem_alloc : memref<!tpu.dma_semaphore, #tpu.memory_space<semaphore_mem>>
        %dma_start3A_1297 = arith.constant 0 : i32
        %dma_start3A_1298 = tpu.memref_slice %arg8[%run_scoped3A_753, %run_scoped3A_754, %dma_start3A_1297] : memref<32x2x64xi32, #tpu.memory_space<vmem>> -> memref<1x1x64xi32, #tpu.memory_space<vmem>>
        %dma_start3A_1299 = tpu.memref_squeeze %dma_start3A_1298 : memref<1x1x64xi32, #tpu.memory_space<vmem>> -> memref<64xi32, #tpu.memory_space<vmem>>
        %dma_start3A_1300 = arith.constant 0 : i32
        %dma_start3A_1301 = arith.constant 0 : i32
        %dma_start3A_1302 = tpu.memref_slice %arg6[%dma_start3A_1300, %dma_start3A_1301] : memref<10240x128xf32, #tpu.memory_space<vmem_shared>> -> memref<10240x128xf32, #tpu.memory_space<vmem_shared>>
        tpu.enqueue_indirect_dma source(%arg10 : memref<64x128xf32, #tpu.memory_space<vmem>>) target(%dma_start3A_1302 : memref<10240x128xf32, #tpu.memory_space<vmem_shared>>) offsets(%dma_start3A_1299 : memref<64xi32, #tpu.memory_space<vmem>>) semaphore(%run_scoped3A_1296 : memref<!tpu.dma_semaphore, #tpu.memory_space<semaphore_mem>>) {add = true}
        %dma_wait3A_1303 = arith.constant 0 : i32
        %dma_wait3A_1304 = tpu.memref_slice %arg8[%run_scoped3A_753, %run_scoped3A_754, %dma_wait3A_1303] : memref<32x2x64xi32, #tpu.memory_space<vmem>> -> memref<1x1x64xi32, #tpu.memory_space<vmem>>
        %dma_wait3A_1305 = tpu.memref_squeeze %dma_wait3A_1304 : memref<1x1x64xi32, #tpu.memory_space<vmem>> -> memref<64xi32, #tpu.memory_space<vmem>>
        %dma_wait3A_1306 = arith.constant 0 : i32
        %dma_wait3A_1307 = arith.constant 0 : i32
        %dma_wait3A_1308 = tpu.memref_slice %arg6[%dma_wait3A_1306, %dma_wait3A_1307] : memref<10240x128xf32, #tpu.memory_space<vmem_shared>> -> memref<10240x128xf32, #tpu.memory_space<vmem_shared>>
        tpu.wait_indirect_dma semaphore(%run_scoped3A_1296 : memref<!tpu.dma_semaphore, #tpu.memory_space<semaphore_mem>>) src(%arg10 : memref<64x128xf32, #tpu.memory_space<vmem>>) dst(%dma_wait3A_1308 : memref<10240x128xf32, #tpu.memory_space<vmem_shared>>)
        tpu.yield
      }) : () -> ()
      %dma_start3A_755 = arith.constant 5 : i32
      %dma_start3A_756 = arith.constant 0 : i32
      %dma_start3A_757 = arith.constant 0 : i32
      %dma_start3A_758 = tpu.memref_slice %arg8[%dma_start3A_755, %dma_start3A_756, %dma_start3A_757] : memref<32x2x64xi32, #tpu.memory_space<vmem>> -> memref<1x1x64xi32, #tpu.memory_space<vmem>>
      %dma_start3A_759 = tpu.memref_squeeze %dma_start3A_758 : memref<1x1x64xi32, #tpu.memory_space<vmem>> -> memref<64xi32, #tpu.memory_space<vmem>>
      %dma_start3A_760 = arith.constant 0 : i32
      %dma_start3A_761 = arith.constant 0 : i32
      %dma_start3A_762 = tpu.memref_slice %arg2[%dma_start3A_760, %dma_start3A_761] : memref<20480x128xf32, #tpu.memory_space<hbm>> -> memref<20480x128xf32, #tpu.memory_space<hbm>>
      tpu.enqueue_indirect_dma source(%dma_start3A_762 : memref<20480x128xf32, #tpu.memory_space<hbm>>) target(%arg10 : memref<64x128xf32, #tpu.memory_space<vmem>>) offsets(%dma_start3A_759 : memref<64xi32, #tpu.memory_space<vmem>>) semaphore(%arg14 : memref<!tpu.dma_semaphore, #tpu.memory_space<semaphore_mem>>)
      %dma_wait3A_763 = arith.constant 2 : i32
      %dma_wait3A_764 = arith.constant 0 : i32
      %dma_wait3A_765 = arith.constant 0 : i32
      %dma_wait3A_766 = tpu.memref_slice %arg8[%dma_wait3A_763, %dma_wait3A_764, %dma_wait3A_765] : memref<32x2x64xi32, #tpu.memory_space<vmem>> -> memref<1x1x64xi32, #tpu.memory_space<vmem>>
      %dma_wait3A_767 = tpu.memref_squeeze %dma_wait3A_766 : memref<1x1x64xi32, #tpu.memory_space<vmem>> -> memref<64xi32, #tpu.memory_space<vmem>>
      %dma_wait3A_768 = arith.constant 0 : i32
      %dma_wait3A_769 = arith.constant 0 : i32
      %dma_wait3A_770 = tpu.memref_slice %arg2[%dma_wait3A_768, %dma_wait3A_769] : memref<20480x128xf32, #tpu.memory_space<hbm>> -> memref<20480x128xf32, #tpu.memory_space<hbm>>
      tpu.wait_indirect_dma semaphore(%arg15 : memref<!tpu.dma_semaphore, #tpu.memory_space<semaphore_mem>>) src(%dma_wait3A_770 : memref<20480x128xf32, #tpu.memory_space<hbm>>) dst(%arg11 : memref<64x128xf32, #tpu.memory_space<vmem>>)
      %run_scoped3A_771 = arith.constant 2 : i32
      %run_scoped3A_772 = arith.constant 1 : i32
      "tpu.region"() ({
        %run_scoped3A_1296 = tpu.sem_alloc : memref<!tpu.dma_semaphore, #tpu.memory_space<semaphore_mem>>
        %dma_start3A_1297 = arith.constant 0 : i32
        %dma_start3A_1298 = tpu.memref_slice %arg8[%run_scoped3A_771, %run_scoped3A_772, %dma_start3A_1297] : memref<32x2x64xi32, #tpu.memory_space<vmem>> -> memref<1x1x64xi32, #tpu.memory_space<vmem>>
        %dma_start3A_1299 = tpu.memref_squeeze %dma_start3A_1298 : memref<1x1x64xi32, #tpu.memory_space<vmem>> -> memref<64xi32, #tpu.memory_space<vmem>>
        %dma_start3A_1300 = arith.constant 0 : i32
        %dma_start3A_1301 = arith.constant 0 : i32
        %dma_start3A_1302 = tpu.memref_slice %arg6[%dma_start3A_1300, %dma_start3A_1301] : memref<10240x128xf32, #tpu.memory_space<vmem_shared>> -> memref<10240x128xf32, #tpu.memory_space<vmem_shared>>
        tpu.enqueue_indirect_dma source(%arg11 : memref<64x128xf32, #tpu.memory_space<vmem>>) target(%dma_start3A_1302 : memref<10240x128xf32, #tpu.memory_space<vmem_shared>>) offsets(%dma_start3A_1299 : memref<64xi32, #tpu.memory_space<vmem>>) semaphore(%run_scoped3A_1296 : memref<!tpu.dma_semaphore, #tpu.memory_space<semaphore_mem>>) {add = true}
        %dma_wait3A_1303 = arith.constant 0 : i32
        %dma_wait3A_1304 = tpu.memref_slice %arg8[%run_scoped3A_771, %run_scoped3A_772, %dma_wait3A_1303] : memref<32x2x64xi32, #tpu.memory_space<vmem>> -> memref<1x1x64xi32, #tpu.memory_space<vmem>>
        %dma_wait3A_1305 = tpu.memref_squeeze %dma_wait3A_1304 : memref<1x1x64xi32, #tpu.memory_space<vmem>> -> memref<64xi32, #tpu.memory_space<vmem>>
        %dma_wait3A_1306 = arith.constant 0 : i32
        %dma_wait3A_1307 = arith.constant 0 : i32
        %dma_wait3A_1308 = tpu.memref_slice %arg6[%dma_wait3A_1306, %dma_wait3A_1307] : memref<10240x128xf32, #tpu.memory_space<vmem_shared>> -> memref<10240x128xf32, #tpu.memory_space<vmem_shared>>
        tpu.wait_indirect_dma semaphore(%run_scoped3A_1296 : memref<!tpu.dma_semaphore, #tpu.memory_space<semaphore_mem>>) src(%arg11 : memref<64x128xf32, #tpu.memory_space<vmem>>) dst(%dma_wait3A_1308 : memref<10240x128xf32, #tpu.memory_space<vmem_shared>>)
        tpu.yield
      }) : () -> ()
      %dma_start3A_773 = arith.constant 6 : i32
      %dma_start3A_774 = arith.constant 0 : i32
      %dma_start3A_775 = arith.constant 0 : i32
      %dma_start3A_776 = tpu.memref_slice %arg8[%dma_start3A_773, %dma_start3A_774, %dma_start3A_775] : memref<32x2x64xi32, #tpu.memory_space<vmem>> -> memref<1x1x64xi32, #tpu.memory_space<vmem>>
      %dma_start3A_777 = tpu.memref_squeeze %dma_start3A_776 : memref<1x1x64xi32, #tpu.memory_space<vmem>> -> memref<64xi32, #tpu.memory_space<vmem>>
      %dma_start3A_778 = arith.constant 0 : i32
      %dma_start3A_779 = arith.constant 0 : i32
      %dma_start3A_780 = tpu.memref_slice %arg2[%dma_start3A_778, %dma_start3A_779] : memref<20480x128xf32, #tpu.memory_space<hbm>> -> memref<20480x128xf32, #tpu.memory_space<hbm>>
      tpu.enqueue_indirect_dma source(%dma_start3A_780 : memref<20480x128xf32, #tpu.memory_space<hbm>>) target(%arg11 : memref<64x128xf32, #tpu.memory_space<vmem>>) offsets(%dma_start3A_777 : memref<64xi32, #tpu.memory_space<vmem>>) semaphore(%arg15 : memref<!tpu.dma_semaphore, #tpu.memory_space<semaphore_mem>>)
      %dma_wait3A_781 = arith.constant 3 : i32
      %dma_wait3A_782 = arith.constant 0 : i32
      %dma_wait3A_783 = arith.constant 0 : i32
      %dma_wait3A_784 = tpu.memref_slice %arg8[%dma_wait3A_781, %dma_wait3A_782, %dma_wait3A_783] : memref<32x2x64xi32, #tpu.memory_space<vmem>> -> memref<1x1x64xi32, #tpu.memory_space<vmem>>
      %dma_wait3A_785 = tpu.memref_squeeze %dma_wait3A_784 : memref<1x1x64xi32, #tpu.memory_space<vmem>> -> memref<64xi32, #tpu.memory_space<vmem>>
      %dma_wait3A_786 = arith.constant 0 : i32
      %dma_wait3A_787 = arith.constant 0 : i32
      %dma_wait3A_788 = tpu.memref_slice %arg2[%dma_wait3A_786, %dma_wait3A_787] : memref<20480x128xf32, #tpu.memory_space<hbm>> -> memref<20480x128xf32, #tpu.memory_space<hbm>>
      tpu.wait_indirect_dma semaphore(%arg16 : memref<!tpu.dma_semaphore, #tpu.memory_space<semaphore_mem>>) src(%dma_wait3A_788 : memref<20480x128xf32, #tpu.memory_space<hbm>>) dst(%arg12 : memref<64x128xf32, #tpu.memory_space<vmem>>)
      %run_scoped3A_789 = arith.constant 3 : i32
      %run_scoped3A_790 = arith.constant 1 : i32
      "tpu.region"() ({
        %run_scoped3A_1296 = tpu.sem_alloc : memref<!tpu.dma_semaphore, #tpu.memory_space<semaphore_mem>>
        %dma_start3A_1297 = arith.constant 0 : i32
        %dma_start3A_1298 = tpu.memref_slice %arg8[%run_scoped3A_789, %run_scoped3A_790, %dma_start3A_1297] : memref<32x2x64xi32, #tpu.memory_space<vmem>> -> memref<1x1x64xi32, #tpu.memory_space<vmem>>
        %dma_start3A_1299 = tpu.memref_squeeze %dma_start3A_1298 : memref<1x1x64xi32, #tpu.memory_space<vmem>> -> memref<64xi32, #tpu.memory_space<vmem>>
        %dma_start3A_1300 = arith.constant 0 : i32
        %dma_start3A_1301 = arith.constant 0 : i32
        %dma_start3A_1302 = tpu.memref_slice %arg6[%dma_start3A_1300, %dma_start3A_1301] : memref<10240x128xf32, #tpu.memory_space<vmem_shared>> -> memref<10240x128xf32, #tpu.memory_space<vmem_shared>>
        tpu.enqueue_indirect_dma source(%arg12 : memref<64x128xf32, #tpu.memory_space<vmem>>) target(%dma_start3A_1302 : memref<10240x128xf32, #tpu.memory_space<vmem_shared>>) offsets(%dma_start3A_1299 : memref<64xi32, #tpu.memory_space<vmem>>) semaphore(%run_scoped3A_1296 : memref<!tpu.dma_semaphore, #tpu.memory_space<semaphore_mem>>) {add = true}
        %dma_wait3A_1303 = arith.constant 0 : i32
        %dma_wait3A_1304 = tpu.memref_slice %arg8[%run_scoped3A_789, %run_scoped3A_790, %dma_wait3A_1303] : memref<32x2x64xi32, #tpu.memory_space<vmem>> -> memref<1x1x64xi32, #tpu.memory_space<vmem>>
        %dma_wait3A_1305 = tpu.memref_squeeze %dma_wait3A_1304 : memref<1x1x64xi32, #tpu.memory_space<vmem>> -> memref<64xi32, #tpu.memory_space<vmem>>
        %dma_wait3A_1306 = arith.constant 0 : i32
        %dma_wait3A_1307 = arith.constant 0 : i32
        %dma_wait3A_1308 = tpu.memref_slice %arg6[%dma_wait3A_1306, %dma_wait3A_1307] : memref<10240x128xf32, #tpu.memory_space<vmem_shared>> -> memref<10240x128xf32, #tpu.memory_space<vmem_shared>>
        tpu.wait_indirect_dma semaphore(%run_scoped3A_1296 : memref<!tpu.dma_semaphore, #tpu.memory_space<semaphore_mem>>) src(%arg12 : memref<64x128xf32, #tpu.memory_space<vmem>>) dst(%dma_wait3A_1308 : memref<10240x128xf32, #tpu.memory_space<vmem_shared>>)
        tpu.yield
      }) : () -> ()
      %dma_start3A_791 = arith.constant 7 : i32
      %dma_start3A_792 = arith.constant 0 : i32
      %dma_start3A_793 = arith.constant 0 : i32
      %dma_start3A_794 = tpu.memref_slice %arg8[%dma_start3A_791, %dma_start3A_792, %dma_start3A_793] : memref<32x2x64xi32, #tpu.memory_space<vmem>> -> memref<1x1x64xi32, #tpu.memory_space<vmem>>
      %dma_start3A_795 = tpu.memref_squeeze %dma_start3A_794 : memref<1x1x64xi32, #tpu.memory_space<vmem>> -> memref<64xi32, #tpu.memory_space<vmem>>
      %dma_start3A_796 = arith.constant 0 : i32
      %dma_start3A_797 = arith.constant 0 : i32
      %dma_start3A_798 = tpu.memref_slice %arg2[%dma_start3A_796, %dma_start3A_797] : memref<20480x128xf32, #tpu.memory_space<hbm>> -> memref<20480x128xf32, #tpu.memory_space<hbm>>
      tpu.enqueue_indirect_dma source(%dma_start3A_798 : memref<20480x128xf32, #tpu.memory_space<hbm>>) target(%arg12 : memref<64x128xf32, #tpu.memory_space<vmem>>) offsets(%dma_start3A_795 : memref<64xi32, #tpu.memory_space<vmem>>) semaphore(%arg16 : memref<!tpu.dma_semaphore, #tpu.memory_space<semaphore_mem>>)
      %dma_wait3A_799 = arith.constant 4 : i32
      %dma_wait3A_800 = arith.constant 0 : i32
      %dma_wait3A_801 = arith.constant 0 : i32
      %dma_wait3A_802 = tpu.memref_slice %arg8[%dma_wait3A_799, %dma_wait3A_800, %dma_wait3A_801] : memref<32x2x64xi32, #tpu.memory_space<vmem>> -> memref<1x1x64xi32, #tpu.memory_space<vmem>>
      %dma_wait3A_803 = tpu.memref_squeeze %dma_wait3A_802 : memref<1x1x64xi32, #tpu.memory_space<vmem>> -> memref<64xi32, #tpu.memory_space<vmem>>
      %dma_wait3A_804 = arith.constant 0 : i32
      %dma_wait3A_805 = arith.constant 0 : i32
      %dma_wait3A_806 = tpu.memref_slice %arg2[%dma_wait3A_804, %dma_wait3A_805] : memref<20480x128xf32, #tpu.memory_space<hbm>> -> memref<20480x128xf32, #tpu.memory_space<hbm>>
      tpu.wait_indirect_dma semaphore(%arg13 : memref<!tpu.dma_semaphore, #tpu.memory_space<semaphore_mem>>) src(%dma_wait3A_806 : memref<20480x128xf32, #tpu.memory_space<hbm>>) dst(%arg9 : memref<64x128xf32, #tpu.memory_space<vmem>>)
      %run_scoped3A_807 = arith.constant 4 : i32
      %run_scoped3A_808 = arith.constant 1 : i32
      "tpu.region"() ({
        %run_scoped3A_1296 = tpu.sem_alloc : memref<!tpu.dma_semaphore, #tpu.memory_space<semaphore_mem>>
        %dma_start3A_1297 = arith.constant 0 : i32
        %dma_start3A_1298 = tpu.memref_slice %arg8[%run_scoped3A_807, %run_scoped3A_808, %dma_start3A_1297] : memref<32x2x64xi32, #tpu.memory_space<vmem>> -> memref<1x1x64xi32, #tpu.memory_space<vmem>>
        %dma_start3A_1299 = tpu.memref_squeeze %dma_start3A_1298 : memref<1x1x64xi32, #tpu.memory_space<vmem>> -> memref<64xi32, #tpu.memory_space<vmem>>
        %dma_start3A_1300 = arith.constant 0 : i32
        %dma_start3A_1301 = arith.constant 0 : i32
        %dma_start3A_1302 = tpu.memref_slice %arg6[%dma_start3A_1300, %dma_start3A_1301] : memref<10240x128xf32, #tpu.memory_space<vmem_shared>> -> memref<10240x128xf32, #tpu.memory_space<vmem_shared>>
        tpu.enqueue_indirect_dma source(%arg9 : memref<64x128xf32, #tpu.memory_space<vmem>>) target(%dma_start3A_1302 : memref<10240x128xf32, #tpu.memory_space<vmem_shared>>) offsets(%dma_start3A_1299 : memref<64xi32, #tpu.memory_space<vmem>>) semaphore(%run_scoped3A_1296 : memref<!tpu.dma_semaphore, #tpu.memory_space<semaphore_mem>>) {add = true}
        %dma_wait3A_1303 = arith.constant 0 : i32
        %dma_wait3A_1304 = tpu.memref_slice %arg8[%run_scoped3A_807, %run_scoped3A_808, %dma_wait3A_1303] : memref<32x2x64xi32, #tpu.memory_space<vmem>> -> memref<1x1x64xi32, #tpu.memory_space<vmem>>
        %dma_wait3A_1305 = tpu.memref_squeeze %dma_wait3A_1304 : memref<1x1x64xi32, #tpu.memory_space<vmem>> -> memref<64xi32, #tpu.memory_space<vmem>>
        %dma_wait3A_1306 = arith.constant 0 : i32
        %dma_wait3A_1307 = arith.constant 0 : i32
        %dma_wait3A_1308 = tpu.memref_slice %arg6[%dma_wait3A_1306, %dma_wait3A_1307] : memref<10240x128xf32, #tpu.memory_space<vmem_shared>> -> memref<10240x128xf32, #tpu.memory_space<vmem_shared>>
        tpu.wait_indirect_dma semaphore(%run_scoped3A_1296 : memref<!tpu.dma_semaphore, #tpu.memory_space<semaphore_mem>>) src(%arg9 : memref<64x128xf32, #tpu.memory_space<vmem>>) dst(%dma_wait3A_1308 : memref<10240x128xf32, #tpu.memory_space<vmem_shared>>)
        tpu.yield
      }) : () -> ()
      %dma_start3A_809 = arith.constant 8 : i32
      %dma_start3A_810 = arith.constant 0 : i32
      %dma_start3A_811 = arith.constant 0 : i32
      %dma_start3A_812 = tpu.memref_slice %arg8[%dma_start3A_809, %dma_start3A_810, %dma_start3A_811] : memref<32x2x64xi32, #tpu.memory_space<vmem>> -> memref<1x1x64xi32, #tpu.memory_space<vmem>>
      %dma_start3A_813 = tpu.memref_squeeze %dma_start3A_812 : memref<1x1x64xi32, #tpu.memory_space<vmem>> -> memref<64xi32, #tpu.memory_space<vmem>>
      %dma_start3A_814 = arith.constant 0 : i32
      %dma_start3A_815 = arith.constant 0 : i32
      %dma_start3A_816 = tpu.memref_slice %arg2[%dma_start3A_814, %dma_start3A_815] : memref<20480x128xf32, #tpu.memory_space<hbm>> -> memref<20480x128xf32, #tpu.memory_space<hbm>>
      tpu.enqueue_indirect_dma source(%dma_start3A_816 : memref<20480x128xf32, #tpu.memory_space<hbm>>) target(%arg9 : memref<64x128xf32, #tpu.memory_space<vmem>>) offsets(%dma_start3A_813 : memref<64xi32, #tpu.memory_space<vmem>>) semaphore(%arg13 : memref<!tpu.dma_semaphore, #tpu.memory_space<semaphore_mem>>)
      %dma_wait3A_817 = arith.constant 5 : i32
      %dma_wait3A_818 = arith.constant 0 : i32
      %dma_wait3A_819 = arith.constant 0 : i32
      %dma_wait3A_820 = tpu.memref_slice %arg8[%dma_wait3A_817, %dma_wait3A_818, %dma_wait3A_819] : memref<32x2x64xi32, #tpu.memory_space<vmem>> -> memref<1x1x64xi32, #tpu.memory_space<vmem>>
      %dma_wait3A_821 = tpu.memref_squeeze %dma_wait3A_820 : memref<1x1x64xi32, #tpu.memory_space<vmem>> -> memref<64xi32, #tpu.memory_space<vmem>>
      %dma_wait3A_822 = arith.constant 0 : i32
      %dma_wait3A_823 = arith.constant 0 : i32
      %dma_wait3A_824 = tpu.memref_slice %arg2[%dma_wait3A_822, %dma_wait3A_823] : memref<20480x128xf32, #tpu.memory_space<hbm>> -> memref<20480x128xf32, #tpu.memory_space<hbm>>
      tpu.wait_indirect_dma semaphore(%arg14 : memref<!tpu.dma_semaphore, #tpu.memory_space<semaphore_mem>>) src(%dma_wait3A_824 : memref<20480x128xf32, #tpu.memory_space<hbm>>) dst(%arg10 : memref<64x128xf32, #tpu.memory_space<vmem>>)
      %run_scoped3A_825 = arith.constant 5 : i32
      %run_scoped3A_826 = arith.constant 1 : i32
      "tpu.region"() ({
        %run_scoped3A_1296 = tpu.sem_alloc : memref<!tpu.dma_semaphore, #tpu.memory_space<semaphore_mem>>
        %dma_start3A_1297 = arith.constant 0 : i32
        %dma_start3A_1298 = tpu.memref_slice %arg8[%run_scoped3A_825, %run_scoped3A_826, %dma_start3A_1297] : memref<32x2x64xi32, #tpu.memory_space<vmem>> -> memref<1x1x64xi32, #tpu.memory_space<vmem>>
        %dma_start3A_1299 = tpu.memref_squeeze %dma_start3A_1298 : memref<1x1x64xi32, #tpu.memory_space<vmem>> -> memref<64xi32, #tpu.memory_space<vmem>>
        %dma_start3A_1300 = arith.constant 0 : i32
        %dma_start3A_1301 = arith.constant 0 : i32
        %dma_start3A_1302 = tpu.memref_slice %arg6[%dma_start3A_1300, %dma_start3A_1301] : memref<10240x128xf32, #tpu.memory_space<vmem_shared>> -> memref<10240x128xf32, #tpu.memory_space<vmem_shared>>
        tpu.enqueue_indirect_dma source(%arg10 : memref<64x128xf32, #tpu.memory_space<vmem>>) target(%dma_start3A_1302 : memref<10240x128xf32, #tpu.memory_space<vmem_shared>>) offsets(%dma_start3A_1299 : memref<64xi32, #tpu.memory_space<vmem>>) semaphore(%run_scoped3A_1296 : memref<!tpu.dma_semaphore, #tpu.memory_space<semaphore_mem>>) {add = true}
        %dma_wait3A_1303 = arith.constant 0 : i32
        %dma_wait3A_1304 = tpu.memref_slice %arg8[%run_scoped3A_825, %run_scoped3A_826, %dma_wait3A_1303] : memref<32x2x64xi32, #tpu.memory_space<vmem>> -> memref<1x1x64xi32, #tpu.memory_space<vmem>>
        %dma_wait3A_1305 = tpu.memref_squeeze %dma_wait3A_1304 : memref<1x1x64xi32, #tpu.memory_space<vmem>> -> memref<64xi32, #tpu.memory_space<vmem>>
        %dma_wait3A_1306 = arith.constant 0 : i32
        %dma_wait3A_1307 = arith.constant 0 : i32
        %dma_wait3A_1308 = tpu.memref_slice %arg6[%dma_wait3A_1306, %dma_wait3A_1307] : memref<10240x128xf32, #tpu.memory_space<vmem_shared>> -> memref<10240x128xf32, #tpu.memory_space<vmem_shared>>
        tpu.wait_indirect_dma semaphore(%run_scoped3A_1296 : memref<!tpu.dma_semaphore, #tpu.memory_space<semaphore_mem>>) src(%arg10 : memref<64x128xf32, #tpu.memory_space<vmem>>) dst(%dma_wait3A_1308 : memref<10240x128xf32, #tpu.memory_space<vmem_shared>>)
        tpu.yield
      }) : () -> ()
      %dma_start3A_827 = arith.constant 9 : i32
      %dma_start3A_828 = arith.constant 0 : i32
      %dma_start3A_829 = arith.constant 0 : i32
      %dma_start3A_830 = tpu.memref_slice %arg8[%dma_start3A_827, %dma_start3A_828, %dma_start3A_829] : memref<32x2x64xi32, #tpu.memory_space<vmem>> -> memref<1x1x64xi32, #tpu.memory_space<vmem>>
      %dma_start3A_831 = tpu.memref_squeeze %dma_start3A_830 : memref<1x1x64xi32, #tpu.memory_space<vmem>> -> memref<64xi32, #tpu.memory_space<vmem>>
      %dma_start3A_832 = arith.constant 0 : i32
      %dma_start3A_833 = arith.constant 0 : i32
      %dma_start3A_834 = tpu.memref_slice %arg2[%dma_start3A_832, %dma_start3A_833] : memref<20480x128xf32, #tpu.memory_space<hbm>> -> memref<20480x128xf32, #tpu.memory_space<hbm>>
      tpu.enqueue_indirect_dma source(%dma_start3A_834 : memref<20480x128xf32, #tpu.memory_space<hbm>>) target(%arg10 : memref<64x128xf32, #tpu.memory_space<vmem>>) offsets(%dma_start3A_831 : memref<64xi32, #tpu.memory_space<vmem>>) semaphore(%arg14 : memref<!tpu.dma_semaphore, #tpu.memory_space<semaphore_mem>>)
      %dma_wait3A_835 = arith.constant 6 : i32
      %dma_wait3A_836 = arith.constant 0 : i32
      %dma_wait3A_837 = arith.constant 0 : i32
      %dma_wait3A_838 = tpu.memref_slice %arg8[%dma_wait3A_835, %dma_wait3A_836, %dma_wait3A_837] : memref<32x2x64xi32, #tpu.memory_space<vmem>> -> memref<1x1x64xi32, #tpu.memory_space<vmem>>
      %dma_wait3A_839 = tpu.memref_squeeze %dma_wait3A_838 : memref<1x1x64xi32, #tpu.memory_space<vmem>> -> memref<64xi32, #tpu.memory_space<vmem>>
      %dma_wait3A_840 = arith.constant 0 : i32
      %dma_wait3A_841 = arith.constant 0 : i32
      %dma_wait3A_842 = tpu.memref_slice %arg2[%dma_wait3A_840, %dma_wait3A_841] : memref<20480x128xf32, #tpu.memory_space<hbm>> -> memref<20480x128xf32, #tpu.memory_space<hbm>>
      tpu.wait_indirect_dma semaphore(%arg15 : memref<!tpu.dma_semaphore, #tpu.memory_space<semaphore_mem>>) src(%dma_wait3A_842 : memref<20480x128xf32, #tpu.memory_space<hbm>>) dst(%arg11 : memref<64x128xf32, #tpu.memory_space<vmem>>)
      %run_scoped3A_843 = arith.constant 6 : i32
      %run_scoped3A_844 = arith.constant 1 : i32
      "tpu.region"() ({
        %run_scoped3A_1296 = tpu.sem_alloc : memref<!tpu.dma_semaphore, #tpu.memory_space<semaphore_mem>>
        %dma_start3A_1297 = arith.constant 0 : i32
        %dma_start3A_1298 = tpu.memref_slice %arg8[%run_scoped3A_843, %run_scoped3A_844, %dma_start3A_1297] : memref<32x2x64xi32, #tpu.memory_space<vmem>> -> memref<1x1x64xi32, #tpu.memory_space<vmem>>
        %dma_start3A_1299 = tpu.memref_squeeze %dma_start3A_1298 : memref<1x1x64xi32, #tpu.memory_space<vmem>> -> memref<64xi32, #tpu.memory_space<vmem>>
        %dma_start3A_1300 = arith.constant 0 : i32
        %dma_start3A_1301 = arith.constant 0 : i32
        %dma_start3A_1302 = tpu.memref_slice %arg6[%dma_start3A_1300, %dma_start3A_1301] : memref<10240x128xf32, #tpu.memory_space<vmem_shared>> -> memref<10240x128xf32, #tpu.memory_space<vmem_shared>>
        tpu.enqueue_indirect_dma source(%arg11 : memref<64x128xf32, #tpu.memory_space<vmem>>) target(%dma_start3A_1302 : memref<10240x128xf32, #tpu.memory_space<vmem_shared>>) offsets(%dma_start3A_1299 : memref<64xi32, #tpu.memory_space<vmem>>) semaphore(%run_scoped3A_1296 : memref<!tpu.dma_semaphore, #tpu.memory_space<semaphore_mem>>) {add = true}
        %dma_wait3A_1303 = arith.constant 0 : i32
        %dma_wait3A_1304 = tpu.memref_slice %arg8[%run_scoped3A_843, %run_scoped3A_844, %dma_wait3A_1303] : memref<32x2x64xi32, #tpu.memory_space<vmem>> -> memref<1x1x64xi32, #tpu.memory_space<vmem>>
        %dma_wait3A_1305 = tpu.memref_squeeze %dma_wait3A_1304 : memref<1x1x64xi32, #tpu.memory_space<vmem>> -> memref<64xi32, #tpu.memory_space<vmem>>
        %dma_wait3A_1306 = arith.constant 0 : i32
        %dma_wait3A_1307 = arith.constant 0 : i32
        %dma_wait3A_1308 = tpu.memref_slice %arg6[%dma_wait3A_1306, %dma_wait3A_1307] : memref<10240x128xf32, #tpu.memory_space<vmem_shared>> -> memref<10240x128xf32, #tpu.memory_space<vmem_shared>>
        tpu.wait_indirect_dma semaphore(%run_scoped3A_1296 : memref<!tpu.dma_semaphore, #tpu.memory_space<semaphore_mem>>) src(%arg11 : memref<64x128xf32, #tpu.memory_space<vmem>>) dst(%dma_wait3A_1308 : memref<10240x128xf32, #tpu.memory_space<vmem_shared>>)
        tpu.yield
      }) : () -> ()
      %dma_start3A_845 = arith.constant 10 : i32
      %dma_start3A_846 = arith.constant 0 : i32
      %dma_start3A_847 = arith.constant 0 : i32
      %dma_start3A_848 = tpu.memref_slice %arg8[%dma_start3A_845, %dma_start3A_846, %dma_start3A_847] : memref<32x2x64xi32, #tpu.memory_space<vmem>> -> memref<1x1x64xi32, #tpu.memory_space<vmem>>
      %dma_start3A_849 = tpu.memref_squeeze %dma_start3A_848 : memref<1x1x64xi32, #tpu.memory_space<vmem>> -> memref<64xi32, #tpu.memory_space<vmem>>
      %dma_start3A_850 = arith.constant 0 : i32
      %dma_start3A_851 = arith.constant 0 : i32
      %dma_start3A_852 = tpu.memref_slice %arg2[%dma_start3A_850, %dma_start3A_851] : memref<20480x128xf32, #tpu.memory_space<hbm>> -> memref<20480x128xf32, #tpu.memory_space<hbm>>
      tpu.enqueue_indirect_dma source(%dma_start3A_852 : memref<20480x128xf32, #tpu.memory_space<hbm>>) target(%arg11 : memref<64x128xf32, #tpu.memory_space<vmem>>) offsets(%dma_start3A_849 : memref<64xi32, #tpu.memory_space<vmem>>) semaphore(%arg15 : memref<!tpu.dma_semaphore, #tpu.memory_space<semaphore_mem>>)
      %dma_wait3A_853 = arith.constant 7 : i32
      %dma_wait3A_854 = arith.constant 0 : i32
      %dma_wait3A_855 = arith.constant 0 : i32
      %dma_wait3A_856 = tpu.memref_slice %arg8[%dma_wait3A_853, %dma_wait3A_854, %dma_wait3A_855] : memref<32x2x64xi32, #tpu.memory_space<vmem>> -> memref<1x1x64xi32, #tpu.memory_space<vmem>>
      %dma_wait3A_857 = tpu.memref_squeeze %dma_wait3A_856 : memref<1x1x64xi32, #tpu.memory_space<vmem>> -> memref<64xi32, #tpu.memory_space<vmem>>
      %dma_wait3A_858 = arith.constant 0 : i32
      %dma_wait3A_859 = arith.constant 0 : i32
      %dma_wait3A_860 = tpu.memref_slice %arg2[%dma_wait3A_858, %dma_wait3A_859] : memref<20480x128xf32, #tpu.memory_space<hbm>> -> memref<20480x128xf32, #tpu.memory_space<hbm>>
      tpu.wait_indirect_dma semaphore(%arg16 : memref<!tpu.dma_semaphore, #tpu.memory_space<semaphore_mem>>) src(%dma_wait3A_860 : memref<20480x128xf32, #tpu.memory_space<hbm>>) dst(%arg12 : memref<64x128xf32, #tpu.memory_space<vmem>>)
      %run_scoped3A_861 = arith.constant 7 : i32
      %run_scoped3A_862 = arith.constant 1 : i32
      "tpu.region"() ({
        %run_scoped3A_1296 = tpu.sem_alloc : memref<!tpu.dma_semaphore, #tpu.memory_space<semaphore_mem>>
        %dma_start3A_1297 = arith.constant 0 : i32
        %dma_start3A_1298 = tpu.memref_slice %arg8[%run_scoped3A_861, %run_scoped3A_862, %dma_start3A_1297] : memref<32x2x64xi32, #tpu.memory_space<vmem>> -> memref<1x1x64xi32, #tpu.memory_space<vmem>>
        %dma_start3A_1299 = tpu.memref_squeeze %dma_start3A_1298 : memref<1x1x64xi32, #tpu.memory_space<vmem>> -> memref<64xi32, #tpu.memory_space<vmem>>
        %dma_start3A_1300 = arith.constant 0 : i32
        %dma_start3A_1301 = arith.constant 0 : i32
        %dma_start3A_1302 = tpu.memref_slice %arg6[%dma_start3A_1300, %dma_start3A_1301] : memref<10240x128xf32, #tpu.memory_space<vmem_shared>> -> memref<10240x128xf32, #tpu.memory_space<vmem_shared>>
        tpu.enqueue_indirect_dma source(%arg12 : memref<64x128xf32, #tpu.memory_space<vmem>>) target(%dma_start3A_1302 : memref<10240x128xf32, #tpu.memory_space<vmem_shared>>) offsets(%dma_start3A_1299 : memref<64xi32, #tpu.memory_space<vmem>>) semaphore(%run_scoped3A_1296 : memref<!tpu.dma_semaphore, #tpu.memory_space<semaphore_mem>>) {add = true}
        %dma_wait3A_1303 = arith.constant 0 : i32
        %dma_wait3A_1304 = tpu.memref_slice %arg8[%run_scoped3A_861, %run_scoped3A_862, %dma_wait3A_1303] : memref<32x2x64xi32, #tpu.memory_space<vmem>> -> memref<1x1x64xi32, #tpu.memory_space<vmem>>
        %dma_wait3A_1305 = tpu.memref_squeeze %dma_wait3A_1304 : memref<1x1x64xi32, #tpu.memory_space<vmem>> -> memref<64xi32, #tpu.memory_space<vmem>>
        %dma_wait3A_1306 = arith.constant 0 : i32
        %dma_wait3A_1307 = arith.constant 0 : i32
        %dma_wait3A_1308 = tpu.memref_slice %arg6[%dma_wait3A_1306, %dma_wait3A_1307] : memref<10240x128xf32, #tpu.memory_space<vmem_shared>> -> memref<10240x128xf32, #tpu.memory_space<vmem_shared>>
        tpu.wait_indirect_dma semaphore(%run_scoped3A_1296 : memref<!tpu.dma_semaphore, #tpu.memory_space<semaphore_mem>>) src(%arg12 : memref<64x128xf32, #tpu.memory_space<vmem>>) dst(%dma_wait3A_1308 : memref<10240x128xf32, #tpu.memory_space<vmem_shared>>)
        tpu.yield
      }) : () -> ()
      %dma_start3A_863 = arith.constant 11 : i32
      %dma_start3A_864 = arith.constant 0 : i32
      %dma_start3A_865 = arith.constant 0 : i32
      %dma_start3A_866 = tpu.memref_slice %arg8[%dma_start3A_863, %dma_start3A_864, %dma_start3A_865] : memref<32x2x64xi32, #tpu.memory_space<vmem>> -> memref<1x1x64xi32, #tpu.memory_space<vmem>>
      %dma_start3A_867 = tpu.memref_squeeze %dma_start3A_866 : memref<1x1x64xi32, #tpu.memory_space<vmem>> -> memref<64xi32, #tpu.memory_space<vmem>>
      %dma_start3A_868 = arith.constant 0 : i32
      %dma_start3A_869 = arith.constant 0 : i32
      %dma_start3A_870 = tpu.memref_slice %arg2[%dma_start3A_868, %dma_start3A_869] : memref<20480x128xf32, #tpu.memory_space<hbm>> -> memref<20480x128xf32, #tpu.memory_space<hbm>>
      tpu.enqueue_indirect_dma source(%dma_start3A_870 : memref<20480x128xf32, #tpu.memory_space<hbm>>) target(%arg12 : memref<64x128xf32, #tpu.memory_space<vmem>>) offsets(%dma_start3A_867 : memref<64xi32, #tpu.memory_space<vmem>>) semaphore(%arg16 : memref<!tpu.dma_semaphore, #tpu.memory_space<semaphore_mem>>)
      %dma_wait3A_871 = arith.constant 8 : i32
      %dma_wait3A_872 = arith.constant 0 : i32
      %dma_wait3A_873 = arith.constant 0 : i32
      %dma_wait3A_874 = tpu.memref_slice %arg8[%dma_wait3A_871, %dma_wait3A_872, %dma_wait3A_873] : memref<32x2x64xi32, #tpu.memory_space<vmem>> -> memref<1x1x64xi32, #tpu.memory_space<vmem>>
      %dma_wait3A_875 = tpu.memref_squeeze %dma_wait3A_874 : memref<1x1x64xi32, #tpu.memory_space<vmem>> -> memref<64xi32, #tpu.memory_space<vmem>>
      %dma_wait3A_876 = arith.constant 0 : i32
      %dma_wait3A_877 = arith.constant 0 : i32
      %dma_wait3A_878 = tpu.memref_slice %arg2[%dma_wait3A_876, %dma_wait3A_877] : memref<20480x128xf32, #tpu.memory_space<hbm>> -> memref<20480x128xf32, #tpu.memory_space<hbm>>
      tpu.wait_indirect_dma semaphore(%arg13 : memref<!tpu.dma_semaphore, #tpu.memory_space<semaphore_mem>>) src(%dma_wait3A_878 : memref<20480x128xf32, #tpu.memory_space<hbm>>) dst(%arg9 : memref<64x128xf32, #tpu.memory_space<vmem>>)
      %run_scoped3A_879 = arith.constant 8 : i32
      %run_scoped3A_880 = arith.constant 1 : i32
      "tpu.region"() ({
        %run_scoped3A_1296 = tpu.sem_alloc : memref<!tpu.dma_semaphore, #tpu.memory_space<semaphore_mem>>
        %dma_start3A_1297 = arith.constant 0 : i32
        %dma_start3A_1298 = tpu.memref_slice %arg8[%run_scoped3A_879, %run_scoped3A_880, %dma_start3A_1297] : memref<32x2x64xi32, #tpu.memory_space<vmem>> -> memref<1x1x64xi32, #tpu.memory_space<vmem>>
        %dma_start3A_1299 = tpu.memref_squeeze %dma_start3A_1298 : memref<1x1x64xi32, #tpu.memory_space<vmem>> -> memref<64xi32, #tpu.memory_space<vmem>>
        %dma_start3A_1300 = arith.constant 0 : i32
        %dma_start3A_1301 = arith.constant 0 : i32
        %dma_start3A_1302 = tpu.memref_slice %arg6[%dma_start3A_1300, %dma_start3A_1301] : memref<10240x128xf32, #tpu.memory_space<vmem_shared>> -> memref<10240x128xf32, #tpu.memory_space<vmem_shared>>
        tpu.enqueue_indirect_dma source(%arg9 : memref<64x128xf32, #tpu.memory_space<vmem>>) target(%dma_start3A_1302 : memref<10240x128xf32, #tpu.memory_space<vmem_shared>>) offsets(%dma_start3A_1299 : memref<64xi32, #tpu.memory_space<vmem>>) semaphore(%run_scoped3A_1296 : memref<!tpu.dma_semaphore, #tpu.memory_space<semaphore_mem>>) {add = true}
        %dma_wait3A_1303 = arith.constant 0 : i32
        %dma_wait3A_1304 = tpu.memref_slice %arg8[%run_scoped3A_879, %run_scoped3A_880, %dma_wait3A_1303] : memref<32x2x64xi32, #tpu.memory_space<vmem>> -> memref<1x1x64xi32, #tpu.memory_space<vmem>>
        %dma_wait3A_1305 = tpu.memref_squeeze %dma_wait3A_1304 : memref<1x1x64xi32, #tpu.memory_space<vmem>> -> memref<64xi32, #tpu.memory_space<vmem>>
        %dma_wait3A_1306 = arith.constant 0 : i32
        %dma_wait3A_1307 = arith.constant 0 : i32
        %dma_wait3A_1308 = tpu.memref_slice %arg6[%dma_wait3A_1306, %dma_wait3A_1307] : memref<10240x128xf32, #tpu.memory_space<vmem_shared>> -> memref<10240x128xf32, #tpu.memory_space<vmem_shared>>
        tpu.wait_indirect_dma semaphore(%run_scoped3A_1296 : memref<!tpu.dma_semaphore, #tpu.memory_space<semaphore_mem>>) src(%arg9 : memref<64x128xf32, #tpu.memory_space<vmem>>) dst(%dma_wait3A_1308 : memref<10240x128xf32, #tpu.memory_space<vmem_shared>>)
        tpu.yield
      }) : () -> ()
      %dma_start3A_881 = arith.constant 12 : i32
      %dma_start3A_882 = arith.constant 0 : i32
      %dma_start3A_883 = arith.constant 0 : i32
      %dma_start3A_884 = tpu.memref_slice %arg8[%dma_start3A_881, %dma_start3A_882, %dma_start3A_883] : memref<32x2x64xi32, #tpu.memory_space<vmem>> -> memref<1x1x64xi32, #tpu.memory_space<vmem>>
      %dma_start3A_885 = tpu.memref_squeeze %dma_start3A_884 : memref<1x1x64xi32, #tpu.memory_space<vmem>> -> memref<64xi32, #tpu.memory_space<vmem>>
      %dma_start3A_886 = arith.constant 0 : i32
      %dma_start3A_887 = arith.constant 0 : i32
      %dma_start3A_888 = tpu.memref_slice %arg2[%dma_start3A_886, %dma_start3A_887] : memref<20480x128xf32, #tpu.memory_space<hbm>> -> memref<20480x128xf32, #tpu.memory_space<hbm>>
      tpu.enqueue_indirect_dma source(%dma_start3A_888 : memref<20480x128xf32, #tpu.memory_space<hbm>>) target(%arg9 : memref<64x128xf32, #tpu.memory_space<vmem>>) offsets(%dma_start3A_885 : memref<64xi32, #tpu.memory_space<vmem>>) semaphore(%arg13 : memref<!tpu.dma_semaphore, #tpu.memory_space<semaphore_mem>>)
      %dma_wait3A_889 = arith.constant 9 : i32
      %dma_wait3A_890 = arith.constant 0 : i32
      %dma_wait3A_891 = arith.constant 0 : i32
      %dma_wait3A_892 = tpu.memref_slice %arg8[%dma_wait3A_889, %dma_wait3A_890, %dma_wait3A_891] : memref<32x2x64xi32, #tpu.memory_space<vmem>> -> memref<1x1x64xi32, #tpu.memory_space<vmem>>
      %dma_wait3A_893 = tpu.memref_squeeze %dma_wait3A_892 : memref<1x1x64xi32, #tpu.memory_space<vmem>> -> memref<64xi32, #tpu.memory_space<vmem>>
      %dma_wait3A_894 = arith.constant 0 : i32
      %dma_wait3A_895 = arith.constant 0 : i32
      %dma_wait3A_896 = tpu.memref_slice %arg2[%dma_wait3A_894, %dma_wait3A_895] : memref<20480x128xf32, #tpu.memory_space<hbm>> -> memref<20480x128xf32, #tpu.memory_space<hbm>>
      tpu.wait_indirect_dma semaphore(%arg14 : memref<!tpu.dma_semaphore, #tpu.memory_space<semaphore_mem>>) src(%dma_wait3A_896 : memref<20480x128xf32, #tpu.memory_space<hbm>>) dst(%arg10 : memref<64x128xf32, #tpu.memory_space<vmem>>)
      %run_scoped3A_897 = arith.constant 9 : i32
      %run_scoped3A_898 = arith.constant 1 : i32
      "tpu.region"() ({
        %run_scoped3A_1296 = tpu.sem_alloc : memref<!tpu.dma_semaphore, #tpu.memory_space<semaphore_mem>>
        %dma_start3A_1297 = arith.constant 0 : i32
        %dma_start3A_1298 = tpu.memref_slice %arg8[%run_scoped3A_897, %run_scoped3A_898, %dma_start3A_1297] : memref<32x2x64xi32, #tpu.memory_space<vmem>> -> memref<1x1x64xi32, #tpu.memory_space<vmem>>
        %dma_start3A_1299 = tpu.memref_squeeze %dma_start3A_1298 : memref<1x1x64xi32, #tpu.memory_space<vmem>> -> memref<64xi32, #tpu.memory_space<vmem>>
        %dma_start3A_1300 = arith.constant 0 : i32
        %dma_start3A_1301 = arith.constant 0 : i32
        %dma_start3A_1302 = tpu.memref_slice %arg6[%dma_start3A_1300, %dma_start3A_1301] : memref<10240x128xf32, #tpu.memory_space<vmem_shared>> -> memref<10240x128xf32, #tpu.memory_space<vmem_shared>>
        tpu.enqueue_indirect_dma source(%arg10 : memref<64x128xf32, #tpu.memory_space<vmem>>) target(%dma_start3A_1302 : memref<10240x128xf32, #tpu.memory_space<vmem_shared>>) offsets(%dma_start3A_1299 : memref<64xi32, #tpu.memory_space<vmem>>) semaphore(%run_scoped3A_1296 : memref<!tpu.dma_semaphore, #tpu.memory_space<semaphore_mem>>) {add = true}
        %dma_wait3A_1303 = arith.constant 0 : i32
        %dma_wait3A_1304 = tpu.memref_slice %arg8[%run_scoped3A_897, %run_scoped3A_898, %dma_wait3A_1303] : memref<32x2x64xi32, #tpu.memory_space<vmem>> -> memref<1x1x64xi32, #tpu.memory_space<vmem>>
        %dma_wait3A_1305 = tpu.memref_squeeze %dma_wait3A_1304 : memref<1x1x64xi32, #tpu.memory_space<vmem>> -> memref<64xi32, #tpu.memory_space<vmem>>
        %dma_wait3A_1306 = arith.constant 0 : i32
        %dma_wait3A_1307 = arith.constant 0 : i32
        %dma_wait3A_1308 = tpu.memref_slice %arg6[%dma_wait3A_1306, %dma_wait3A_1307] : memref<10240x128xf32, #tpu.memory_space<vmem_shared>> -> memref<10240x128xf32, #tpu.memory_space<vmem_shared>>
        tpu.wait_indirect_dma semaphore(%run_scoped3A_1296 : memref<!tpu.dma_semaphore, #tpu.memory_space<semaphore_mem>>) src(%arg10 : memref<64x128xf32, #tpu.memory_space<vmem>>) dst(%dma_wait3A_1308 : memref<10240x128xf32, #tpu.memory_space<vmem_shared>>)
        tpu.yield
      }) : () -> ()
      %dma_start3A_899 = arith.constant 13 : i32
      %dma_start3A_900 = arith.constant 0 : i32
      %dma_start3A_901 = arith.constant 0 : i32
      %dma_start3A_902 = tpu.memref_slice %arg8[%dma_start3A_899, %dma_start3A_900, %dma_start3A_901] : memref<32x2x64xi32, #tpu.memory_space<vmem>> -> memref<1x1x64xi32, #tpu.memory_space<vmem>>
      %dma_start3A_903 = tpu.memref_squeeze %dma_start3A_902 : memref<1x1x64xi32, #tpu.memory_space<vmem>> -> memref<64xi32, #tpu.memory_space<vmem>>
      %dma_start3A_904 = arith.constant 0 : i32
      %dma_start3A_905 = arith.constant 0 : i32
      %dma_start3A_906 = tpu.memref_slice %arg2[%dma_start3A_904, %dma_start3A_905] : memref<20480x128xf32, #tpu.memory_space<hbm>> -> memref<20480x128xf32, #tpu.memory_space<hbm>>
      tpu.enqueue_indirect_dma source(%dma_start3A_906 : memref<20480x128xf32, #tpu.memory_space<hbm>>) target(%arg10 : memref<64x128xf32, #tpu.memory_space<vmem>>) offsets(%dma_start3A_903 : memref<64xi32, #tpu.memory_space<vmem>>) semaphore(%arg14 : memref<!tpu.dma_semaphore, #tpu.memory_space<semaphore_mem>>)
      %dma_wait3A_907 = arith.constant 10 : i32
      %dma_wait3A_908 = arith.constant 0 : i32
      %dma_wait3A_909 = arith.constant 0 : i32
      %dma_wait3A_910 = tpu.memref_slice %arg8[%dma_wait3A_907, %dma_wait3A_908, %dma_wait3A_909] : memref<32x2x64xi32, #tpu.memory_space<vmem>> -> memref<1x1x64xi32, #tpu.memory_space<vmem>>
      %dma_wait3A_911 = tpu.memref_squeeze %dma_wait3A_910 : memref<1x1x64xi32, #tpu.memory_space<vmem>> -> memref<64xi32, #tpu.memory_space<vmem>>
      %dma_wait3A_912 = arith.constant 0 : i32
      %dma_wait3A_913 = arith.constant 0 : i32
      %dma_wait3A_914 = tpu.memref_slice %arg2[%dma_wait3A_912, %dma_wait3A_913] : memref<20480x128xf32, #tpu.memory_space<hbm>> -> memref<20480x128xf32, #tpu.memory_space<hbm>>
      tpu.wait_indirect_dma semaphore(%arg15 : memref<!tpu.dma_semaphore, #tpu.memory_space<semaphore_mem>>) src(%dma_wait3A_914 : memref<20480x128xf32, #tpu.memory_space<hbm>>) dst(%arg11 : memref<64x128xf32, #tpu.memory_space<vmem>>)
      %run_scoped3A_915 = arith.constant 10 : i32
      %run_scoped3A_916 = arith.constant 1 : i32
      "tpu.region"() ({
        %run_scoped3A_1296 = tpu.sem_alloc : memref<!tpu.dma_semaphore, #tpu.memory_space<semaphore_mem>>
        %dma_start3A_1297 = arith.constant 0 : i32
        %dma_start3A_1298 = tpu.memref_slice %arg8[%run_scoped3A_915, %run_scoped3A_916, %dma_start3A_1297] : memref<32x2x64xi32, #tpu.memory_space<vmem>> -> memref<1x1x64xi32, #tpu.memory_space<vmem>>
        %dma_start3A_1299 = tpu.memref_squeeze %dma_start3A_1298 : memref<1x1x64xi32, #tpu.memory_space<vmem>> -> memref<64xi32, #tpu.memory_space<vmem>>
        %dma_start3A_1300 = arith.constant 0 : i32
        %dma_start3A_1301 = arith.constant 0 : i32
        %dma_start3A_1302 = tpu.memref_slice %arg6[%dma_start3A_1300, %dma_start3A_1301] : memref<10240x128xf32, #tpu.memory_space<vmem_shared>> -> memref<10240x128xf32, #tpu.memory_space<vmem_shared>>
        tpu.enqueue_indirect_dma source(%arg11 : memref<64x128xf32, #tpu.memory_space<vmem>>) target(%dma_start3A_1302 : memref<10240x128xf32, #tpu.memory_space<vmem_shared>>) offsets(%dma_start3A_1299 : memref<64xi32, #tpu.memory_space<vmem>>) semaphore(%run_scoped3A_1296 : memref<!tpu.dma_semaphore, #tpu.memory_space<semaphore_mem>>) {add = true}
        %dma_wait3A_1303 = arith.constant 0 : i32
        %dma_wait3A_1304 = tpu.memref_slice %arg8[%run_scoped3A_915, %run_scoped3A_916, %dma_wait3A_1303] : memref<32x2x64xi32, #tpu.memory_space<vmem>> -> memref<1x1x64xi32, #tpu.memory_space<vmem>>
        %dma_wait3A_1305 = tpu.memref_squeeze %dma_wait3A_1304 : memref<1x1x64xi32, #tpu.memory_space<vmem>> -> memref<64xi32, #tpu.memory_space<vmem>>
        %dma_wait3A_1306 = arith.constant 0 : i32
        %dma_wait3A_1307 = arith.constant 0 : i32
        %dma_wait3A_1308 = tpu.memref_slice %arg6[%dma_wait3A_1306, %dma_wait3A_1307] : memref<10240x128xf32, #tpu.memory_space<vmem_shared>> -> memref<10240x128xf32, #tpu.memory_space<vmem_shared>>
        tpu.wait_indirect_dma semaphore(%run_scoped3A_1296 : memref<!tpu.dma_semaphore, #tpu.memory_space<semaphore_mem>>) src(%arg11 : memref<64x128xf32, #tpu.memory_space<vmem>>) dst(%dma_wait3A_1308 : memref<10240x128xf32, #tpu.memory_space<vmem_shared>>)
        tpu.yield
      }) : () -> ()
      %dma_start3A_917 = arith.constant 14 : i32
      %dma_start3A_918 = arith.constant 0 : i32
      %dma_start3A_919 = arith.constant 0 : i32
      %dma_start3A_920 = tpu.memref_slice %arg8[%dma_start3A_917, %dma_start3A_918, %dma_start3A_919] : memref<32x2x64xi32, #tpu.memory_space<vmem>> -> memref<1x1x64xi32, #tpu.memory_space<vmem>>
      %dma_start3A_921 = tpu.memref_squeeze %dma_start3A_920 : memref<1x1x64xi32, #tpu.memory_space<vmem>> -> memref<64xi32, #tpu.memory_space<vmem>>
      %dma_start3A_922 = arith.constant 0 : i32
      %dma_start3A_923 = arith.constant 0 : i32
      %dma_start3A_924 = tpu.memref_slice %arg2[%dma_start3A_922, %dma_start3A_923] : memref<20480x128xf32, #tpu.memory_space<hbm>> -> memref<20480x128xf32, #tpu.memory_space<hbm>>
      tpu.enqueue_indirect_dma source(%dma_start3A_924 : memref<20480x128xf32, #tpu.memory_space<hbm>>) target(%arg11 : memref<64x128xf32, #tpu.memory_space<vmem>>) offsets(%dma_start3A_921 : memref<64xi32, #tpu.memory_space<vmem>>) semaphore(%arg15 : memref<!tpu.dma_semaphore, #tpu.memory_space<semaphore_mem>>)
      %dma_wait3A_925 = arith.constant 11 : i32
      %dma_wait3A_926 = arith.constant 0 : i32
      %dma_wait3A_927 = arith.constant 0 : i32
      %dma_wait3A_928 = tpu.memref_slice %arg8[%dma_wait3A_925, %dma_wait3A_926, %dma_wait3A_927] : memref<32x2x64xi32, #tpu.memory_space<vmem>> -> memref<1x1x64xi32, #tpu.memory_space<vmem>>
      %dma_wait3A_929 = tpu.memref_squeeze %dma_wait3A_928 : memref<1x1x64xi32, #tpu.memory_space<vmem>> -> memref<64xi32, #tpu.memory_space<vmem>>
      %dma_wait3A_930 = arith.constant 0 : i32
      %dma_wait3A_931 = arith.constant 0 : i32
      %dma_wait3A_932 = tpu.memref_slice %arg2[%dma_wait3A_930, %dma_wait3A_931] : memref<20480x128xf32, #tpu.memory_space<hbm>> -> memref<20480x128xf32, #tpu.memory_space<hbm>>
      tpu.wait_indirect_dma semaphore(%arg16 : memref<!tpu.dma_semaphore, #tpu.memory_space<semaphore_mem>>) src(%dma_wait3A_932 : memref<20480x128xf32, #tpu.memory_space<hbm>>) dst(%arg12 : memref<64x128xf32, #tpu.memory_space<vmem>>)
      %run_scoped3A_933 = arith.constant 11 : i32
      %run_scoped3A_934 = arith.constant 1 : i32
      "tpu.region"() ({
        %run_scoped3A_1296 = tpu.sem_alloc : memref<!tpu.dma_semaphore, #tpu.memory_space<semaphore_mem>>
        %dma_start3A_1297 = arith.constant 0 : i32
        %dma_start3A_1298 = tpu.memref_slice %arg8[%run_scoped3A_933, %run_scoped3A_934, %dma_start3A_1297] : memref<32x2x64xi32, #tpu.memory_space<vmem>> -> memref<1x1x64xi32, #tpu.memory_space<vmem>>
        %dma_start3A_1299 = tpu.memref_squeeze %dma_start3A_1298 : memref<1x1x64xi32, #tpu.memory_space<vmem>> -> memref<64xi32, #tpu.memory_space<vmem>>
        %dma_start3A_1300 = arith.constant 0 : i32
        %dma_start3A_1301 = arith.constant 0 : i32
        %dma_start3A_1302 = tpu.memref_slice %arg6[%dma_start3A_1300, %dma_start3A_1301] : memref<10240x128xf32, #tpu.memory_space<vmem_shared>> -> memref<10240x128xf32, #tpu.memory_space<vmem_shared>>
        tpu.enqueue_indirect_dma source(%arg12 : memref<64x128xf32, #tpu.memory_space<vmem>>) target(%dma_start3A_1302 : memref<10240x128xf32, #tpu.memory_space<vmem_shared>>) offsets(%dma_start3A_1299 : memref<64xi32, #tpu.memory_space<vmem>>) semaphore(%run_scoped3A_1296 : memref<!tpu.dma_semaphore, #tpu.memory_space<semaphore_mem>>) {add = true}
        %dma_wait3A_1303 = arith.constant 0 : i32
        %dma_wait3A_1304 = tpu.memref_slice %arg8[%run_scoped3A_933, %run_scoped3A_934, %dma_wait3A_1303] : memref<32x2x64xi32, #tpu.memory_space<vmem>> -> memref<1x1x64xi32, #tpu.memory_space<vmem>>
        %dma_wait3A_1305 = tpu.memref_squeeze %dma_wait3A_1304 : memref<1x1x64xi32, #tpu.memory_space<vmem>> -> memref<64xi32, #tpu.memory_space<vmem>>
        %dma_wait3A_1306 = arith.constant 0 : i32
        %dma_wait3A_1307 = arith.constant 0 : i32
        %dma_wait3A_1308 = tpu.memref_slice %arg6[%dma_wait3A_1306, %dma_wait3A_1307] : memref<10240x128xf32, #tpu.memory_space<vmem_shared>> -> memref<10240x128xf32, #tpu.memory_space<vmem_shared>>
        tpu.wait_indirect_dma semaphore(%run_scoped3A_1296 : memref<!tpu.dma_semaphore, #tpu.memory_space<semaphore_mem>>) src(%arg12 : memref<64x128xf32, #tpu.memory_space<vmem>>) dst(%dma_wait3A_1308 : memref<10240x128xf32, #tpu.memory_space<vmem_shared>>)
        tpu.yield
      }) : () -> ()
      %dma_start3A_935 = arith.constant 15 : i32
      %dma_start3A_936 = arith.constant 0 : i32
      %dma_start3A_937 = arith.constant 0 : i32
      %dma_start3A_938 = tpu.memref_slice %arg8[%dma_start3A_935, %dma_start3A_936, %dma_start3A_937] : memref<32x2x64xi32, #tpu.memory_space<vmem>> -> memref<1x1x64xi32, #tpu.memory_space<vmem>>
      %dma_start3A_939 = tpu.memref_squeeze %dma_start3A_938 : memref<1x1x64xi32, #tpu.memory_space<vmem>> -> memref<64xi32, #tpu.memory_space<vmem>>
      %dma_start3A_940 = arith.constant 0 : i32
      %dma_start3A_941 = arith.constant 0 : i32
      %dma_start3A_942 = tpu.memref_slice %arg2[%dma_start3A_940, %dma_start3A_941] : memref<20480x128xf32, #tpu.memory_space<hbm>> -> memref<20480x128xf32, #tpu.memory_space<hbm>>
      tpu.enqueue_indirect_dma source(%dma_start3A_942 : memref<20480x128xf32, #tpu.memory_space<hbm>>) target(%arg12 : memref<64x128xf32, #tpu.memory_space<vmem>>) offsets(%dma_start3A_939 : memref<64xi32, #tpu.memory_space<vmem>>) semaphore(%arg16 : memref<!tpu.dma_semaphore, #tpu.memory_space<semaphore_mem>>)
      %dma_wait3A_943 = arith.constant 12 : i32
      %dma_wait3A_944 = arith.constant 0 : i32
      %dma_wait3A_945 = arith.constant 0 : i32
      %dma_wait3A_946 = tpu.memref_slice %arg8[%dma_wait3A_943, %dma_wait3A_944, %dma_wait3A_945] : memref<32x2x64xi32, #tpu.memory_space<vmem>> -> memref<1x1x64xi32, #tpu.memory_space<vmem>>
      %dma_wait3A_947 = tpu.memref_squeeze %dma_wait3A_946 : memref<1x1x64xi32, #tpu.memory_space<vmem>> -> memref<64xi32, #tpu.memory_space<vmem>>
      %dma_wait3A_948 = arith.constant 0 : i32
      %dma_wait3A_949 = arith.constant 0 : i32
      %dma_wait3A_950 = tpu.memref_slice %arg2[%dma_wait3A_948, %dma_wait3A_949] : memref<20480x128xf32, #tpu.memory_space<hbm>> -> memref<20480x128xf32, #tpu.memory_space<hbm>>
      tpu.wait_indirect_dma semaphore(%arg13 : memref<!tpu.dma_semaphore, #tpu.memory_space<semaphore_mem>>) src(%dma_wait3A_950 : memref<20480x128xf32, #tpu.memory_space<hbm>>) dst(%arg9 : memref<64x128xf32, #tpu.memory_space<vmem>>)
      %run_scoped3A_951 = arith.constant 12 : i32
      %run_scoped3A_952 = arith.constant 1 : i32
      "tpu.region"() ({
        %run_scoped3A_1296 = tpu.sem_alloc : memref<!tpu.dma_semaphore, #tpu.memory_space<semaphore_mem>>
        %dma_start3A_1297 = arith.constant 0 : i32
        %dma_start3A_1298 = tpu.memref_slice %arg8[%run_scoped3A_951, %run_scoped3A_952, %dma_start3A_1297] : memref<32x2x64xi32, #tpu.memory_space<vmem>> -> memref<1x1x64xi32, #tpu.memory_space<vmem>>
        %dma_start3A_1299 = tpu.memref_squeeze %dma_start3A_1298 : memref<1x1x64xi32, #tpu.memory_space<vmem>> -> memref<64xi32, #tpu.memory_space<vmem>>
        %dma_start3A_1300 = arith.constant 0 : i32
        %dma_start3A_1301 = arith.constant 0 : i32
        %dma_start3A_1302 = tpu.memref_slice %arg6[%dma_start3A_1300, %dma_start3A_1301] : memref<10240x128xf32, #tpu.memory_space<vmem_shared>> -> memref<10240x128xf32, #tpu.memory_space<vmem_shared>>
        tpu.enqueue_indirect_dma source(%arg9 : memref<64x128xf32, #tpu.memory_space<vmem>>) target(%dma_start3A_1302 : memref<10240x128xf32, #tpu.memory_space<vmem_shared>>) offsets(%dma_start3A_1299 : memref<64xi32, #tpu.memory_space<vmem>>) semaphore(%run_scoped3A_1296 : memref<!tpu.dma_semaphore, #tpu.memory_space<semaphore_mem>>) {add = true}
        %dma_wait3A_1303 = arith.constant 0 : i32
        %dma_wait3A_1304 = tpu.memref_slice %arg8[%run_scoped3A_951, %run_scoped3A_952, %dma_wait3A_1303] : memref<32x2x64xi32, #tpu.memory_space<vmem>> -> memref<1x1x64xi32, #tpu.memory_space<vmem>>
        %dma_wait3A_1305 = tpu.memref_squeeze %dma_wait3A_1304 : memref<1x1x64xi32, #tpu.memory_space<vmem>> -> memref<64xi32, #tpu.memory_space<vmem>>
        %dma_wait3A_1306 = arith.constant 0 : i32
        %dma_wait3A_1307 = arith.constant 0 : i32
        %dma_wait3A_1308 = tpu.memref_slice %arg6[%dma_wait3A_1306, %dma_wait3A_1307] : memref<10240x128xf32, #tpu.memory_space<vmem_shared>> -> memref<10240x128xf32, #tpu.memory_space<vmem_shared>>
        tpu.wait_indirect_dma semaphore(%run_scoped3A_1296 : memref<!tpu.dma_semaphore, #tpu.memory_space<semaphore_mem>>) src(%arg9 : memref<64x128xf32, #tpu.memory_space<vmem>>) dst(%dma_wait3A_1308 : memref<10240x128xf32, #tpu.memory_space<vmem_shared>>)
        tpu.yield
      }) : () -> ()
      %dma_start3A_953 = arith.constant 16 : i32
      %dma_start3A_954 = arith.constant 0 : i32
      %dma_start3A_955 = arith.constant 0 : i32
      %dma_start3A_956 = tpu.memref_slice %arg8[%dma_start3A_953, %dma_start3A_954, %dma_start3A_955] : memref<32x2x64xi32, #tpu.memory_space<vmem>> -> memref<1x1x64xi32, #tpu.memory_space<vmem>>
      %dma_start3A_957 = tpu.memref_squeeze %dma_start3A_956 : memref<1x1x64xi32, #tpu.memory_space<vmem>> -> memref<64xi32, #tpu.memory_space<vmem>>
      %dma_start3A_958 = arith.constant 0 : i32
      %dma_start3A_959 = arith.constant 0 : i32
      %dma_start3A_960 = tpu.memref_slice %arg2[%dma_start3A_958, %dma_start3A_959] : memref<20480x128xf32, #tpu.memory_space<hbm>> -> memref<20480x128xf32, #tpu.memory_space<hbm>>
      tpu.enqueue_indirect_dma source(%dma_start3A_960 : memref<20480x128xf32, #tpu.memory_space<hbm>>) target(%arg9 : memref<64x128xf32, #tpu.memory_space<vmem>>) offsets(%dma_start3A_957 : memref<64xi32, #tpu.memory_space<vmem>>) semaphore(%arg13 : memref<!tpu.dma_semaphore, #tpu.memory_space<semaphore_mem>>)
      %dma_wait3A_961 = arith.constant 13 : i32
      %dma_wait3A_962 = arith.constant 0 : i32
      %dma_wait3A_963 = arith.constant 0 : i32
      %dma_wait3A_964 = tpu.memref_slice %arg8[%dma_wait3A_961, %dma_wait3A_962, %dma_wait3A_963] : memref<32x2x64xi32, #tpu.memory_space<vmem>> -> memref<1x1x64xi32, #tpu.memory_space<vmem>>
      %dma_wait3A_965 = tpu.memref_squeeze %dma_wait3A_964 : memref<1x1x64xi32, #tpu.memory_space<vmem>> -> memref<64xi32, #tpu.memory_space<vmem>>
      %dma_wait3A_966 = arith.constant 0 : i32
      %dma_wait3A_967 = arith.constant 0 : i32
      %dma_wait3A_968 = tpu.memref_slice %arg2[%dma_wait3A_966, %dma_wait3A_967] : memref<20480x128xf32, #tpu.memory_space<hbm>> -> memref<20480x128xf32, #tpu.memory_space<hbm>>
      tpu.wait_indirect_dma semaphore(%arg14 : memref<!tpu.dma_semaphore, #tpu.memory_space<semaphore_mem>>) src(%dma_wait3A_968 : memref<20480x128xf32, #tpu.memory_space<hbm>>) dst(%arg10 : memref<64x128xf32, #tpu.memory_space<vmem>>)
      %run_scoped3A_969 = arith.constant 13 : i32
      %run_scoped3A_970 = arith.constant 1 : i32
      "tpu.region"() ({
        %run_scoped3A_1296 = tpu.sem_alloc : memref<!tpu.dma_semaphore, #tpu.memory_space<semaphore_mem>>
        %dma_start3A_1297 = arith.constant 0 : i32
        %dma_start3A_1298 = tpu.memref_slice %arg8[%run_scoped3A_969, %run_scoped3A_970, %dma_start3A_1297] : memref<32x2x64xi32, #tpu.memory_space<vmem>> -> memref<1x1x64xi32, #tpu.memory_space<vmem>>
        %dma_start3A_1299 = tpu.memref_squeeze %dma_start3A_1298 : memref<1x1x64xi32, #tpu.memory_space<vmem>> -> memref<64xi32, #tpu.memory_space<vmem>>
        %dma_start3A_1300 = arith.constant 0 : i32
        %dma_start3A_1301 = arith.constant 0 : i32
        %dma_start3A_1302 = tpu.memref_slice %arg6[%dma_start3A_1300, %dma_start3A_1301] : memref<10240x128xf32, #tpu.memory_space<vmem_shared>> -> memref<10240x128xf32, #tpu.memory_space<vmem_shared>>
        tpu.enqueue_indirect_dma source(%arg10 : memref<64x128xf32, #tpu.memory_space<vmem>>) target(%dma_start3A_1302 : memref<10240x128xf32, #tpu.memory_space<vmem_shared>>) offsets(%dma_start3A_1299 : memref<64xi32, #tpu.memory_space<vmem>>) semaphore(%run_scoped3A_1296 : memref<!tpu.dma_semaphore, #tpu.memory_space<semaphore_mem>>) {add = true}
        %dma_wait3A_1303 = arith.constant 0 : i32
        %dma_wait3A_1304 = tpu.memref_slice %arg8[%run_scoped3A_969, %run_scoped3A_970, %dma_wait3A_1303] : memref<32x2x64xi32, #tpu.memory_space<vmem>> -> memref<1x1x64xi32, #tpu.memory_space<vmem>>
        %dma_wait3A_1305 = tpu.memref_squeeze %dma_wait3A_1304 : memref<1x1x64xi32, #tpu.memory_space<vmem>> -> memref<64xi32, #tpu.memory_space<vmem>>
        %dma_wait3A_1306 = arith.constant 0 : i32
        %dma_wait3A_1307 = arith.constant 0 : i32
        %dma_wait3A_1308 = tpu.memref_slice %arg6[%dma_wait3A_1306, %dma_wait3A_1307] : memref<10240x128xf32, #tpu.memory_space<vmem_shared>> -> memref<10240x128xf32, #tpu.memory_space<vmem_shared>>
        tpu.wait_indirect_dma semaphore(%run_scoped3A_1296 : memref<!tpu.dma_semaphore, #tpu.memory_space<semaphore_mem>>) src(%arg10 : memref<64x128xf32, #tpu.memory_space<vmem>>) dst(%dma_wait3A_1308 : memref<10240x128xf32, #tpu.memory_space<vmem_shared>>)
        tpu.yield
      }) : () -> ()
      %dma_start3A_971 = arith.constant 17 : i32
      %dma_start3A_972 = arith.constant 0 : i32
      %dma_start3A_973 = arith.constant 0 : i32
      %dma_start3A_974 = tpu.memref_slice %arg8[%dma_start3A_971, %dma_start3A_972, %dma_start3A_973] : memref<32x2x64xi32, #tpu.memory_space<vmem>> -> memref<1x1x64xi32, #tpu.memory_space<vmem>>
      %dma_start3A_975 = tpu.memref_squeeze %dma_start3A_974 : memref<1x1x64xi32, #tpu.memory_space<vmem>> -> memref<64xi32, #tpu.memory_space<vmem>>
      %dma_start3A_976 = arith.constant 0 : i32
      %dma_start3A_977 = arith.constant 0 : i32
      %dma_start3A_978 = tpu.memref_slice %arg2[%dma_start3A_976, %dma_start3A_977] : memref<20480x128xf32, #tpu.memory_space<hbm>> -> memref<20480x128xf32, #tpu.memory_space<hbm>>
      tpu.enqueue_indirect_dma source(%dma_start3A_978 : memref<20480x128xf32, #tpu.memory_space<hbm>>) target(%arg10 : memref<64x128xf32, #tpu.memory_space<vmem>>) offsets(%dma_start3A_975 : memref<64xi32, #tpu.memory_space<vmem>>) semaphore(%arg14 : memref<!tpu.dma_semaphore, #tpu.memory_space<semaphore_mem>>)
      %dma_wait3A_979 = arith.constant 14 : i32
      %dma_wait3A_980 = arith.constant 0 : i32
      %dma_wait3A_981 = arith.constant 0 : i32
      %dma_wait3A_982 = tpu.memref_slice %arg8[%dma_wait3A_979, %dma_wait3A_980, %dma_wait3A_981] : memref<32x2x64xi32, #tpu.memory_space<vmem>> -> memref<1x1x64xi32, #tpu.memory_space<vmem>>
      %dma_wait3A_983 = tpu.memref_squeeze %dma_wait3A_982 : memref<1x1x64xi32, #tpu.memory_space<vmem>> -> memref<64xi32, #tpu.memory_space<vmem>>
      %dma_wait3A_984 = arith.constant 0 : i32
      %dma_wait3A_985 = arith.constant 0 : i32
      %dma_wait3A_986 = tpu.memref_slice %arg2[%dma_wait3A_984, %dma_wait3A_985] : memref<20480x128xf32, #tpu.memory_space<hbm>> -> memref<20480x128xf32, #tpu.memory_space<hbm>>
      tpu.wait_indirect_dma semaphore(%arg15 : memref<!tpu.dma_semaphore, #tpu.memory_space<semaphore_mem>>) src(%dma_wait3A_986 : memref<20480x128xf32, #tpu.memory_space<hbm>>) dst(%arg11 : memref<64x128xf32, #tpu.memory_space<vmem>>)
      %run_scoped3A_987 = arith.constant 14 : i32
      %run_scoped3A_988 = arith.constant 1 : i32
      "tpu.region"() ({
        %run_scoped3A_1296 = tpu.sem_alloc : memref<!tpu.dma_semaphore, #tpu.memory_space<semaphore_mem>>
        %dma_start3A_1297 = arith.constant 0 : i32
        %dma_start3A_1298 = tpu.memref_slice %arg8[%run_scoped3A_987, %run_scoped3A_988, %dma_start3A_1297] : memref<32x2x64xi32, #tpu.memory_space<vmem>> -> memref<1x1x64xi32, #tpu.memory_space<vmem>>
        %dma_start3A_1299 = tpu.memref_squeeze %dma_start3A_1298 : memref<1x1x64xi32, #tpu.memory_space<vmem>> -> memref<64xi32, #tpu.memory_space<vmem>>
        %dma_start3A_1300 = arith.constant 0 : i32
        %dma_start3A_1301 = arith.constant 0 : i32
        %dma_start3A_1302 = tpu.memref_slice %arg6[%dma_start3A_1300, %dma_start3A_1301] : memref<10240x128xf32, #tpu.memory_space<vmem_shared>> -> memref<10240x128xf32, #tpu.memory_space<vmem_shared>>
        tpu.enqueue_indirect_dma source(%arg11 : memref<64x128xf32, #tpu.memory_space<vmem>>) target(%dma_start3A_1302 : memref<10240x128xf32, #tpu.memory_space<vmem_shared>>) offsets(%dma_start3A_1299 : memref<64xi32, #tpu.memory_space<vmem>>) semaphore(%run_scoped3A_1296 : memref<!tpu.dma_semaphore, #tpu.memory_space<semaphore_mem>>) {add = true}
        %dma_wait3A_1303 = arith.constant 0 : i32
        %dma_wait3A_1304 = tpu.memref_slice %arg8[%run_scoped3A_987, %run_scoped3A_988, %dma_wait3A_1303] : memref<32x2x64xi32, #tpu.memory_space<vmem>> -> memref<1x1x64xi32, #tpu.memory_space<vmem>>
        %dma_wait3A_1305 = tpu.memref_squeeze %dma_wait3A_1304 : memref<1x1x64xi32, #tpu.memory_space<vmem>> -> memref<64xi32, #tpu.memory_space<vmem>>
        %dma_wait3A_1306 = arith.constant 0 : i32
        %dma_wait3A_1307 = arith.constant 0 : i32
        %dma_wait3A_1308 = tpu.memref_slice %arg6[%dma_wait3A_1306, %dma_wait3A_1307] : memref<10240x128xf32, #tpu.memory_space<vmem_shared>> -> memref<10240x128xf32, #tpu.memory_space<vmem_shared>>
        tpu.wait_indirect_dma semaphore(%run_scoped3A_1296 : memref<!tpu.dma_semaphore, #tpu.memory_space<semaphore_mem>>) src(%arg11 : memref<64x128xf32, #tpu.memory_space<vmem>>) dst(%dma_wait3A_1308 : memref<10240x128xf32, #tpu.memory_space<vmem_shared>>)
        tpu.yield
      }) : () -> ()
      %dma_start3A_989 = arith.constant 18 : i32
      %dma_start3A_990 = arith.constant 0 : i32
      %dma_start3A_991 = arith.constant 0 : i32
      %dma_start3A_992 = tpu.memref_slice %arg8[%dma_start3A_989, %dma_start3A_990, %dma_start3A_991] : memref<32x2x64xi32, #tpu.memory_space<vmem>> -> memref<1x1x64xi32, #tpu.memory_space<vmem>>
      %dma_start3A_993 = tpu.memref_squeeze %dma_start3A_992 : memref<1x1x64xi32, #tpu.memory_space<vmem>> -> memref<64xi32, #tpu.memory_space<vmem>>
      %dma_start3A_994 = arith.constant 0 : i32
      %dma_start3A_995 = arith.constant 0 : i32
      %dma_start3A_996 = tpu.memref_slice %arg2[%dma_start3A_994, %dma_start3A_995] : memref<20480x128xf32, #tpu.memory_space<hbm>> -> memref<20480x128xf32, #tpu.memory_space<hbm>>
      tpu.enqueue_indirect_dma source(%dma_start3A_996 : memref<20480x128xf32, #tpu.memory_space<hbm>>) target(%arg11 : memref<64x128xf32, #tpu.memory_space<vmem>>) offsets(%dma_start3A_993 : memref<64xi32, #tpu.memory_space<vmem>>) semaphore(%arg15 : memref<!tpu.dma_semaphore, #tpu.memory_space<semaphore_mem>>)
      %dma_wait3A_997 = arith.constant 15 : i32
      %dma_wait3A_998 = arith.constant 0 : i32
      %dma_wait3A_999 = arith.constant 0 : i32
      %dma_wait3A_1000 = tpu.memref_slice %arg8[%dma_wait3A_997, %dma_wait3A_998, %dma_wait3A_999] : memref<32x2x64xi32, #tpu.memory_space<vmem>> -> memref<1x1x64xi32, #tpu.memory_space<vmem>>
      %dma_wait3A_1001 = tpu.memref_squeeze %dma_wait3A_1000 : memref<1x1x64xi32, #tpu.memory_space<vmem>> -> memref<64xi32, #tpu.memory_space<vmem>>
      %dma_wait3A_1002 = arith.constant 0 : i32
      %dma_wait3A_1003 = arith.constant 0 : i32
      %dma_wait3A_1004 = tpu.memref_slice %arg2[%dma_wait3A_1002, %dma_wait3A_1003] : memref<20480x128xf32, #tpu.memory_space<hbm>> -> memref<20480x128xf32, #tpu.memory_space<hbm>>
      tpu.wait_indirect_dma semaphore(%arg16 : memref<!tpu.dma_semaphore, #tpu.memory_space<semaphore_mem>>) src(%dma_wait3A_1004 : memref<20480x128xf32, #tpu.memory_space<hbm>>) dst(%arg12 : memref<64x128xf32, #tpu.memory_space<vmem>>)
      %run_scoped3A_1005 = arith.constant 15 : i32
      %run_scoped3A_1006 = arith.constant 1 : i32
      "tpu.region"() ({
        %run_scoped3A_1296 = tpu.sem_alloc : memref<!tpu.dma_semaphore, #tpu.memory_space<semaphore_mem>>
        %dma_start3A_1297 = arith.constant 0 : i32
        %dma_start3A_1298 = tpu.memref_slice %arg8[%run_scoped3A_1005, %run_scoped3A_1006, %dma_start3A_1297] : memref<32x2x64xi32, #tpu.memory_space<vmem>> -> memref<1x1x64xi32, #tpu.memory_space<vmem>>
        %dma_start3A_1299 = tpu.memref_squeeze %dma_start3A_1298 : memref<1x1x64xi32, #tpu.memory_space<vmem>> -> memref<64xi32, #tpu.memory_space<vmem>>
        %dma_start3A_1300 = arith.constant 0 : i32
        %dma_start3A_1301 = arith.constant 0 : i32
        %dma_start3A_1302 = tpu.memref_slice %arg6[%dma_start3A_1300, %dma_start3A_1301] : memref<10240x128xf32, #tpu.memory_space<vmem_shared>> -> memref<10240x128xf32, #tpu.memory_space<vmem_shared>>
        tpu.enqueue_indirect_dma source(%arg12 : memref<64x128xf32, #tpu.memory_space<vmem>>) target(%dma_start3A_1302 : memref<10240x128xf32, #tpu.memory_space<vmem_shared>>) offsets(%dma_start3A_1299 : memref<64xi32, #tpu.memory_space<vmem>>) semaphore(%run_scoped3A_1296 : memref<!tpu.dma_semaphore, #tpu.memory_space<semaphore_mem>>) {add = true}
        %dma_wait3A_1303 = arith.constant 0 : i32
        %dma_wait3A_1304 = tpu.memref_slice %arg8[%run_scoped3A_1005, %run_scoped3A_1006, %dma_wait3A_1303] : memref<32x2x64xi32, #tpu.memory_space<vmem>> -> memref<1x1x64xi32, #tpu.memory_space<vmem>>
        %dma_wait3A_1305 = tpu.memref_squeeze %dma_wait3A_1304 : memref<1x1x64xi32, #tpu.memory_space<vmem>> -> memref<64xi32, #tpu.memory_space<vmem>>
        %dma_wait3A_1306 = arith.constant 0 : i32
        %dma_wait3A_1307 = arith.constant 0 : i32
        %dma_wait3A_1308 = tpu.memref_slice %arg6[%dma_wait3A_1306, %dma_wait3A_1307] : memref<10240x128xf32, #tpu.memory_space<vmem_shared>> -> memref<10240x128xf32, #tpu.memory_space<vmem_shared>>
        tpu.wait_indirect_dma semaphore(%run_scoped3A_1296 : memref<!tpu.dma_semaphore, #tpu.memory_space<semaphore_mem>>) src(%arg12 : memref<64x128xf32, #tpu.memory_space<vmem>>) dst(%dma_wait3A_1308 : memref<10240x128xf32, #tpu.memory_space<vmem_shared>>)
        tpu.yield
      }) : () -> ()
      %dma_start3A_1007 = arith.constant 19 : i32
      %dma_start3A_1008 = arith.constant 0 : i32
      %dma_start3A_1009 = arith.constant 0 : i32
      %dma_start3A_1010 = tpu.memref_slice %arg8[%dma_start3A_1007, %dma_start3A_1008, %dma_start3A_1009] : memref<32x2x64xi32, #tpu.memory_space<vmem>> -> memref<1x1x64xi32, #tpu.memory_space<vmem>>
      %dma_start3A_1011 = tpu.memref_squeeze %dma_start3A_1010 : memref<1x1x64xi32, #tpu.memory_space<vmem>> -> memref<64xi32, #tpu.memory_space<vmem>>
      %dma_start3A_1012 = arith.constant 0 : i32
      %dma_start3A_1013 = arith.constant 0 : i32
      %dma_start3A_1014 = tpu.memref_slice %arg2[%dma_start3A_1012, %dma_start3A_1013] : memref<20480x128xf32, #tpu.memory_space<hbm>> -> memref<20480x128xf32, #tpu.memory_space<hbm>>
      tpu.enqueue_indirect_dma source(%dma_start3A_1014 : memref<20480x128xf32, #tpu.memory_space<hbm>>) target(%arg12 : memref<64x128xf32, #tpu.memory_space<vmem>>) offsets(%dma_start3A_1011 : memref<64xi32, #tpu.memory_space<vmem>>) semaphore(%arg16 : memref<!tpu.dma_semaphore, #tpu.memory_space<semaphore_mem>>)
      %dma_wait3A_1015 = arith.constant 16 : i32
      %dma_wait3A_1016 = arith.constant 0 : i32
      %dma_wait3A_1017 = arith.constant 0 : i32
      %dma_wait3A_1018 = tpu.memref_slice %arg8[%dma_wait3A_1015, %dma_wait3A_1016, %dma_wait3A_1017] : memref<32x2x64xi32, #tpu.memory_space<vmem>> -> memref<1x1x64xi32, #tpu.memory_space<vmem>>
      %dma_wait3A_1019 = tpu.memref_squeeze %dma_wait3A_1018 : memref<1x1x64xi32, #tpu.memory_space<vmem>> -> memref<64xi32, #tpu.memory_space<vmem>>
      %dma_wait3A_1020 = arith.constant 0 : i32
      %dma_wait3A_1021 = arith.constant 0 : i32
      %dma_wait3A_1022 = tpu.memref_slice %arg2[%dma_wait3A_1020, %dma_wait3A_1021] : memref<20480x128xf32, #tpu.memory_space<hbm>> -> memref<20480x128xf32, #tpu.memory_space<hbm>>
      tpu.wait_indirect_dma semaphore(%arg13 : memref<!tpu.dma_semaphore, #tpu.memory_space<semaphore_mem>>) src(%dma_wait3A_1022 : memref<20480x128xf32, #tpu.memory_space<hbm>>) dst(%arg9 : memref<64x128xf32, #tpu.memory_space<vmem>>)
      %run_scoped3A_1023 = arith.constant 16 : i32
      %run_scoped3A_1024 = arith.constant 1 : i32
      "tpu.region"() ({
        %run_scoped3A_1296 = tpu.sem_alloc : memref<!tpu.dma_semaphore, #tpu.memory_space<semaphore_mem>>
        %dma_start3A_1297 = arith.constant 0 : i32
        %dma_start3A_1298 = tpu.memref_slice %arg8[%run_scoped3A_1023, %run_scoped3A_1024, %dma_start3A_1297] : memref<32x2x64xi32, #tpu.memory_space<vmem>> -> memref<1x1x64xi32, #tpu.memory_space<vmem>>
        %dma_start3A_1299 = tpu.memref_squeeze %dma_start3A_1298 : memref<1x1x64xi32, #tpu.memory_space<vmem>> -> memref<64xi32, #tpu.memory_space<vmem>>
        %dma_start3A_1300 = arith.constant 0 : i32
        %dma_start3A_1301 = arith.constant 0 : i32
        %dma_start3A_1302 = tpu.memref_slice %arg6[%dma_start3A_1300, %dma_start3A_1301] : memref<10240x128xf32, #tpu.memory_space<vmem_shared>> -> memref<10240x128xf32, #tpu.memory_space<vmem_shared>>
        tpu.enqueue_indirect_dma source(%arg9 : memref<64x128xf32, #tpu.memory_space<vmem>>) target(%dma_start3A_1302 : memref<10240x128xf32, #tpu.memory_space<vmem_shared>>) offsets(%dma_start3A_1299 : memref<64xi32, #tpu.memory_space<vmem>>) semaphore(%run_scoped3A_1296 : memref<!tpu.dma_semaphore, #tpu.memory_space<semaphore_mem>>) {add = true}
        %dma_wait3A_1303 = arith.constant 0 : i32
        %dma_wait3A_1304 = tpu.memref_slice %arg8[%run_scoped3A_1023, %run_scoped3A_1024, %dma_wait3A_1303] : memref<32x2x64xi32, #tpu.memory_space<vmem>> -> memref<1x1x64xi32, #tpu.memory_space<vmem>>
        %dma_wait3A_1305 = tpu.memref_squeeze %dma_wait3A_1304 : memref<1x1x64xi32, #tpu.memory_space<vmem>> -> memref<64xi32, #tpu.memory_space<vmem>>
        %dma_wait3A_1306 = arith.constant 0 : i32
        %dma_wait3A_1307 = arith.constant 0 : i32
        %dma_wait3A_1308 = tpu.memref_slice %arg6[%dma_wait3A_1306, %dma_wait3A_1307] : memref<10240x128xf32, #tpu.memory_space<vmem_shared>> -> memref<10240x128xf32, #tpu.memory_space<vmem_shared>>
        tpu.wait_indirect_dma semaphore(%run_scoped3A_1296 : memref<!tpu.dma_semaphore, #tpu.memory_space<semaphore_mem>>) src(%arg9 : memref<64x128xf32, #tpu.memory_space<vmem>>) dst(%dma_wait3A_1308 : memref<10240x128xf32, #tpu.memory_space<vmem_shared>>)
        tpu.yield
      }) : () -> ()
      %dma_start3A_1025 = arith.constant 20 : i32
      %dma_start3A_1026 = arith.constant 0 : i32
      %dma_start3A_1027 = arith.constant 0 : i32
      %dma_start3A_1028 = tpu.memref_slice %arg8[%dma_start3A_1025, %dma_start3A_1026, %dma_start3A_1027] : memref<32x2x64xi32, #tpu.memory_space<vmem>> -> memref<1x1x64xi32, #tpu.memory_space<vmem>>
      %dma_start3A_1029 = tpu.memref_squeeze %dma_start3A_1028 : memref<1x1x64xi32, #tpu.memory_space<vmem>> -> memref<64xi32, #tpu.memory_space<vmem>>
      %dma_start3A_1030 = arith.constant 0 : i32
      %dma_start3A_1031 = arith.constant 0 : i32
      %dma_start3A_1032 = tpu.memref_slice %arg2[%dma_start3A_1030, %dma_start3A_1031] : memref<20480x128xf32, #tpu.memory_space<hbm>> -> memref<20480x128xf32, #tpu.memory_space<hbm>>
      tpu.enqueue_indirect_dma source(%dma_start3A_1032 : memref<20480x128xf32, #tpu.memory_space<hbm>>) target(%arg9 : memref<64x128xf32, #tpu.memory_space<vmem>>) offsets(%dma_start3A_1029 : memref<64xi32, #tpu.memory_space<vmem>>) semaphore(%arg13 : memref<!tpu.dma_semaphore, #tpu.memory_space<semaphore_mem>>)
      %dma_wait3A_1033 = arith.constant 17 : i32
      %dma_wait3A_1034 = arith.constant 0 : i32
      %dma_wait3A_1035 = arith.constant 0 : i32
      %dma_wait3A_1036 = tpu.memref_slice %arg8[%dma_wait3A_1033, %dma_wait3A_1034, %dma_wait3A_1035] : memref<32x2x64xi32, #tpu.memory_space<vmem>> -> memref<1x1x64xi32, #tpu.memory_space<vmem>>
      %dma_wait3A_1037 = tpu.memref_squeeze %dma_wait3A_1036 : memref<1x1x64xi32, #tpu.memory_space<vmem>> -> memref<64xi32, #tpu.memory_space<vmem>>
      %dma_wait3A_1038 = arith.constant 0 : i32
      %dma_wait3A_1039 = arith.constant 0 : i32
      %dma_wait3A_1040 = tpu.memref_slice %arg2[%dma_wait3A_1038, %dma_wait3A_1039] : memref<20480x128xf32, #tpu.memory_space<hbm>> -> memref<20480x128xf32, #tpu.memory_space<hbm>>
      tpu.wait_indirect_dma semaphore(%arg14 : memref<!tpu.dma_semaphore, #tpu.memory_space<semaphore_mem>>) src(%dma_wait3A_1040 : memref<20480x128xf32, #tpu.memory_space<hbm>>) dst(%arg10 : memref<64x128xf32, #tpu.memory_space<vmem>>)
      %run_scoped3A_1041 = arith.constant 17 : i32
      %run_scoped3A_1042 = arith.constant 1 : i32
      "tpu.region"() ({
        %run_scoped3A_1296 = tpu.sem_alloc : memref<!tpu.dma_semaphore, #tpu.memory_space<semaphore_mem>>
        %dma_start3A_1297 = arith.constant 0 : i32
        %dma_start3A_1298 = tpu.memref_slice %arg8[%run_scoped3A_1041, %run_scoped3A_1042, %dma_start3A_1297] : memref<32x2x64xi32, #tpu.memory_space<vmem>> -> memref<1x1x64xi32, #tpu.memory_space<vmem>>
        %dma_start3A_1299 = tpu.memref_squeeze %dma_start3A_1298 : memref<1x1x64xi32, #tpu.memory_space<vmem>> -> memref<64xi32, #tpu.memory_space<vmem>>
        %dma_start3A_1300 = arith.constant 0 : i32
        %dma_start3A_1301 = arith.constant 0 : i32
        %dma_start3A_1302 = tpu.memref_slice %arg6[%dma_start3A_1300, %dma_start3A_1301] : memref<10240x128xf32, #tpu.memory_space<vmem_shared>> -> memref<10240x128xf32, #tpu.memory_space<vmem_shared>>
        tpu.enqueue_indirect_dma source(%arg10 : memref<64x128xf32, #tpu.memory_space<vmem>>) target(%dma_start3A_1302 : memref<10240x128xf32, #tpu.memory_space<vmem_shared>>) offsets(%dma_start3A_1299 : memref<64xi32, #tpu.memory_space<vmem>>) semaphore(%run_scoped3A_1296 : memref<!tpu.dma_semaphore, #tpu.memory_space<semaphore_mem>>) {add = true}
        %dma_wait3A_1303 = arith.constant 0 : i32
        %dma_wait3A_1304 = tpu.memref_slice %arg8[%run_scoped3A_1041, %run_scoped3A_1042, %dma_wait3A_1303] : memref<32x2x64xi32, #tpu.memory_space<vmem>> -> memref<1x1x64xi32, #tpu.memory_space<vmem>>
        %dma_wait3A_1305 = tpu.memref_squeeze %dma_wait3A_1304 : memref<1x1x64xi32, #tpu.memory_space<vmem>> -> memref<64xi32, #tpu.memory_space<vmem>>
        %dma_wait3A_1306 = arith.constant 0 : i32
        %dma_wait3A_1307 = arith.constant 0 : i32
        %dma_wait3A_1308 = tpu.memref_slice %arg6[%dma_wait3A_1306, %dma_wait3A_1307] : memref<10240x128xf32, #tpu.memory_space<vmem_shared>> -> memref<10240x128xf32, #tpu.memory_space<vmem_shared>>
        tpu.wait_indirect_dma semaphore(%run_scoped3A_1296 : memref<!tpu.dma_semaphore, #tpu.memory_space<semaphore_mem>>) src(%arg10 : memref<64x128xf32, #tpu.memory_space<vmem>>) dst(%dma_wait3A_1308 : memref<10240x128xf32, #tpu.memory_space<vmem_shared>>)
        tpu.yield
      }) : () -> ()
      %dma_start3A_1043 = arith.constant 21 : i32
      %dma_start3A_1044 = arith.constant 0 : i32
      %dma_start3A_1045 = arith.constant 0 : i32
      %dma_start3A_1046 = tpu.memref_slice %arg8[%dma_start3A_1043, %dma_start3A_1044, %dma_start3A_1045] : memref<32x2x64xi32, #tpu.memory_space<vmem>> -> memref<1x1x64xi32, #tpu.memory_space<vmem>>
      %dma_start3A_1047 = tpu.memref_squeeze %dma_start3A_1046 : memref<1x1x64xi32, #tpu.memory_space<vmem>> -> memref<64xi32, #tpu.memory_space<vmem>>
      %dma_start3A_1048 = arith.constant 0 : i32
      %dma_start3A_1049 = arith.constant 0 : i32
      %dma_start3A_1050 = tpu.memref_slice %arg2[%dma_start3A_1048, %dma_start3A_1049] : memref<20480x128xf32, #tpu.memory_space<hbm>> -> memref<20480x128xf32, #tpu.memory_space<hbm>>
      tpu.enqueue_indirect_dma source(%dma_start3A_1050 : memref<20480x128xf32, #tpu.memory_space<hbm>>) target(%arg10 : memref<64x128xf32, #tpu.memory_space<vmem>>) offsets(%dma_start3A_1047 : memref<64xi32, #tpu.memory_space<vmem>>) semaphore(%arg14 : memref<!tpu.dma_semaphore, #tpu.memory_space<semaphore_mem>>)
      %dma_wait3A_1051 = arith.constant 18 : i32
      %dma_wait3A_1052 = arith.constant 0 : i32
      %dma_wait3A_1053 = arith.constant 0 : i32
      %dma_wait3A_1054 = tpu.memref_slice %arg8[%dma_wait3A_1051, %dma_wait3A_1052, %dma_wait3A_1053] : memref<32x2x64xi32, #tpu.memory_space<vmem>> -> memref<1x1x64xi32, #tpu.memory_space<vmem>>
      %dma_wait3A_1055 = tpu.memref_squeeze %dma_wait3A_1054 : memref<1x1x64xi32, #tpu.memory_space<vmem>> -> memref<64xi32, #tpu.memory_space<vmem>>
      %dma_wait3A_1056 = arith.constant 0 : i32
      %dma_wait3A_1057 = arith.constant 0 : i32
      %dma_wait3A_1058 = tpu.memref_slice %arg2[%dma_wait3A_1056, %dma_wait3A_1057] : memref<20480x128xf32, #tpu.memory_space<hbm>> -> memref<20480x128xf32, #tpu.memory_space<hbm>>
      tpu.wait_indirect_dma semaphore(%arg15 : memref<!tpu.dma_semaphore, #tpu.memory_space<semaphore_mem>>) src(%dma_wait3A_1058 : memref<20480x128xf32, #tpu.memory_space<hbm>>) dst(%arg11 : memref<64x128xf32, #tpu.memory_space<vmem>>)
      %run_scoped3A_1059 = arith.constant 18 : i32
      %run_scoped3A_1060 = arith.constant 1 : i32
      "tpu.region"() ({
        %run_scoped3A_1296 = tpu.sem_alloc : memref<!tpu.dma_semaphore, #tpu.memory_space<semaphore_mem>>
        %dma_start3A_1297 = arith.constant 0 : i32
        %dma_start3A_1298 = tpu.memref_slice %arg8[%run_scoped3A_1059, %run_scoped3A_1060, %dma_start3A_1297] : memref<32x2x64xi32, #tpu.memory_space<vmem>> -> memref<1x1x64xi32, #tpu.memory_space<vmem>>
        %dma_start3A_1299 = tpu.memref_squeeze %dma_start3A_1298 : memref<1x1x64xi32, #tpu.memory_space<vmem>> -> memref<64xi32, #tpu.memory_space<vmem>>
        %dma_start3A_1300 = arith.constant 0 : i32
        %dma_start3A_1301 = arith.constant 0 : i32
        %dma_start3A_1302 = tpu.memref_slice %arg6[%dma_start3A_1300, %dma_start3A_1301] : memref<10240x128xf32, #tpu.memory_space<vmem_shared>> -> memref<10240x128xf32, #tpu.memory_space<vmem_shared>>
        tpu.enqueue_indirect_dma source(%arg11 : memref<64x128xf32, #tpu.memory_space<vmem>>) target(%dma_start3A_1302 : memref<10240x128xf32, #tpu.memory_space<vmem_shared>>) offsets(%dma_start3A_1299 : memref<64xi32, #tpu.memory_space<vmem>>) semaphore(%run_scoped3A_1296 : memref<!tpu.dma_semaphore, #tpu.memory_space<semaphore_mem>>) {add = true}
        %dma_wait3A_1303 = arith.constant 0 : i32
        %dma_wait3A_1304 = tpu.memref_slice %arg8[%run_scoped3A_1059, %run_scoped3A_1060, %dma_wait3A_1303] : memref<32x2x64xi32, #tpu.memory_space<vmem>> -> memref<1x1x64xi32, #tpu.memory_space<vmem>>
        %dma_wait3A_1305 = tpu.memref_squeeze %dma_wait3A_1304 : memref<1x1x64xi32, #tpu.memory_space<vmem>> -> memref<64xi32, #tpu.memory_space<vmem>>
        %dma_wait3A_1306 = arith.constant 0 : i32
        %dma_wait3A_1307 = arith.constant 0 : i32
        %dma_wait3A_1308 = tpu.memref_slice %arg6[%dma_wait3A_1306, %dma_wait3A_1307] : memref<10240x128xf32, #tpu.memory_space<vmem_shared>> -> memref<10240x128xf32, #tpu.memory_space<vmem_shared>>
        tpu.wait_indirect_dma semaphore(%run_scoped3A_1296 : memref<!tpu.dma_semaphore, #tpu.memory_space<semaphore_mem>>) src(%arg11 : memref<64x128xf32, #tpu.memory_space<vmem>>) dst(%dma_wait3A_1308 : memref<10240x128xf32, #tpu.memory_space<vmem_shared>>)
        tpu.yield
      }) : () -> ()
      %dma_start3A_1061 = arith.constant 22 : i32
      %dma_start3A_1062 = arith.constant 0 : i32
      %dma_start3A_1063 = arith.constant 0 : i32
      %dma_start3A_1064 = tpu.memref_slice %arg8[%dma_start3A_1061, %dma_start3A_1062, %dma_start3A_1063] : memref<32x2x64xi32, #tpu.memory_space<vmem>> -> memref<1x1x64xi32, #tpu.memory_space<vmem>>
      %dma_start3A_1065 = tpu.memref_squeeze %dma_start3A_1064 : memref<1x1x64xi32, #tpu.memory_space<vmem>> -> memref<64xi32, #tpu.memory_space<vmem>>
      %dma_start3A_1066 = arith.constant 0 : i32
      %dma_start3A_1067 = arith.constant 0 : i32
      %dma_start3A_1068 = tpu.memref_slice %arg2[%dma_start3A_1066, %dma_start3A_1067] : memref<20480x128xf32, #tpu.memory_space<hbm>> -> memref<20480x128xf32, #tpu.memory_space<hbm>>
      tpu.enqueue_indirect_dma source(%dma_start3A_1068 : memref<20480x128xf32, #tpu.memory_space<hbm>>) target(%arg11 : memref<64x128xf32, #tpu.memory_space<vmem>>) offsets(%dma_start3A_1065 : memref<64xi32, #tpu.memory_space<vmem>>) semaphore(%arg15 : memref<!tpu.dma_semaphore, #tpu.memory_space<semaphore_mem>>)
      %dma_wait3A_1069 = arith.constant 19 : i32
      %dma_wait3A_1070 = arith.constant 0 : i32
      %dma_wait3A_1071 = arith.constant 0 : i32
      %dma_wait3A_1072 = tpu.memref_slice %arg8[%dma_wait3A_1069, %dma_wait3A_1070, %dma_wait3A_1071] : memref<32x2x64xi32, #tpu.memory_space<vmem>> -> memref<1x1x64xi32, #tpu.memory_space<vmem>>
      %dma_wait3A_1073 = tpu.memref_squeeze %dma_wait3A_1072 : memref<1x1x64xi32, #tpu.memory_space<vmem>> -> memref<64xi32, #tpu.memory_space<vmem>>
      %dma_wait3A_1074 = arith.constant 0 : i32
      %dma_wait3A_1075 = arith.constant 0 : i32
      %dma_wait3A_1076 = tpu.memref_slice %arg2[%dma_wait3A_1074, %dma_wait3A_1075] : memref<20480x128xf32, #tpu.memory_space<hbm>> -> memref<20480x128xf32, #tpu.memory_space<hbm>>
      tpu.wait_indirect_dma semaphore(%arg16 : memref<!tpu.dma_semaphore, #tpu.memory_space<semaphore_mem>>) src(%dma_wait3A_1076 : memref<20480x128xf32, #tpu.memory_space<hbm>>) dst(%arg12 : memref<64x128xf32, #tpu.memory_space<vmem>>)
      %run_scoped3A_1077 = arith.constant 19 : i32
      %run_scoped3A_1078 = arith.constant 1 : i32
      "tpu.region"() ({
        %run_scoped3A_1296 = tpu.sem_alloc : memref<!tpu.dma_semaphore, #tpu.memory_space<semaphore_mem>>
        %dma_start3A_1297 = arith.constant 0 : i32
        %dma_start3A_1298 = tpu.memref_slice %arg8[%run_scoped3A_1077, %run_scoped3A_1078, %dma_start3A_1297] : memref<32x2x64xi32, #tpu.memory_space<vmem>> -> memref<1x1x64xi32, #tpu.memory_space<vmem>>
        %dma_start3A_1299 = tpu.memref_squeeze %dma_start3A_1298 : memref<1x1x64xi32, #tpu.memory_space<vmem>> -> memref<64xi32, #tpu.memory_space<vmem>>
        %dma_start3A_1300 = arith.constant 0 : i32
        %dma_start3A_1301 = arith.constant 0 : i32
        %dma_start3A_1302 = tpu.memref_slice %arg6[%dma_start3A_1300, %dma_start3A_1301] : memref<10240x128xf32, #tpu.memory_space<vmem_shared>> -> memref<10240x128xf32, #tpu.memory_space<vmem_shared>>
        tpu.enqueue_indirect_dma source(%arg12 : memref<64x128xf32, #tpu.memory_space<vmem>>) target(%dma_start3A_1302 : memref<10240x128xf32, #tpu.memory_space<vmem_shared>>) offsets(%dma_start3A_1299 : memref<64xi32, #tpu.memory_space<vmem>>) semaphore(%run_scoped3A_1296 : memref<!tpu.dma_semaphore, #tpu.memory_space<semaphore_mem>>) {add = true}
        %dma_wait3A_1303 = arith.constant 0 : i32
        %dma_wait3A_1304 = tpu.memref_slice %arg8[%run_scoped3A_1077, %run_scoped3A_1078, %dma_wait3A_1303] : memref<32x2x64xi32, #tpu.memory_space<vmem>> -> memref<1x1x64xi32, #tpu.memory_space<vmem>>
        %dma_wait3A_1305 = tpu.memref_squeeze %dma_wait3A_1304 : memref<1x1x64xi32, #tpu.memory_space<vmem>> -> memref<64xi32, #tpu.memory_space<vmem>>
        %dma_wait3A_1306 = arith.constant 0 : i32
        %dma_wait3A_1307 = arith.constant 0 : i32
        %dma_wait3A_1308 = tpu.memref_slice %arg6[%dma_wait3A_1306, %dma_wait3A_1307] : memref<10240x128xf32, #tpu.memory_space<vmem_shared>> -> memref<10240x128xf32, #tpu.memory_space<vmem_shared>>
        tpu.wait_indirect_dma semaphore(%run_scoped3A_1296 : memref<!tpu.dma_semaphore, #tpu.memory_space<semaphore_mem>>) src(%arg12 : memref<64x128xf32, #tpu.memory_space<vmem>>) dst(%dma_wait3A_1308 : memref<10240x128xf32, #tpu.memory_space<vmem_shared>>)
        tpu.yield
      }) : () -> ()
      %dma_start3A_1079 = arith.constant 23 : i32
      %dma_start3A_1080 = arith.constant 0 : i32
      %dma_start3A_1081 = arith.constant 0 : i32
      %dma_start3A_1082 = tpu.memref_slice %arg8[%dma_start3A_1079, %dma_start3A_1080, %dma_start3A_1081] : memref<32x2x64xi32, #tpu.memory_space<vmem>> -> memref<1x1x64xi32, #tpu.memory_space<vmem>>
      %dma_start3A_1083 = tpu.memref_squeeze %dma_start3A_1082 : memref<1x1x64xi32, #tpu.memory_space<vmem>> -> memref<64xi32, #tpu.memory_space<vmem>>
      %dma_start3A_1084 = arith.constant 0 : i32
      %dma_start3A_1085 = arith.constant 0 : i32
      %dma_start3A_1086 = tpu.memref_slice %arg2[%dma_start3A_1084, %dma_start3A_1085] : memref<20480x128xf32, #tpu.memory_space<hbm>> -> memref<20480x128xf32, #tpu.memory_space<hbm>>
      tpu.enqueue_indirect_dma source(%dma_start3A_1086 : memref<20480x128xf32, #tpu.memory_space<hbm>>) target(%arg12 : memref<64x128xf32, #tpu.memory_space<vmem>>) offsets(%dma_start3A_1083 : memref<64xi32, #tpu.memory_space<vmem>>) semaphore(%arg16 : memref<!tpu.dma_semaphore, #tpu.memory_space<semaphore_mem>>)
      %dma_wait3A_1087 = arith.constant 20 : i32
      %dma_wait3A_1088 = arith.constant 0 : i32
      %dma_wait3A_1089 = arith.constant 0 : i32
      %dma_wait3A_1090 = tpu.memref_slice %arg8[%dma_wait3A_1087, %dma_wait3A_1088, %dma_wait3A_1089] : memref<32x2x64xi32, #tpu.memory_space<vmem>> -> memref<1x1x64xi32, #tpu.memory_space<vmem>>
      %dma_wait3A_1091 = tpu.memref_squeeze %dma_wait3A_1090 : memref<1x1x64xi32, #tpu.memory_space<vmem>> -> memref<64xi32, #tpu.memory_space<vmem>>
      %dma_wait3A_1092 = arith.constant 0 : i32
      %dma_wait3A_1093 = arith.constant 0 : i32
      %dma_wait3A_1094 = tpu.memref_slice %arg2[%dma_wait3A_1092, %dma_wait3A_1093] : memref<20480x128xf32, #tpu.memory_space<hbm>> -> memref<20480x128xf32, #tpu.memory_space<hbm>>
      tpu.wait_indirect_dma semaphore(%arg13 : memref<!tpu.dma_semaphore, #tpu.memory_space<semaphore_mem>>) src(%dma_wait3A_1094 : memref<20480x128xf32, #tpu.memory_space<hbm>>) dst(%arg9 : memref<64x128xf32, #tpu.memory_space<vmem>>)
      %run_scoped3A_1095 = arith.constant 20 : i32
      %run_scoped3A_1096 = arith.constant 1 : i32
      "tpu.region"() ({
        %run_scoped3A_1296 = tpu.sem_alloc : memref<!tpu.dma_semaphore, #tpu.memory_space<semaphore_mem>>
        %dma_start3A_1297 = arith.constant 0 : i32
        %dma_start3A_1298 = tpu.memref_slice %arg8[%run_scoped3A_1095, %run_scoped3A_1096, %dma_start3A_1297] : memref<32x2x64xi32, #tpu.memory_space<vmem>> -> memref<1x1x64xi32, #tpu.memory_space<vmem>>
        %dma_start3A_1299 = tpu.memref_squeeze %dma_start3A_1298 : memref<1x1x64xi32, #tpu.memory_space<vmem>> -> memref<64xi32, #tpu.memory_space<vmem>>
        %dma_start3A_1300 = arith.constant 0 : i32
        %dma_start3A_1301 = arith.constant 0 : i32
        %dma_start3A_1302 = tpu.memref_slice %arg6[%dma_start3A_1300, %dma_start3A_1301] : memref<10240x128xf32, #tpu.memory_space<vmem_shared>> -> memref<10240x128xf32, #tpu.memory_space<vmem_shared>>
        tpu.enqueue_indirect_dma source(%arg9 : memref<64x128xf32, #tpu.memory_space<vmem>>) target(%dma_start3A_1302 : memref<10240x128xf32, #tpu.memory_space<vmem_shared>>) offsets(%dma_start3A_1299 : memref<64xi32, #tpu.memory_space<vmem>>) semaphore(%run_scoped3A_1296 : memref<!tpu.dma_semaphore, #tpu.memory_space<semaphore_mem>>) {add = true}
        %dma_wait3A_1303 = arith.constant 0 : i32
        %dma_wait3A_1304 = tpu.memref_slice %arg8[%run_scoped3A_1095, %run_scoped3A_1096, %dma_wait3A_1303] : memref<32x2x64xi32, #tpu.memory_space<vmem>> -> memref<1x1x64xi32, #tpu.memory_space<vmem>>
        %dma_wait3A_1305 = tpu.memref_squeeze %dma_wait3A_1304 : memref<1x1x64xi32, #tpu.memory_space<vmem>> -> memref<64xi32, #tpu.memory_space<vmem>>
        %dma_wait3A_1306 = arith.constant 0 : i32
        %dma_wait3A_1307 = arith.constant 0 : i32
        %dma_wait3A_1308 = tpu.memref_slice %arg6[%dma_wait3A_1306, %dma_wait3A_1307] : memref<10240x128xf32, #tpu.memory_space<vmem_shared>> -> memref<10240x128xf32, #tpu.memory_space<vmem_shared>>
        tpu.wait_indirect_dma semaphore(%run_scoped3A_1296 : memref<!tpu.dma_semaphore, #tpu.memory_space<semaphore_mem>>) src(%arg9 : memref<64x128xf32, #tpu.memory_space<vmem>>) dst(%dma_wait3A_1308 : memref<10240x128xf32, #tpu.memory_space<vmem_shared>>)
        tpu.yield
      }) : () -> ()
      %dma_start3A_1097 = arith.constant 24 : i32
      %dma_start3A_1098 = arith.constant 0 : i32
      %dma_start3A_1099 = arith.constant 0 : i32
      %dma_start3A_1100 = tpu.memref_slice %arg8[%dma_start3A_1097, %dma_start3A_1098, %dma_start3A_1099] : memref<32x2x64xi32, #tpu.memory_space<vmem>> -> memref<1x1x64xi32, #tpu.memory_space<vmem>>
      %dma_start3A_1101 = tpu.memref_squeeze %dma_start3A_1100 : memref<1x1x64xi32, #tpu.memory_space<vmem>> -> memref<64xi32, #tpu.memory_space<vmem>>
      %dma_start3A_1102 = arith.constant 0 : i32
      %dma_start3A_1103 = arith.constant 0 : i32
      %dma_start3A_1104 = tpu.memref_slice %arg2[%dma_start3A_1102, %dma_start3A_1103] : memref<20480x128xf32, #tpu.memory_space<hbm>> -> memref<20480x128xf32, #tpu.memory_space<hbm>>
      tpu.enqueue_indirect_dma source(%dma_start3A_1104 : memref<20480x128xf32, #tpu.memory_space<hbm>>) target(%arg9 : memref<64x128xf32, #tpu.memory_space<vmem>>) offsets(%dma_start3A_1101 : memref<64xi32, #tpu.memory_space<vmem>>) semaphore(%arg13 : memref<!tpu.dma_semaphore, #tpu.memory_space<semaphore_mem>>)
      %dma_wait3A_1105 = arith.constant 21 : i32
      %dma_wait3A_1106 = arith.constant 0 : i32
      %dma_wait3A_1107 = arith.constant 0 : i32
      %dma_wait3A_1108 = tpu.memref_slice %arg8[%dma_wait3A_1105, %dma_wait3A_1106, %dma_wait3A_1107] : memref<32x2x64xi32, #tpu.memory_space<vmem>> -> memref<1x1x64xi32, #tpu.memory_space<vmem>>
      %dma_wait3A_1109 = tpu.memref_squeeze %dma_wait3A_1108 : memref<1x1x64xi32, #tpu.memory_space<vmem>> -> memref<64xi32, #tpu.memory_space<vmem>>
      %dma_wait3A_1110 = arith.constant 0 : i32
      %dma_wait3A_1111 = arith.constant 0 : i32
      %dma_wait3A_1112 = tpu.memref_slice %arg2[%dma_wait3A_1110, %dma_wait3A_1111] : memref<20480x128xf32, #tpu.memory_space<hbm>> -> memref<20480x128xf32, #tpu.memory_space<hbm>>
      tpu.wait_indirect_dma semaphore(%arg14 : memref<!tpu.dma_semaphore, #tpu.memory_space<semaphore_mem>>) src(%dma_wait3A_1112 : memref<20480x128xf32, #tpu.memory_space<hbm>>) dst(%arg10 : memref<64x128xf32, #tpu.memory_space<vmem>>)
      %run_scoped3A_1113 = arith.constant 21 : i32
      %run_scoped3A_1114 = arith.constant 1 : i32
      "tpu.region"() ({
        %run_scoped3A_1296 = tpu.sem_alloc : memref<!tpu.dma_semaphore, #tpu.memory_space<semaphore_mem>>
        %dma_start3A_1297 = arith.constant 0 : i32
        %dma_start3A_1298 = tpu.memref_slice %arg8[%run_scoped3A_1113, %run_scoped3A_1114, %dma_start3A_1297] : memref<32x2x64xi32, #tpu.memory_space<vmem>> -> memref<1x1x64xi32, #tpu.memory_space<vmem>>
        %dma_start3A_1299 = tpu.memref_squeeze %dma_start3A_1298 : memref<1x1x64xi32, #tpu.memory_space<vmem>> -> memref<64xi32, #tpu.memory_space<vmem>>
        %dma_start3A_1300 = arith.constant 0 : i32
        %dma_start3A_1301 = arith.constant 0 : i32
        %dma_start3A_1302 = tpu.memref_slice %arg6[%dma_start3A_1300, %dma_start3A_1301] : memref<10240x128xf32, #tpu.memory_space<vmem_shared>> -> memref<10240x128xf32, #tpu.memory_space<vmem_shared>>
        tpu.enqueue_indirect_dma source(%arg10 : memref<64x128xf32, #tpu.memory_space<vmem>>) target(%dma_start3A_1302 : memref<10240x128xf32, #tpu.memory_space<vmem_shared>>) offsets(%dma_start3A_1299 : memref<64xi32, #tpu.memory_space<vmem>>) semaphore(%run_scoped3A_1296 : memref<!tpu.dma_semaphore, #tpu.memory_space<semaphore_mem>>) {add = true}
        %dma_wait3A_1303 = arith.constant 0 : i32
        %dma_wait3A_1304 = tpu.memref_slice %arg8[%run_scoped3A_1113, %run_scoped3A_1114, %dma_wait3A_1303] : memref<32x2x64xi32, #tpu.memory_space<vmem>> -> memref<1x1x64xi32, #tpu.memory_space<vmem>>
        %dma_wait3A_1305 = tpu.memref_squeeze %dma_wait3A_1304 : memref<1x1x64xi32, #tpu.memory_space<vmem>> -> memref<64xi32, #tpu.memory_space<vmem>>
        %dma_wait3A_1306 = arith.constant 0 : i32
        %dma_wait3A_1307 = arith.constant 0 : i32
        %dma_wait3A_1308 = tpu.memref_slice %arg6[%dma_wait3A_1306, %dma_wait3A_1307] : memref<10240x128xf32, #tpu.memory_space<vmem_shared>> -> memref<10240x128xf32, #tpu.memory_space<vmem_shared>>
        tpu.wait_indirect_dma semaphore(%run_scoped3A_1296 : memref<!tpu.dma_semaphore, #tpu.memory_space<semaphore_mem>>) src(%arg10 : memref<64x128xf32, #tpu.memory_space<vmem>>) dst(%dma_wait3A_1308 : memref<10240x128xf32, #tpu.memory_space<vmem_shared>>)
        tpu.yield
      }) : () -> ()
      %dma_start3A_1115 = arith.constant 25 : i32
      %dma_start3A_1116 = arith.constant 0 : i32
      %dma_start3A_1117 = arith.constant 0 : i32
      %dma_start3A_1118 = tpu.memref_slice %arg8[%dma_start3A_1115, %dma_start3A_1116, %dma_start3A_1117] : memref<32x2x64xi32, #tpu.memory_space<vmem>> -> memref<1x1x64xi32, #tpu.memory_space<vmem>>
      %dma_start3A_1119 = tpu.memref_squeeze %dma_start3A_1118 : memref<1x1x64xi32, #tpu.memory_space<vmem>> -> memref<64xi32, #tpu.memory_space<vmem>>
      %dma_start3A_1120 = arith.constant 0 : i32
      %dma_start3A_1121 = arith.constant 0 : i32
      %dma_start3A_1122 = tpu.memref_slice %arg2[%dma_start3A_1120, %dma_start3A_1121] : memref<20480x128xf32, #tpu.memory_space<hbm>> -> memref<20480x128xf32, #tpu.memory_space<hbm>>
      tpu.enqueue_indirect_dma source(%dma_start3A_1122 : memref<20480x128xf32, #tpu.memory_space<hbm>>) target(%arg10 : memref<64x128xf32, #tpu.memory_space<vmem>>) offsets(%dma_start3A_1119 : memref<64xi32, #tpu.memory_space<vmem>>) semaphore(%arg14 : memref<!tpu.dma_semaphore, #tpu.memory_space<semaphore_mem>>)
      %dma_wait3A_1123 = arith.constant 22 : i32
      %dma_wait3A_1124 = arith.constant 0 : i32
      %dma_wait3A_1125 = arith.constant 0 : i32
      %dma_wait3A_1126 = tpu.memref_slice %arg8[%dma_wait3A_1123, %dma_wait3A_1124, %dma_wait3A_1125] : memref<32x2x64xi32, #tpu.memory_space<vmem>> -> memref<1x1x64xi32, #tpu.memory_space<vmem>>
      %dma_wait3A_1127 = tpu.memref_squeeze %dma_wait3A_1126 : memref<1x1x64xi32, #tpu.memory_space<vmem>> -> memref<64xi32, #tpu.memory_space<vmem>>
      %dma_wait3A_1128 = arith.constant 0 : i32
      %dma_wait3A_1129 = arith.constant 0 : i32
      %dma_wait3A_1130 = tpu.memref_slice %arg2[%dma_wait3A_1128, %dma_wait3A_1129] : memref<20480x128xf32, #tpu.memory_space<hbm>> -> memref<20480x128xf32, #tpu.memory_space<hbm>>
      tpu.wait_indirect_dma semaphore(%arg15 : memref<!tpu.dma_semaphore, #tpu.memory_space<semaphore_mem>>) src(%dma_wait3A_1130 : memref<20480x128xf32, #tpu.memory_space<hbm>>) dst(%arg11 : memref<64x128xf32, #tpu.memory_space<vmem>>)
      %run_scoped3A_1131 = arith.constant 22 : i32
      %run_scoped3A_1132 = arith.constant 1 : i32
      "tpu.region"() ({
        %run_scoped3A_1296 = tpu.sem_alloc : memref<!tpu.dma_semaphore, #tpu.memory_space<semaphore_mem>>
        %dma_start3A_1297 = arith.constant 0 : i32
        %dma_start3A_1298 = tpu.memref_slice %arg8[%run_scoped3A_1131, %run_scoped3A_1132, %dma_start3A_1297] : memref<32x2x64xi32, #tpu.memory_space<vmem>> -> memref<1x1x64xi32, #tpu.memory_space<vmem>>
        %dma_start3A_1299 = tpu.memref_squeeze %dma_start3A_1298 : memref<1x1x64xi32, #tpu.memory_space<vmem>> -> memref<64xi32, #tpu.memory_space<vmem>>
        %dma_start3A_1300 = arith.constant 0 : i32
        %dma_start3A_1301 = arith.constant 0 : i32
        %dma_start3A_1302 = tpu.memref_slice %arg6[%dma_start3A_1300, %dma_start3A_1301] : memref<10240x128xf32, #tpu.memory_space<vmem_shared>> -> memref<10240x128xf32, #tpu.memory_space<vmem_shared>>
        tpu.enqueue_indirect_dma source(%arg11 : memref<64x128xf32, #tpu.memory_space<vmem>>) target(%dma_start3A_1302 : memref<10240x128xf32, #tpu.memory_space<vmem_shared>>) offsets(%dma_start3A_1299 : memref<64xi32, #tpu.memory_space<vmem>>) semaphore(%run_scoped3A_1296 : memref<!tpu.dma_semaphore, #tpu.memory_space<semaphore_mem>>) {add = true}
        %dma_wait3A_1303 = arith.constant 0 : i32
        %dma_wait3A_1304 = tpu.memref_slice %arg8[%run_scoped3A_1131, %run_scoped3A_1132, %dma_wait3A_1303] : memref<32x2x64xi32, #tpu.memory_space<vmem>> -> memref<1x1x64xi32, #tpu.memory_space<vmem>>
        %dma_wait3A_1305 = tpu.memref_squeeze %dma_wait3A_1304 : memref<1x1x64xi32, #tpu.memory_space<vmem>> -> memref<64xi32, #tpu.memory_space<vmem>>
        %dma_wait3A_1306 = arith.constant 0 : i32
        %dma_wait3A_1307 = arith.constant 0 : i32
        %dma_wait3A_1308 = tpu.memref_slice %arg6[%dma_wait3A_1306, %dma_wait3A_1307] : memref<10240x128xf32, #tpu.memory_space<vmem_shared>> -> memref<10240x128xf32, #tpu.memory_space<vmem_shared>>
        tpu.wait_indirect_dma semaphore(%run_scoped3A_1296 : memref<!tpu.dma_semaphore, #tpu.memory_space<semaphore_mem>>) src(%arg11 : memref<64x128xf32, #tpu.memory_space<vmem>>) dst(%dma_wait3A_1308 : memref<10240x128xf32, #tpu.memory_space<vmem_shared>>)
        tpu.yield
      }) : () -> ()
      %dma_start3A_1133 = arith.constant 26 : i32
      %dma_start3A_1134 = arith.constant 0 : i32
      %dma_start3A_1135 = arith.constant 0 : i32
      %dma_start3A_1136 = tpu.memref_slice %arg8[%dma_start3A_1133, %dma_start3A_1134, %dma_start3A_1135] : memref<32x2x64xi32, #tpu.memory_space<vmem>> -> memref<1x1x64xi32, #tpu.memory_space<vmem>>
      %dma_start3A_1137 = tpu.memref_squeeze %dma_start3A_1136 : memref<1x1x64xi32, #tpu.memory_space<vmem>> -> memref<64xi32, #tpu.memory_space<vmem>>
      %dma_start3A_1138 = arith.constant 0 : i32
      %dma_start3A_1139 = arith.constant 0 : i32
      %dma_start3A_1140 = tpu.memref_slice %arg2[%dma_start3A_1138, %dma_start3A_1139] : memref<20480x128xf32, #tpu.memory_space<hbm>> -> memref<20480x128xf32, #tpu.memory_space<hbm>>
      tpu.enqueue_indirect_dma source(%dma_start3A_1140 : memref<20480x128xf32, #tpu.memory_space<hbm>>) target(%arg11 : memref<64x128xf32, #tpu.memory_space<vmem>>) offsets(%dma_start3A_1137 : memref<64xi32, #tpu.memory_space<vmem>>) semaphore(%arg15 : memref<!tpu.dma_semaphore, #tpu.memory_space<semaphore_mem>>)
      %dma_wait3A_1141 = arith.constant 23 : i32
      %dma_wait3A_1142 = arith.constant 0 : i32
      %dma_wait3A_1143 = arith.constant 0 : i32
      %dma_wait3A_1144 = tpu.memref_slice %arg8[%dma_wait3A_1141, %dma_wait3A_1142, %dma_wait3A_1143] : memref<32x2x64xi32, #tpu.memory_space<vmem>> -> memref<1x1x64xi32, #tpu.memory_space<vmem>>
      %dma_wait3A_1145 = tpu.memref_squeeze %dma_wait3A_1144 : memref<1x1x64xi32, #tpu.memory_space<vmem>> -> memref<64xi32, #tpu.memory_space<vmem>>
      %dma_wait3A_1146 = arith.constant 0 : i32
      %dma_wait3A_1147 = arith.constant 0 : i32
      %dma_wait3A_1148 = tpu.memref_slice %arg2[%dma_wait3A_1146, %dma_wait3A_1147] : memref<20480x128xf32, #tpu.memory_space<hbm>> -> memref<20480x128xf32, #tpu.memory_space<hbm>>
      tpu.wait_indirect_dma semaphore(%arg16 : memref<!tpu.dma_semaphore, #tpu.memory_space<semaphore_mem>>) src(%dma_wait3A_1148 : memref<20480x128xf32, #tpu.memory_space<hbm>>) dst(%arg12 : memref<64x128xf32, #tpu.memory_space<vmem>>)
      %run_scoped3A_1149 = arith.constant 23 : i32
      %run_scoped3A_1150 = arith.constant 1 : i32
      "tpu.region"() ({
        %run_scoped3A_1296 = tpu.sem_alloc : memref<!tpu.dma_semaphore, #tpu.memory_space<semaphore_mem>>
        %dma_start3A_1297 = arith.constant 0 : i32
        %dma_start3A_1298 = tpu.memref_slice %arg8[%run_scoped3A_1149, %run_scoped3A_1150, %dma_start3A_1297] : memref<32x2x64xi32, #tpu.memory_space<vmem>> -> memref<1x1x64xi32, #tpu.memory_space<vmem>>
        %dma_start3A_1299 = tpu.memref_squeeze %dma_start3A_1298 : memref<1x1x64xi32, #tpu.memory_space<vmem>> -> memref<64xi32, #tpu.memory_space<vmem>>
        %dma_start3A_1300 = arith.constant 0 : i32
        %dma_start3A_1301 = arith.constant 0 : i32
        %dma_start3A_1302 = tpu.memref_slice %arg6[%dma_start3A_1300, %dma_start3A_1301] : memref<10240x128xf32, #tpu.memory_space<vmem_shared>> -> memref<10240x128xf32, #tpu.memory_space<vmem_shared>>
        tpu.enqueue_indirect_dma source(%arg12 : memref<64x128xf32, #tpu.memory_space<vmem>>) target(%dma_start3A_1302 : memref<10240x128xf32, #tpu.memory_space<vmem_shared>>) offsets(%dma_start3A_1299 : memref<64xi32, #tpu.memory_space<vmem>>) semaphore(%run_scoped3A_1296 : memref<!tpu.dma_semaphore, #tpu.memory_space<semaphore_mem>>) {add = true}
        %dma_wait3A_1303 = arith.constant 0 : i32
        %dma_wait3A_1304 = tpu.memref_slice %arg8[%run_scoped3A_1149, %run_scoped3A_1150, %dma_wait3A_1303] : memref<32x2x64xi32, #tpu.memory_space<vmem>> -> memref<1x1x64xi32, #tpu.memory_space<vmem>>
        %dma_wait3A_1305 = tpu.memref_squeeze %dma_wait3A_1304 : memref<1x1x64xi32, #tpu.memory_space<vmem>> -> memref<64xi32, #tpu.memory_space<vmem>>
        %dma_wait3A_1306 = arith.constant 0 : i32
        %dma_wait3A_1307 = arith.constant 0 : i32
        %dma_wait3A_1308 = tpu.memref_slice %arg6[%dma_wait3A_1306, %dma_wait3A_1307] : memref<10240x128xf32, #tpu.memory_space<vmem_shared>> -> memref<10240x128xf32, #tpu.memory_space<vmem_shared>>
        tpu.wait_indirect_dma semaphore(%run_scoped3A_1296 : memref<!tpu.dma_semaphore, #tpu.memory_space<semaphore_mem>>) src(%arg12 : memref<64x128xf32, #tpu.memory_space<vmem>>) dst(%dma_wait3A_1308 : memref<10240x128xf32, #tpu.memory_space<vmem_shared>>)
        tpu.yield
      }) : () -> ()
      %dma_start3A_1151 = arith.constant 27 : i32
      %dma_start3A_1152 = arith.constant 0 : i32
      %dma_start3A_1153 = arith.constant 0 : i32
      %dma_start3A_1154 = tpu.memref_slice %arg8[%dma_start3A_1151, %dma_start3A_1152, %dma_start3A_1153] : memref<32x2x64xi32, #tpu.memory_space<vmem>> -> memref<1x1x64xi32, #tpu.memory_space<vmem>>
      %dma_start3A_1155 = tpu.memref_squeeze %dma_start3A_1154 : memref<1x1x64xi32, #tpu.memory_space<vmem>> -> memref<64xi32, #tpu.memory_space<vmem>>
      %dma_start3A_1156 = arith.constant 0 : i32
      %dma_start3A_1157 = arith.constant 0 : i32
      %dma_start3A_1158 = tpu.memref_slice %arg2[%dma_start3A_1156, %dma_start3A_1157] : memref<20480x128xf32, #tpu.memory_space<hbm>> -> memref<20480x128xf32, #tpu.memory_space<hbm>>
      tpu.enqueue_indirect_dma source(%dma_start3A_1158 : memref<20480x128xf32, #tpu.memory_space<hbm>>) target(%arg12 : memref<64x128xf32, #tpu.memory_space<vmem>>) offsets(%dma_start3A_1155 : memref<64xi32, #tpu.memory_space<vmem>>) semaphore(%arg16 : memref<!tpu.dma_semaphore, #tpu.memory_space<semaphore_mem>>)
      %dma_wait3A_1159 = arith.constant 24 : i32
      %dma_wait3A_1160 = arith.constant 0 : i32
      %dma_wait3A_1161 = arith.constant 0 : i32
      %dma_wait3A_1162 = tpu.memref_slice %arg8[%dma_wait3A_1159, %dma_wait3A_1160, %dma_wait3A_1161] : memref<32x2x64xi32, #tpu.memory_space<vmem>> -> memref<1x1x64xi32, #tpu.memory_space<vmem>>
      %dma_wait3A_1163 = tpu.memref_squeeze %dma_wait3A_1162 : memref<1x1x64xi32, #tpu.memory_space<vmem>> -> memref<64xi32, #tpu.memory_space<vmem>>
      %dma_wait3A_1164 = arith.constant 0 : i32
      %dma_wait3A_1165 = arith.constant 0 : i32
      %dma_wait3A_1166 = tpu.memref_slice %arg2[%dma_wait3A_1164, %dma_wait3A_1165] : memref<20480x128xf32, #tpu.memory_space<hbm>> -> memref<20480x128xf32, #tpu.memory_space<hbm>>
      tpu.wait_indirect_dma semaphore(%arg13 : memref<!tpu.dma_semaphore, #tpu.memory_space<semaphore_mem>>) src(%dma_wait3A_1166 : memref<20480x128xf32, #tpu.memory_space<hbm>>) dst(%arg9 : memref<64x128xf32, #tpu.memory_space<vmem>>)
      %run_scoped3A_1167 = arith.constant 24 : i32
      %run_scoped3A_1168 = arith.constant 1 : i32
      "tpu.region"() ({
        %run_scoped3A_1296 = tpu.sem_alloc : memref<!tpu.dma_semaphore, #tpu.memory_space<semaphore_mem>>
        %dma_start3A_1297 = arith.constant 0 : i32
        %dma_start3A_1298 = tpu.memref_slice %arg8[%run_scoped3A_1167, %run_scoped3A_1168, %dma_start3A_1297] : memref<32x2x64xi32, #tpu.memory_space<vmem>> -> memref<1x1x64xi32, #tpu.memory_space<vmem>>
        %dma_start3A_1299 = tpu.memref_squeeze %dma_start3A_1298 : memref<1x1x64xi32, #tpu.memory_space<vmem>> -> memref<64xi32, #tpu.memory_space<vmem>>
        %dma_start3A_1300 = arith.constant 0 : i32
        %dma_start3A_1301 = arith.constant 0 : i32
        %dma_start3A_1302 = tpu.memref_slice %arg6[%dma_start3A_1300, %dma_start3A_1301] : memref<10240x128xf32, #tpu.memory_space<vmem_shared>> -> memref<10240x128xf32, #tpu.memory_space<vmem_shared>>
        tpu.enqueue_indirect_dma source(%arg9 : memref<64x128xf32, #tpu.memory_space<vmem>>) target(%dma_start3A_1302 : memref<10240x128xf32, #tpu.memory_space<vmem_shared>>) offsets(%dma_start3A_1299 : memref<64xi32, #tpu.memory_space<vmem>>) semaphore(%run_scoped3A_1296 : memref<!tpu.dma_semaphore, #tpu.memory_space<semaphore_mem>>) {add = true}
        %dma_wait3A_1303 = arith.constant 0 : i32
        %dma_wait3A_1304 = tpu.memref_slice %arg8[%run_scoped3A_1167, %run_scoped3A_1168, %dma_wait3A_1303] : memref<32x2x64xi32, #tpu.memory_space<vmem>> -> memref<1x1x64xi32, #tpu.memory_space<vmem>>
        %dma_wait3A_1305 = tpu.memref_squeeze %dma_wait3A_1304 : memref<1x1x64xi32, #tpu.memory_space<vmem>> -> memref<64xi32, #tpu.memory_space<vmem>>
        %dma_wait3A_1306 = arith.constant 0 : i32
        %dma_wait3A_1307 = arith.constant 0 : i32
        %dma_wait3A_1308 = tpu.memref_slice %arg6[%dma_wait3A_1306, %dma_wait3A_1307] : memref<10240x128xf32, #tpu.memory_space<vmem_shared>> -> memref<10240x128xf32, #tpu.memory_space<vmem_shared>>
        tpu.wait_indirect_dma semaphore(%run_scoped3A_1296 : memref<!tpu.dma_semaphore, #tpu.memory_space<semaphore_mem>>) src(%arg9 : memref<64x128xf32, #tpu.memory_space<vmem>>) dst(%dma_wait3A_1308 : memref<10240x128xf32, #tpu.memory_space<vmem_shared>>)
        tpu.yield
      }) : () -> ()
      %dma_start3A_1169 = arith.constant 28 : i32
      %dma_start3A_1170 = arith.constant 0 : i32
      %dma_start3A_1171 = arith.constant 0 : i32
      %dma_start3A_1172 = tpu.memref_slice %arg8[%dma_start3A_1169, %dma_start3A_1170, %dma_start3A_1171] : memref<32x2x64xi32, #tpu.memory_space<vmem>> -> memref<1x1x64xi32, #tpu.memory_space<vmem>>
      %dma_start3A_1173 = tpu.memref_squeeze %dma_start3A_1172 : memref<1x1x64xi32, #tpu.memory_space<vmem>> -> memref<64xi32, #tpu.memory_space<vmem>>
      %dma_start3A_1174 = arith.constant 0 : i32
      %dma_start3A_1175 = arith.constant 0 : i32
      %dma_start3A_1176 = tpu.memref_slice %arg2[%dma_start3A_1174, %dma_start3A_1175] : memref<20480x128xf32, #tpu.memory_space<hbm>> -> memref<20480x128xf32, #tpu.memory_space<hbm>>
      tpu.enqueue_indirect_dma source(%dma_start3A_1176 : memref<20480x128xf32, #tpu.memory_space<hbm>>) target(%arg9 : memref<64x128xf32, #tpu.memory_space<vmem>>) offsets(%dma_start3A_1173 : memref<64xi32, #tpu.memory_space<vmem>>) semaphore(%arg13 : memref<!tpu.dma_semaphore, #tpu.memory_space<semaphore_mem>>)
      %dma_wait3A_1177 = arith.constant 25 : i32
      %dma_wait3A_1178 = arith.constant 0 : i32
      %dma_wait3A_1179 = arith.constant 0 : i32
      %dma_wait3A_1180 = tpu.memref_slice %arg8[%dma_wait3A_1177, %dma_wait3A_1178, %dma_wait3A_1179] : memref<32x2x64xi32, #tpu.memory_space<vmem>> -> memref<1x1x64xi32, #tpu.memory_space<vmem>>
      %dma_wait3A_1181 = tpu.memref_squeeze %dma_wait3A_1180 : memref<1x1x64xi32, #tpu.memory_space<vmem>> -> memref<64xi32, #tpu.memory_space<vmem>>
      %dma_wait3A_1182 = arith.constant 0 : i32
      %dma_wait3A_1183 = arith.constant 0 : i32
      %dma_wait3A_1184 = tpu.memref_slice %arg2[%dma_wait3A_1182, %dma_wait3A_1183] : memref<20480x128xf32, #tpu.memory_space<hbm>> -> memref<20480x128xf32, #tpu.memory_space<hbm>>
      tpu.wait_indirect_dma semaphore(%arg14 : memref<!tpu.dma_semaphore, #tpu.memory_space<semaphore_mem>>) src(%dma_wait3A_1184 : memref<20480x128xf32, #tpu.memory_space<hbm>>) dst(%arg10 : memref<64x128xf32, #tpu.memory_space<vmem>>)
      %run_scoped3A_1185 = arith.constant 25 : i32
      %run_scoped3A_1186 = arith.constant 1 : i32
      "tpu.region"() ({
        %run_scoped3A_1296 = tpu.sem_alloc : memref<!tpu.dma_semaphore, #tpu.memory_space<semaphore_mem>>
        %dma_start3A_1297 = arith.constant 0 : i32
        %dma_start3A_1298 = tpu.memref_slice %arg8[%run_scoped3A_1185, %run_scoped3A_1186, %dma_start3A_1297] : memref<32x2x64xi32, #tpu.memory_space<vmem>> -> memref<1x1x64xi32, #tpu.memory_space<vmem>>
        %dma_start3A_1299 = tpu.memref_squeeze %dma_start3A_1298 : memref<1x1x64xi32, #tpu.memory_space<vmem>> -> memref<64xi32, #tpu.memory_space<vmem>>
        %dma_start3A_1300 = arith.constant 0 : i32
        %dma_start3A_1301 = arith.constant 0 : i32
        %dma_start3A_1302 = tpu.memref_slice %arg6[%dma_start3A_1300, %dma_start3A_1301] : memref<10240x128xf32, #tpu.memory_space<vmem_shared>> -> memref<10240x128xf32, #tpu.memory_space<vmem_shared>>
        tpu.enqueue_indirect_dma source(%arg10 : memref<64x128xf32, #tpu.memory_space<vmem>>) target(%dma_start3A_1302 : memref<10240x128xf32, #tpu.memory_space<vmem_shared>>) offsets(%dma_start3A_1299 : memref<64xi32, #tpu.memory_space<vmem>>) semaphore(%run_scoped3A_1296 : memref<!tpu.dma_semaphore, #tpu.memory_space<semaphore_mem>>) {add = true}
        %dma_wait3A_1303 = arith.constant 0 : i32
        %dma_wait3A_1304 = tpu.memref_slice %arg8[%run_scoped3A_1185, %run_scoped3A_1186, %dma_wait3A_1303] : memref<32x2x64xi32, #tpu.memory_space<vmem>> -> memref<1x1x64xi32, #tpu.memory_space<vmem>>
        %dma_wait3A_1305 = tpu.memref_squeeze %dma_wait3A_1304 : memref<1x1x64xi32, #tpu.memory_space<vmem>> -> memref<64xi32, #tpu.memory_space<vmem>>
        %dma_wait3A_1306 = arith.constant 0 : i32
        %dma_wait3A_1307 = arith.constant 0 : i32
        %dma_wait3A_1308 = tpu.memref_slice %arg6[%dma_wait3A_1306, %dma_wait3A_1307] : memref<10240x128xf32, #tpu.memory_space<vmem_shared>> -> memref<10240x128xf32, #tpu.memory_space<vmem_shared>>
        tpu.wait_indirect_dma semaphore(%run_scoped3A_1296 : memref<!tpu.dma_semaphore, #tpu.memory_space<semaphore_mem>>) src(%arg10 : memref<64x128xf32, #tpu.memory_space<vmem>>) dst(%dma_wait3A_1308 : memref<10240x128xf32, #tpu.memory_space<vmem_shared>>)
        tpu.yield
      }) : () -> ()
      %dma_start3A_1187 = arith.constant 29 : i32
      %dma_start3A_1188 = arith.constant 0 : i32
      %dma_start3A_1189 = arith.constant 0 : i32
      %dma_start3A_1190 = tpu.memref_slice %arg8[%dma_start3A_1187, %dma_start3A_1188, %dma_start3A_1189] : memref<32x2x64xi32, #tpu.memory_space<vmem>> -> memref<1x1x64xi32, #tpu.memory_space<vmem>>
      %dma_start3A_1191 = tpu.memref_squeeze %dma_start3A_1190 : memref<1x1x64xi32, #tpu.memory_space<vmem>> -> memref<64xi32, #tpu.memory_space<vmem>>
      %dma_start3A_1192 = arith.constant 0 : i32
      %dma_start3A_1193 = arith.constant 0 : i32
      %dma_start3A_1194 = tpu.memref_slice %arg2[%dma_start3A_1192, %dma_start3A_1193] : memref<20480x128xf32, #tpu.memory_space<hbm>> -> memref<20480x128xf32, #tpu.memory_space<hbm>>
      tpu.enqueue_indirect_dma source(%dma_start3A_1194 : memref<20480x128xf32, #tpu.memory_space<hbm>>) target(%arg10 : memref<64x128xf32, #tpu.memory_space<vmem>>) offsets(%dma_start3A_1191 : memref<64xi32, #tpu.memory_space<vmem>>) semaphore(%arg14 : memref<!tpu.dma_semaphore, #tpu.memory_space<semaphore_mem>>)
      %dma_wait3A_1195 = arith.constant 26 : i32
      %dma_wait3A_1196 = arith.constant 0 : i32
      %dma_wait3A_1197 = arith.constant 0 : i32
      %dma_wait3A_1198 = tpu.memref_slice %arg8[%dma_wait3A_1195, %dma_wait3A_1196, %dma_wait3A_1197] : memref<32x2x64xi32, #tpu.memory_space<vmem>> -> memref<1x1x64xi32, #tpu.memory_space<vmem>>
      %dma_wait3A_1199 = tpu.memref_squeeze %dma_wait3A_1198 : memref<1x1x64xi32, #tpu.memory_space<vmem>> -> memref<64xi32, #tpu.memory_space<vmem>>
      %dma_wait3A_1200 = arith.constant 0 : i32
      %dma_wait3A_1201 = arith.constant 0 : i32
      %dma_wait3A_1202 = tpu.memref_slice %arg2[%dma_wait3A_1200, %dma_wait3A_1201] : memref<20480x128xf32, #tpu.memory_space<hbm>> -> memref<20480x128xf32, #tpu.memory_space<hbm>>
      tpu.wait_indirect_dma semaphore(%arg15 : memref<!tpu.dma_semaphore, #tpu.memory_space<semaphore_mem>>) src(%dma_wait3A_1202 : memref<20480x128xf32, #tpu.memory_space<hbm>>) dst(%arg11 : memref<64x128xf32, #tpu.memory_space<vmem>>)
      %run_scoped3A_1203 = arith.constant 26 : i32
      %run_scoped3A_1204 = arith.constant 1 : i32
      "tpu.region"() ({
        %run_scoped3A_1296 = tpu.sem_alloc : memref<!tpu.dma_semaphore, #tpu.memory_space<semaphore_mem>>
        %dma_start3A_1297 = arith.constant 0 : i32
        %dma_start3A_1298 = tpu.memref_slice %arg8[%run_scoped3A_1203, %run_scoped3A_1204, %dma_start3A_1297] : memref<32x2x64xi32, #tpu.memory_space<vmem>> -> memref<1x1x64xi32, #tpu.memory_space<vmem>>
        %dma_start3A_1299 = tpu.memref_squeeze %dma_start3A_1298 : memref<1x1x64xi32, #tpu.memory_space<vmem>> -> memref<64xi32, #tpu.memory_space<vmem>>
        %dma_start3A_1300 = arith.constant 0 : i32
        %dma_start3A_1301 = arith.constant 0 : i32
        %dma_start3A_1302 = tpu.memref_slice %arg6[%dma_start3A_1300, %dma_start3A_1301] : memref<10240x128xf32, #tpu.memory_space<vmem_shared>> -> memref<10240x128xf32, #tpu.memory_space<vmem_shared>>
        tpu.enqueue_indirect_dma source(%arg11 : memref<64x128xf32, #tpu.memory_space<vmem>>) target(%dma_start3A_1302 : memref<10240x128xf32, #tpu.memory_space<vmem_shared>>) offsets(%dma_start3A_1299 : memref<64xi32, #tpu.memory_space<vmem>>) semaphore(%run_scoped3A_1296 : memref<!tpu.dma_semaphore, #tpu.memory_space<semaphore_mem>>) {add = true}
        %dma_wait3A_1303 = arith.constant 0 : i32
        %dma_wait3A_1304 = tpu.memref_slice %arg8[%run_scoped3A_1203, %run_scoped3A_1204, %dma_wait3A_1303] : memref<32x2x64xi32, #tpu.memory_space<vmem>> -> memref<1x1x64xi32, #tpu.memory_space<vmem>>
        %dma_wait3A_1305 = tpu.memref_squeeze %dma_wait3A_1304 : memref<1x1x64xi32, #tpu.memory_space<vmem>> -> memref<64xi32, #tpu.memory_space<vmem>>
        %dma_wait3A_1306 = arith.constant 0 : i32
        %dma_wait3A_1307 = arith.constant 0 : i32
        %dma_wait3A_1308 = tpu.memref_slice %arg6[%dma_wait3A_1306, %dma_wait3A_1307] : memref<10240x128xf32, #tpu.memory_space<vmem_shared>> -> memref<10240x128xf32, #tpu.memory_space<vmem_shared>>
        tpu.wait_indirect_dma semaphore(%run_scoped3A_1296 : memref<!tpu.dma_semaphore, #tpu.memory_space<semaphore_mem>>) src(%arg11 : memref<64x128xf32, #tpu.memory_space<vmem>>) dst(%dma_wait3A_1308 : memref<10240x128xf32, #tpu.memory_space<vmem_shared>>)
        tpu.yield
      }) : () -> ()
      %dma_start3A_1205 = arith.constant 30 : i32
      %dma_start3A_1206 = arith.constant 0 : i32
      %dma_start3A_1207 = arith.constant 0 : i32
      %dma_start3A_1208 = tpu.memref_slice %arg8[%dma_start3A_1205, %dma_start3A_1206, %dma_start3A_1207] : memref<32x2x64xi32, #tpu.memory_space<vmem>> -> memref<1x1x64xi32, #tpu.memory_space<vmem>>
      %dma_start3A_1209 = tpu.memref_squeeze %dma_start3A_1208 : memref<1x1x64xi32, #tpu.memory_space<vmem>> -> memref<64xi32, #tpu.memory_space<vmem>>
      %dma_start3A_1210 = arith.constant 0 : i32
      %dma_start3A_1211 = arith.constant 0 : i32
      %dma_start3A_1212 = tpu.memref_slice %arg2[%dma_start3A_1210, %dma_start3A_1211] : memref<20480x128xf32, #tpu.memory_space<hbm>> -> memref<20480x128xf32, #tpu.memory_space<hbm>>
      tpu.enqueue_indirect_dma source(%dma_start3A_1212 : memref<20480x128xf32, #tpu.memory_space<hbm>>) target(%arg11 : memref<64x128xf32, #tpu.memory_space<vmem>>) offsets(%dma_start3A_1209 : memref<64xi32, #tpu.memory_space<vmem>>) semaphore(%arg15 : memref<!tpu.dma_semaphore, #tpu.memory_space<semaphore_mem>>)
      %dma_wait3A_1213 = arith.constant 27 : i32
      %dma_wait3A_1214 = arith.constant 0 : i32
      %dma_wait3A_1215 = arith.constant 0 : i32
      %dma_wait3A_1216 = tpu.memref_slice %arg8[%dma_wait3A_1213, %dma_wait3A_1214, %dma_wait3A_1215] : memref<32x2x64xi32, #tpu.memory_space<vmem>> -> memref<1x1x64xi32, #tpu.memory_space<vmem>>
      %dma_wait3A_1217 = tpu.memref_squeeze %dma_wait3A_1216 : memref<1x1x64xi32, #tpu.memory_space<vmem>> -> memref<64xi32, #tpu.memory_space<vmem>>
      %dma_wait3A_1218 = arith.constant 0 : i32
      %dma_wait3A_1219 = arith.constant 0 : i32
      %dma_wait3A_1220 = tpu.memref_slice %arg2[%dma_wait3A_1218, %dma_wait3A_1219] : memref<20480x128xf32, #tpu.memory_space<hbm>> -> memref<20480x128xf32, #tpu.memory_space<hbm>>
      tpu.wait_indirect_dma semaphore(%arg16 : memref<!tpu.dma_semaphore, #tpu.memory_space<semaphore_mem>>) src(%dma_wait3A_1220 : memref<20480x128xf32, #tpu.memory_space<hbm>>) dst(%arg12 : memref<64x128xf32, #tpu.memory_space<vmem>>)
      %run_scoped3A_1221 = arith.constant 27 : i32
      %run_scoped3A_1222 = arith.constant 1 : i32
      "tpu.region"() ({
        %run_scoped3A_1296 = tpu.sem_alloc : memref<!tpu.dma_semaphore, #tpu.memory_space<semaphore_mem>>
        %dma_start3A_1297 = arith.constant 0 : i32
        %dma_start3A_1298 = tpu.memref_slice %arg8[%run_scoped3A_1221, %run_scoped3A_1222, %dma_start3A_1297] : memref<32x2x64xi32, #tpu.memory_space<vmem>> -> memref<1x1x64xi32, #tpu.memory_space<vmem>>
        %dma_start3A_1299 = tpu.memref_squeeze %dma_start3A_1298 : memref<1x1x64xi32, #tpu.memory_space<vmem>> -> memref<64xi32, #tpu.memory_space<vmem>>
        %dma_start3A_1300 = arith.constant 0 : i32
        %dma_start3A_1301 = arith.constant 0 : i32
        %dma_start3A_1302 = tpu.memref_slice %arg6[%dma_start3A_1300, %dma_start3A_1301] : memref<10240x128xf32, #tpu.memory_space<vmem_shared>> -> memref<10240x128xf32, #tpu.memory_space<vmem_shared>>
        tpu.enqueue_indirect_dma source(%arg12 : memref<64x128xf32, #tpu.memory_space<vmem>>) target(%dma_start3A_1302 : memref<10240x128xf32, #tpu.memory_space<vmem_shared>>) offsets(%dma_start3A_1299 : memref<64xi32, #tpu.memory_space<vmem>>) semaphore(%run_scoped3A_1296 : memref<!tpu.dma_semaphore, #tpu.memory_space<semaphore_mem>>) {add = true}
        %dma_wait3A_1303 = arith.constant 0 : i32
        %dma_wait3A_1304 = tpu.memref_slice %arg8[%run_scoped3A_1221, %run_scoped3A_1222, %dma_wait3A_1303] : memref<32x2x64xi32, #tpu.memory_space<vmem>> -> memref<1x1x64xi32, #tpu.memory_space<vmem>>
        %dma_wait3A_1305 = tpu.memref_squeeze %dma_wait3A_1304 : memref<1x1x64xi32, #tpu.memory_space<vmem>> -> memref<64xi32, #tpu.memory_space<vmem>>
        %dma_wait3A_1306 = arith.constant 0 : i32
        %dma_wait3A_1307 = arith.constant 0 : i32
        %dma_wait3A_1308 = tpu.memref_slice %arg6[%dma_wait3A_1306, %dma_wait3A_1307] : memref<10240x128xf32, #tpu.memory_space<vmem_shared>> -> memref<10240x128xf32, #tpu.memory_space<vmem_shared>>
        tpu.wait_indirect_dma semaphore(%run_scoped3A_1296 : memref<!tpu.dma_semaphore, #tpu.memory_space<semaphore_mem>>) src(%arg12 : memref<64x128xf32, #tpu.memory_space<vmem>>) dst(%dma_wait3A_1308 : memref<10240x128xf32, #tpu.memory_space<vmem_shared>>)
        tpu.yield
      }) : () -> ()
      %dma_start3A_1223 = arith.constant 31 : i32
      %dma_start3A_1224 = arith.constant 0 : i32
      %dma_start3A_1225 = arith.constant 0 : i32
      %dma_start3A_1226 = tpu.memref_slice %arg8[%dma_start3A_1223, %dma_start3A_1224, %dma_start3A_1225] : memref<32x2x64xi32, #tpu.memory_space<vmem>> -> memref<1x1x64xi32, #tpu.memory_space<vmem>>
      %dma_start3A_1227 = tpu.memref_squeeze %dma_start3A_1226 : memref<1x1x64xi32, #tpu.memory_space<vmem>> -> memref<64xi32, #tpu.memory_space<vmem>>
      %dma_start3A_1228 = arith.constant 0 : i32
      %dma_start3A_1229 = arith.constant 0 : i32
      %dma_start3A_1230 = tpu.memref_slice %arg2[%dma_start3A_1228, %dma_start3A_1229] : memref<20480x128xf32, #tpu.memory_space<hbm>> -> memref<20480x128xf32, #tpu.memory_space<hbm>>
      tpu.enqueue_indirect_dma source(%dma_start3A_1230 : memref<20480x128xf32, #tpu.memory_space<hbm>>) target(%arg12 : memref<64x128xf32, #tpu.memory_space<vmem>>) offsets(%dma_start3A_1227 : memref<64xi32, #tpu.memory_space<vmem>>) semaphore(%arg16 : memref<!tpu.dma_semaphore, #tpu.memory_space<semaphore_mem>>)
      %dma_wait3A_1231 = arith.constant 28 : i32
      %dma_wait3A_1232 = arith.constant 0 : i32
      %dma_wait3A_1233 = arith.constant 0 : i32
      %dma_wait3A_1234 = tpu.memref_slice %arg8[%dma_wait3A_1231, %dma_wait3A_1232, %dma_wait3A_1233] : memref<32x2x64xi32, #tpu.memory_space<vmem>> -> memref<1x1x64xi32, #tpu.memory_space<vmem>>
      %dma_wait3A_1235 = tpu.memref_squeeze %dma_wait3A_1234 : memref<1x1x64xi32, #tpu.memory_space<vmem>> -> memref<64xi32, #tpu.memory_space<vmem>>
      %dma_wait3A_1236 = arith.constant 0 : i32
      %dma_wait3A_1237 = arith.constant 0 : i32
      %dma_wait3A_1238 = tpu.memref_slice %arg2[%dma_wait3A_1236, %dma_wait3A_1237] : memref<20480x128xf32, #tpu.memory_space<hbm>> -> memref<20480x128xf32, #tpu.memory_space<hbm>>
      tpu.wait_indirect_dma semaphore(%arg13 : memref<!tpu.dma_semaphore, #tpu.memory_space<semaphore_mem>>) src(%dma_wait3A_1238 : memref<20480x128xf32, #tpu.memory_space<hbm>>) dst(%arg9 : memref<64x128xf32, #tpu.memory_space<vmem>>)
      %run_scoped3A_1239 = arith.constant 28 : i32
      %run_scoped3A_1240 = arith.constant 1 : i32
      "tpu.region"() ({
        %run_scoped3A_1296 = tpu.sem_alloc : memref<!tpu.dma_semaphore, #tpu.memory_space<semaphore_mem>>
        %dma_start3A_1297 = arith.constant 0 : i32
        %dma_start3A_1298 = tpu.memref_slice %arg8[%run_scoped3A_1239, %run_scoped3A_1240, %dma_start3A_1297] : memref<32x2x64xi32, #tpu.memory_space<vmem>> -> memref<1x1x64xi32, #tpu.memory_space<vmem>>
        %dma_start3A_1299 = tpu.memref_squeeze %dma_start3A_1298 : memref<1x1x64xi32, #tpu.memory_space<vmem>> -> memref<64xi32, #tpu.memory_space<vmem>>
        %dma_start3A_1300 = arith.constant 0 : i32
        %dma_start3A_1301 = arith.constant 0 : i32
        %dma_start3A_1302 = tpu.memref_slice %arg6[%dma_start3A_1300, %dma_start3A_1301] : memref<10240x128xf32, #tpu.memory_space<vmem_shared>> -> memref<10240x128xf32, #tpu.memory_space<vmem_shared>>
        tpu.enqueue_indirect_dma source(%arg9 : memref<64x128xf32, #tpu.memory_space<vmem>>) target(%dma_start3A_1302 : memref<10240x128xf32, #tpu.memory_space<vmem_shared>>) offsets(%dma_start3A_1299 : memref<64xi32, #tpu.memory_space<vmem>>) semaphore(%run_scoped3A_1296 : memref<!tpu.dma_semaphore, #tpu.memory_space<semaphore_mem>>) {add = true}
        %dma_wait3A_1303 = arith.constant 0 : i32
        %dma_wait3A_1304 = tpu.memref_slice %arg8[%run_scoped3A_1239, %run_scoped3A_1240, %dma_wait3A_1303] : memref<32x2x64xi32, #tpu.memory_space<vmem>> -> memref<1x1x64xi32, #tpu.memory_space<vmem>>
        %dma_wait3A_1305 = tpu.memref_squeeze %dma_wait3A_1304 : memref<1x1x64xi32, #tpu.memory_space<vmem>> -> memref<64xi32, #tpu.memory_space<vmem>>
        %dma_wait3A_1306 = arith.constant 0 : i32
        %dma_wait3A_1307 = arith.constant 0 : i32
        %dma_wait3A_1308 = tpu.memref_slice %arg6[%dma_wait3A_1306, %dma_wait3A_1307] : memref<10240x128xf32, #tpu.memory_space<vmem_shared>> -> memref<10240x128xf32, #tpu.memory_space<vmem_shared>>
        tpu.wait_indirect_dma semaphore(%run_scoped3A_1296 : memref<!tpu.dma_semaphore, #tpu.memory_space<semaphore_mem>>) src(%arg9 : memref<64x128xf32, #tpu.memory_space<vmem>>) dst(%dma_wait3A_1308 : memref<10240x128xf32, #tpu.memory_space<vmem_shared>>)
        tpu.yield
      }) : () -> ()
      %lt3A_1241 = arith.constant 4 : i32
      %lt3A_1242 = arith.cmpi slt, %scan3A_118, %lt3A_1241 : i32
      %convert_element_type3A_1243 = arith.extui %lt3A_1242 : i1 to i32
      %cond3A_1244 = arith.constant 0 : i32
      %cond3A_1245 = arith.cmpi ne, %convert_element_type3A_1243, %cond3A_1244 : i32
      scf.if %cond3A_1245 {
        %add3A_1296 = arith.constant 1 : i32
        %add3A_1297 = arith.addi %add3A_724, %add3A_1296 : i32
        %mul3A_1298 = arith.constant 32 : i32
        %mul3A_1299 = arith.muli %add3A_1297, %mul3A_1298 : i32
        %dma_wait3A_1300 = arith.constant 0 : i32
        %dma_wait3A_1301 = arith.constant 0 : i32
        %dma_wait3A_1302 = tpu.memref_slice %arg3[%add3A, %mul3A_1299, %dma_wait3A_1300, %dma_wait3A_1301] : memref<32x320x2x64xi32, #tpu.memory_space<hbm>> -> memref<1x32x2x64xi32, #tpu.memory_space<hbm>>
        %dma_wait3A_1303 = tpu.memref_squeeze %dma_wait3A_1302 : memref<1x32x2x64xi32, #tpu.memory_space<hbm>> -> memref<32x2x64xi32, #tpu.memory_space<hbm>>
        %dma_wait3A_1304 = arith.constant 0 : i32
        %dma_wait3A_1305 = arith.constant 0 : i32
        %dma_wait3A_1306 = tpu.memref_slice %arg3[%add3A, %mul3A_1299, %dma_wait3A_1304, %dma_wait3A_1305] : memref<32x320x2x64xi32, #tpu.memory_space<hbm>> -> memref<1x32x2x64xi32, #tpu.memory_space<hbm>>
        %dma_wait3A_1307 = tpu.memref_squeeze %dma_wait3A_1306 : memref<1x32x2x64xi32, #tpu.memory_space<hbm>> -> memref<32x2x64xi32, #tpu.memory_space<hbm>>
        tpu.wait_dma2 semaphore(%arg17 : memref<!tpu.dma_semaphore, #tpu.memory_space<semaphore_mem>>) src(%dma_wait3A_1307 : memref<32x2x64xi32, #tpu.memory_space<hbm>>) dst(%arg7 : memref<32x2x64xi32, #tpu.memory_space<vmem>>)
      } else {
      }
      %lt3A_1246 = arith.constant 4 : i32
      %lt3A_1247 = arith.cmpi slt, %scan3A_118, %lt3A_1246 : i32
      %convert_element_type3A_1248 = arith.extui %lt3A_1247 : i1 to i32
      %cond3A_1249 = arith.constant 0 : i32
      %cond3A_1250 = arith.cmpi ne, %convert_element_type3A_1248, %cond3A_1249 : i32
      scf.if %cond3A_1250 {
        %dma_start3A_1296 = arith.constant 0 : i32
        %dma_start3A_1297 = arith.constant 0 : i32
        %dma_start3A_1298 = arith.constant 0 : i32
        %dma_start3A_1299 = tpu.memref_slice %arg7[%dma_start3A_1296, %dma_start3A_1297, %dma_start3A_1298] : memref<32x2x64xi32, #tpu.memory_space<vmem>> -> memref<1x1x64xi32, #tpu.memory_space<vmem>>
        %dma_start3A_1300 = tpu.memref_squeeze %dma_start3A_1299 : memref<1x1x64xi32, #tpu.memory_space<vmem>> -> memref<64xi32, #tpu.memory_space<vmem>>
        %dma_start3A_1301 = arith.constant 0 : i32
        %dma_start3A_1302 = arith.constant 0 : i32
        %dma_start3A_1303 = tpu.memref_slice %arg2[%dma_start3A_1301, %dma_start3A_1302] : memref<20480x128xf32, #tpu.memory_space<hbm>> -> memref<20480x128xf32, #tpu.memory_space<hbm>>
        tpu.enqueue_indirect_dma source(%dma_start3A_1303 : memref<20480x128xf32, #tpu.memory_space<hbm>>) target(%arg9 : memref<64x128xf32, #tpu.memory_space<vmem>>) offsets(%dma_start3A_1300 : memref<64xi32, #tpu.memory_space<vmem>>) semaphore(%arg13 : memref<!tpu.dma_semaphore, #tpu.memory_space<semaphore_mem>>)
      } else {
      }
      %dma_wait3A_1251 = arith.constant 29 : i32
      %dma_wait3A_1252 = arith.constant 0 : i32
      %dma_wait3A_1253 = arith.constant 0 : i32
      %dma_wait3A_1254 = tpu.memref_slice %arg8[%dma_wait3A_1251, %dma_wait3A_1252, %dma_wait3A_1253] : memref<32x2x64xi32, #tpu.memory_space<vmem>> -> memref<1x1x64xi32, #tpu.memory_space<vmem>>
      %dma_wait3A_1255 = tpu.memref_squeeze %dma_wait3A_1254 : memref<1x1x64xi32, #tpu.memory_space<vmem>> -> memref<64xi32, #tpu.memory_space<vmem>>
      %dma_wait3A_1256 = arith.constant 0 : i32
      %dma_wait3A_1257 = arith.constant 0 : i32
      %dma_wait3A_1258 = tpu.memref_slice %arg2[%dma_wait3A_1256, %dma_wait3A_1257] : memref<20480x128xf32, #tpu.memory_space<hbm>> -> memref<20480x128xf32, #tpu.memory_space<hbm>>
      tpu.wait_indirect_dma semaphore(%arg14 : memref<!tpu.dma_semaphore, #tpu.memory_space<semaphore_mem>>) src(%dma_wait3A_1258 : memref<20480x128xf32, #tpu.memory_space<hbm>>) dst(%arg10 : memref<64x128xf32, #tpu.memory_space<vmem>>)
      %run_scoped3A_1259 = arith.constant 29 : i32
      %run_scoped3A_1260 = arith.constant 1 : i32
      "tpu.region"() ({
        %run_scoped3A_1296 = tpu.sem_alloc : memref<!tpu.dma_semaphore, #tpu.memory_space<semaphore_mem>>
        %dma_start3A_1297 = arith.constant 0 : i32
        %dma_start3A_1298 = tpu.memref_slice %arg8[%run_scoped3A_1259, %run_scoped3A_1260, %dma_start3A_1297] : memref<32x2x64xi32, #tpu.memory_space<vmem>> -> memref<1x1x64xi32, #tpu.memory_space<vmem>>
        %dma_start3A_1299 = tpu.memref_squeeze %dma_start3A_1298 : memref<1x1x64xi32, #tpu.memory_space<vmem>> -> memref<64xi32, #tpu.memory_space<vmem>>
        %dma_start3A_1300 = arith.constant 0 : i32
        %dma_start3A_1301 = arith.constant 0 : i32
        %dma_start3A_1302 = tpu.memref_slice %arg6[%dma_start3A_1300, %dma_start3A_1301] : memref<10240x128xf32, #tpu.memory_space<vmem_shared>> -> memref<10240x128xf32, #tpu.memory_space<vmem_shared>>
        tpu.enqueue_indirect_dma source(%arg10 : memref<64x128xf32, #tpu.memory_space<vmem>>) target(%dma_start3A_1302 : memref<10240x128xf32, #tpu.memory_space<vmem_shared>>) offsets(%dma_start3A_1299 : memref<64xi32, #tpu.memory_space<vmem>>) semaphore(%run_scoped3A_1296 : memref<!tpu.dma_semaphore, #tpu.memory_space<semaphore_mem>>) {add = true}
        %dma_wait3A_1303 = arith.constant 0 : i32
        %dma_wait3A_1304 = tpu.memref_slice %arg8[%run_scoped3A_1259, %run_scoped3A_1260, %dma_wait3A_1303] : memref<32x2x64xi32, #tpu.memory_space<vmem>> -> memref<1x1x64xi32, #tpu.memory_space<vmem>>
        %dma_wait3A_1305 = tpu.memref_squeeze %dma_wait3A_1304 : memref<1x1x64xi32, #tpu.memory_space<vmem>> -> memref<64xi32, #tpu.memory_space<vmem>>
        %dma_wait3A_1306 = arith.constant 0 : i32
        %dma_wait3A_1307 = arith.constant 0 : i32
        %dma_wait3A_1308 = tpu.memref_slice %arg6[%dma_wait3A_1306, %dma_wait3A_1307] : memref<10240x128xf32, #tpu.memory_space<vmem_shared>> -> memref<10240x128xf32, #tpu.memory_space<vmem_shared>>
        tpu.wait_indirect_dma semaphore(%run_scoped3A_1296 : memref<!tpu.dma_semaphore, #tpu.memory_space<semaphore_mem>>) src(%arg10 : memref<64x128xf32, #tpu.memory_space<vmem>>) dst(%dma_wait3A_1308 : memref<10240x128xf32, #tpu.memory_space<vmem_shared>>)
        tpu.yield
      }) : () -> ()
      %lt3A_1261 = arith.constant 4 : i32
      %lt3A_1262 = arith.cmpi slt, %scan3A_118, %lt3A_1261 : i32
      %convert_element_type3A_1263 = arith.extui %lt3A_1262 : i1 to i32
      %cond3A_1264 = arith.constant 0 : i32
      %cond3A_1265 = arith.cmpi ne, %convert_element_type3A_1263, %cond3A_1264 : i32
      scf.if %cond3A_1265 {
        %dma_start3A_1296 = arith.constant 1 : i32
        %dma_start3A_1297 = arith.constant 0 : i32
        %dma_start3A_1298 = arith.constant 0 : i32
        %dma_start3A_1299 = tpu.memref_slice %arg7[%dma_start3A_1296, %dma_start3A_1297, %dma_start3A_1298] : memref<32x2x64xi32, #tpu.memory_space<vmem>> -> memref<1x1x64xi32, #tpu.memory_space<vmem>>
        %dma_start3A_1300 = tpu.memref_squeeze %dma_start3A_1299 : memref<1x1x64xi32, #tpu.memory_space<vmem>> -> memref<64xi32, #tpu.memory_space<vmem>>
        %dma_start3A_1301 = arith.constant 0 : i32
        %dma_start3A_1302 = arith.constant 0 : i32
        %dma_start3A_1303 = tpu.memref_slice %arg2[%dma_start3A_1301, %dma_start3A_1302] : memref<20480x128xf32, #tpu.memory_space<hbm>> -> memref<20480x128xf32, #tpu.memory_space<hbm>>
        tpu.enqueue_indirect_dma source(%dma_start3A_1303 : memref<20480x128xf32, #tpu.memory_space<hbm>>) target(%arg10 : memref<64x128xf32, #tpu.memory_space<vmem>>) offsets(%dma_start3A_1300 : memref<64xi32, #tpu.memory_space<vmem>>) semaphore(%arg14 : memref<!tpu.dma_semaphore, #tpu.memory_space<semaphore_mem>>)
      } else {
      }
      %dma_wait3A_1266 = arith.constant 30 : i32
      %dma_wait3A_1267 = arith.constant 0 : i32
      %dma_wait3A_1268 = arith.constant 0 : i32
      %dma_wait3A_1269 = tpu.memref_slice %arg8[%dma_wait3A_1266, %dma_wait3A_1267, %dma_wait3A_1268] : memref<32x2x64xi32, #tpu.memory_space<vmem>> -> memref<1x1x64xi32, #tpu.memory_space<vmem>>
      %dma_wait3A_1270 = tpu.memref_squeeze %dma_wait3A_1269 : memref<1x1x64xi32, #tpu.memory_space<vmem>> -> memref<64xi32, #tpu.memory_space<vmem>>
      %dma_wait3A_1271 = arith.constant 0 : i32
      %dma_wait3A_1272 = arith.constant 0 : i32
      %dma_wait3A_1273 = tpu.memref_slice %arg2[%dma_wait3A_1271, %dma_wait3A_1272] : memref<20480x128xf32, #tpu.memory_space<hbm>> -> memref<20480x128xf32, #tpu.memory_space<hbm>>
      tpu.wait_indirect_dma semaphore(%arg15 : memref<!tpu.dma_semaphore, #tpu.memory_space<semaphore_mem>>) src(%dma_wait3A_1273 : memref<20480x128xf32, #tpu.memory_space<hbm>>) dst(%arg11 : memref<64x128xf32, #tpu.memory_space<vmem>>)
      %run_scoped3A_1274 = arith.constant 30 : i32
      %run_scoped3A_1275 = arith.constant 1 : i32
      "tpu.region"() ({
        %run_scoped3A_1296 = tpu.sem_alloc : memref<!tpu.dma_semaphore, #tpu.memory_space<semaphore_mem>>
        %dma_start3A_1297 = arith.constant 0 : i32
        %dma_start3A_1298 = tpu.memref_slice %arg8[%run_scoped3A_1274, %run_scoped3A_1275, %dma_start3A_1297] : memref<32x2x64xi32, #tpu.memory_space<vmem>> -> memref<1x1x64xi32, #tpu.memory_space<vmem>>
        %dma_start3A_1299 = tpu.memref_squeeze %dma_start3A_1298 : memref<1x1x64xi32, #tpu.memory_space<vmem>> -> memref<64xi32, #tpu.memory_space<vmem>>
        %dma_start3A_1300 = arith.constant 0 : i32
        %dma_start3A_1301 = arith.constant 0 : i32
        %dma_start3A_1302 = tpu.memref_slice %arg6[%dma_start3A_1300, %dma_start3A_1301] : memref<10240x128xf32, #tpu.memory_space<vmem_shared>> -> memref<10240x128xf32, #tpu.memory_space<vmem_shared>>
        tpu.enqueue_indirect_dma source(%arg11 : memref<64x128xf32, #tpu.memory_space<vmem>>) target(%dma_start3A_1302 : memref<10240x128xf32, #tpu.memory_space<vmem_shared>>) offsets(%dma_start3A_1299 : memref<64xi32, #tpu.memory_space<vmem>>) semaphore(%run_scoped3A_1296 : memref<!tpu.dma_semaphore, #tpu.memory_space<semaphore_mem>>) {add = true}
        %dma_wait3A_1303 = arith.constant 0 : i32
        %dma_wait3A_1304 = tpu.memref_slice %arg8[%run_scoped3A_1274, %run_scoped3A_1275, %dma_wait3A_1303] : memref<32x2x64xi32, #tpu.memory_space<vmem>> -> memref<1x1x64xi32, #tpu.memory_space<vmem>>
        %dma_wait3A_1305 = tpu.memref_squeeze %dma_wait3A_1304 : memref<1x1x64xi32, #tpu.memory_space<vmem>> -> memref<64xi32, #tpu.memory_space<vmem>>
        %dma_wait3A_1306 = arith.constant 0 : i32
        %dma_wait3A_1307 = arith.constant 0 : i32
        %dma_wait3A_1308 = tpu.memref_slice %arg6[%dma_wait3A_1306, %dma_wait3A_1307] : memref<10240x128xf32, #tpu.memory_space<vmem_shared>> -> memref<10240x128xf32, #tpu.memory_space<vmem_shared>>
        tpu.wait_indirect_dma semaphore(%run_scoped3A_1296 : memref<!tpu.dma_semaphore, #tpu.memory_space<semaphore_mem>>) src(%arg11 : memref<64x128xf32, #tpu.memory_space<vmem>>) dst(%dma_wait3A_1308 : memref<10240x128xf32, #tpu.memory_space<vmem_shared>>)
        tpu.yield
      }) : () -> ()
      %lt3A_1276 = arith.constant 4 : i32
      %lt3A_1277 = arith.cmpi slt, %scan3A_118, %lt3A_1276 : i32
      %convert_element_type3A_1278 = arith.extui %lt3A_1277 : i1 to i32
      %cond3A_1279 = arith.constant 0 : i32
      %cond3A_1280 = arith.cmpi ne, %convert_element_type3A_1278, %cond3A_1279 : i32
      scf.if %cond3A_1280 {
        %dma_start3A_1296 = arith.constant 2 : i32
        %dma_start3A_1297 = arith.constant 0 : i32
        %dma_start3A_1298 = arith.constant 0 : i32
        %dma_start3A_1299 = tpu.memref_slice %arg7[%dma_start3A_1296, %dma_start3A_1297, %dma_start3A_1298] : memref<32x2x64xi32, #tpu.memory_space<vmem>> -> memref<1x1x64xi32, #tpu.memory_space<vmem>>
        %dma_start3A_1300 = tpu.memref_squeeze %dma_start3A_1299 : memref<1x1x64xi32, #tpu.memory_space<vmem>> -> memref<64xi32, #tpu.memory_space<vmem>>
        %dma_start3A_1301 = arith.constant 0 : i32
        %dma_start3A_1302 = arith.constant 0 : i32
        %dma_start3A_1303 = tpu.memref_slice %arg2[%dma_start3A_1301, %dma_start3A_1302] : memref<20480x128xf32, #tpu.memory_space<hbm>> -> memref<20480x128xf32, #tpu.memory_space<hbm>>
        tpu.enqueue_indirect_dma source(%dma_start3A_1303 : memref<20480x128xf32, #tpu.memory_space<hbm>>) target(%arg11 : memref<64x128xf32, #tpu.memory_space<vmem>>) offsets(%dma_start3A_1300 : memref<64xi32, #tpu.memory_space<vmem>>) semaphore(%arg15 : memref<!tpu.dma_semaphore, #tpu.memory_space<semaphore_mem>>)
      } else {
      }
      %dma_wait3A_1281 = arith.constant 31 : i32
      %dma_wait3A_1282 = arith.constant 0 : i32
      %dma_wait3A_1283 = arith.constant 0 : i32
      %dma_wait3A_1284 = tpu.memref_slice %arg8[%dma_wait3A_1281, %dma_wait3A_1282, %dma_wait3A_1283] : memref<32x2x64xi32, #tpu.memory_space<vmem>> -> memref<1x1x64xi32, #tpu.memory_space<vmem>>
      %dma_wait3A_1285 = tpu.memref_squeeze %dma_wait3A_1284 : memref<1x1x64xi32, #tpu.memory_space<vmem>> -> memref<64xi32, #tpu.memory_space<vmem>>
      %dma_wait3A_1286 = arith.constant 0 : i32
      %dma_wait3A_1287 = arith.constant 0 : i32
      %dma_wait3A_1288 = tpu.memref_slice %arg2[%dma_wait3A_1286, %dma_wait3A_1287] : memref<20480x128xf32, #tpu.memory_space<hbm>> -> memref<20480x128xf32, #tpu.memory_space<hbm>>
      tpu.wait_indirect_dma semaphore(%arg16 : memref<!tpu.dma_semaphore, #tpu.memory_space<semaphore_mem>>) src(%dma_wait3A_1288 : memref<20480x128xf32, #tpu.memory_space<hbm>>) dst(%arg12 : memref<64x128xf32, #tpu.memory_space<vmem>>)
      %run_scoped3A_1289 = arith.constant 31 : i32
      %run_scoped3A_1290 = arith.constant 1 : i32
      "tpu.region"() ({
        %run_scoped3A_1296 = tpu.sem_alloc : memref<!tpu.dma_semaphore, #tpu.memory_space<semaphore_mem>>
        %dma_start3A_1297 = arith.constant 0 : i32
        %dma_start3A_1298 = tpu.memref_slice %arg8[%run_scoped3A_1289, %run_scoped3A_1290, %dma_start3A_1297] : memref<32x2x64xi32, #tpu.memory_space<vmem>> -> memref<1x1x64xi32, #tpu.memory_space<vmem>>
        %dma_start3A_1299 = tpu.memref_squeeze %dma_start3A_1298 : memref<1x1x64xi32, #tpu.memory_space<vmem>> -> memref<64xi32, #tpu.memory_space<vmem>>
        %dma_start3A_1300 = arith.constant 0 : i32
        %dma_start3A_1301 = arith.constant 0 : i32
        %dma_start3A_1302 = tpu.memref_slice %arg6[%dma_start3A_1300, %dma_start3A_1301] : memref<10240x128xf32, #tpu.memory_space<vmem_shared>> -> memref<10240x128xf32, #tpu.memory_space<vmem_shared>>
        tpu.enqueue_indirect_dma source(%arg12 : memref<64x128xf32, #tpu.memory_space<vmem>>) target(%dma_start3A_1302 : memref<10240x128xf32, #tpu.memory_space<vmem_shared>>) offsets(%dma_start3A_1299 : memref<64xi32, #tpu.memory_space<vmem>>) semaphore(%run_scoped3A_1296 : memref<!tpu.dma_semaphore, #tpu.memory_space<semaphore_mem>>) {add = true}
        %dma_wait3A_1303 = arith.constant 0 : i32
        %dma_wait3A_1304 = tpu.memref_slice %arg8[%run_scoped3A_1289, %run_scoped3A_1290, %dma_wait3A_1303] : memref<32x2x64xi32, #tpu.memory_space<vmem>> -> memref<1x1x64xi32, #tpu.memory_space<vmem>>
        %dma_wait3A_1305 = tpu.memref_squeeze %dma_wait3A_1304 : memref<1x1x64xi32, #tpu.memory_space<vmem>> -> memref<64xi32, #tpu.memory_space<vmem>>
        %dma_wait3A_1306 = arith.constant 0 : i32
        %dma_wait3A_1307 = arith.constant 0 : i32
        %dma_wait3A_1308 = tpu.memref_slice %arg6[%dma_wait3A_1306, %dma_wait3A_1307] : memref<10240x128xf32, #tpu.memory_space<vmem_shared>> -> memref<10240x128xf32, #tpu.memory_space<vmem_shared>>
        tpu.wait_indirect_dma semaphore(%run_scoped3A_1296 : memref<!tpu.dma_semaphore, #tpu.memory_space<semaphore_mem>>) src(%arg12 : memref<64x128xf32, #tpu.memory_space<vmem>>) dst(%dma_wait3A_1308 : memref<10240x128xf32, #tpu.memory_space<vmem_shared>>)
        tpu.yield
      }) : () -> ()
      %lt3A_1291 = arith.constant 4 : i32
      %lt3A_1292 = arith.cmpi slt, %scan3A_118, %lt3A_1291 : i32
      %convert_element_type3A_1293 = arith.extui %lt3A_1292 : i1 to i32
      %cond3A_1294 = arith.constant 0 : i32
      %cond3A_1295 = arith.cmpi ne, %convert_element_type3A_1293, %cond3A_1294 : i32
      scf.if %cond3A_1295 {
        %dma_start3A_1296 = arith.constant 3 : i32
        %dma_start3A_1297 = arith.constant 0 : i32
        %dma_start3A_1298 = arith.constant 0 : i32
        %dma_start3A_1299 = tpu.memref_slice %arg7[%dma_start3A_1296, %dma_start3A_1297, %dma_start3A_1298] : memref<32x2x64xi32, #tpu.memory_space<vmem>> -> memref<1x1x64xi32, #tpu.memory_space<vmem>>
        %dma_start3A_1300 = tpu.memref_squeeze %dma_start3A_1299 : memref<1x1x64xi32, #tpu.memory_space<vmem>> -> memref<64xi32, #tpu.memory_space<vmem>>
        %dma_start3A_1301 = arith.constant 0 : i32
        %dma_start3A_1302 = arith.constant 0 : i32
        %dma_start3A_1303 = tpu.memref_slice %arg2[%dma_start3A_1301, %dma_start3A_1302] : memref<20480x128xf32, #tpu.memory_space<hbm>> -> memref<20480x128xf32, #tpu.memory_space<hbm>>
        tpu.enqueue_indirect_dma source(%dma_start3A_1303 : memref<20480x128xf32, #tpu.memory_space<hbm>>) target(%arg12 : memref<64x128xf32, #tpu.memory_space<vmem>>) offsets(%dma_start3A_1300 : memref<64xi32, #tpu.memory_space<vmem>>) semaphore(%arg16 : memref<!tpu.dma_semaphore, #tpu.memory_space<semaphore_mem>>)
      } else {
      }
    }
    %scan3A_76 = arith.constant 5 : i32
    %barrier3A_77 = arith.constant 0 : index
    tpu.barrier barrier_id(%barrier3A_77)
    %mul3A_78 = arith.constant 640 : i32
    %mul3A_79 = arith.muli %arg1, %mul3A_78 : i32
    %add3A_80 = arith.constant 0 : i32
    %add3A_81 = arith.addi %mul3A_79, %add3A_80 : i32
    "tpu.region"() ({
      %run_scoped3A = tpu.sem_alloc : memref<!tpu.dma_semaphore, #tpu.memory_space<semaphore_mem>>
      %dma_start3A_118 = arith.constant 0 : i32
      %dma_start3A_119 = tpu.memref_slice %arg6[%add3A_81, %dma_start3A_118] : memref<10240x128xf32, #tpu.memory_space<vmem_shared>> -> memref<64x128xf32, #tpu.memory_space<vmem_shared>>
      %dma_start3A_120 = arith.constant 0 : i32
      %dma_start3A_121 = tpu.memref_slice %arg6[%add3A_81, %dma_start3A_120] : memref<10240x128xf32, #tpu.memory_space<vmem_shared>> -> memref<64x128xf32, #tpu.memory_space<vmem_shared>>
      tpu.enqueue_dma source(%dma_start3A_121 : memref<64x128xf32, #tpu.memory_space<vmem_shared>>) target(%arg9 : memref<64x128xf32, #tpu.memory_space<vmem>>) target_semaphore(%run_scoped3A : memref<!tpu.dma_semaphore, #tpu.memory_space<semaphore_mem>>)
      %dma_wait3A = arith.constant 0 : i32
      %dma_wait3A_122 = tpu.memref_slice %arg6[%add3A_81, %dma_wait3A] : memref<10240x128xf32, #tpu.memory_space<vmem_shared>> -> memref<64x128xf32, #tpu.memory_space<vmem_shared>>
      %dma_wait3A_123 = arith.constant 0 : i32
      %dma_wait3A_124 = tpu.memref_slice %arg6[%add3A_81, %dma_wait3A_123] : memref<10240x128xf32, #tpu.memory_space<vmem_shared>> -> memref<64x128xf32, #tpu.memory_space<vmem_shared>>
      tpu.wait_dma2 semaphore(%run_scoped3A : memref<!tpu.dma_semaphore, #tpu.memory_space<semaphore_mem>>) src(%dma_wait3A_124 : memref<64x128xf32, #tpu.memory_space<vmem_shared>>) dst(%arg9 : memref<64x128xf32, #tpu.memory_space<vmem>>)
      tpu.yield
    }) : () -> ()
    "tpu.region"() ({
      %run_scoped3A = tpu.sem_alloc : memref<!tpu.dma_semaphore, #tpu.memory_space<semaphore_mem>>
      %dma_start3A_118 = arith.constant 0 : i32
      %dma_start3A_119 = tpu.memref_slice %arg5[%arg0, %add3A_81, %dma_start3A_118] : memref<2x10240x128xf32, #tpu.memory_space<hbm>> -> memref<1x64x128xf32, #tpu.memory_space<hbm>>
      %dma_start3A_120 = tpu.memref_squeeze %dma_start3A_119 : memref<1x64x128xf32, #tpu.memory_space<hbm>> -> memref<64x128xf32, #tpu.memory_space<hbm>>
      %dma_start3A_121 = arith.constant 0 : i32
      %dma_start3A_122 = tpu.memref_slice %arg5[%arg0, %add3A_81, %dma_start3A_121] : memref<2x10240x128xf32, #tpu.memory_space<hbm>> -> memref<1x64x128xf32, #tpu.memory_space<hbm>>
      %dma_start3A_123 = tpu.memref_squeeze %dma_start3A_122 : memref<1x64x128xf32, #tpu.memory_space<hbm>> -> memref<64x128xf32, #tpu.memory_space<hbm>>
      tpu.enqueue_dma source(%arg9 : memref<64x128xf32, #tpu.memory_space<vmem>>) target(%dma_start3A_123 : memref<64x128xf32, #tpu.memory_space<hbm>>) target_semaphore(%run_scoped3A : memref<!tpu.dma_semaphore, #tpu.memory_space<semaphore_mem>>)
      %dma_wait3A = arith.constant 0 : i32
      %dma_wait3A_124 = tpu.memref_slice %arg5[%arg0, %add3A_81, %dma_wait3A] : memref<2x10240x128xf32, #tpu.memory_space<hbm>> -> memref<1x64x128xf32, #tpu.memory_space<hbm>>
      %dma_wait3A_125 = tpu.memref_squeeze %dma_wait3A_124 : memref<1x64x128xf32, #tpu.memory_space<hbm>> -> memref<64x128xf32, #tpu.memory_space<hbm>>
      %dma_wait3A_126 = arith.constant 0 : i32
      %dma_wait3A_127 = tpu.memref_slice %arg5[%arg0, %add3A_81, %dma_wait3A_126] : memref<2x10240x128xf32, #tpu.memory_space<hbm>> -> memref<1x64x128xf32, #tpu.memory_space<hbm>>
      %dma_wait3A_128 = tpu.memref_squeeze %dma_wait3A_127 : memref<1x64x128xf32, #tpu.memory_space<hbm>> -> memref<64x128xf32, #tpu.memory_space<hbm>>
      tpu.wait_dma2 semaphore(%run_scoped3A : memref<!tpu.dma_semaphore, #tpu.memory_space<semaphore_mem>>) src(%arg9 : memref<64x128xf32, #tpu.memory_space<vmem>>) dst(%dma_wait3A_128 : memref<64x128xf32, #tpu.memory_space<hbm>>)
      tpu.yield
    }) : () -> ()
    %mul3A_82 = arith.constant 640 : i32
    %mul3A_83 = arith.muli %arg1, %mul3A_82 : i32
    %add3A_84 = arith.constant 64 : i32
    %add3A_85 = arith.addi %mul3A_83, %add3A_84 : i32
    "tpu.region"() ({
      %run_scoped3A = tpu.sem_alloc : memref<!tpu.dma_semaphore, #tpu.memory_space<semaphore_mem>>
      %dma_start3A_118 = arith.constant 0 : i32
      %dma_start3A_119 = tpu.memref_slice %arg6[%add3A_85, %dma_start3A_118] : memref<10240x128xf32, #tpu.memory_space<vmem_shared>> -> memref<64x128xf32, #tpu.memory_space<vmem_shared>>
      %dma_start3A_120 = arith.constant 0 : i32
      %dma_start3A_121 = tpu.memref_slice %arg6[%add3A_85, %dma_start3A_120] : memref<10240x128xf32, #tpu.memory_space<vmem_shared>> -> memref<64x128xf32, #tpu.memory_space<vmem_shared>>
      tpu.enqueue_dma source(%dma_start3A_121 : memref<64x128xf32, #tpu.memory_space<vmem_shared>>) target(%arg9 : memref<64x128xf32, #tpu.memory_space<vmem>>) target_semaphore(%run_scoped3A : memref<!tpu.dma_semaphore, #tpu.memory_space<semaphore_mem>>)
      %dma_wait3A = arith.constant 0 : i32
      %dma_wait3A_122 = tpu.memref_slice %arg6[%add3A_85, %dma_wait3A] : memref<10240x128xf32, #tpu.memory_space<vmem_shared>> -> memref<64x128xf32, #tpu.memory_space<vmem_shared>>
      %dma_wait3A_123 = arith.constant 0 : i32
      %dma_wait3A_124 = tpu.memref_slice %arg6[%add3A_85, %dma_wait3A_123] : memref<10240x128xf32, #tpu.memory_space<vmem_shared>> -> memref<64x128xf32, #tpu.memory_space<vmem_shared>>
      tpu.wait_dma2 semaphore(%run_scoped3A : memref<!tpu.dma_semaphore, #tpu.memory_space<semaphore_mem>>) src(%dma_wait3A_124 : memref<64x128xf32, #tpu.memory_space<vmem_shared>>) dst(%arg9 : memref<64x128xf32, #tpu.memory_space<vmem>>)
      tpu.yield
    }) : () -> ()
    "tpu.region"() ({
      %run_scoped3A = tpu.sem_alloc : memref<!tpu.dma_semaphore, #tpu.memory_space<semaphore_mem>>
      %dma_start3A_118 = arith.constant 0 : i32
      %dma_start3A_119 = tpu.memref_slice %arg5[%arg0, %add3A_85, %dma_start3A_118] : memref<2x10240x128xf32, #tpu.memory_space<hbm>> -> memref<1x64x128xf32, #tpu.memory_space<hbm>>
      %dma_start3A_120 = tpu.memref_squeeze %dma_start3A_119 : memref<1x64x128xf32, #tpu.memory_space<hbm>> -> memref<64x128xf32, #tpu.memory_space<hbm>>
      %dma_start3A_121 = arith.constant 0 : i32
      %dma_start3A_122 = tpu.memref_slice %arg5[%arg0, %add3A_85, %dma_start3A_121] : memref<2x10240x128xf32, #tpu.memory_space<hbm>> -> memref<1x64x128xf32, #tpu.memory_space<hbm>>
      %dma_start3A_123 = tpu.memref_squeeze %dma_start3A_122 : memref<1x64x128xf32, #tpu.memory_space<hbm>> -> memref<64x128xf32, #tpu.memory_space<hbm>>
      tpu.enqueue_dma source(%arg9 : memref<64x128xf32, #tpu.memory_space<vmem>>) target(%dma_start3A_123 : memref<64x128xf32, #tpu.memory_space<hbm>>) target_semaphore(%run_scoped3A : memref<!tpu.dma_semaphore, #tpu.memory_space<semaphore_mem>>)
      %dma_wait3A = arith.constant 0 : i32
      %dma_wait3A_124 = tpu.memref_slice %arg5[%arg0, %add3A_85, %dma_wait3A] : memref<2x10240x128xf32, #tpu.memory_space<hbm>> -> memref<1x64x128xf32, #tpu.memory_space<hbm>>
      %dma_wait3A_125 = tpu.memref_squeeze %dma_wait3A_124 : memref<1x64x128xf32, #tpu.memory_space<hbm>> -> memref<64x128xf32, #tpu.memory_space<hbm>>
      %dma_wait3A_126 = arith.constant 0 : i32
      %dma_wait3A_127 = tpu.memref_slice %arg5[%arg0, %add3A_85, %dma_wait3A_126] : memref<2x10240x128xf32, #tpu.memory_space<hbm>> -> memref<1x64x128xf32, #tpu.memory_space<hbm>>
      %dma_wait3A_128 = tpu.memref_squeeze %dma_wait3A_127 : memref<1x64x128xf32, #tpu.memory_space<hbm>> -> memref<64x128xf32, #tpu.memory_space<hbm>>
      tpu.wait_dma2 semaphore(%run_scoped3A : memref<!tpu.dma_semaphore, #tpu.memory_space<semaphore_mem>>) src(%arg9 : memref<64x128xf32, #tpu.memory_space<vmem>>) dst(%dma_wait3A_128 : memref<64x128xf32, #tpu.memory_space<hbm>>)
      tpu.yield
    }) : () -> ()
    %mul3A_86 = arith.constant 640 : i32
    %mul3A_87 = arith.muli %arg1, %mul3A_86 : i32
    %add3A_88 = arith.constant 128 : i32
    %add3A_89 = arith.addi %mul3A_87, %add3A_88 : i32
    "tpu.region"() ({
      %run_scoped3A = tpu.sem_alloc : memref<!tpu.dma_semaphore, #tpu.memory_space<semaphore_mem>>
      %dma_start3A_118 = arith.constant 0 : i32
      %dma_start3A_119 = tpu.memref_slice %arg6[%add3A_89, %dma_start3A_118] : memref<10240x128xf32, #tpu.memory_space<vmem_shared>> -> memref<64x128xf32, #tpu.memory_space<vmem_shared>>
      %dma_start3A_120 = arith.constant 0 : i32
      %dma_start3A_121 = tpu.memref_slice %arg6[%add3A_89, %dma_start3A_120] : memref<10240x128xf32, #tpu.memory_space<vmem_shared>> -> memref<64x128xf32, #tpu.memory_space<vmem_shared>>
      tpu.enqueue_dma source(%dma_start3A_121 : memref<64x128xf32, #tpu.memory_space<vmem_shared>>) target(%arg9 : memref<64x128xf32, #tpu.memory_space<vmem>>) target_semaphore(%run_scoped3A : memref<!tpu.dma_semaphore, #tpu.memory_space<semaphore_mem>>)
      %dma_wait3A = arith.constant 0 : i32
      %dma_wait3A_122 = tpu.memref_slice %arg6[%add3A_89, %dma_wait3A] : memref<10240x128xf32, #tpu.memory_space<vmem_shared>> -> memref<64x128xf32, #tpu.memory_space<vmem_shared>>
      %dma_wait3A_123 = arith.constant 0 : i32
      %dma_wait3A_124 = tpu.memref_slice %arg6[%add3A_89, %dma_wait3A_123] : memref<10240x128xf32, #tpu.memory_space<vmem_shared>> -> memref<64x128xf32, #tpu.memory_space<vmem_shared>>
      tpu.wait_dma2 semaphore(%run_scoped3A : memref<!tpu.dma_semaphore, #tpu.memory_space<semaphore_mem>>) src(%dma_wait3A_124 : memref<64x128xf32, #tpu.memory_space<vmem_shared>>) dst(%arg9 : memref<64x128xf32, #tpu.memory_space<vmem>>)
      tpu.yield
    }) : () -> ()
    "tpu.region"() ({
      %run_scoped3A = tpu.sem_alloc : memref<!tpu.dma_semaphore, #tpu.memory_space<semaphore_mem>>
      %dma_start3A_118 = arith.constant 0 : i32
      %dma_start3A_119 = tpu.memref_slice %arg5[%arg0, %add3A_89, %dma_start3A_118] : memref<2x10240x128xf32, #tpu.memory_space<hbm>> -> memref<1x64x128xf32, #tpu.memory_space<hbm>>
      %dma_start3A_120 = tpu.memref_squeeze %dma_start3A_119 : memref<1x64x128xf32, #tpu.memory_space<hbm>> -> memref<64x128xf32, #tpu.memory_space<hbm>>
      %dma_start3A_121 = arith.constant 0 : i32
      %dma_start3A_122 = tpu.memref_slice %arg5[%arg0, %add3A_89, %dma_start3A_121] : memref<2x10240x128xf32, #tpu.memory_space<hbm>> -> memref<1x64x128xf32, #tpu.memory_space<hbm>>
      %dma_start3A_123 = tpu.memref_squeeze %dma_start3A_122 : memref<1x64x128xf32, #tpu.memory_space<hbm>> -> memref<64x128xf32, #tpu.memory_space<hbm>>
      tpu.enqueue_dma source(%arg9 : memref<64x128xf32, #tpu.memory_space<vmem>>) target(%dma_start3A_123 : memref<64x128xf32, #tpu.memory_space<hbm>>) target_semaphore(%run_scoped3A : memref<!tpu.dma_semaphore, #tpu.memory_space<semaphore_mem>>)
      %dma_wait3A = arith.constant 0 : i32
      %dma_wait3A_124 = tpu.memref_slice %arg5[%arg0, %add3A_89, %dma_wait3A] : memref<2x10240x128xf32, #tpu.memory_space<hbm>> -> memref<1x64x128xf32, #tpu.memory_space<hbm>>
      %dma_wait3A_125 = tpu.memref_squeeze %dma_wait3A_124 : memref<1x64x128xf32, #tpu.memory_space<hbm>> -> memref<64x128xf32, #tpu.memory_space<hbm>>
      %dma_wait3A_126 = arith.constant 0 : i32
      %dma_wait3A_127 = tpu.memref_slice %arg5[%arg0, %add3A_89, %dma_wait3A_126] : memref<2x10240x128xf32, #tpu.memory_space<hbm>> -> memref<1x64x128xf32, #tpu.memory_space<hbm>>
      %dma_wait3A_128 = tpu.memref_squeeze %dma_wait3A_127 : memref<1x64x128xf32, #tpu.memory_space<hbm>> -> memref<64x128xf32, #tpu.memory_space<hbm>>
      tpu.wait_dma2 semaphore(%run_scoped3A : memref<!tpu.dma_semaphore, #tpu.memory_space<semaphore_mem>>) src(%arg9 : memref<64x128xf32, #tpu.memory_space<vmem>>) dst(%dma_wait3A_128 : memref<64x128xf32, #tpu.memory_space<hbm>>)
      tpu.yield
    }) : () -> ()
    %mul3A_90 = arith.constant 640 : i32
    %mul3A_91 = arith.muli %arg1, %mul3A_90 : i32
    %add3A_92 = arith.constant 192 : i32
    %add3A_93 = arith.addi %mul3A_91, %add3A_92 : i32
    "tpu.region"() ({
      %run_scoped3A = tpu.sem_alloc : memref<!tpu.dma_semaphore, #tpu.memory_space<semaphore_mem>>
      %dma_start3A_118 = arith.constant 0 : i32
      %dma_start3A_119 = tpu.memref_slice %arg6[%add3A_93, %dma_start3A_118] : memref<10240x128xf32, #tpu.memory_space<vmem_shared>> -> memref<64x128xf32, #tpu.memory_space<vmem_shared>>
      %dma_start3A_120 = arith.constant 0 : i32
      %dma_start3A_121 = tpu.memref_slice %arg6[%add3A_93, %dma_start3A_120] : memref<10240x128xf32, #tpu.memory_space<vmem_shared>> -> memref<64x128xf32, #tpu.memory_space<vmem_shared>>
      tpu.enqueue_dma source(%dma_start3A_121 : memref<64x128xf32, #tpu.memory_space<vmem_shared>>) target(%arg9 : memref<64x128xf32, #tpu.memory_space<vmem>>) target_semaphore(%run_scoped3A : memref<!tpu.dma_semaphore, #tpu.memory_space<semaphore_mem>>)
      %dma_wait3A = arith.constant 0 : i32
      %dma_wait3A_122 = tpu.memref_slice %arg6[%add3A_93, %dma_wait3A] : memref<10240x128xf32, #tpu.memory_space<vmem_shared>> -> memref<64x128xf32, #tpu.memory_space<vmem_shared>>
      %dma_wait3A_123 = arith.constant 0 : i32
      %dma_wait3A_124 = tpu.memref_slice %arg6[%add3A_93, %dma_wait3A_123] : memref<10240x128xf32, #tpu.memory_space<vmem_shared>> -> memref<64x128xf32, #tpu.memory_space<vmem_shared>>
      tpu.wait_dma2 semaphore(%run_scoped3A : memref<!tpu.dma_semaphore, #tpu.memory_space<semaphore_mem>>) src(%dma_wait3A_124 : memref<64x128xf32, #tpu.memory_space<vmem_shared>>) dst(%arg9 : memref<64x128xf32, #tpu.memory_space<vmem>>)
      tpu.yield
    }) : () -> ()
    "tpu.region"() ({
      %run_scoped3A = tpu.sem_alloc : memref<!tpu.dma_semaphore, #tpu.memory_space<semaphore_mem>>
      %dma_start3A_118 = arith.constant 0 : i32
      %dma_start3A_119 = tpu.memref_slice %arg5[%arg0, %add3A_93, %dma_start3A_118] : memref<2x10240x128xf32, #tpu.memory_space<hbm>> -> memref<1x64x128xf32, #tpu.memory_space<hbm>>
      %dma_start3A_120 = tpu.memref_squeeze %dma_start3A_119 : memref<1x64x128xf32, #tpu.memory_space<hbm>> -> memref<64x128xf32, #tpu.memory_space<hbm>>
      %dma_start3A_121 = arith.constant 0 : i32
      %dma_start3A_122 = tpu.memref_slice %arg5[%arg0, %add3A_93, %dma_start3A_121] : memref<2x10240x128xf32, #tpu.memory_space<hbm>> -> memref<1x64x128xf32, #tpu.memory_space<hbm>>
      %dma_start3A_123 = tpu.memref_squeeze %dma_start3A_122 : memref<1x64x128xf32, #tpu.memory_space<hbm>> -> memref<64x128xf32, #tpu.memory_space<hbm>>
      tpu.enqueue_dma source(%arg9 : memref<64x128xf32, #tpu.memory_space<vmem>>) target(%dma_start3A_123 : memref<64x128xf32, #tpu.memory_space<hbm>>) target_semaphore(%run_scoped3A : memref<!tpu.dma_semaphore, #tpu.memory_space<semaphore_mem>>)
      %dma_wait3A = arith.constant 0 : i32
      %dma_wait3A_124 = tpu.memref_slice %arg5[%arg0, %add3A_93, %dma_wait3A] : memref<2x10240x128xf32, #tpu.memory_space<hbm>> -> memref<1x64x128xf32, #tpu.memory_space<hbm>>
      %dma_wait3A_125 = tpu.memref_squeeze %dma_wait3A_124 : memref<1x64x128xf32, #tpu.memory_space<hbm>> -> memref<64x128xf32, #tpu.memory_space<hbm>>
      %dma_wait3A_126 = arith.constant 0 : i32
      %dma_wait3A_127 = tpu.memref_slice %arg5[%arg0, %add3A_93, %dma_wait3A_126] : memref<2x10240x128xf32, #tpu.memory_space<hbm>> -> memref<1x64x128xf32, #tpu.memory_space<hbm>>
      %dma_wait3A_128 = tpu.memref_squeeze %dma_wait3A_127 : memref<1x64x128xf32, #tpu.memory_space<hbm>> -> memref<64x128xf32, #tpu.memory_space<hbm>>
      tpu.wait_dma2 semaphore(%run_scoped3A : memref<!tpu.dma_semaphore, #tpu.memory_space<semaphore_mem>>) src(%arg9 : memref<64x128xf32, #tpu.memory_space<vmem>>) dst(%dma_wait3A_128 : memref<64x128xf32, #tpu.memory_space<hbm>>)
      tpu.yield
    }) : () -> ()
    %mul3A_94 = arith.constant 640 : i32
    %mul3A_95 = arith.muli %arg1, %mul3A_94 : i32
    %add3A_96 = arith.constant 256 : i32
    %add3A_97 = arith.addi %mul3A_95, %add3A_96 : i32
    "tpu.region"() ({
      %run_scoped3A = tpu.sem_alloc : memref<!tpu.dma_semaphore, #tpu.memory_space<semaphore_mem>>
      %dma_start3A_118 = arith.constant 0 : i32
      %dma_start3A_119 = tpu.memref_slice %arg6[%add3A_97, %dma_start3A_118] : memref<10240x128xf32, #tpu.memory_space<vmem_shared>> -> memref<64x128xf32, #tpu.memory_space<vmem_shared>>
      %dma_start3A_120 = arith.constant 0 : i32
      %dma_start3A_121 = tpu.memref_slice %arg6[%add3A_97, %dma_start3A_120] : memref<10240x128xf32, #tpu.memory_space<vmem_shared>> -> memref<64x128xf32, #tpu.memory_space<vmem_shared>>
      tpu.enqueue_dma source(%dma_start3A_121 : memref<64x128xf32, #tpu.memory_space<vmem_shared>>) target(%arg9 : memref<64x128xf32, #tpu.memory_space<vmem>>) target_semaphore(%run_scoped3A : memref<!tpu.dma_semaphore, #tpu.memory_space<semaphore_mem>>)
      %dma_wait3A = arith.constant 0 : i32
      %dma_wait3A_122 = tpu.memref_slice %arg6[%add3A_97, %dma_wait3A] : memref<10240x128xf32, #tpu.memory_space<vmem_shared>> -> memref<64x128xf32, #tpu.memory_space<vmem_shared>>
      %dma_wait3A_123 = arith.constant 0 : i32
      %dma_wait3A_124 = tpu.memref_slice %arg6[%add3A_97, %dma_wait3A_123] : memref<10240x128xf32, #tpu.memory_space<vmem_shared>> -> memref<64x128xf32, #tpu.memory_space<vmem_shared>>
      tpu.wait_dma2 semaphore(%run_scoped3A : memref<!tpu.dma_semaphore, #tpu.memory_space<semaphore_mem>>) src(%dma_wait3A_124 : memref<64x128xf32, #tpu.memory_space<vmem_shared>>) dst(%arg9 : memref<64x128xf32, #tpu.memory_space<vmem>>)
      tpu.yield
    }) : () -> ()
    "tpu.region"() ({
      %run_scoped3A = tpu.sem_alloc : memref<!tpu.dma_semaphore, #tpu.memory_space<semaphore_mem>>
      %dma_start3A_118 = arith.constant 0 : i32
      %dma_start3A_119 = tpu.memref_slice %arg5[%arg0, %add3A_97, %dma_start3A_118] : memref<2x10240x128xf32, #tpu.memory_space<hbm>> -> memref<1x64x128xf32, #tpu.memory_space<hbm>>
      %dma_start3A_120 = tpu.memref_squeeze %dma_start3A_119 : memref<1x64x128xf32, #tpu.memory_space<hbm>> -> memref<64x128xf32, #tpu.memory_space<hbm>>
      %dma_start3A_121 = arith.constant 0 : i32
      %dma_start3A_122 = tpu.memref_slice %arg5[%arg0, %add3A_97, %dma_start3A_121] : memref<2x10240x128xf32, #tpu.memory_space<hbm>> -> memref<1x64x128xf32, #tpu.memory_space<hbm>>
      %dma_start3A_123 = tpu.memref_squeeze %dma_start3A_122 : memref<1x64x128xf32, #tpu.memory_space<hbm>> -> memref<64x128xf32, #tpu.memory_space<hbm>>
      tpu.enqueue_dma source(%arg9 : memref<64x128xf32, #tpu.memory_space<vmem>>) target(%dma_start3A_123 : memref<64x128xf32, #tpu.memory_space<hbm>>) target_semaphore(%run_scoped3A : memref<!tpu.dma_semaphore, #tpu.memory_space<semaphore_mem>>)
      %dma_wait3A = arith.constant 0 : i32
      %dma_wait3A_124 = tpu.memref_slice %arg5[%arg0, %add3A_97, %dma_wait3A] : memref<2x10240x128xf32, #tpu.memory_space<hbm>> -> memref<1x64x128xf32, #tpu.memory_space<hbm>>
      %dma_wait3A_125 = tpu.memref_squeeze %dma_wait3A_124 : memref<1x64x128xf32, #tpu.memory_space<hbm>> -> memref<64x128xf32, #tpu.memory_space<hbm>>
      %dma_wait3A_126 = arith.constant 0 : i32
      %dma_wait3A_127 = tpu.memref_slice %arg5[%arg0, %add3A_97, %dma_wait3A_126] : memref<2x10240x128xf32, #tpu.memory_space<hbm>> -> memref<1x64x128xf32, #tpu.memory_space<hbm>>
      %dma_wait3A_128 = tpu.memref_squeeze %dma_wait3A_127 : memref<1x64x128xf32, #tpu.memory_space<hbm>> -> memref<64x128xf32, #tpu.memory_space<hbm>>
      tpu.wait_dma2 semaphore(%run_scoped3A : memref<!tpu.dma_semaphore, #tpu.memory_space<semaphore_mem>>) src(%arg9 : memref<64x128xf32, #tpu.memory_space<vmem>>) dst(%dma_wait3A_128 : memref<64x128xf32, #tpu.memory_space<hbm>>)
      tpu.yield
    }) : () -> ()
    %mul3A_98 = arith.constant 640 : i32
    %mul3A_99 = arith.muli %arg1, %mul3A_98 : i32
    %add3A_100 = arith.constant 320 : i32
    %add3A_101 = arith.addi %mul3A_99, %add3A_100 : i32
    "tpu.region"() ({
      %run_scoped3A = tpu.sem_alloc : memref<!tpu.dma_semaphore, #tpu.memory_space<semaphore_mem>>
      %dma_start3A_118 = arith.constant 0 : i32
      %dma_start3A_119 = tpu.memref_slice %arg6[%add3A_101, %dma_start3A_118] : memref<10240x128xf32, #tpu.memory_space<vmem_shared>> -> memref<64x128xf32, #tpu.memory_space<vmem_shared>>
      %dma_start3A_120 = arith.constant 0 : i32
      %dma_start3A_121 = tpu.memref_slice %arg6[%add3A_101, %dma_start3A_120] : memref<10240x128xf32, #tpu.memory_space<vmem_shared>> -> memref<64x128xf32, #tpu.memory_space<vmem_shared>>
      tpu.enqueue_dma source(%dma_start3A_121 : memref<64x128xf32, #tpu.memory_space<vmem_shared>>) target(%arg9 : memref<64x128xf32, #tpu.memory_space<vmem>>) target_semaphore(%run_scoped3A : memref<!tpu.dma_semaphore, #tpu.memory_space<semaphore_mem>>)
      %dma_wait3A = arith.constant 0 : i32
      %dma_wait3A_122 = tpu.memref_slice %arg6[%add3A_101, %dma_wait3A] : memref<10240x128xf32, #tpu.memory_space<vmem_shared>> -> memref<64x128xf32, #tpu.memory_space<vmem_shared>>
      %dma_wait3A_123 = arith.constant 0 : i32
      %dma_wait3A_124 = tpu.memref_slice %arg6[%add3A_101, %dma_wait3A_123] : memref<10240x128xf32, #tpu.memory_space<vmem_shared>> -> memref<64x128xf32, #tpu.memory_space<vmem_shared>>
      tpu.wait_dma2 semaphore(%run_scoped3A : memref<!tpu.dma_semaphore, #tpu.memory_space<semaphore_mem>>) src(%dma_wait3A_124 : memref<64x128xf32, #tpu.memory_space<vmem_shared>>) dst(%arg9 : memref<64x128xf32, #tpu.memory_space<vmem>>)
      tpu.yield
    }) : () -> ()
    "tpu.region"() ({
      %run_scoped3A = tpu.sem_alloc : memref<!tpu.dma_semaphore, #tpu.memory_space<semaphore_mem>>
      %dma_start3A_118 = arith.constant 0 : i32
      %dma_start3A_119 = tpu.memref_slice %arg5[%arg0, %add3A_101, %dma_start3A_118] : memref<2x10240x128xf32, #tpu.memory_space<hbm>> -> memref<1x64x128xf32, #tpu.memory_space<hbm>>
      %dma_start3A_120 = tpu.memref_squeeze %dma_start3A_119 : memref<1x64x128xf32, #tpu.memory_space<hbm>> -> memref<64x128xf32, #tpu.memory_space<hbm>>
      %dma_start3A_121 = arith.constant 0 : i32
      %dma_start3A_122 = tpu.memref_slice %arg5[%arg0, %add3A_101, %dma_start3A_121] : memref<2x10240x128xf32, #tpu.memory_space<hbm>> -> memref<1x64x128xf32, #tpu.memory_space<hbm>>
      %dma_start3A_123 = tpu.memref_squeeze %dma_start3A_122 : memref<1x64x128xf32, #tpu.memory_space<hbm>> -> memref<64x128xf32, #tpu.memory_space<hbm>>
      tpu.enqueue_dma source(%arg9 : memref<64x128xf32, #tpu.memory_space<vmem>>) target(%dma_start3A_123 : memref<64x128xf32, #tpu.memory_space<hbm>>) target_semaphore(%run_scoped3A : memref<!tpu.dma_semaphore, #tpu.memory_space<semaphore_mem>>)
      %dma_wait3A = arith.constant 0 : i32
      %dma_wait3A_124 = tpu.memref_slice %arg5[%arg0, %add3A_101, %dma_wait3A] : memref<2x10240x128xf32, #tpu.memory_space<hbm>> -> memref<1x64x128xf32, #tpu.memory_space<hbm>>
      %dma_wait3A_125 = tpu.memref_squeeze %dma_wait3A_124 : memref<1x64x128xf32, #tpu.memory_space<hbm>> -> memref<64x128xf32, #tpu.memory_space<hbm>>
      %dma_wait3A_126 = arith.constant 0 : i32
      %dma_wait3A_127 = tpu.memref_slice %arg5[%arg0, %add3A_101, %dma_wait3A_126] : memref<2x10240x128xf32, #tpu.memory_space<hbm>> -> memref<1x64x128xf32, #tpu.memory_space<hbm>>
      %dma_wait3A_128 = tpu.memref_squeeze %dma_wait3A_127 : memref<1x64x128xf32, #tpu.memory_space<hbm>> -> memref<64x128xf32, #tpu.memory_space<hbm>>
      tpu.wait_dma2 semaphore(%run_scoped3A : memref<!tpu.dma_semaphore, #tpu.memory_space<semaphore_mem>>) src(%arg9 : memref<64x128xf32, #tpu.memory_space<vmem>>) dst(%dma_wait3A_128 : memref<64x128xf32, #tpu.memory_space<hbm>>)
      tpu.yield
    }) : () -> ()
    %mul3A_102 = arith.constant 640 : i32
    %mul3A_103 = arith.muli %arg1, %mul3A_102 : i32
    %add3A_104 = arith.constant 384 : i32
    %add3A_105 = arith.addi %mul3A_103, %add3A_104 : i32
    "tpu.region"() ({
      %run_scoped3A = tpu.sem_alloc : memref<!tpu.dma_semaphore, #tpu.memory_space<semaphore_mem>>
      %dma_start3A_118 = arith.constant 0 : i32
      %dma_start3A_119 = tpu.memref_slice %arg6[%add3A_105, %dma_start3A_118] : memref<10240x128xf32, #tpu.memory_space<vmem_shared>> -> memref<64x128xf32, #tpu.memory_space<vmem_shared>>
      %dma_start3A_120 = arith.constant 0 : i32
      %dma_start3A_121 = tpu.memref_slice %arg6[%add3A_105, %dma_start3A_120] : memref<10240x128xf32, #tpu.memory_space<vmem_shared>> -> memref<64x128xf32, #tpu.memory_space<vmem_shared>>
      tpu.enqueue_dma source(%dma_start3A_121 : memref<64x128xf32, #tpu.memory_space<vmem_shared>>) target(%arg9 : memref<64x128xf32, #tpu.memory_space<vmem>>) target_semaphore(%run_scoped3A : memref<!tpu.dma_semaphore, #tpu.memory_space<semaphore_mem>>)
      %dma_wait3A = arith.constant 0 : i32
      %dma_wait3A_122 = tpu.memref_slice %arg6[%add3A_105, %dma_wait3A] : memref<10240x128xf32, #tpu.memory_space<vmem_shared>> -> memref<64x128xf32, #tpu.memory_space<vmem_shared>>
      %dma_wait3A_123 = arith.constant 0 : i32
      %dma_wait3A_124 = tpu.memref_slice %arg6[%add3A_105, %dma_wait3A_123] : memref<10240x128xf32, #tpu.memory_space<vmem_shared>> -> memref<64x128xf32, #tpu.memory_space<vmem_shared>>
      tpu.wait_dma2 semaphore(%run_scoped3A : memref<!tpu.dma_semaphore, #tpu.memory_space<semaphore_mem>>) src(%dma_wait3A_124 : memref<64x128xf32, #tpu.memory_space<vmem_shared>>) dst(%arg9 : memref<64x128xf32, #tpu.memory_space<vmem>>)
      tpu.yield
    }) : () -> ()
    "tpu.region"() ({
      %run_scoped3A = tpu.sem_alloc : memref<!tpu.dma_semaphore, #tpu.memory_space<semaphore_mem>>
      %dma_start3A_118 = arith.constant 0 : i32
      %dma_start3A_119 = tpu.memref_slice %arg5[%arg0, %add3A_105, %dma_start3A_118] : memref<2x10240x128xf32, #tpu.memory_space<hbm>> -> memref<1x64x128xf32, #tpu.memory_space<hbm>>
      %dma_start3A_120 = tpu.memref_squeeze %dma_start3A_119 : memref<1x64x128xf32, #tpu.memory_space<hbm>> -> memref<64x128xf32, #tpu.memory_space<hbm>>
      %dma_start3A_121 = arith.constant 0 : i32
      %dma_start3A_122 = tpu.memref_slice %arg5[%arg0, %add3A_105, %dma_start3A_121] : memref<2x10240x128xf32, #tpu.memory_space<hbm>> -> memref<1x64x128xf32, #tpu.memory_space<hbm>>
      %dma_start3A_123 = tpu.memref_squeeze %dma_start3A_122 : memref<1x64x128xf32, #tpu.memory_space<hbm>> -> memref<64x128xf32, #tpu.memory_space<hbm>>
      tpu.enqueue_dma source(%arg9 : memref<64x128xf32, #tpu.memory_space<vmem>>) target(%dma_start3A_123 : memref<64x128xf32, #tpu.memory_space<hbm>>) target_semaphore(%run_scoped3A : memref<!tpu.dma_semaphore, #tpu.memory_space<semaphore_mem>>)
      %dma_wait3A = arith.constant 0 : i32
      %dma_wait3A_124 = tpu.memref_slice %arg5[%arg0, %add3A_105, %dma_wait3A] : memref<2x10240x128xf32, #tpu.memory_space<hbm>> -> memref<1x64x128xf32, #tpu.memory_space<hbm>>
      %dma_wait3A_125 = tpu.memref_squeeze %dma_wait3A_124 : memref<1x64x128xf32, #tpu.memory_space<hbm>> -> memref<64x128xf32, #tpu.memory_space<hbm>>
      %dma_wait3A_126 = arith.constant 0 : i32
      %dma_wait3A_127 = tpu.memref_slice %arg5[%arg0, %add3A_105, %dma_wait3A_126] : memref<2x10240x128xf32, #tpu.memory_space<hbm>> -> memref<1x64x128xf32, #tpu.memory_space<hbm>>
      %dma_wait3A_128 = tpu.memref_squeeze %dma_wait3A_127 : memref<1x64x128xf32, #tpu.memory_space<hbm>> -> memref<64x128xf32, #tpu.memory_space<hbm>>
      tpu.wait_dma2 semaphore(%run_scoped3A : memref<!tpu.dma_semaphore, #tpu.memory_space<semaphore_mem>>) src(%arg9 : memref<64x128xf32, #tpu.memory_space<vmem>>) dst(%dma_wait3A_128 : memref<64x128xf32, #tpu.memory_space<hbm>>)
      tpu.yield
    }) : () -> ()
    %mul3A_106 = arith.constant 640 : i32
    %mul3A_107 = arith.muli %arg1, %mul3A_106 : i32
    %add3A_108 = arith.constant 448 : i32
    %add3A_109 = arith.addi %mul3A_107, %add3A_108 : i32
    "tpu.region"() ({
      %run_scoped3A = tpu.sem_alloc : memref<!tpu.dma_semaphore, #tpu.memory_space<semaphore_mem>>
      %dma_start3A_118 = arith.constant 0 : i32
      %dma_start3A_119 = tpu.memref_slice %arg6[%add3A_109, %dma_start3A_118] : memref<10240x128xf32, #tpu.memory_space<vmem_shared>> -> memref<64x128xf32, #tpu.memory_space<vmem_shared>>
      %dma_start3A_120 = arith.constant 0 : i32
      %dma_start3A_121 = tpu.memref_slice %arg6[%add3A_109, %dma_start3A_120] : memref<10240x128xf32, #tpu.memory_space<vmem_shared>> -> memref<64x128xf32, #tpu.memory_space<vmem_shared>>
      tpu.enqueue_dma source(%dma_start3A_121 : memref<64x128xf32, #tpu.memory_space<vmem_shared>>) target(%arg9 : memref<64x128xf32, #tpu.memory_space<vmem>>) target_semaphore(%run_scoped3A : memref<!tpu.dma_semaphore, #tpu.memory_space<semaphore_mem>>)
      %dma_wait3A = arith.constant 0 : i32
      %dma_wait3A_122 = tpu.memref_slice %arg6[%add3A_109, %dma_wait3A] : memref<10240x128xf32, #tpu.memory_space<vmem_shared>> -> memref<64x128xf32, #tpu.memory_space<vmem_shared>>
      %dma_wait3A_123 = arith.constant 0 : i32
      %dma_wait3A_124 = tpu.memref_slice %arg6[%add3A_109, %dma_wait3A_123] : memref<10240x128xf32, #tpu.memory_space<vmem_shared>> -> memref<64x128xf32, #tpu.memory_space<vmem_shared>>
      tpu.wait_dma2 semaphore(%run_scoped3A : memref<!tpu.dma_semaphore, #tpu.memory_space<semaphore_mem>>) src(%dma_wait3A_124 : memref<64x128xf32, #tpu.memory_space<vmem_shared>>) dst(%arg9 : memref<64x128xf32, #tpu.memory_space<vmem>>)
      tpu.yield
    }) : () -> ()
    "tpu.region"() ({
      %run_scoped3A = tpu.sem_alloc : memref<!tpu.dma_semaphore, #tpu.memory_space<semaphore_mem>>
      %dma_start3A_118 = arith.constant 0 : i32
      %dma_start3A_119 = tpu.memref_slice %arg5[%arg0, %add3A_109, %dma_start3A_118] : memref<2x10240x128xf32, #tpu.memory_space<hbm>> -> memref<1x64x128xf32, #tpu.memory_space<hbm>>
      %dma_start3A_120 = tpu.memref_squeeze %dma_start3A_119 : memref<1x64x128xf32, #tpu.memory_space<hbm>> -> memref<64x128xf32, #tpu.memory_space<hbm>>
      %dma_start3A_121 = arith.constant 0 : i32
      %dma_start3A_122 = tpu.memref_slice %arg5[%arg0, %add3A_109, %dma_start3A_121] : memref<2x10240x128xf32, #tpu.memory_space<hbm>> -> memref<1x64x128xf32, #tpu.memory_space<hbm>>
      %dma_start3A_123 = tpu.memref_squeeze %dma_start3A_122 : memref<1x64x128xf32, #tpu.memory_space<hbm>> -> memref<64x128xf32, #tpu.memory_space<hbm>>
      tpu.enqueue_dma source(%arg9 : memref<64x128xf32, #tpu.memory_space<vmem>>) target(%dma_start3A_123 : memref<64x128xf32, #tpu.memory_space<hbm>>) target_semaphore(%run_scoped3A : memref<!tpu.dma_semaphore, #tpu.memory_space<semaphore_mem>>)
      %dma_wait3A = arith.constant 0 : i32
      %dma_wait3A_124 = tpu.memref_slice %arg5[%arg0, %add3A_109, %dma_wait3A] : memref<2x10240x128xf32, #tpu.memory_space<hbm>> -> memref<1x64x128xf32, #tpu.memory_space<hbm>>
      %dma_wait3A_125 = tpu.memref_squeeze %dma_wait3A_124 : memref<1x64x128xf32, #tpu.memory_space<hbm>> -> memref<64x128xf32, #tpu.memory_space<hbm>>
      %dma_wait3A_126 = arith.constant 0 : i32
      %dma_wait3A_127 = tpu.memref_slice %arg5[%arg0, %add3A_109, %dma_wait3A_126] : memref<2x10240x128xf32, #tpu.memory_space<hbm>> -> memref<1x64x128xf32, #tpu.memory_space<hbm>>
      %dma_wait3A_128 = tpu.memref_squeeze %dma_wait3A_127 : memref<1x64x128xf32, #tpu.memory_space<hbm>> -> memref<64x128xf32, #tpu.memory_space<hbm>>
      tpu.wait_dma2 semaphore(%run_scoped3A : memref<!tpu.dma_semaphore, #tpu.memory_space<semaphore_mem>>) src(%arg9 : memref<64x128xf32, #tpu.memory_space<vmem>>) dst(%dma_wait3A_128 : memref<64x128xf32, #tpu.memory_space<hbm>>)
      tpu.yield
    }) : () -> ()
    %mul3A_110 = arith.constant 640 : i32
    %mul3A_111 = arith.muli %arg1, %mul3A_110 : i32
    %add3A_112 = arith.constant 512 : i32
    %add3A_113 = arith.addi %mul3A_111, %add3A_112 : i32
    "tpu.region"() ({
      %run_scoped3A = tpu.sem_alloc : memref<!tpu.dma_semaphore, #tpu.memory_space<semaphore_mem>>
      %dma_start3A_118 = arith.constant 0 : i32
      %dma_start3A_119 = tpu.memref_slice %arg6[%add3A_113, %dma_start3A_118] : memref<10240x128xf32, #tpu.memory_space<vmem_shared>> -> memref<64x128xf32, #tpu.memory_space<vmem_shared>>
      %dma_start3A_120 = arith.constant 0 : i32
      %dma_start3A_121 = tpu.memref_slice %arg6[%add3A_113, %dma_start3A_120] : memref<10240x128xf32, #tpu.memory_space<vmem_shared>> -> memref<64x128xf32, #tpu.memory_space<vmem_shared>>
      tpu.enqueue_dma source(%dma_start3A_121 : memref<64x128xf32, #tpu.memory_space<vmem_shared>>) target(%arg9 : memref<64x128xf32, #tpu.memory_space<vmem>>) target_semaphore(%run_scoped3A : memref<!tpu.dma_semaphore, #tpu.memory_space<semaphore_mem>>)
      %dma_wait3A = arith.constant 0 : i32
      %dma_wait3A_122 = tpu.memref_slice %arg6[%add3A_113, %dma_wait3A] : memref<10240x128xf32, #tpu.memory_space<vmem_shared>> -> memref<64x128xf32, #tpu.memory_space<vmem_shared>>
      %dma_wait3A_123 = arith.constant 0 : i32
      %dma_wait3A_124 = tpu.memref_slice %arg6[%add3A_113, %dma_wait3A_123] : memref<10240x128xf32, #tpu.memory_space<vmem_shared>> -> memref<64x128xf32, #tpu.memory_space<vmem_shared>>
      tpu.wait_dma2 semaphore(%run_scoped3A : memref<!tpu.dma_semaphore, #tpu.memory_space<semaphore_mem>>) src(%dma_wait3A_124 : memref<64x128xf32, #tpu.memory_space<vmem_shared>>) dst(%arg9 : memref<64x128xf32, #tpu.memory_space<vmem>>)
      tpu.yield
    }) : () -> ()
    "tpu.region"() ({
      %run_scoped3A = tpu.sem_alloc : memref<!tpu.dma_semaphore, #tpu.memory_space<semaphore_mem>>
      %dma_start3A_118 = arith.constant 0 : i32
      %dma_start3A_119 = tpu.memref_slice %arg5[%arg0, %add3A_113, %dma_start3A_118] : memref<2x10240x128xf32, #tpu.memory_space<hbm>> -> memref<1x64x128xf32, #tpu.memory_space<hbm>>
      %dma_start3A_120 = tpu.memref_squeeze %dma_start3A_119 : memref<1x64x128xf32, #tpu.memory_space<hbm>> -> memref<64x128xf32, #tpu.memory_space<hbm>>
      %dma_start3A_121 = arith.constant 0 : i32
      %dma_start3A_122 = tpu.memref_slice %arg5[%arg0, %add3A_113, %dma_start3A_121] : memref<2x10240x128xf32, #tpu.memory_space<hbm>> -> memref<1x64x128xf32, #tpu.memory_space<hbm>>
      %dma_start3A_123 = tpu.memref_squeeze %dma_start3A_122 : memref<1x64x128xf32, #tpu.memory_space<hbm>> -> memref<64x128xf32, #tpu.memory_space<hbm>>
      tpu.enqueue_dma source(%arg9 : memref<64x128xf32, #tpu.memory_space<vmem>>) target(%dma_start3A_123 : memref<64x128xf32, #tpu.memory_space<hbm>>) target_semaphore(%run_scoped3A : memref<!tpu.dma_semaphore, #tpu.memory_space<semaphore_mem>>)
      %dma_wait3A = arith.constant 0 : i32
      %dma_wait3A_124 = tpu.memref_slice %arg5[%arg0, %add3A_113, %dma_wait3A] : memref<2x10240x128xf32, #tpu.memory_space<hbm>> -> memref<1x64x128xf32, #tpu.memory_space<hbm>>
      %dma_wait3A_125 = tpu.memref_squeeze %dma_wait3A_124 : memref<1x64x128xf32, #tpu.memory_space<hbm>> -> memref<64x128xf32, #tpu.memory_space<hbm>>
      %dma_wait3A_126 = arith.constant 0 : i32
      %dma_wait3A_127 = tpu.memref_slice %arg5[%arg0, %add3A_113, %dma_wait3A_126] : memref<2x10240x128xf32, #tpu.memory_space<hbm>> -> memref<1x64x128xf32, #tpu.memory_space<hbm>>
      %dma_wait3A_128 = tpu.memref_squeeze %dma_wait3A_127 : memref<1x64x128xf32, #tpu.memory_space<hbm>> -> memref<64x128xf32, #tpu.memory_space<hbm>>
      tpu.wait_dma2 semaphore(%run_scoped3A : memref<!tpu.dma_semaphore, #tpu.memory_space<semaphore_mem>>) src(%arg9 : memref<64x128xf32, #tpu.memory_space<vmem>>) dst(%dma_wait3A_128 : memref<64x128xf32, #tpu.memory_space<hbm>>)
      tpu.yield
    }) : () -> ()
    %mul3A_114 = arith.constant 640 : i32
    %mul3A_115 = arith.muli %arg1, %mul3A_114 : i32
    %add3A_116 = arith.constant 576 : i32
    %add3A_117 = arith.addi %mul3A_115, %add3A_116 : i32
    "tpu.region"() ({
      %run_scoped3A = tpu.sem_alloc : memref<!tpu.dma_semaphore, #tpu.memory_space<semaphore_mem>>
      %dma_start3A_118 = arith.constant 0 : i32
      %dma_start3A_119 = tpu.memref_slice %arg6[%add3A_117, %dma_start3A_118] : memref<10240x128xf32, #tpu.memory_space<vmem_shared>> -> memref<64x128xf32, #tpu.memory_space<vmem_shared>>
      %dma_start3A_120 = arith.constant 0 : i32
      %dma_start3A_121 = tpu.memref_slice %arg6[%add3A_117, %dma_start3A_120] : memref<10240x128xf32, #tpu.memory_space<vmem_shared>> -> memref<64x128xf32, #tpu.memory_space<vmem_shared>>
      tpu.enqueue_dma source(%dma_start3A_121 : memref<64x128xf32, #tpu.memory_space<vmem_shared>>) target(%arg9 : memref<64x128xf32, #tpu.memory_space<vmem>>) target_semaphore(%run_scoped3A : memref<!tpu.dma_semaphore, #tpu.memory_space<semaphore_mem>>)
      %dma_wait3A = arith.constant 0 : i32
      %dma_wait3A_122 = tpu.memref_slice %arg6[%add3A_117, %dma_wait3A] : memref<10240x128xf32, #tpu.memory_space<vmem_shared>> -> memref<64x128xf32, #tpu.memory_space<vmem_shared>>
      %dma_wait3A_123 = arith.constant 0 : i32
      %dma_wait3A_124 = tpu.memref_slice %arg6[%add3A_117, %dma_wait3A_123] : memref<10240x128xf32, #tpu.memory_space<vmem_shared>> -> memref<64x128xf32, #tpu.memory_space<vmem_shared>>
      tpu.wait_dma2 semaphore(%run_scoped3A : memref<!tpu.dma_semaphore, #tpu.memory_space<semaphore_mem>>) src(%dma_wait3A_124 : memref<64x128xf32, #tpu.memory_space<vmem_shared>>) dst(%arg9 : memref<64x128xf32, #tpu.memory_space<vmem>>)
      tpu.yield
    }) : () -> ()
    "tpu.region"() ({
      %run_scoped3A = tpu.sem_alloc : memref<!tpu.dma_semaphore, #tpu.memory_space<semaphore_mem>>
      %dma_start3A_118 = arith.constant 0 : i32
      %dma_start3A_119 = tpu.memref_slice %arg5[%arg0, %add3A_117, %dma_start3A_118] : memref<2x10240x128xf32, #tpu.memory_space<hbm>> -> memref<1x64x128xf32, #tpu.memory_space<hbm>>
      %dma_start3A_120 = tpu.memref_squeeze %dma_start3A_119 : memref<1x64x128xf32, #tpu.memory_space<hbm>> -> memref<64x128xf32, #tpu.memory_space<hbm>>
      %dma_start3A_121 = arith.constant 0 : i32
      %dma_start3A_122 = tpu.memref_slice %arg5[%arg0, %add3A_117, %dma_start3A_121] : memref<2x10240x128xf32, #tpu.memory_space<hbm>> -> memref<1x64x128xf32, #tpu.memory_space<hbm>>
      %dma_start3A_123 = tpu.memref_squeeze %dma_start3A_122 : memref<1x64x128xf32, #tpu.memory_space<hbm>> -> memref<64x128xf32, #tpu.memory_space<hbm>>
      tpu.enqueue_dma source(%arg9 : memref<64x128xf32, #tpu.memory_space<vmem>>) target(%dma_start3A_123 : memref<64x128xf32, #tpu.memory_space<hbm>>) target_semaphore(%run_scoped3A : memref<!tpu.dma_semaphore, #tpu.memory_space<semaphore_mem>>)
      %dma_wait3A = arith.constant 0 : i32
      %dma_wait3A_124 = tpu.memref_slice %arg5[%arg0, %add3A_117, %dma_wait3A] : memref<2x10240x128xf32, #tpu.memory_space<hbm>> -> memref<1x64x128xf32, #tpu.memory_space<hbm>>
      %dma_wait3A_125 = tpu.memref_squeeze %dma_wait3A_124 : memref<1x64x128xf32, #tpu.memory_space<hbm>> -> memref<64x128xf32, #tpu.memory_space<hbm>>
      %dma_wait3A_126 = arith.constant 0 : i32
      %dma_wait3A_127 = tpu.memref_slice %arg5[%arg0, %add3A_117, %dma_wait3A_126] : memref<2x10240x128xf32, #tpu.memory_space<hbm>> -> memref<1x64x128xf32, #tpu.memory_space<hbm>>
      %dma_wait3A_128 = tpu.memref_squeeze %dma_wait3A_127 : memref<1x64x128xf32, #tpu.memory_space<hbm>> -> memref<64x128xf32, #tpu.memory_space<hbm>>
      tpu.wait_dma2 semaphore(%run_scoped3A : memref<!tpu.dma_semaphore, #tpu.memory_space<semaphore_mem>>) src(%arg9 : memref<64x128xf32, #tpu.memory_space<vmem>>) dst(%dma_wait3A_128 : memref<64x128xf32, #tpu.memory_space<hbm>>)
      tpu.yield
    }) : () -> ()
    return
  }
}

module attributes {stable_mosaic.version = 14 : i64} {
  func.func @_tc_prep_body(%arg0: i32, %arg1: memref<1024x128xf32, #tpu.memory_space<vmem>>, %arg2: memref<1024x128xf32, #tpu.memory_space<vmem>>, %arg3: memref<1024x128xf32, #tpu.memory_space<vmem>>, %arg4: memref<2x1024x128xf32, #tpu.memory_space<vmem>>) attributes {dimension_semantics = [#tpu.dimension_semantics<arbitrary>], iteration_bounds = array<i64: 10>, scalar_prefetch = 0 : i64, scratch_operands = 0 : i64, tpu.core_type = #tpu.core_type<tc>, window_params = [{transform_indices = @transform_0, window_bounds = array<i64: 1024, 128>}, {transform_indices = @transform_1, window_bounds = array<i64: 1024, 128>}, {transform_indices = @transform_2, window_bounds = array<i64: 1024, 128>}, {transform_indices = @transform_3, window_bounds = array<i64: 2, 1024, 128>}]} {
    %get3A = arith.constant 0 : index
    %get3A_0 = arith.constant 0 : index
    %get3A_1 = vector.load %arg3[%get3A, %get3A_0] : memref<1024x128xf32, #tpu.memory_space<vmem>>, vector<1024x1xf32>
    %max3A = arith.constant 1.000000e+00 : f32
    %max3A_2 = vector.broadcast %max3A : f32 to vector<1024x1xf32>
    %max3A_3 = arith.maximumf %get3A_1, %max3A_2 : vector<1024x1xf32>
    %rsqrt3A = math.rsqrt %max3A_3 : vector<1024x1xf32>
    %iota3A = tpu.iota {dimensions = array<i32: 0>} : vector<1024x1xi32>
    %mul3A = arith.constant 1024 : i32
    %mul3A_4 = arith.muli %arg0, %mul3A : i32
    %add3A = vector.broadcast %mul3A_4 : i32 to vector<1024x1xi32>
    %add3A_5 = arith.addi %iota3A, %add3A : vector<1024x1xi32>
    %lt3A = arith.constant 10000 : i32
    %lt3A_6 = vector.broadcast %lt3A : i32 to vector<1024x1xi32>
    %lt3A_7 = arith.cmpi slt, %add3A_5, %lt3A_6 : vector<1024x1xi32>
    %jit3A = arith.constant 0.000000e+00 : f32
    %broadcast_in_dim3A = vector.broadcast %jit3A : f32 to vector<1024x1xf32>
    %select_n3A = arith.select %lt3A_7, %rsqrt3A, %broadcast_in_dim3A : vector<1024x1xi1>, vector<1024x1xf32>
    %get3A_8 = arith.constant 0 : index
    %get3A_9 = arith.constant 0 : index
    %get3A_10 = vector.load %arg1[%get3A_8, %get3A_9] : memref<1024x128xf32, #tpu.memory_space<vmem>>, vector<1024x128xf32>
    %mul3A_11 = vector.broadcast %select_n3A : vector<1024x1xf32> to vector<1024x128xf32>
    %mul3A_12 = arith.mulf %get3A_10, %mul3A_11 : vector<1024x128xf32>
    %swap3A = arith.constant 0 : index
    %swap3A_13 = arith.constant 0 : index
    %swap3A_14 = arith.constant 0 : index
    %swap3A_15 = vector.load %arg4[%swap3A, %swap3A_13, %swap3A_14] : memref<2x1024x128xf32, #tpu.memory_space<vmem>>, vector<1x1024x128xf32>
    %swap3A_16 = vector.shape_cast %swap3A_15 : vector<1x1024x128xf32> to vector<1024x128xf32>
    %swap3A_17 = vector.shape_cast %mul3A_12 : vector<1024x128xf32> to vector<1x1024x128xf32>
    tpu.vector_store %arg4[%swap3A, %swap3A_13, %swap3A_14], %swap3A_17 {strides = array<i32>} : memref<2x1024x128xf32, #tpu.memory_space<vmem>>, vector<1x1024x128xf32>,
    %get3A_18 = arith.constant 0 : index
    %get3A_19 = arith.constant 0 : index
    %get3A_20 = vector.load %arg2[%get3A_18, %get3A_19] : memref<1024x128xf32, #tpu.memory_space<vmem>>, vector<1024x128xf32>
    %mul3A_21 = vector.broadcast %select_n3A : vector<1024x1xf32> to vector<1024x128xf32>
    %mul3A_22 = arith.mulf %get3A_20, %mul3A_21 : vector<1024x128xf32>
    %swap3A_23 = arith.constant 1 : index
    %swap3A_24 = arith.constant 0 : index
    %swap3A_25 = arith.constant 0 : index
    %swap3A_26 = vector.load %arg4[%swap3A_23, %swap3A_24, %swap3A_25] : memref<2x1024x128xf32, #tpu.memory_space<vmem>>, vector<1x1024x128xf32>
    %swap3A_27 = vector.shape_cast %swap3A_26 : vector<1x1024x128xf32> to vector<1024x128xf32>
    %swap3A_28 = vector.shape_cast %mul3A_22 : vector<1024x128xf32> to vector<1x1024x128xf32>
    tpu.vector_store %arg4[%swap3A_23, %swap3A_24, %swap3A_25], %swap3A_28 {strides = array<i32>} : memref<2x1024x128xf32, #tpu.memory_space<vmem>>, vector<1x1024x128xf32>,
    return
  }
  func.func @transform_0(%arg0: i32) -> (i32, i32) {
    %c0_i32 = arith.constant 0 : i32
    %c0_i32_0 = arith.constant 0 : i32
    return %arg0, %c0_i32 : i32, i32
  }
  func.func @transform_1(%arg0: i32) -> (i32, i32) {
    %c0_i32 = arith.constant 0 : i32
    %c0_i32_0 = arith.constant 0 : i32
    return %arg0, %c0_i32 : i32, i32
  }
  func.func @transform_2(%arg0: i32) -> (i32, i32) {
    %c0_i32 = arith.constant 0 : i32
    %c0_i32_0 = arith.constant 0 : i32
    return %arg0, %c0_i32 : i32, i32
  }
  func.func @transform_3(%arg0: i32) -> (i32, i32, i32) {
    %c0_i32 = arith.constant 0 : i32
    %c0_i32_0 = arith.constant 0 : i32
    %c0_i32_1 = arith.constant 0 : i32
    return %c0_i32, %arg0, %c0_i32_0 : i32, i32, i32
  }
}

module attributes {stable_mosaic.version = 14 : i64} {
  func.func @_tc_loss_body(%arg0: memref<2x10240x128xf32, #tpu.memory_space<vmem>>, %arg1: memref<10240x128xf32, #tpu.memory_space<vmem>>, %arg2: memref<128x128xf32, #tpu.memory_space<vmem>>, %arg3: memref<1x128xf32, #tpu.memory_space<vmem>>, %arg4: memref<128x128xf32, #tpu.memory_space<vmem>>, %arg5: memref<1x1xf32, #tpu.memory_space<smem>>) attributes {dimension_semantics = [], scalar_prefetch = 0 : i64, scratch_operands = 0 : i64, tpu.core_type = #tpu.core_type<tc>} {
    %get3A = arith.constant 0 : index
    %get3A_0 = arith.constant 0 : index
    %get3A_1 = vector.load %arg1[%get3A, %get3A_0] : memref<10240x128xf32, #tpu.memory_space<vmem>>, vector<10240x1xf32>
    %max3A = arith.constant 1.000000e+00 : f32
    %max3A_2 = vector.broadcast %max3A : f32 to vector<10240x1xf32>
    %max3A_3 = arith.maximumf %get3A_1, %max3A_2 : vector<10240x1xf32>
    %rsqrt3A = math.rsqrt %max3A_3 : vector<10240x1xf32>
    %iota3A = tpu.iota {dimensions = array<i32: 0>} : vector<10240x1xi32>
    %lt3A = arith.constant 10000 : i32
    %lt3A_4 = vector.broadcast %lt3A : i32 to vector<10240x1xi32>
    %lt3A_5 = arith.cmpi slt, %iota3A, %lt3A_4 : vector<10240x1xi32>
    %convert_element_type3A = arith.extui %lt3A_5 : vector<10240x1xi1> to vector<10240x1xi32>
    %convert_element_type3A_6 = arith.sitofp %convert_element_type3A : vector<10240x1xi32> to vector<10240x1xf32>
    %get3A_7 = arith.constant 0 : index
    %get3A_8 = arith.constant 0 : index
    %get3A_9 = vector.load %arg2[%get3A_7, %get3A_8] : memref<128x128xf32, #tpu.memory_space<vmem>>, vector<128x128xf32>
    %get3A_10 = arith.constant 0 : index
    %get3A_11 = arith.constant 0 : index
    %get3A_12 = vector.load %arg3[%get3A_10, %get3A_11] : memref<1x128xf32, #tpu.memory_space<vmem>>, vector<1x128xf32>
    %get3A_13 = arith.constant 0 : index
    %get3A_14 = arith.constant 0 : index
    %get3A_15 = arith.constant 0 : index
    %get3A_16 = vector.load %arg0[%get3A_13, %get3A_14, %get3A_15] : memref<2x10240x128xf32, #tpu.memory_space<vmem>>, vector<1x10240x128xf32>
    %get3A_17 = vector.shape_cast %get3A_16 : vector<1x10240x128xf32> to vector<10240x128xf32>
    %mul3A = vector.broadcast %rsqrt3A : vector<10240x1xf32> to vector<10240x128xf32>
    %mul3A_18 = arith.mulf %get3A_17, %mul3A : vector<10240x128xf32>
    %dot_general3A = arith.constant dense<0.000000e+00> : vector<10240x128xf32>
    %dot_general3A_19 = tpu.matmul %mul3A_18, %get3A_9, %dot_general3A {dimension_numbers = #tpu.dot_dimension_numbers<[1], [0], [0], [1], [0, 0, 1, 1], [], []>, transpose_lhs_hint = false} : vector<10240x128xf32>, vector<128x128xf32>, vector<10240x128xf32> -> vector<10240x128xf32>
    %add3A = vector.broadcast %get3A_12 : vector<1x128xf32> to vector<10240x128xf32>
    %add3A_20 = arith.addf %dot_general3A_19, %add3A : vector<10240x128xf32>
    %max3A_21 = arith.constant 0.000000e+00 : f32
    %max3A_22 = vector.broadcast %max3A_21 : f32 to vector<10240x128xf32>
    %max3A_23 = arith.maximumf %add3A_20, %max3A_22 : vector<10240x128xf32>
    %mul3A_24 = vector.broadcast %convert_element_type3A_6 : vector<10240x1xf32> to vector<10240x128xf32>
    %mul3A_25 = arith.mulf %max3A_23, %mul3A_24 : vector<10240x128xf32>
    %get3A_26 = arith.constant 1 : index
    %get3A_27 = arith.constant 0 : index
    %get3A_28 = arith.constant 0 : index
    %get3A_29 = vector.load %arg0[%get3A_26, %get3A_27, %get3A_28] : memref<2x10240x128xf32, #tpu.memory_space<vmem>>, vector<1x10240x128xf32>
    %get3A_30 = vector.shape_cast %get3A_29 : vector<1x10240x128xf32> to vector<10240x128xf32>
    %mul3A_31 = vector.broadcast %rsqrt3A : vector<10240x1xf32> to vector<10240x128xf32>
    %mul3A_32 = arith.mulf %get3A_30, %mul3A_31 : vector<10240x128xf32>
    %dot_general3A_33 = arith.constant dense<0.000000e+00> : vector<10240x128xf32>
    %dot_general3A_34 = tpu.matmul %mul3A_32, %get3A_9, %dot_general3A_33 {dimension_numbers = #tpu.dot_dimension_numbers<[1], [0], [0], [1], [0, 0, 1, 1], [], []>, transpose_lhs_hint = false} : vector<10240x128xf32>, vector<128x128xf32>, vector<10240x128xf32> -> vector<10240x128xf32>
    %add3A_35 = vector.broadcast %get3A_12 : vector<1x128xf32> to vector<10240x128xf32>
    %add3A_36 = arith.addf %dot_general3A_34, %add3A_35 : vector<10240x128xf32>
    %max3A_37 = arith.constant 0.000000e+00 : f32
    %max3A_38 = vector.broadcast %max3A_37 : f32 to vector<10240x128xf32>
    %max3A_39 = arith.maximumf %add3A_36, %max3A_38 : vector<10240x128xf32>
    %reduce_sum3A = arith.constant dense<0.000000e+00> : vector<128xf32>
    %reduce_sum3A_40 = vector.multi_reduction <add>, %mul3A_25, %reduce_sum3A [0] : vector<10240x128xf32> to vector<128xf32>
    %broadcast_in_dim3A = vector.shape_cast %reduce_sum3A_40 : vector<128xf32> to vector<1x128xf32>
    %div3A = arith.constant 1.000000e+04 : f32
    %div3A_41 = vector.broadcast %div3A : f32 to vector<1x128xf32>
    %div3A_42 = arith.divf %broadcast_in_dim3A, %div3A_41 : vector<1x128xf32>
    %logistic3A = arith.negf %div3A_42 : vector<1x128xf32>
    %logistic3A_43 = math.exp %logistic3A : vector<1x128xf32>
    %logistic3A_44 = arith.constant 1.000000e+00 : f32
    %logistic3A_45 = vector.broadcast %logistic3A_44 : f32 to vector<1x128xf32>
    %logistic3A_46 = arith.addf %logistic3A_45, %logistic3A_43 : vector<1x128xf32>
    %logistic3A_47 = arith.divf %logistic3A_45, %logistic3A_46 : vector<1x128xf32>
    %get3A_48 = arith.constant 0 : index
    %get3A_49 = arith.constant 0 : index
    %get3A_50 = vector.load %arg4[%get3A_48, %get3A_49] : memref<128x128xf32, #tpu.memory_space<vmem>>, vector<128x128xf32>
    %mul3A_51 = vector.broadcast %logistic3A_47 : vector<1x128xf32> to vector<128x128xf32>
    %mul3A_52 = arith.mulf %get3A_50, %mul3A_51 : vector<128x128xf32>
    %reduce_sum3A_53 = arith.constant dense<0.000000e+00> : vector<128xf32>
    %reduce_sum3A_54 = vector.multi_reduction <add>, %mul3A_52, %reduce_sum3A_53 [1] : vector<128x128xf32> to vector<128xf32>
    %broadcast_in_dim3A_55 = vector.shape_cast %reduce_sum3A_54 : vector<128xf32> to vector<128x1xf32>
    %dot_general3A_56 = arith.constant dense<0.000000e+00> : vector<10240x1xf32>
    %dot_general3A_57 = tpu.matmul %mul3A_25, %broadcast_in_dim3A_55, %dot_general3A_56 {dimension_numbers = #tpu.dot_dimension_numbers<[1], [0], [0], [1], [0, 0, 1, 1], [], []>, transpose_lhs_hint = false} : vector<10240x128xf32>, vector<128x1xf32>, vector<10240x1xf32> -> vector<10240x1xf32>
    %dot_general3A_58 = arith.constant dense<0.000000e+00> : vector<10240x1xf32>
    %dot_general3A_59 = tpu.matmul %max3A_39, %broadcast_in_dim3A_55, %dot_general3A_58 {dimension_numbers = #tpu.dot_dimension_numbers<[1], [0], [0], [1], [0, 0, 1, 1], [], []>, transpose_lhs_hint = false} : vector<10240x128xf32>, vector<128x1xf32>, vector<10240x1xf32> -> vector<10240x1xf32>
    %neg3A = arith.constant 0.000000e+00 : f32
    %neg3A_60 = vector.broadcast %neg3A : f32 to vector<10240x1xf32>
    %neg3A_61 = arith.subf %neg3A_60, %dot_general3A_57 : vector<10240x1xf32>
    %max3A_62 = arith.constant 0.000000e+00 : f32
    %max3A_63 = vector.broadcast %max3A_62 : f32 to vector<10240x1xf32>
    %max3A_64 = arith.maximumf %neg3A_61, %max3A_63 : vector<10240x1xf32>
    %abs3A = math.absf %neg3A_61 : vector<10240x1xf32>
    %neg3A_65 = arith.constant 0.000000e+00 : f32
    %neg3A_66 = vector.broadcast %neg3A_65 : f32 to vector<10240x1xf32>
    %neg3A_67 = arith.subf %neg3A_66, %abs3A : vector<10240x1xf32>
    %exp3A = math.exp %neg3A_67 : vector<10240x1xf32>
    %log1p3A = math.log1p %exp3A : vector<10240x1xf32>
    %add3A_68 = arith.addf %max3A_64, %log1p3A : vector<10240x1xf32>
    %max3A_69 = arith.constant 0.000000e+00 : f32
    %max3A_70 = vector.broadcast %max3A_69 : f32 to vector<10240x1xf32>
    %max3A_71 = arith.maximumf %dot_general3A_59, %max3A_70 : vector<10240x1xf32>
    %abs3A_72 = math.absf %dot_general3A_59 : vector<10240x1xf32>
    %neg3A_73 = arith.constant 0.000000e+00 : f32
    %neg3A_74 = vector.broadcast %neg3A_73 : f32 to vector<10240x1xf32>
    %neg3A_75 = arith.subf %neg3A_74, %abs3A_72 : vector<10240x1xf32>
    %exp3A_76 = math.exp %neg3A_75 : vector<10240x1xf32>
    %log1p3A_77 = math.log1p %exp3A_76 : vector<10240x1xf32>
    %add3A_78 = arith.addf %max3A_71, %log1p3A_77 : vector<10240x1xf32>
    %add3A_79 = arith.addf %add3A_68, %add3A_78 : vector<10240x1xf32>
    %mul3A_80 = arith.mulf %add3A_79, %convert_element_type3A_6 : vector<10240x1xf32>
    %reduce_sum3A_81 = vector.shape_cast %mul3A_80 : vector<10240x1xf32> to vector<1x10240x1xf32>
    %reduce_sum3A_82 = arith.constant dense<0.000000e+00> : vector<1xf32>
    %reduce_sum3A_83 = vector.multi_reduction <add>, %reduce_sum3A_81, %reduce_sum3A_82 [1, 2] : vector<1x10240x1xf32> to vector<1xf32>
    %reduce_sum3A_84 = vector.shape_cast %reduce_sum3A_83 : vector<1xf32> to vector<1x1x1xf32>
    %reduce_sum3A_85 = vector.extract %reduce_sum3A_84[0, 0, 0] : f32 from vector<1x1x1xf32>
    %div3A_86 = arith.constant 2.000000e+04 : f32
    %div3A_87 = arith.divf %reduce_sum3A_85, %div3A_86 : f32
    %swap3A = arith.constant 0 : index
    %swap3A_88 = arith.constant 0 : index
    %swap3A_89 = memref.load %arg5[%swap3A, %swap3A_88] : memref<1x1xf32, #tpu.memory_space<smem>>
    memref.store %div3A_87, %arg5[%swap3A, %swap3A_88] : memref<1x1xf32, #tpu.memory_space<smem>>
    return
  }
}

</mosaic_0001>

<sc_bundles>
// kernel: kernel.6.cloned.1.call-start
scs
__scs_entry_jumppad:
0x0: {  	(pc) =	sbr.rel $0x88, $3  }
0x1: {  	(tag) =	ssettag $0x0;
	lr =	simm.s32 $0x1  }
0x2: {  	[smem:$0x3F9C] =	sst lr;
	_ =	strace $0xD0000000  }
0x3: {  	_ = 	snop  }
0x4: {  	_ = 	snop  }
0x5: {  	_ = 	snop  }
0x6: {  	_ = 	snop  }
0x7: {  	_ = 	snop  }
__scs_overlays_trampoline_lowered:
0x8: {  	[smem:$0x3FAB] =	sst s0  }
0x9: {  	[smem:$0x3FAC] =	sst s1  }
0xa: {  	[smem:$0x3FAD] =	sst s2  }
0xb: {  	[smem:$0x3FAE] =	sst s3  }
0xc: {  	[smem:$0x3FAF] =	sst s4  }
0xd: {  	[smem:$0x3FB0] =	sst s5  }
0xe: {  	[smem:$0x3FB1] =	sst s6  }
0xf: {  	[smem:$0x3FB2] =	sst s7  }
0x10: {  	[smem:$0x3FB3] =	sst s8  }
0x11: {  	[smem:$0x3FB4] =	sst s9;
	s0 =	simm.s32 @!p0 $0x0  }
0x12: {  	s1 =	sld [smem:$0x3F9A];
	s0 =	simm.s32 @p0 $0x1  }
0x13: {  	[smem:$0x3FB5] =	sst s0;
	s0 =	simm.s32 @!p1 $0x0  }
0x14: {  	s2 =	sld [smem:$0x3F99];
	s0 =	simm.s32 @p1 $0x1  }
0x15: {  	[smem:$0x3FB6] =	sst s0;
	s0 =	simm.s32 @!p2 $0x0  }
0x16: {  	s3 =	sld [smem:$0x3FDB];
	s0 =	simm.s32 @p2 $0x1  }
0x17: {  	s4 =	simm.s32 $0x1BF5;
	[smem:$0x3FB8] =	sst s0  }
0x18: {  	s0 =	sld [smem:$0x3F9B];
	_ =	swait.ge [sflag:s4], $0x0  }
0x19: {  	s7 =	sld [smem:$0x3F9C]  }
0x1a: {  	s8 =	sadd.s32 $0xFFFFE003, lr  }
0x1b: {  	s9 =	sadd.s32 $0xFFFFFEF7, lr;
	s5 =	simm.s32 $0xFFFFFFFF;
	p2 =	slt.u32 s8, $0xFFFFF086  }
0x1c: {  	p1 =	slt.u32 s9, $0xF7A;
	s5 =	simm.s32 @!p2 $0x0  }
0x1d: {  	s5 =	simm.s32 @p1 $0x1;
	p0 =	seq.s32 s7, s2  }
0x1e: {  	s7 =	smul.u32 @!p0 $0xF7A, s2;
	p2 =	seq.s32 @!p0 s5, $0x0  }
0x1f: {  	s9 =	smul.u32 $0xF7A, s1;
	s8 =	simm.s32 @!p0 $0x1BF5;
	p2 =	por !p2, p0  }
0x20: {  	[sflag:s8] =	ssyncset.s32 @!p0 $0xFFFFF086;
	s6 =	sadd.s32 @!p0 s3, s7;
	s7 =	simm.s32 @!p0 $0x108  }
0x21: {  	s3 =	sadd.s32 s3, s9;
	s6 =	sadd.s32 @!p0 $0x88, s6;
	s7 =	simm.s32 @p2 $0x1082  }
0x22: {  	[simem:s7], [sflag:s8] =	dma.local @!p0 [hbm:s6], $0xF7A  }
0x23: {  	s9 =	sor.u32 $0xD0000000, s2;
	s6 =	simm.s32 $0x108;
	_ =	swait.ge @!p0 [sflag:s8], $0x0  }
0x24: {  	s3 =	sadd.s32 $0x88, s3;
	s6 =	simm.s32 @!p1 $0x1082;
	[sflag:s4] =	ssyncset.s32 $0xFFFFF086  }
0x25: {  	[simem:s6], [sflag:s4] =	dma.local [hbm:s3], $0xF7A  }
0x26: {  	[smem:$0x3F9C] =	sst s1;
	(tag) =	ssettag s2;
	_ =	strace s9  }
0x27: {  	s1 =	sld [smem:$0x3FAC]  }
0x28: {  	s2 =	sld [smem:$0x3FAD]  }
0x29: {  	s4 =	sld [smem:$0x3FAF]  }
0x2a: {  	p0 =	seq.s32 s5, $0x0;
	s5 =	sld [smem:$0x3FB0]  }
0x2b: {  	s6 =	sld [smem:$0x3FB1]  }
0x2c: {  	s7 =	sld [smem:$0x3FB2]  }
0x2d: {  	s3 =	simm.s32 $0x108;
	s8 =	sld [smem:$0x3FB3]  }
0x2e: {  	s3 =	simm.s32 @!p0 $0x1082;
	s9 =	sld [smem:$0x3FB4]  }
0x2f: {  	lr =	sadd.s32 s0, s3;
	s0 =	sld [smem:$0x3FAB]  }
0x30: {  	s3 =	sld [smem:$0x3FAE]  }
0x31: {  	[smem:$0x3FB7] =	sst s10  }
0x32: {  	s10 =	sld [smem:$0x3FB5];
	_ =	sdelay $0x3  }
0x33: {  	p0 =	seq.s32 s10, $0x1;
	s10 =	sld [smem:$0x3FB7];
	_ =	sdelay $0x3  }
0x34: {  	[smem:$0x3FB7] =	sst s10  }
0x35: {  	s10 =	sld [smem:$0x3FB6];
	_ =	sdelay $0x3  }
0x36: {  	p1 =	seq.s32 s10, $0x1;
	s10 =	sld [smem:$0x3FB7];
	_ =	sdelay $0x3  }
0x37: {  	[smem:$0x3FB7] =	sst s10  }
0x38: {  	s10 =	sld [smem:$0x3FB8]  }
0x39: {  	_ = 	snop;
	(pc) =	sbr.ind lr, $3  }
0x3a: {  	_ = 	snop  }
0x3b: {  	_ = 	snop  }
0x3c: {  	p2 =	seq.s32 s10, $0x1;
	s10 =	sld [smem:$0x3FB7]  }
0x3d: {  	_ =	shalt  }
0x3e: {  	_ =	shalt  }
0x3f: {  	_ =	shalt  }
0x40: {  	_ =	shalt  }
0x41: {  	_ =	shalt  }
0x42: {  	_ =	shalt  }
0x43: {  	_ =	shalt  }
0x44: {  	_ =	shalt  }
0x45: {  	_ =	shalt  }
0x46: {  	_ =	shalt  }
0x47: {  	_ =	shalt  }
0x48: {  	_ =	shalt  }
0x49: {  	_ =	shalt  }
0x4a: {  	_ =	shalt  }
0x4b: {  	_ =	shalt  }
0x4c: {  	_ =	shalt  }
0x4d: {  	_ =	shalt  }
0x4e: {  	_ =	shalt  }
0x4f: {  	_ =	shalt  }
0x50: {  	_ =	shalt  }
0x51: {  	_ =	shalt  }
0x52: {  	_ =	shalt  }
0x53: {  	_ =	shalt  }
0x54: {  	_ =	shalt  }
0x55: {  	_ =	shalt  }
0x56: {  	_ =	shalt  }
0x57: {  	_ =	shalt  }
0x58: {  	_ =	shalt  }
0x59: {  	_ =	shalt  }
0x5a: {  	_ =	shalt  }
0x5b: {  	_ =	shalt  }
0x5c: {  	_ =	shalt  }
0x5d: {  	_ =	shalt  }
0x5e: {  	_ =	shalt  }
0x5f: {  	_ =	shalt  }
0x60: {  	_ =	shalt  }
0x61: {  	_ =	shalt  }
0x62: {  	_ =	shalt  }
0x63: {  	_ =	shalt  }
0x64: {  	_ =	shalt  }
0x65: {  	_ =	shalt  }
0x66: {  	_ =	shalt  }
0x67: {  	_ =	shalt  }
0x68: {  	_ =	shalt  }
0x69: {  	_ =	shalt  }
0x6a: {  	_ =	shalt  }
0x6b: {  	_ =	shalt  }
0x6c: {  	_ =	shalt  }
0x6d: {  	_ =	shalt  }
0x6e: {  	_ =	shalt  }
0x6f: {  	_ =	shalt  }
0x70: {  	_ =	shalt  }
0x71: {  	_ =	shalt  }
0x72: {  	_ =	shalt  }
0x73: {  	_ =	shalt  }
0x74: {  	_ =	shalt  }
0x75: {  	_ =	shalt  }
0x76: {  	_ =	shalt  }
0x77: {  	_ =	shalt  }
0x78: {  	_ =	shalt  }
0x79: {  	_ =	shalt  }
0x7a: {  	_ =	shalt  }
0x7b: {  	_ =	shalt  }
0x7c: {  	_ =	shalt  }
0x7d: {  	_ =	shalt  }
0x7e: {  	_ =	shalt  }
0x7f: {  	_ =	shalt  }
0x80: {  	_ =	shalt  }
0x81: {  	_ =	shalt  }
0x82: {  	_ =	shalt  }
0x83: {  	_ =	shalt  }
0x84: {  	_ =	shalt  }
0x85: {  	_ =	shalt  }
0x86: {  	_ =	shalt  }
0x87: {  	_ =	shalt  }
.Lfunc_end0:
.L_simem_size_0:
called_computation_lowered:
.L_overlay_start_0:
0x88: {  	s2 =	sld [smem:$0x3FD9]  }
0x89: {  	s3 =	sld [smem:$0x3FFE];
	_ =	sdelay $0x1  }
0x8a: {  	s1 =	srdreg.scid  }
0x8b: {  	s0 =	sand.u32 $0x1, s1  }
0x8c: {  	s17 =	sshll.u32 s0, $0xA;
	s2 =	sadd.s32 s3, s2  }
0x8d: {  	s2 =	sadd.s32 s2, s17  }
0x8e: {  	[smem:$0x3FC3] =	sst s2  }
0x8f: {  	_ = 	snop  }
0x90: {  	s2 =	sld [smem:$0x3FC9];
	(tm) =	ssettm $0x1  }
0x91: {  	s18 =	sld [smem:$0x3FFB];
	_ =	sdelay $0x3  }
0x92: {  	_ =	strace s18  }
0x93: {  	s3 =	sld [smem:$0x3FFC];
	_ =	sdelay $0x3  }
0x94: {  	_ =	strace s3  }
0x95: {  	s3 =	sld [smem:$0x3FFD];
	_ =	sdelay $0x3  }
0x96: {  	_ =	strace s3  }
0x97: {  	_ =	strace $0x8FFFFFFF  }
0x98: {  	s19 =	sld [smem:$0x3FDB];
	_ =	sdelay $0x1  }
0x99: {  	s4 =	simm.s32 $_scs_section_size  }
0x9a: {  	s5 =	simm.s32 $_size__tile_overlayer_lowered;
	s6 =	simm.s32 $_tile_overlayer_lowered  }
0x9b: {  	s22 =	simm.s32 $0x1BFF;
	s21 =	sshll.u32 s6, $0x1;
	s3 =	sadd.s32 s4, s19  }
0x9c: {  	s7 =	simm.s32 $0x0;
	s20 =	sshll.u32 s5, $0x1;
	s5 =	sadd.s32 s21, s3  }
0x9d: {  	[timem:s7], [sflag:s22] =	dma.local [hbm:s5], s20  }
0x9e: {  	_ =	swait.ge [sflag:s22], s20  }
0x9f: {  	s4 =	ssub.s32 $0x0, s20;
	[sflag:s22] =	ssyncset.done $0x0  }
0xa0: {  	[sflag:s22] =	ssyncadd.s32 s4;
	_ =	sdelay $0x1  }
0xa1: {  	s23 =	simm.s32 $0x1B8B  }
0xa2: {  	_ =	swait.ge [sflag:s23], $0x1  }
0xa3: {  	[sflag:s23] =	ssyncset.done $0x0  }
0xa4: {  	s25 =	simm.s32 $0x1B8E;
	s24 =	sld [smem:$0x3FFE];
	[sflag:s23] =	ssyncadd.s32 $0xFFFFFFFF  }
0xa5: {  	s26 =	simm.s32 $execute0_lowered;
	[smem:$0x3FD2] =	sst s25  }
0xa6: {  	s5 =	sshll.u32 s26, $0x1;
	_ =	strace $0x80000046;
	[dreg:$0x1] =	wrdreg $0xFFFFFFFF  }
0xa7: {  	s28 =	simm.s32 $_size_execute0_lowered;
	s3 =	sadd.s32 s3, s5;
	[dreg:$0x0] =	wrdreg $0x0  }
0xa8: {  	s5 =	sshll.u32 s28, $0x1;
	[dreg:$0x2] =	wrdreg s3  }
0xa9: {  	[dreg:$0x3] =	wrdreg s5  }
0xaa: {  	[dreg:$0x4] =	wrdreg $0xC0  }
0xab: {  	_ =	task [dreg:s7], $0x5FFFF  }
0xac: {  	[dreg:$0x1] =	wrdreg $0xFFFFFFFF  }
0xad: {  	[dreg:$0x0] =	wrdreg $0x60  }
0xae: {  	[dreg:$0x2] =	wrdreg s24  }
0xaf: {  	[dreg:$0x3] =	wrdreg s2  }
0xb0: {  	[dreg:$0x4] =	wrdreg $0x0  }
0xb1: {  	[dreg:$0x5] =	wrdreg $0x9  }
0xb2: {  	_ =	task.clear_ibuf [dreg:s7], $0x6FFFF;
	_ =	strace $0x90000046  }
0xb3: {  	s29 =	simm.s32 $0x9;
	_ =	strace $0x80000048  }
0xb4: {  	_ =	swait.ge [sflag:s29], $0x1  }
0xb5: {  	[sflag:s29] =	ssyncadd.s32 $0xFFFFFFFF  }
0xb6: {  	_ =	strace $0x90000048  }
0xb7: {  	_ =	sfence  }
0xb8: {  	s30 =	sld [smem:$0x0];
	_ =	sdelay $0x2  }
0xb9: {  	s31 =	sshll.u32 s1, $0xD;
	s1 =	sshrl.u32 s1, $0x2  }
0xba: {  	s3 =	sand.u32 $0x4000, s31;
	s1 =	sadd.s32 s1, s30  }
0xbb: {  	s0 =	sor.u32 s3, s0;
	s1 =	sshll.u32 s1, $0x11  }
0xbc: {  	s0 =	sor.u32 s1, s0  }
0xbd: {  	s0 =	sadd.s32 $0x8F2B, s0  }
0xbe: {  	[sflag:s0] =	ssyncadd.remote.s32 $0x1  }
0xbf: {  	_ =	sfence.sel $0xFFFF  }
0xc0: {  	[dreg:$0x0] =	wrdreg $0xFFFFFFFF;
	(pc) =	sbr.abs _section_cstart, $3  }
0xc1: {  	[dreg:$0x1] =	wrdreg $0xFFFFFFFF  }
0xc2: {  	_ =	task.clear_ibuf [dreg:s7], $0x2FFFF;
	_ =	strace $0x9FFFFFFF  }
0xc3: {  	(tm) =	ssettm $0x7FFFFFFF  }
tec
execute0_lowered:
.L_overlay_start_1:
0x0: {  	(tag) =	ssettag $0x1  }
0x1: {  	s0 =	rddreg [dreg:$0x0]  }
0x2: {  	s1 =	srdreg.scid;
	s2 =	rddreg [dreg:$0x1]  }
0x3: {  	s3 =	rddreg [dreg:$0x2];
	s18 =	stileid.u32  }
0x4: {  	s4 =	simm.s32 $0x0;
	s29 =	simm.s32 $0x2;
	s30 =	simm.s32 $0x19000  }
0x5: {  	s31 =	simm.s32 $0x80;
	s28 =	simm.s32 $0x1;
	s1 =	sand.u32 $0x1, s1  }
0x6: {  	[smem:$0x7FF] =	sst s4;
	s7 =	sadd.s32 $0x600, s0;
	s9 =	smul.u32 $0x14000, s18  }
0x7: {  	s10 =	sadd.s32 $0x15C00, s0;
	s12 =	sshll.u32 s18, $0x1;
	s5 =	sshll.u32 s1, $0x4  }
0x8: {  	s6 =	ssub.s32 $0x2, s1;
	s11 =	sor.u32 s1, s12;
	s1 =	smul.u32 $0x140000, s1  }
0x9: {  	s5 =	sor.u32 s18, s5;
	s8 =	sshrl.u32 s6, $0x1;
	s12 =	smul.u32 $0x140, s11  }
0xa: {  	s22 =	sadd.s32 $0x4000, s9;
	s23 =	sadd.s32 $0x8000, s9;
	s21 =	smul.u32 $0x1400, s11  }
0xb: {  	s24 =	sadd.s32 $0xC000, s9;
	s25 =	sadd.s32 $0x10000, s9;
	s5 =	smul.u32 $0xA00, s5  }
0xc: {  	s6 =	ssub.s32 s6, s8;
	s13 =	sadd.s32 s9, s1;
	s14 =	sadd.s32 s1, s22  }
0xd: {  	s17 =	sadd.s32 s1, s24;
	s22 =	sadd.s32 s22, s3;
	s24 =	sadd.s32 s24, s3  }
0xe: {  	s8 =	sshrl.u32 s13, $0x3;
	s9 =	sshrl.u32 s14, $0x3;
	s13 =	sadd.s32 s1, s23  }
0xf: {  	s1 =	sadd.s32 s1, s25;
	s19 =	sshrl.u32 s12, $0x3;
	s14 =	sadd.s32 $0x50, s12  }
0x10: {  	s23 =	sadd.s32 s23, s3;
	s25 =	sadd.s32 s25, s3;
	s8 =	sadd.s32 s10, s8  }
0x11: {  	s15 =	sadd.s32 s10, s9;
	s16 =	sshrl.u32 s13, $0x3;
	s1 =	sshrl.u32 s1, $0x3  }
0x12: {  	s20 =	sadd.s32 s7, s19;
	s26 =	sshrl.u32 s14, $0x3;
	[dreg:$0x4] =	wrdreg s8  }
0x13: {  	[dreg:$0x5] =	wrdreg s15;
	s8 =	sadd.s32 s10, s16;
	s1 =	sadd.s32 s10, s1  }
0x14: {  	[dreg:$0x9] =	wrdreg s20;
	s16 =	sadd.s32 $0xA0, s12;
	s11 =	sadd.s32 s7, s26  }
0x15: {  	s15 =	sshll.u32 s14, $0x4;
	s20 =	smul.u32 $0x50000, s18;
	[dreg:$0x6] =	wrdreg s8  }
0x16: {  	s18 =	sadd.s32 $0x14C00, s0;
	s8 =	sshrl.u32 s17, $0x3;
	[dreg:$0x8] =	wrdreg s1  }
0x17: {  	s17 =	sadd.s32 $0xF0, s12;
	s1 =	simm.s32 $0x50;
	s8 =	sadd.s32 s10, s8  }
0x18: {  	s9 =	sshrl.u32 s17, $0x3;
	s10 =	sadd.s32 $0x65C00, s0;
	s19 =	sshll.u32 s17, $0x4  }
0x19: {  	s26 =	sshrl.u32 s20, $0x2;
	[dreg:$0x7] =	wrdreg s8;
	s8 =	sshrl.u32 s16, $0x3  }
0x1a: {  	s13 =	sadd.s32 s7, s9;
	s14 =	sadd.s32 s10, s21;
	s15 =	sadd.s32 s10, s15  }
0x1b: {  	s16 =	sshll.u32 s16, $0x4;
	s17 =	sadd.s32 s10, s19;
	s21 =	sadd.s32 s5, s0  }
0x1c: {  	s19 =	sadd.s32 $0x15400, s0;
	s0 =	simm.s32 $0x1D000;
	s5 =	simm.s32 $0x0  }
0x1d: {  	s12 =	sadd.s32 s7, s8;
	s16 =	sadd.s32 s10, s16;
	_ =	strace $0x80000047  }
0x1e: {  	s20 =	sadd.s32 $0xC00, s21;
	s21 =	sadd.s32 s26, s3;
	s26 =	smax.u32 s6, $0x1  }
.LBB2_1:
0x1f: {  	s6 =	simm.s32 $0x14000  }
0x20: {  	[tilespmem:s6], [sflag:$0x2] =	stream.linear.gather [hbm4b:s20+s4], $0x5000, $0x38;
	[tilespmem:$0x1D080] =	vst v63  }
0x21: {  	_ =	swait.ge [sflag:s29], $0x5000  }
0x22: {  	[sflag:s29] =	ssyncset.done $0x0  }
0x23: {  	[sflag:s29] =	ssyncadd.s32 $0xFFFFB000  }
0x24: {  	[tilespmem:s30], [sflag:$0x2] =	stream.linear.gather [hbm4b:s18+s4], $0x4000, $0x38;
	[tilespmem:$0x1D080] =	vst v63  }
0x25: {  	_ =	swait.ge [sflag:s29], $0x4000  }
0x26: {  	[sflag:s29] =	ssyncset.done $0x0  }
0x27: {  	[sflag:s29] =	ssyncadd.s32 $0xFFFFC000  }
0x28: {  	[spmem:s21] =	stream.linear.scatter [tilespmem:s30], [sflag:$0x2], $0x4000, $0x38;
	[tilespmem:$0x1D080] =	vst v63  }
0x29: {  	_ =	swait.ge [sflag:s29], $0x4000  }
0x2a: {  	[sflag:s29] =	ssyncset.done $0x0  }
0x2b: {  	[sflag:s29] =	ssyncadd.s32 $0xFFFFC000  }
0x2c: {  	[spmem:s22] =	stream.linear.scatter [tilespmem:s30], [sflag:$0x2], $0x4000, $0x38;
	[tilespmem:$0x1D080] =	vst v63  }
0x2d: {  	_ =	swait.ge [sflag:s29], $0x4000  }
0x2e: {  	[sflag:s29] =	ssyncset.done $0x0  }
0x2f: {  	[sflag:s29] =	ssyncadd.s32 $0xFFFFC000  }
0x30: {  	[spmem:s23] =	stream.linear.scatter [tilespmem:s30], [sflag:$0x2], $0x4000, $0x38;
	[tilespmem:$0x1D080] =	vst v63  }
0x31: {  	_ =	swait.ge [sflag:s29], $0x4000  }
0x32: {  	[sflag:s29] =	ssyncset.done $0x0  }
0x33: {  	[sflag:s29] =	ssyncadd.s32 $0xFFFFC000  }
0x34: {  	[spmem:s24] =	stream.linear.scatter [tilespmem:s30], [sflag:$0x2], $0x4000, $0x38;
	[tilespmem:$0x1D080] =	vst v63  }
0x35: {  	_ =	swait.ge [sflag:s29], $0x4000  }
0x36: {  	[sflag:s29] =	ssyncset.done $0x0  }
0x37: {  	[sflag:s29] =	ssyncadd.s32 $0xFFFFC000  }
0x38: {  	[spmem:s25] =	stream.linear.scatter [tilespmem:s30], [sflag:$0x2], $0x4000, $0x38;
	[tilespmem:$0x1D080] =	vst v63  }
0x39: {  	_ =	swait.ge [sflag:s29], $0x4000  }
0x3a: {  	[sflag:s29] =	ssyncset.done $0x0  }
0x3b: {  	[sflag:s29] =	ssyncadd.s32 $0xFFFFC000  }
0x3c: {  	[tilespmem:s30], [sflag:$0x2] =	stream.linear.gather [hbm4b:s19+s4], $0x4000, $0x38;
	[tilespmem:$0x1D080] =	vst v63  }
0x3d: {  	_ =	swait.ge [sflag:s29], $0x4000  }
0x3e: {  	[sflag:s29] =	ssyncset.done $0x0  }
0x3f: {  	[sflag:s29] =	ssyncadd.s32 $0xFFFFC000  }
0x40: {  	s7 =	simm.s32 $0x14000;
	[bflag:$0x0] =	sbarrier.arrive $0xFFFF  }
0x41: {  	[spmem:s3] =	stream.indirect.scatter.add.f32 [tilespmem:s30], [sflag:$0x2], $0x80, s7, s31, $0xb8;
	[tilespmem:$0x1D080] =	vst v63  }
0x42: {  	_ =	swait.ge [sflag:s29], $0x4000  }
0x43: {  	[sflag:s29] =	ssyncset.done $0x0  }
0x44: {  	s8 =	simm.s32 $0x14080;
	[sflag:s29] =	ssyncadd.s32 $0xFFFFC000  }
0x45: {  	[spmem:s3] =	stream.indirect.scatter.add.f32 [tilespmem:s30], [sflag:$0x2], $0x80, s8, s31, $0xb8;
	[tilespmem:$0x1D080] =	vst v63  }
0x46: {  	_ =	swait.ge [sflag:s29], $0x4000  }
0x47: {  	[sflag:s29] =	ssyncset.done $0x0  }
0x48: {  	s9 =	simm.s32 $0x14100;
	[sflag:s29] =	ssyncadd.s32 $0xFFFFC000  }
0x49: {  	[spmem:s3] =	stream.indirect.scatter.add.f32 [tilespmem:s30], [sflag:$0x2], $0x80, s9, s31, $0xb8;
	[tilespmem:$0x1D080] =	vst v63  }
0x4a: {  	_ =	swait.ge [sflag:s29], $0x4000  }
0x4b: {  	[sflag:s29] =	ssyncset.done $0x0  }
0x4c: {  	s10 =	simm.s32 $0x14180;
	[sflag:s29] =	ssyncadd.s32 $0xFFFFC000  }
0x4d: {  	[spmem:s3] =	stream.indirect.scatter.add.f32 [tilespmem:s30], [sflag:$0x2], $0x80, s10, s31, $0xb8;
	[tilespmem:$0x1D080] =	vst v63  }
0x4e: {  	_ =	swait.ge [sflag:s29], $0x4000  }
0x4f: {  	s6 =	simm.s32 $0x200;
	s7 =	simm.s32 $0x1000;
	[sflag:s29] =	ssyncset.done $0x0  }
.LBB2_2:
0x50: {  	s8 =	sadd.s32 $0x14000, s6  }
0x51: {  	[sflag:s29] =	ssyncadd.s32 $0xFFFFC000;
	s9 =	smov.u32 s7;
	s10 =	sadd.s32 $0x800, s7  }
0x52: {  	[spmem:s3] =	stream.indirect.scatter.add.f32 [tilespmem:s30], [sflag:$0x2], $0x80, s8, s31, $0xb8;
	[tilespmem:$0x1D080] =	vst v63  }
0x53: {  	p0 =	sne.s32 s7, $0x13800;
	_ =	swait.ge [sflag:s29], $0x4000  }
0x54: {  	[sflag:s29] =	ssyncset.done $0x0  }
0x55: {  	s7 =	sadd.s32 $0x14080, s6;
	[sflag:s29] =	ssyncadd.s32 $0xFFFFC000  }
0x56: {  	[spmem:s3] =	stream.indirect.scatter.add.f32 [tilespmem:s30], [sflag:$0x2], $0x80, s7, s31, $0xb8;
	[tilespmem:$0x1D080] =	vst v63  }
0x57: {  	_ =	swait.ge [sflag:s29], $0x4000  }
0x58: {  	[sflag:s29] =	ssyncset.done $0x0  }
0x59: {  	s7 =	sadd.s32 $0x14100, s6;
	[sflag:s29] =	ssyncadd.s32 $0xFFFFC000  }
0x5a: {  	[spmem:s3] =	stream.indirect.scatter.add.f32 [tilespmem:s30], [sflag:$0x2], $0x80, s7, s31, $0xb8;
	[tilespmem:$0x1D080] =	vst v63  }
0x5b: {  	_ =	swait.ge [sflag:s29], $0x4000  }
.Ltmp0:
0x5c: {  	[sflag:s29] =	ssyncset.done $0x0;
	(pc) =	sbr.rel @p0 .LBB2_2-.Ltmp0, $4  }
0x5d: {  	s6 =	sadd.s32 $0x14180, s6;
	[sflag:s29] =	ssyncadd.s32 $0xFFFFC000  }
0x5e: {  	[spmem:s3] =	stream.indirect.scatter.add.f32 [tilespmem:s30], [sflag:$0x2], $0x80, s6, s31, $0xb8;
	[tilespmem:$0x1D080] =	vst v63  }
0x5f: {  	_ =	swait.ge [sflag:s29], $0x4000  }
0x60: {  	s7 =	smov.u32 s10;
	s6 =	sshra.s32 s9, $0x2;
	[sflag:s29] =	ssyncset.done $0x0  }
0x61: {  	s7 =	sadd.s32 $0x14000, s6;
	[sflag:s29] =	ssyncadd.s32 $0xFFFFC000  }
0x62: {  	[spmem:s3] =	stream.indirect.scatter.add.f32 [tilespmem:s30], [sflag:$0x2], $0x80, s7, s31, $0xb8;
	[tilespmem:$0x1D080] =	vst v63  }
0x63: {  	_ =	swait.ge [sflag:s29], $0x4000  }
0x64: {  	[sflag:s29] =	ssyncset.done $0x0  }
0x65: {  	s9 =	sadd.s32 $0x14080, s6;
	[sflag:s29] =	ssyncadd.s32 $0xFFFFC000  }
0x66: {  	[spmem:s3] =	stream.indirect.scatter.add.f32 [tilespmem:s30], [sflag:$0x2], $0x80, s9, s31, $0xb8;
	[tilespmem:$0x1D080] =	vst v63  }
0x67: {  	_ =	swait.ge [sflag:s29], $0x4000  }
0x68: {  	[sflag:s29] =	ssyncset.done $0x0  }
0x69: {  	s10 =	sadd.s32 $0x14100, s6;
	[sflag:s29] =	ssyncadd.s32 $0xFFFFC000  }
0x6a: {  	[spmem:s3] =	stream.indirect.scatter.add.f32 [tilespmem:s30], [sflag:$0x2], $0x80, s10, s31, $0xb8;
	[tilespmem:$0x1D080] =	vst v63  }
0x6b: {  	_ =	swait.ge [sflag:s29], $0x4000  }
0x6c: {  	[sflag:s29] =	ssyncset.done $0x0  }
0x6d: {  	s8 =	sadd.s32 $0x14180, s6;
	[sflag:s29] =	ssyncadd.s32 $0xFFFFC000  }
0x6e: {  	[spmem:s3] =	stream.indirect.scatter.add.f32 [tilespmem:s30], [sflag:$0x2], $0x80, s8, s31, $0xb8;
	[tilespmem:$0x1D080] =	vst v63  }
0x6f: {  	_ =	swait.ge [sflag:s29], $0x4000  }
0x70: {  	[sflag:s29] =	ssyncset.done $0x0  }
0x71: {  	s9 =	rddreg [dreg:$0x9];
	[sflag:s29] =	ssyncadd.s32 $0xFFFFC000  }
0x72: {  	[tilespmem:s0], [sflag:$0x2] =	stream.linear.gather [hbm4b:s9+s4], $0x50, $0x38;
	[tilespmem:$0x1D080] =	vst v63  }
0x73: {  	_ =	swait.ge [sflag:s29], $0x50  }
0x74: {  	[sflag:s29] =	ssyncset.done $0x0  }
0x75: {  	[sflag:s29] =	ssyncadd.s32 $0xFFFFFFB0  }
0x76: {  	[tilespmem:s30], [sflag:$0x1] =	stream.indirect.gather [hbm4b:s2+s1], $0x80, s0, s1, $0xb8;
	[tilespmem:$0x1D080] =	vst v63  }
0x77: {  	_ =	swait.ge [sflag:s28], $0x2800  }
0x78: {  	[sflag:s28] =	ssyncset.done $0x0  }
0x79: {  	[sflag:s28] =	ssyncadd.s32 $0xFFFFD800  }
0x7a: {  	[hbm4b:s14+s4] =	stream.linear.scatter [tilespmem:s30], [sflag:$0x2], $0x2800, $0x38;
	[tilespmem:$0x1D080] =	vst v63  }
0x7b: {  	_ =	swait.ge [sflag:s29], $0x2800  }
0x7c: {  	[sflag:s29] =	ssyncset.done $0x0  }
0x7d: {  	[sflag:s29] =	ssyncadd.s32 $0xFFFFD800  }
0x7e: {  	[tilespmem:s0], [sflag:$0x2] =	stream.linear.gather [hbm4b:s11+s4], $0x50, $0x38;
	[tilespmem:$0x1D080] =	vst v63  }
0x7f: {  	_ =	swait.ge [sflag:s29], $0x50  }
0x80: {  	[sflag:s29] =	ssyncset.done $0x0  }
0x81: {  	[sflag:s29] =	ssyncadd.s32 $0xFFFFFFB0  }
0x82: {  	[tilespmem:s30], [sflag:$0x1] =	stream.indirect.gather [hbm4b:s2+s1], $0x80, s0, s1, $0xb8;
	[tilespmem:$0x1D080] =	vst v63  }
0x83: {  	_ =	swait.ge [sflag:s28], $0x2800  }
0x84: {  	[sflag:s28] =	ssyncset.done $0x0  }
0x85: {  	[sflag:s28] =	ssyncadd.s32 $0xFFFFD800  }
0x86: {  	[hbm4b:s15+s4] =	stream.linear.scatter [tilespmem:s30], [sflag:$0x2], $0x2800, $0x38;
	[tilespmem:$0x1D080] =	vst v63  }
0x87: {  	_ =	swait.ge [sflag:s29], $0x2800  }
0x88: {  	[sflag:s29] =	ssyncset.done $0x0  }
0x89: {  	[sflag:s29] =	ssyncadd.s32 $0xFFFFD800  }
0x8a: {  	[tilespmem:s0], [sflag:$0x2] =	stream.linear.gather [hbm4b:s12+s4], $0x50, $0x38;
	[tilespmem:$0x1D080] =	vst v63  }
0x8b: {  	_ =	swait.ge [sflag:s29], $0x50  }
0x8c: {  	[sflag:s29] =	ssyncset.done $0x0  }
0x8d: {  	[sflag:s29] =	ssyncadd.s32 $0xFFFFFFB0  }
0x8e: {  	[tilespmem:s30], [sflag:$0x1] =	stream.indirect.gather [hbm4b:s2+s1], $0x80, s0, s1, $0xb8;
	[tilespmem:$0x1D080] =	vst v63  }
0x8f: {  	_ =	swait.ge [sflag:s28], $0x2800  }
0x90: {  	[sflag:s28] =	ssyncset.done $0x0  }
0x91: {  	[sflag:s28] =	ssyncadd.s32 $0xFFFFD800  }
0x92: {  	[hbm4b:s16+s4] =	stream.linear.scatter [tilespmem:s30], [sflag:$0x2], $0x2800, $0x38;
	[tilespmem:$0x1D080] =	vst v63  }
0x93: {  	_ =	swait.ge [sflag:s29], $0x2800  }
0x94: {  	[sflag:s29] =	ssyncset.done $0x0  }
0x95: {  	[sflag:s29] =	ssyncadd.s32 $0xFFFFD800  }
0x96: {  	[tilespmem:s0], [sflag:$0x2] =	stream.linear.gather [hbm4b:s13+s4], $0x50, $0x38;
	[tilespmem:$0x1D080] =	vst v63  }
0x97: {  	_ =	swait.ge [sflag:s29], $0x50  }
0x98: {  	[sflag:s29] =	ssyncset.done $0x0  }
0x99: {  	[sflag:s29] =	ssyncadd.s32 $0xFFFFFFB0  }
0x9a: {  	[tilespmem:s30], [sflag:$0x1] =	stream.indirect.gather [hbm4b:s2+s1], $0x80, s0, s1, $0xb8;
	[tilespmem:$0x1D080] =	vst v63  }
0x9b: {  	_ =	swait.ge [sflag:s28], $0x2800  }
0x9c: {  	[sflag:s28] =	ssyncset.done $0x0  }
0x9d: {  	[sflag:s28] =	ssyncadd.s32 $0xFFFFD800  }
0x9e: {  	[hbm4b:s17+s4] =	stream.linear.scatter [tilespmem:s30], [sflag:$0x2], $0x2800, $0x38;
	[tilespmem:$0x1D080] =	vst v63  }
0x9f: {  	_ =	swait.ge [sflag:s29], $0x2800  }
0xa0: {  	[sflag:s29] =	ssyncset.done $0x0  }
0xa1: {  	[sflag:s29] =	ssyncadd.s32 $0xFFFFD800  }
0xa2: {  	[bflag:$0x0] =	sbarrier.arrive $0xFFFF  }
0xa3: {  	[tilespmem:s30], [sflag:$0x2] =	stream.linear.gather [spmem:s21], $0x4000, $0x38;
	[tilespmem:$0x1D080] =	vst v63  }
0xa4: {  	_ =	swait.ge [sflag:s29], $0x4000  }
0xa5: {  	[sflag:s29] =	ssyncset.done $0x0  }
0xa6: {  	s10 =	rddreg [dreg:$0x4];
	[sflag:s29] =	ssyncadd.s32 $0xFFFFC000  }
0xa7: {  	[hbm4b:s10+s4] =	stream.linear.scatter [tilespmem:s30], [sflag:$0x2], $0x4000, $0x38;
	[tilespmem:$0x1D080] =	vst v63  }
0xa8: {  	_ =	swait.ge [sflag:s29], $0x4000  }
0xa9: {  	[sflag:s29] =	ssyncset.done $0x0  }
0xaa: {  	[sflag:s29] =	ssyncadd.s32 $0xFFFFC000  }
0xab: {  	[tilespmem:s30], [sflag:$0x2] =	stream.linear.gather [spmem:s22], $0x4000, $0x38;
	[tilespmem:$0x1D080] =	vst v63  }
0xac: {  	_ =	swait.ge [sflag:s29], $0x4000  }
0xad: {  	[sflag:s29] =	ssyncset.done $0x0  }
0xae: {  	s7 =	rddreg [dreg:$0x5];
	[sflag:s29] =	ssyncadd.s32 $0xFFFFC000  }
0xaf: {  	[hbm4b:s7+s4] =	stream.linear.scatter [tilespmem:s30], [sflag:$0x2], $0x4000, $0x38;
	[tilespmem:$0x1D080] =	vst v63  }
0xb0: {  	_ =	swait.ge [sflag:s29], $0x4000  }
0xb1: {  	[sflag:s29] =	ssyncset.done $0x0  }
0xb2: {  	[sflag:s29] =	ssyncadd.s32 $0xFFFFC000  }
0xb3: {  	[tilespmem:s30], [sflag:$0x2] =	stream.linear.gather [spmem:s23], $0x4000, $0x38;
	[tilespmem:$0x1D080] =	vst v63  }
0xb4: {  	_ =	swait.ge [sflag:s29], $0x4000  }
0xb5: {  	[sflag:s29] =	ssyncset.done $0x0  }
0xb6: {  	s8 =	rddreg [dreg:$0x6];
	[sflag:s29] =	ssyncadd.s32 $0xFFFFC000  }
0xb7: {  	[hbm4b:s8+s4] =	stream.linear.scatter [tilespmem:s30], [sflag:$0x2], $0x4000, $0x38;
	[tilespmem:$0x1D080] =	vst v63  }
0xb8: {  	_ =	swait.ge [sflag:s29], $0x4000  }
0xb9: {  	[sflag:s29] =	ssyncset.done $0x0  }
0xba: {  	[sflag:s29] =	ssyncadd.s32 $0xFFFFC000  }
0xbb: {  	[tilespmem:s30], [sflag:$0x2] =	stream.linear.gather [spmem:s24], $0x4000, $0x38;
	[tilespmem:$0x1D080] =	vst v63  }
0xbc: {  	_ =	swait.ge [sflag:s29], $0x4000  }
0xbd: {  	[sflag:s29] =	ssyncset.done $0x0  }
0xbe: {  	s9 =	rddreg [dreg:$0x7];
	[sflag:s29] =	ssyncadd.s32 $0xFFFFC000  }
0xbf: {  	[hbm4b:s9+s4] =	stream.linear.scatter [tilespmem:s30], [sflag:$0x2], $0x4000, $0x38;
	[tilespmem:$0x1D080] =	vst v63  }
0xc0: {  	_ =	swait.ge [sflag:s29], $0x4000  }
0xc1: {  	[sflag:s29] =	ssyncset.done $0x0  }
0xc2: {  	[sflag:s29] =	ssyncadd.s32 $0xFFFFC000  }
0xc3: {  	[tilespmem:s30], [sflag:$0x2] =	stream.linear.gather [spmem:s25], $0x4000, $0x38;
	[tilespmem:$0x1D080] =	vst v63  }
0xc4: {  	s5 =	sadd.s32 $0x1, s5;
	_ =	swait.ge [sflag:s29], $0x4000  }
0xc5: {  	p0 =	sne.s32 s5, s26;
	[sflag:s29] =	ssyncset.done $0x0  }
.Ltmp1:
0xc6: {  	s10 =	rddreg [dreg:$0x8];
	[sflag:s29] =	ssyncadd.s32 $0xFFFFC000;
	(pc) =	sbr.rel @p0 .LBB2_1-.Ltmp1, $4  }
0xc7: {  	[hbm4b:s10+s4] =	stream.linear.scatter [tilespmem:s30], [sflag:$0x2], $0x4000, $0x38;
	[tilespmem:$0x1D080] =	vst v63  }
0xc8: {  	_ =	swait.ge [sflag:s29], $0x4000  }
0xc9: {  	[sflag:s29] =	ssyncset.done $0x0  }
0xca: {  	[sflag:s29] =	ssyncadd.s32 $0xFFFFC000  }
0xcb: {  	_ =	sfence.sel $0x180000  }
0xcc: {  	[bflag:$0x0] =	sbarrier.arrive $0xFFFF  }
0xcd: {  	_ =	strace $0x90000047  }
0xce: {  	s0 =	stileid.u32;
	[bflag:$0x2] =	sbarrier.arrive $0xFFFF  }
0xcf: {  	p0 =	sne.s32 s0, $0x0;
	s0 =	rddreg [dreg:$0x3]  }
0xd0: {  	s0 =	sadd.s32 @!p0 $0x100000, s0  }
0xd1: {  	[sflag:s0] =	ssyncadd.tile.s32 @!p0 $0x1;
	_ =	shalt  }
.Lfunc_end2:
_tile_overlayer_lowered:
.L_overlay_start_2:
0xd2: {  	(tag) =	ssettag $0x2  }
0xd3: {  	s0 =	rddreg [dreg:$0x0];
	s2 =	stileid.u32  }
0xd4: {  	s1 =	rddreg [dreg:$0x1];
	p0 =	sne.s32 s2, $0x0  }
0xd5: {  	s3 =	rddreg [dreg:$0x2];
	[bflag:$0x3] =	sbarrier.arrive $0xFFFF;
	s2 =	simm.s32 @!p0 $0x1C02  }
0xd6: {  	[timem:s3], [sflag:s2] =	dma.local @!p0 [hbm:s0], s1  }
0xd7: {  	s0 =	simm.s32 @!p0 $0x2  }
0xd8: {  	_ =	swait.ge @!p0 [sflag:s0], s1  }
0xd9: {  	s1 =	ssub.s32 @!p0 $0x0, s1;
	[sflag:s0] =	ssyncset.done @!p0 $0x0  }
0xda: {  	[sflag:s0] =	ssyncadd.s32 @!p0 s1  }
0xdb: {  	[bflag:$0x3] =	sbarrier.arrive $0xFFFF  }
0xdc: {  	_ =	shalt  }

// kernel: kernel.9.cloned.1.call-start
scs
__scs_entry_jumppad:
0x0: {  	(pc) =	sbr.rel $0x88, $3  }
0x1: {  	(tag) =	ssettag $0x0;
	lr =	simm.s32 $0x1  }
0x2: {  	[smem:$0x3F9C] =	sst lr;
	_ =	strace $0xD0000000  }
0x3: {  	_ = 	snop  }
0x4: {  	_ = 	snop  }
0x5: {  	_ = 	snop  }
0x6: {  	_ = 	snop  }
0x7: {  	_ = 	snop  }
__scs_overlays_trampoline_lowered:
0x8: {  	[smem:$0x3FAB] =	sst s0  }
0x9: {  	[smem:$0x3FAC] =	sst s1  }
0xa: {  	[smem:$0x3FAD] =	sst s2  }
0xb: {  	[smem:$0x3FAE] =	sst s3  }
0xc: {  	[smem:$0x3FAF] =	sst s4  }
0xd: {  	[smem:$0x3FB0] =	sst s5  }
0xe: {  	[smem:$0x3FB1] =	sst s6  }
0xf: {  	[smem:$0x3FB2] =	sst s7  }
0x10: {  	[smem:$0x3FB3] =	sst s8  }
0x11: {  	[smem:$0x3FB4] =	sst s9;
	s0 =	simm.s32 @!p0 $0x0  }
0x12: {  	s1 =	sld [smem:$0x3F9A];
	s0 =	simm.s32 @p0 $0x1  }
0x13: {  	[smem:$0x3FB5] =	sst s0;
	s0 =	simm.s32 @!p1 $0x0  }
0x14: {  	s2 =	sld [smem:$0x3F99];
	s0 =	simm.s32 @p1 $0x1  }
0x15: {  	[smem:$0x3FB6] =	sst s0;
	s0 =	simm.s32 @!p2 $0x0  }
0x16: {  	s3 =	sld [smem:$0x3FDB];
	s0 =	simm.s32 @p2 $0x1  }
0x17: {  	s4 =	simm.s32 $0x1BF5;
	[smem:$0x3FB8] =	sst s0  }
0x18: {  	s0 =	sld [smem:$0x3F9B];
	_ =	swait.ge [sflag:s4], $0x0  }
0x19: {  	s7 =	sld [smem:$0x3F9C]  }
0x1a: {  	s8 =	sadd.s32 $0xFFFFE003, lr  }
0x1b: {  	s9 =	sadd.s32 $0xFFFFFEF7, lr;
	s5 =	simm.s32 $0xFFFFFFFF;
	p2 =	slt.u32 s8, $0xFFFFF086  }
0x1c: {  	p1 =	slt.u32 s9, $0xF7A;
	s5 =	simm.s32 @!p2 $0x0  }
0x1d: {  	s5 =	simm.s32 @p1 $0x1;
	p0 =	seq.s32 s7, s2  }
0x1e: {  	s7 =	smul.u32 @!p0 $0xF7A, s2;
	p2 =	seq.s32 @!p0 s5, $0x0  }
0x1f: {  	s9 =	smul.u32 $0xF7A, s1;
	s8 =	simm.s32 @!p0 $0x1BF5;
	p2 =	por !p2, p0  }
0x20: {  	[sflag:s8] =	ssyncset.s32 @!p0 $0xFFFFF086;
	s6 =	sadd.s32 @!p0 s3, s7;
	s7 =	simm.s32 @!p0 $0x108  }
0x21: {  	s3 =	sadd.s32 s3, s9;
	s6 =	sadd.s32 @!p0 $0x88, s6;
	s7 =	simm.s32 @p2 $0x1082  }
0x22: {  	[simem:s7], [sflag:s8] =	dma.local @!p0 [hbm:s6], $0xF7A  }
0x23: {  	s9 =	sor.u32 $0xD0000000, s2;
	s6 =	simm.s32 $0x108;
	_ =	swait.ge @!p0 [sflag:s8], $0x0  }
0x24: {  	s3 =	sadd.s32 $0x88, s3;
	s6 =	simm.s32 @!p1 $0x1082;
	[sflag:s4] =	ssyncset.s32 $0xFFFFF086  }
0x25: {  	[simem:s6], [sflag:s4] =	dma.local [hbm:s3], $0xF7A  }
0x26: {  	[smem:$0x3F9C] =	sst s1;
	(tag) =	ssettag s2;
	_ =	strace s9  }
0x27: {  	s1 =	sld [smem:$0x3FAC]  }
0x28: {  	s2 =	sld [smem:$0x3FAD]  }
0x29: {  	s4 =	sld [smem:$0x3FAF]  }
0x2a: {  	p0 =	seq.s32 s5, $0x0;
	s5 =	sld [smem:$0x3FB0]  }
0x2b: {  	s6 =	sld [smem:$0x3FB1]  }
0x2c: {  	s7 =	sld [smem:$0x3FB2]  }
0x2d: {  	s3 =	simm.s32 $0x108;
	s8 =	sld [smem:$0x3FB3]  }
0x2e: {  	s3 =	simm.s32 @!p0 $0x1082;
	s9 =	sld [smem:$0x3FB4]  }
0x2f: {  	lr =	sadd.s32 s0, s3;
	s0 =	sld [smem:$0x3FAB]  }
0x30: {  	s3 =	sld [smem:$0x3FAE]  }
0x31: {  	[smem:$0x3FB7] =	sst s10  }
0x32: {  	s10 =	sld [smem:$0x3FB5];
	_ =	sdelay $0x3  }
0x33: {  	p0 =	seq.s32 s10, $0x1;
	s10 =	sld [smem:$0x3FB7];
	_ =	sdelay $0x3  }
0x34: {  	[smem:$0x3FB7] =	sst s10  }
0x35: {  	s10 =	sld [smem:$0x3FB6];
	_ =	sdelay $0x3  }
0x36: {  	p1 =	seq.s32 s10, $0x1;
	s10 =	sld [smem:$0x3FB7];
	_ =	sdelay $0x3  }
0x37: {  	[smem:$0x3FB7] =	sst s10  }
0x38: {  	s10 =	sld [smem:$0x3FB8]  }
0x39: {  	_ = 	snop;
	(pc) =	sbr.ind lr, $3  }
0x3a: {  	_ = 	snop  }
0x3b: {  	_ = 	snop  }
0x3c: {  	p2 =	seq.s32 s10, $0x1;
	s10 =	sld [smem:$0x3FB7]  }
0x3d: {  	_ =	shalt  }
0x3e: {  	_ =	shalt  }
0x3f: {  	_ =	shalt  }
0x40: {  	_ =	shalt  }
0x41: {  	_ =	shalt  }
0x42: {  	_ =	shalt  }
0x43: {  	_ =	shalt  }
0x44: {  	_ =	shalt  }
0x45: {  	_ =	shalt  }
0x46: {  	_ =	shalt  }
0x47: {  	_ =	shalt  }
0x48: {  	_ =	shalt  }
0x49: {  	_ =	shalt  }
0x4a: {  	_ =	shalt  }
0x4b: {  	_ =	shalt  }
0x4c: {  	_ =	shalt  }
0x4d: {  	_ =	shalt  }
0x4e: {  	_ =	shalt  }
0x4f: {  	_ =	shalt  }
0x50: {  	_ =	shalt  }
0x51: {  	_ =	shalt  }
0x52: {  	_ =	shalt  }
0x53: {  	_ =	shalt  }
0x54: {  	_ =	shalt  }
0x55: {  	_ =	shalt  }
0x56: {  	_ =	shalt  }
0x57: {  	_ =	shalt  }
0x58: {  	_ =	shalt  }
0x59: {  	_ =	shalt  }
0x5a: {  	_ =	shalt  }
0x5b: {  	_ =	shalt  }
0x5c: {  	_ =	shalt  }
0x5d: {  	_ =	shalt  }
0x5e: {  	_ =	shalt  }
0x5f: {  	_ =	shalt  }
0x60: {  	_ =	shalt  }
0x61: {  	_ =	shalt  }
0x62: {  	_ =	shalt  }
0x63: {  	_ =	shalt  }
0x64: {  	_ =	shalt  }
0x65: {  	_ =	shalt  }
0x66: {  	_ =	shalt  }
0x67: {  	_ =	shalt  }
0x68: {  	_ =	shalt  }
0x69: {  	_ =	shalt  }
0x6a: {  	_ =	shalt  }
0x6b: {  	_ =	shalt  }
0x6c: {  	_ =	shalt  }
0x6d: {  	_ =	shalt  }
0x6e: {  	_ =	shalt  }
0x6f: {  	_ =	shalt  }
0x70: {  	_ =	shalt  }
0x71: {  	_ =	shalt  }
0x72: {  	_ =	shalt  }
0x73: {  	_ =	shalt  }
0x74: {  	_ =	shalt  }
0x75: {  	_ =	shalt  }
0x76: {  	_ =	shalt  }
0x77: {  	_ =	shalt  }
0x78: {  	_ =	shalt  }
0x79: {  	_ =	shalt  }
0x7a: {  	_ =	shalt  }
0x7b: {  	_ =	shalt  }
0x7c: {  	_ =	shalt  }
0x7d: {  	_ =	shalt  }
0x7e: {  	_ =	shalt  }
0x7f: {  	_ =	shalt  }
0x80: {  	_ =	shalt  }
0x81: {  	_ =	shalt  }
0x82: {  	_ =	shalt  }
0x83: {  	_ =	shalt  }
0x84: {  	_ =	shalt  }
0x85: {  	_ =	shalt  }
0x86: {  	_ =	shalt  }
0x87: {  	_ =	shalt  }
.Lfunc_end0:
.L_simem_size_0:
called_computation.1_lowered:
.L_overlay_start_0:
0x88: {  	s2 =	sld [smem:$0x3FD9]  }
0x89: {  	s3 =	sld [smem:$0x3FFE];
	_ =	sdelay $0x1  }
0x8a: {  	s1 =	srdreg.scid  }
0x8b: {  	s0 =	sand.u32 $0x1, s1  }
0x8c: {  	s16 =	sshll.u32 s0, $0xA;
	s2 =	sadd.s32 s3, s2  }
0x8d: {  	s2 =	sadd.s32 s2, s16  }
0x8e: {  	[smem:$0x3FC3] =	sst s2  }
0x8f: {  	_ = 	snop  }
0x90: {  	(tm) =	ssettm $0x1  }
0x91: {  	s17 =	sld [smem:$0x3FFB];
	_ =	sdelay $0x3  }
0x92: {  	_ =	strace s17  }
0x93: {  	s2 =	sld [smem:$0x3FFC];
	_ =	sdelay $0x3  }
0x94: {  	_ =	strace s2  }
0x95: {  	s2 =	sld [smem:$0x3FFD];
	_ =	sdelay $0x3  }
0x96: {  	_ =	strace s2  }
0x97: {  	_ =	strace $0x8FFFFFFF  }
0x98: {  	s18 =	sld [smem:$0x3FDB];
	_ =	sdelay $0x1  }
0x99: {  	s19 =	simm.s32 $_scs_section_size  }
0x9a: {  	s4 =	simm.s32 $_size__tile_overlayer_lowered;
	s5 =	simm.s32 $_tile_overlayer_lowered  }
0x9b: {  	s22 =	simm.s32 $0x1BFF;
	s21 =	sshll.u32 s5, $0x1;
	s2 =	sadd.s32 s19, s18  }
0x9c: {  	s6 =	simm.s32 $0x0;
	s20 =	sshll.u32 s4, $0x1;
	s4 =	sadd.s32 s21, s2  }
0x9d: {  	[timem:s6], [sflag:s22] =	dma.local [hbm:s4], s20  }
0x9e: {  	_ =	swait.ge [sflag:s22], s20  }
0x9f: {  	s3 =	ssub.s32 $0x0, s20;
	[sflag:s22] =	ssyncset.done $0x0  }
0xa0: {  	[sflag:s22] =	ssyncadd.s32 s3;
	_ =	sdelay $0x1  }
0xa1: {  	s23 =	simm.s32 $0x1B8B  }
0xa2: {  	_ =	swait.ge [sflag:s23], $0x1  }
0xa3: {  	[sflag:s23] =	ssyncset.done $0x0  }
0xa4: {  	s25 =	simm.s32 $0x1B8E;
	s24 =	sld [smem:$0x3FFE];
	[sflag:s23] =	ssyncadd.s32 $0xFFFFFFFF  }
0xa5: {  	s26 =	simm.s32 $execute0_lowered;
	[smem:$0x3FD2] =	sst s25  }
0xa6: {  	s4 =	sshll.u32 s26, $0x1;
	_ =	strace $0x80000049;
	[dreg:$0x1] =	wrdreg $0xFFFFFFFF  }
0xa7: {  	s28 =	simm.s32 $_size_execute0_lowered;
	s2 =	sadd.s32 s2, s4;
	[dreg:$0x0] =	wrdreg $0x0  }
0xa8: {  	s4 =	sshll.u32 s28, $0x1;
	[dreg:$0x2] =	wrdreg s2  }
0xa9: {  	[dreg:$0x3] =	wrdreg s4  }
0xaa: {  	[dreg:$0x4] =	wrdreg $0xC0  }
0xab: {  	_ =	task [dreg:s6], $0x5FFFF  }
0xac: {  	[dreg:$0x1] =	wrdreg $0xFFFFFFFF  }
0xad: {  	[dreg:$0x0] =	wrdreg $0x60  }
0xae: {  	[dreg:$0x2] =	wrdreg s24  }
0xaf: {  	[dreg:$0x3] =	wrdreg $0x0  }
0xb0: {  	[dreg:$0x4] =	wrdreg $0x9  }
0xb1: {  	_ =	task.clear_ibuf [dreg:s6], $0x5FFFF;
	_ =	strace $0x90000049  }
0xb2: {  	s29 =	simm.s32 $0x9;
	_ =	strace $0x8000004B  }
0xb3: {  	_ =	swait.ge [sflag:s29], $0x1  }
0xb4: {  	[sflag:s29] =	ssyncadd.s32 $0xFFFFFFFF  }
0xb5: {  	_ =	strace $0x9000004B  }
0xb6: {  	_ =	sfence  }
0xb7: {  	s30 =	sld [smem:$0x0];
	_ =	sdelay $0x2  }
0xb8: {  	s31 =	sshll.u32 s1, $0xD;
	s1 =	sshrl.u32 s1, $0x2  }
0xb9: {  	s3 =	sand.u32 $0x4000, s31;
	s1 =	sadd.s32 s1, s30  }
0xba: {  	s0 =	sor.u32 s3, s0;
	s1 =	sshll.u32 s1, $0x11  }
0xbb: {  	s0 =	sor.u32 s1, s0  }
0xbc: {  	s0 =	sadd.s32 $0x8F2B, s0  }
0xbd: {  	[sflag:s0] =	ssyncadd.remote.s32 $0x1  }
0xbe: {  	_ =	sfence.sel $0xFFFF  }
0xbf: {  	[dreg:$0x0] =	wrdreg $0xFFFFFFFF;
	(pc) =	sbr.abs _section_cstart, $3  }
0xc0: {  	[dreg:$0x1] =	wrdreg $0xFFFFFFFF  }
0xc1: {  	_ =	task.clear_ibuf [dreg:s6], $0x2FFFF;
	_ =	strace $0x9FFFFFFF  }
0xc2: {  	(tm) =	ssettm $0x7FFFFFFF  }
0xc3: {  	_ =	shalt  }
tec
execute0_lowered:
.L_overlay_start_1:
0x0: {  	(tag) =	ssettag $0x1  }
0x1: {  	s0 =	srdreg.scid  }
0x2: {  	s3 =	rddreg [dreg:$0x0];
	s19 =	stileid.u32;
	s1 =	simm.s32 $0x0  }
0x3: {  	s30 =	simm.s32 $0x3;
	s2 =	sand.u32 $0x1, s0;
	s5 =	smul.u32 $0x14000, s19  }
0x4: {  	[smem:$0x7FF] =	sst s1;
	s6 =	sadd.s32 $0xDDC00, s3;
	s0 =	ssub.s32 $0x2, s2  }
0x5: {  	s11 =	smul.u32 $0x140000, s2;
	s2 =	sshll.u32 s2, $0x4;
	s4 =	sshrl.u32 s0, $0x1  }
0x6: {  	s7 =	sadd.s32 $0x4000, s5;
	s8 =	sadd.s32 $0x6000, s5;
	s9 =	sadd.s32 $0x8000, s5  }
0x7: {  	s10 =	sadd.s32 $0xA000, s5;
	s13 =	sadd.s32 $0xC000, s5;
	s16 =	sadd.s32 $0xE000, s5  }
0x8: {  	s17 =	sadd.s32 $0x10000, s5;
	s18 =	sadd.s32 $0x12000, s5;
	s2 =	sor.u32 s19, s2  }
0x9: {  	s0 =	ssub.s32 s0, s4;
	s4 =	sor.u32 $0x2000, s5;
	s5 =	sadd.s32 s5, s11  }
0xa: {  	s15 =	sadd.s32 s11, s7;
	s24 =	sadd.s32 s11, s8;
	s25 =	sadd.s32 s11, s9  }
0xb: {  	s26 =	sadd.s32 s11, s10;
	s21 =	sadd.s32 s11, s13;
	s22 =	sadd.s32 s11, s16  }
0xc: {  	s2 =	smul.u32 $0x14000, s2;
	s12 =	sadd.s32 s11, s4;
	s14 =	sshrl.u32 s5, $0x3  }
0xd: {  	s23 =	sshrl.u32 s15, $0x3;
	s20 =	sshrl.u32 s26, $0x3;
	s26 =	smul.u32 $0x50000, s19  }
0xe: {  	s15 =	sadd.s32 $0x8DC00, s3;
	s19 =	sor.u32 $0x2000, s5;
	s0 =	smax.u32 s0, $0x1  }
0xf: {  	s12 =	sshrl.u32 s12, $0x3;
	s14 =	sadd.s32 s6, s14;
	s2 =	sshrl.u32 s2, $0x3  }
0x10: {  	[dreg:$0x3] =	wrdreg s14;
	s12 =	sadd.s32 s6, s12;
	s14 =	sshrl.u32 s25, $0x3  }
0x11: {  	s2 =	sadd.s32 s15, s2;
	[dreg:$0x4] =	wrdreg s12;
	s12 =	sadd.s32 s6, s23  }
0x12: {  	s14 =	sadd.s32 s6, s14;
	s23 =	sadd.s32 s11, s17;
	[dreg:$0x5] =	wrdreg s12  }
0x13: {  	s11 =	sadd.s32 s11, s18;
	s12 =	sshrl.u32 s24, $0x3;
	[dreg:$0x7] =	wrdreg s14  }
0x14: {  	s14 =	sshrl.u32 s22, $0x3;
	s25 =	sshrl.u32 s23, $0x3;
	s12 =	sadd.s32 s6, s12  }
0x15: {  	s11 =	sshrl.u32 s11, $0x3;
	[dreg:$0x6] =	wrdreg s12;
	s12 =	sadd.s32 s6, s20  }
0x16: {  	s24 =	sadd.s32 s6, s14;
	[dreg:$0x8] =	wrdreg s12;
	s12 =	sshrl.u32 s21, $0x3  }
0x17: {  	s14 =	sadd.s32 $0x15400, s3;
	[dreg:$0xa] =	wrdreg s24;
	s12 =	sadd.s32 s6, s12  }
0x18: {  	s3 =	sadd.s32 $0x14C00, s3;
	[dreg:$0x9] =	wrdreg s12;
	s12 =	sadd.s32 s6, s25  }
0x19: {  	s20 =	sshrl.u32 s19, $0x3;
	s19 =	simm.s32 $0x4;
	[dreg:$0xb] =	wrdreg s12  }
0x1a: {  	s31 =	sadd.s32 s20, s15;
	s6 =	sadd.s32 s6, s11;
	s12 =	rddreg [dreg:$0x1]  }
0x1b: {  	s20 =	simm.s32 $0x17F80;
	s11 =	sshrl.u32 s26, $0x2;
	[dreg:$0xc] =	wrdreg s6  }
0x1c: {  	s26 =	sadd.s32 $0x4000, s5;
	_ =	strace $0x8000004A;
	[dreg:$0xd] =	wrdreg s3  }
0x1d: {  	s5 =	simm.s32 $0x0;
	s6 =	simm.s32 $0x1C000;
	[dreg:$0x16] =	wrdreg s2  }
0x1e: {  	s21 =	sadd.s32 s11, s12;
	s22 =	sadd.s32 s4, s12;
	[dreg:$0x17] =	wrdreg s0  }
0x1f: {  	s23 =	sadd.s32 s7, s12;
	s24 =	sadd.s32 s8, s12;
	[dreg:$0x18] =	wrdreg s26  }
0x20: {  	s25 =	sadd.s32 s9, s12;
	s7 =	sadd.s32 s10, s12;
	[dreg:$0x19] =	wrdreg s5  }
0x21: {  	s13 =	sadd.s32 s13, s12;
	s16 =	sadd.s32 s16, s12;
	[dreg:$0xe] =	wrdreg s21  }
0x22: {  	s28 =	sadd.s32 s17, s12;
	s29 =	sadd.s32 s18, s12;
	[dreg:$0xf] =	wrdreg s22  }
0x23: {  	s9 =	simm.s32 $0x18000;
	s0 =	simm.s32 $0x7;
	[dreg:$0x10] =	wrdreg s23  }
.Ltmp0:
0x24: {  	s3 =	simm.s32 $0x40;
	[dreg:$0x11] =	wrdreg s24;
	(pc) =	sbr.rel .LBB2_1-.Ltmp0, $4  }
0x25: {  	s4 =	simm.s32 $0x1A000;
	s8 =	simm.s32 $0x1E000;
	[dreg:$0x12] =	wrdreg s25  }
0x26: {  	s10 =	simm.s32 $0x16000;
	s11 =	simm.s32 $0x1;
	[dreg:$0x13] =	wrdreg s7  }
0x27: {  	s2 =	simm.s32 $0x2;
	s26 =	simm.s32 $0x6;
	[dreg:$0x14] =	wrdreg s16  }
0x28: {  	s17 =	simm.s32 $0x17C80;
	s18 =	simm.s32 $0x17E80;
	[dreg:$0x15] =	wrdreg s29  }
.LBB2_4:
0x29: {  	_ =	swait.ge [sflag:s19], $0x2000  }
0x2a: {  	[sflag:s19] =	ssyncset.done $0x0  }
0x2b: {  	[sflag:s19] =	ssyncadd.s32 $0xFFFFE000  }
0x2c: {  	[spmem:s12] =	stream.indirect.scatter.add.f32 [tilespmem:s8], [sflag:$0x7], $0x80, s20, s3, $0xb8;
	v63 =	vld [tilespmem:$0x0]  }
0x2d: {  	_ =	swait.ge [sflag:s0], $0x2000  }
0x2e: {  	[sflag:s0] =	ssyncset.done $0x0  }
0x2f: {  	[sflag:s0] =	ssyncadd.s32 $0xFFFFE000  }
0x30: {  	[bflag:$0x0] =	sbarrier.arrive $0xFFFF  }
0x31: {  	s21 =	rddreg [dreg:$0xe]  }
0x32: {  	[tilespmem:s9], [sflag:$0x7] =	stream.linear.gather [spmem:s21], $0x2000, $0x38;
	v63 =	vld [tilespmem:$0x0]  }
0x33: {  	_ =	swait.ge [sflag:s0], $0x2000  }
0x34: {  	[sflag:s0] =	ssyncset.done $0x0  }
0x35: {  	s5 =	rddreg [dreg:$0x3];
	[sflag:s0] =	ssyncadd.s32 $0xFFFFE000  }
0x36: {  	[hbm4b:s5+s1] =	stream.linear.scatter [tilespmem:s9], [sflag:$0x7], $0x2000, $0x38;
	v63 =	vld [tilespmem:$0x0]  }
0x37: {  	_ =	swait.ge [sflag:s0], $0x2000  }
0x38: {  	[sflag:s0] =	ssyncset.done $0x0  }
0x39: {  	s22 =	rddreg [dreg:$0xf];
	[sflag:s0] =	ssyncadd.s32 $0xFFFFE000  }
0x3a: {  	[tilespmem:s9], [sflag:$0x7] =	stream.linear.gather [spmem:s22], $0x2000, $0x38;
	v63 =	vld [tilespmem:$0x0]  }
0x3b: {  	_ =	swait.ge [sflag:s0], $0x2000  }
0x3c: {  	[sflag:s0] =	ssyncset.done $0x0  }
0x3d: {  	s23 =	rddreg [dreg:$0x4];
	[sflag:s0] =	ssyncadd.s32 $0xFFFFE000  }
0x3e: {  	[hbm4b:s23+s1] =	stream.linear.scatter [tilespmem:s9], [sflag:$0x7], $0x2000, $0x38;
	v63 =	vld [tilespmem:$0x0]  }
0x3f: {  	_ =	swait.ge [sflag:s0], $0x2000  }
0x40: {  	[sflag:s0] =	ssyncset.done $0x0  }
0x41: {  	s23 =	rddreg [dreg:$0x10];
	[sflag:s0] =	ssyncadd.s32 $0xFFFFE000  }
0x42: {  	[tilespmem:s9], [sflag:$0x7] =	stream.linear.gather [spmem:s23], $0x2000, $0x38;
	v63 =	vld [tilespmem:$0x0]  }
0x43: {  	_ =	swait.ge [sflag:s0], $0x2000  }
0x44: {  	[sflag:s0] =	ssyncset.done $0x0  }
0x45: {  	s24 =	rddreg [dreg:$0x5];
	[sflag:s0] =	ssyncadd.s32 $0xFFFFE000  }
0x46: {  	[hbm4b:s24+s1] =	stream.linear.scatter [tilespmem:s9], [sflag:$0x7], $0x2000, $0x38;
	v63 =	vld [tilespmem:$0x0]  }
0x47: {  	_ =	swait.ge [sflag:s0], $0x2000  }
0x48: {  	[sflag:s0] =	ssyncset.done $0x0  }
0x49: {  	s24 =	rddreg [dreg:$0x11];
	[sflag:s0] =	ssyncadd.s32 $0xFFFFE000  }
0x4a: {  	[tilespmem:s9], [sflag:$0x7] =	stream.linear.gather [spmem:s24], $0x2000, $0x38;
	v63 =	vld [tilespmem:$0x0]  }
0x4b: {  	_ =	swait.ge [sflag:s0], $0x2000  }
0x4c: {  	[sflag:s0] =	ssyncset.done $0x0  }
0x4d: {  	s25 =	rddreg [dreg:$0x6];
	[sflag:s0] =	ssyncadd.s32 $0xFFFFE000  }
0x4e: {  	[hbm4b:s25+s1] =	stream.linear.scatter [tilespmem:s9], [sflag:$0x7], $0x2000, $0x38;
	v63 =	vld [tilespmem:$0x0]  }
0x4f: {  	_ =	swait.ge [sflag:s0], $0x2000  }
0x50: {  	[sflag:s0] =	ssyncset.done $0x0  }
0x51: {  	s25 =	rddreg [dreg:$0x12];
	[sflag:s0] =	ssyncadd.s32 $0xFFFFE000  }
0x52: {  	[tilespmem:s9], [sflag:$0x7] =	stream.linear.gather [spmem:s25], $0x2000, $0x38;
	v63 =	vld [tilespmem:$0x0]  }
0x53: {  	_ =	swait.ge [sflag:s0], $0x2000  }
0x54: {  	[sflag:s0] =	ssyncset.done $0x0  }
0x55: {  	s13 =	rddreg [dreg:$0x7];
	[sflag:s0] =	ssyncadd.s32 $0xFFFFE000  }
0x56: {  	[hbm4b:s13+s1] =	stream.linear.scatter [tilespmem:s9], [sflag:$0x7], $0x2000, $0x38;
	v63 =	vld [tilespmem:$0x0]  }
0x57: {  	_ =	swait.ge [sflag:s0], $0x2000  }
0x58: {  	[sflag:s0] =	ssyncset.done $0x0  }
0x59: {  	s13 =	smov.u32 s7;
	s7 =	rddreg [dreg:$0x13];
	[sflag:s0] =	ssyncadd.s32 $0xFFFFE000  }
0x5a: {  	[tilespmem:s9], [sflag:$0x7] =	stream.linear.gather [spmem:s7], $0x2000, $0x38;
	v63 =	vld [tilespmem:$0x0]  }
0x5b: {  	_ =	swait.ge [sflag:s0], $0x2000  }
0x5c: {  	[sflag:s0] =	ssyncset.done $0x0  }
0x5d: {  	s17 =	rddreg [dreg:$0x8];
	[sflag:s0] =	ssyncadd.s32 $0xFFFFE000  }
0x5e: {  	[hbm4b:s17+s1] =	stream.linear.scatter [tilespmem:s9], [sflag:$0x7], $0x2000, $0x38;
	v63 =	vld [tilespmem:$0x0]  }
0x5f: {  	_ =	swait.ge [sflag:s0], $0x2000  }
0x60: {  	[sflag:s0] =	ssyncset.done $0x0  }
0x61: {  	[sflag:s0] =	ssyncadd.s32 $0xFFFFE000  }
0x62: {  	[tilespmem:s9], [sflag:$0x7] =	stream.linear.gather [spmem:s13], $0x2000, $0x38;
	v63 =	vld [tilespmem:$0x0]  }
0x63: {  	_ =	swait.ge [sflag:s0], $0x2000  }
0x64: {  	[sflag:s0] =	ssyncset.done $0x0  }
0x65: {  	s17 =	rddreg [dreg:$0x9];
	[sflag:s0] =	ssyncadd.s32 $0xFFFFE000  }
0x66: {  	[hbm4b:s17+s1] =	stream.linear.scatter [tilespmem:s9], [sflag:$0x7], $0x2000, $0x38;
	v63 =	vld [tilespmem:$0x0]  }
0x67: {  	_ =	swait.ge [sflag:s0], $0x2000  }
0x68: {  	[sflag:s0] =	ssyncset.done $0x0  }
0x69: {  	s28 =	smov.u32 s16;
	s16 =	rddreg [dreg:$0x14];
	[sflag:s0] =	ssyncadd.s32 $0xFFFFE000  }
0x6a: {  	[tilespmem:s9], [sflag:$0x7] =	stream.linear.gather [spmem:s16], $0x2000, $0x38;
	v63 =	vld [tilespmem:$0x0]  }
0x6b: {  	_ =	swait.ge [sflag:s0], $0x2000  }
0x6c: {  	[sflag:s0] =	ssyncset.done $0x0  }
0x6d: {  	s17 =	rddreg [dreg:$0xa];
	[sflag:s0] =	ssyncadd.s32 $0xFFFFE000  }
0x6e: {  	[hbm4b:s17+s1] =	stream.linear.scatter [tilespmem:s9], [sflag:$0x7], $0x2000, $0x38;
	v63 =	vld [tilespmem:$0x0]  }
0x6f: {  	_ =	swait.ge [sflag:s0], $0x2000  }
0x70: {  	[sflag:s0] =	ssyncset.done $0x0  }
0x71: {  	[sflag:s0] =	ssyncadd.s32 $0xFFFFE000  }
0x72: {  	[tilespmem:s9], [sflag:$0x7] =	stream.linear.gather [spmem:s28], $0x2000, $0x38;
	v63 =	vld [tilespmem:$0x0]  }
0x73: {  	_ =	swait.ge [sflag:s0], $0x2000  }
0x74: {  	[sflag:s0] =	ssyncset.done $0x0  }
0x75: {  	s17 =	rddreg [dreg:$0xb];
	[sflag:s0] =	ssyncadd.s32 $0xFFFFE000  }
0x76: {  	[hbm4b:s17+s1] =	stream.linear.scatter [tilespmem:s9], [sflag:$0x7], $0x2000, $0x38;
	v63 =	vld [tilespmem:$0x0]  }
0x77: {  	_ =	swait.ge [sflag:s0], $0x2000  }
0x78: {  	[sflag:s0] =	ssyncset.done $0x0  }
0x79: {  	s29 =	rddreg [dreg:$0x15];
	[sflag:s0] =	ssyncadd.s32 $0xFFFFE000  }
0x7a: {  	[tilespmem:s9], [sflag:$0x7] =	stream.linear.gather [spmem:s29], $0x2000, $0x38;
	v63 =	vld [tilespmem:$0x0]  }
0x7b: {  	_ =	swait.ge [sflag:s0], $0x2000  }
0x7c: {  	[sflag:s0] =	ssyncset.done $0x0  }
0x7d: {  	s17 =	rddreg [dreg:$0xc];
	[sflag:s0] =	ssyncadd.s32 $0xFFFFE000  }
0x7e: {  	[hbm4b:s17+s1] =	stream.linear.scatter [tilespmem:s9], [sflag:$0x7], $0x2000, $0x38;
	v63 =	vld [tilespmem:$0x0]  }
0x7f: {  	_ =	swait.ge [sflag:s0], $0x2000  }
0x80: {  	s17 =	rddreg [dreg:$0x19]  }
0x81: {  	s5 =	rddreg [dreg:$0x17];
	s17 =	sadd.s32 $0x1, s17  }
0x82: {  	p0 =	sne.s32 s17, s5  }
.Ltmp1:
0x83: {  	_ = 	snop;
	(pc) =	sbr.rel @!p0 .LBB2_5-.Ltmp1, $3  }
0x84: {  	_ =	sdelay $0x1  }
0x85: {  	[sflag:s0] =	ssyncset.done $0x0  }
0x86: {  	[sflag:s0] =	ssyncadd.s32 $0xFFFFE000;
	[dreg:$0x19] =	wrdreg s17;
	s17 =	simm.s32 $0x17C80  }
.LBB2_1:
0x87: {  	s5 =	rddreg [dreg:$0xd]  }
0x88: {  	[tilespmem:s9], [sflag:$0x7] =	stream.linear.gather [hbm4b:s5+s1], $0x2000, $0x38;
	v63 =	vld [tilespmem:$0x0]  }
0x89: {  	_ =	swait.ge [sflag:s0], $0x2000  }
0x8a: {  	[sflag:s0] =	ssyncset.done $0x0  }
0x8b: {  	[sflag:s0] =	ssyncadd.s32 $0xFFFFE000  }
0x8c: {  	[spmem:s21] =	stream.linear.scatter [tilespmem:s9], [sflag:$0x7], $0x2000, $0x38;
	v63 =	vld [tilespmem:$0x0]  }
0x8d: {  	_ =	swait.ge [sflag:s0], $0x2000  }
0x8e: {  	[sflag:s0] =	ssyncset.done $0x0  }
0x8f: {  	[sflag:s0] =	ssyncadd.s32 $0xFFFFE000  }
0x90: {  	[spmem:s22] =	stream.linear.scatter [tilespmem:s9], [sflag:$0x7], $0x2000, $0x38;
	v63 =	vld [tilespmem:$0x0]  }
0x91: {  	_ =	swait.ge [sflag:s0], $0x2000  }
0x92: {  	[sflag:s0] =	ssyncset.done $0x0  }
0x93: {  	[sflag:s0] =	ssyncadd.s32 $0xFFFFE000  }
0x94: {  	[spmem:s23] =	stream.linear.scatter [tilespmem:s9], [sflag:$0x7], $0x2000, $0x38;
	v63 =	vld [tilespmem:$0x0]  }
0x95: {  	_ =	swait.ge [sflag:s0], $0x2000  }
0x96: {  	[sflag:s0] =	ssyncset.done $0x0  }
0x97: {  	[sflag:s0] =	ssyncadd.s32 $0xFFFFE000  }
0x98: {  	[spmem:s24] =	stream.linear.scatter [tilespmem:s9], [sflag:$0x7], $0x2000, $0x38;
	v63 =	vld [tilespmem:$0x0]  }
0x99: {  	_ =	swait.ge [sflag:s0], $0x2000  }
0x9a: {  	[sflag:s0] =	ssyncset.done $0x0  }
0x9b: {  	[sflag:s0] =	ssyncadd.s32 $0xFFFFE000  }
0x9c: {  	[spmem:s25] =	stream.linear.scatter [tilespmem:s9], [sflag:$0x7], $0x2000, $0x38;
	v63 =	vld [tilespmem:$0x0]  }
0x9d: {  	_ =	swait.ge [sflag:s0], $0x2000  }
0x9e: {  	[sflag:s0] =	ssyncset.done $0x0  }
0x9f: {  	[sflag:s0] =	ssyncadd.s32 $0xFFFFE000  }
0xa0: {  	[spmem:s7] =	stream.linear.scatter [tilespmem:s9], [sflag:$0x7], $0x2000, $0x38;
	v63 =	vld [tilespmem:$0x0]  }
0xa1: {  	_ =	swait.ge [sflag:s0], $0x2000  }
0xa2: {  	[sflag:s0] =	ssyncset.done $0x0  }
0xa3: {  	[sflag:s0] =	ssyncadd.s32 $0xFFFFE000  }
0xa4: {  	[spmem:s13] =	stream.linear.scatter [tilespmem:s9], [sflag:$0x7], $0x2000, $0x38;
	v63 =	vld [tilespmem:$0x0]  }
0xa5: {  	_ =	swait.ge [sflag:s0], $0x2000  }
0xa6: {  	[sflag:s0] =	ssyncset.done $0x0  }
0xa7: {  	[sflag:s0] =	ssyncadd.s32 $0xFFFFE000  }
0xa8: {  	[spmem:s16] =	stream.linear.scatter [tilespmem:s9], [sflag:$0x7], $0x2000, $0x38;
	v63 =	vld [tilespmem:$0x0]  }
0xa9: {  	_ =	swait.ge [sflag:s0], $0x2000  }
0xaa: {  	[sflag:s0] =	ssyncset.done $0x0  }
0xab: {  	[sflag:s0] =	ssyncadd.s32 $0xFFFFE000  }
0xac: {  	[spmem:s28] =	stream.linear.scatter [tilespmem:s9], [sflag:$0x7], $0x2000, $0x38;
	v63 =	vld [tilespmem:$0x0]  }
0xad: {  	_ =	swait.ge [sflag:s0], $0x2000  }
0xae: {  	[sflag:s0] =	ssyncset.done $0x0  }
0xaf: {  	[sflag:s0] =	ssyncadd.s32 $0xFFFFE000  }
0xb0: {  	[spmem:s29] =	stream.linear.scatter [tilespmem:s9], [sflag:$0x7], $0x2000, $0x38;
	v63 =	vld [tilespmem:$0x0]  }
0xb1: {  	_ =	swait.ge [sflag:s0], $0x2000  }
0xb2: {  	[sflag:s0] =	ssyncset.done $0x0  }
0xb3: {  	[sflag:s0] =	ssyncadd.s32 $0xFFFFE000  }
0xb4: {  	[bflag:$0x0] =	sbarrier.arrive $0xFFFF  }
0xb5: {  	s23 =	simm.s32 $0x14000;
	s22 =	rddreg [dreg:$0x16]  }
0xb6: {  	[tilespmem:s23], [sflag:$0x7] =	stream.linear.gather [hbm4b:s22+s1], $0x2000, $0x38;
	v63 =	vld [tilespmem:$0x0]  }
0xb7: {  	_ =	swait.ge [sflag:s0], $0x2000  }
0xb8: {  	[sflag:s0] =	ssyncset.done $0x0  }
0xb9: {  	[sflag:s0] =	ssyncadd.s32 $0xFFFFE000  }
0xba: {  	[tilespmem:s9], [sflag:$0x1] =	stream.indirect.gather [hbm4b:s14+s3], $0x80, s23, s3, $0xb8;
	v63 =	vld [tilespmem:$0x0]  }
0xbb: {  	s24 =	simm.s32 $0x14100;
	s25 =	simm.s32 $0x14300;
	s7 =	smov.u32 s13  }
0xbc: {  	[tilespmem:s4], [sflag:$0x2] =	stream.indirect.gather [hbm4b:s14+s3], $0x80, s24, s3, $0xb8;
	v63 =	vld [tilespmem:$0x0]  }
0xbd: {  	s13 =	simm.s32 $0x14300;
	s16 =	smov.u32 s28;
	s29 =	simm.s32 $0x14200  }
0xbe: {  	[tilespmem:s6], [sflag:$0x3] =	stream.indirect.gather [hbm4b:s14+s3], $0x80, s29, s3, $0xb8;
	v63 =	vld [tilespmem:$0x0]  }
0xbf: {  	s28 =	simm.s32 $0x14080;
	s22 =	simm.s32 $0x0;
	s21 =	rddreg [dreg:$0x18]  }
0xc0: {  	[tilespmem:s8], [sflag:$0x4] =	stream.indirect.gather [hbm4b:s14+s3], $0x80, s25, s3, $0xb8;
	v63 =	vld [tilespmem:$0x0]  }
.LBB2_2:
0xc1: {  	s23 =	sadd.s32 s22, s31  }
0xc2: {  	[tilespmem:s10], [sflag:$0x6] =	stream.linear.gather [hbm4b:s23+s1], $0x2000, $0x38;
	v63 =	vld [tilespmem:$0x0]  }
0xc3: {  	_ =	swait.ge [sflag:s11], $0x2000  }
0xc4: {  	[sflag:s11] =	ssyncset.done $0x0  }
0xc5: {  	[sflag:s11] =	ssyncadd.s32 $0xFFFFE000  }
0xc6: {  	[spmem:s12] =	stream.indirect.scatter.add.f32 [tilespmem:s9], [sflag:$0x7], $0x80, s28, s3, $0xb8;
	v63 =	vld [tilespmem:$0x0]  }
0xc7: {  	_ =	swait.ge [sflag:s0], $0x2000  }
0xc8: {  	[sflag:s0] =	ssyncset.done $0x0  }
0xc9: {  	s5 =	simm.s32 $0x14400;
	[sflag:s0] =	ssyncadd.s32 $0xFFFFE000  }
0xca: {  	[tilespmem:s9], [sflag:$0x1] =	stream.indirect.gather [hbm4b:s14+s3], $0x80, s5, s3, $0xb8;
	v63 =	vld [tilespmem:$0x0]  }
0xcb: {  	_ =	swait.ge [sflag:s2], $0x2000  }
0xcc: {  	[sflag:s2] =	ssyncset.done $0x0  }
0xcd: {  	s23 =	simm.s32 $0x14180;
	[sflag:s2] =	ssyncadd.s32 $0xFFFFE000  }
0xce: {  	[spmem:s12] =	stream.indirect.scatter.add.f32 [tilespmem:s4], [sflag:$0x7], $0x80, s23, s3, $0xb8;
	v63 =	vld [tilespmem:$0x0]  }
0xcf: {  	_ =	swait.ge [sflag:s0], $0x2000  }
0xd0: {  	[sflag:s0] =	ssyncset.done $0x0  }
0xd1: {  	s24 =	simm.s32 $0x14500;
	[sflag:s0] =	ssyncadd.s32 $0xFFFFE000  }
0xd2: {  	[tilespmem:s4], [sflag:$0x2] =	stream.indirect.gather [hbm4b:s14+s3], $0x80, s24, s3, $0xb8;
	v63 =	vld [tilespmem:$0x0]  }
0xd3: {  	_ =	swait.ge [sflag:s30], $0x2000  }
0xd4: {  	[sflag:s30] =	ssyncset.done $0x0  }
0xd5: {  	s25 =	simm.s32 $0x14280;
	[sflag:s30] =	ssyncadd.s32 $0xFFFFE000  }
0xd6: {  	[spmem:s12] =	stream.indirect.scatter.add.f32 [tilespmem:s6], [sflag:$0x7], $0x80, s25, s3, $0xb8;
	v63 =	vld [tilespmem:$0x0]  }
0xd7: {  	_ =	swait.ge [sflag:s0], $0x2000  }
0xd8: {  	[sflag:s0] =	ssyncset.done $0x0  }
0xd9: {  	s23 =	simm.s32 $0x14600;
	[sflag:s0] =	ssyncadd.s32 $0xFFFFE000  }
0xda: {  	[tilespmem:s6], [sflag:$0x3] =	stream.indirect.gather [hbm4b:s14+s3], $0x80, s23, s3, $0xb8;
	v63 =	vld [tilespmem:$0x0]  }
0xdb: {  	_ =	swait.ge [sflag:s19], $0x2000  }
0xdc: {  	[sflag:s19] =	ssyncset.done $0x0  }
0xdd: {  	s24 =	simm.s32 $0x14380;
	[sflag:s19] =	ssyncadd.s32 $0xFFFFE000  }
0xde: {  	[spmem:s12] =	stream.indirect.scatter.add.f32 [tilespmem:s8], [sflag:$0x7], $0x80, s24, s3, $0xb8;
	v63 =	vld [tilespmem:$0x0]  }
0xdf: {  	_ =	swait.ge [sflag:s0], $0x2000  }
0xe0: {  	[sflag:s0] =	ssyncset.done $0x0  }
0xe1: {  	s25 =	simm.s32 $0x14700;
	[sflag:s0] =	ssyncadd.s32 $0xFFFFE000  }
0xe2: {  	[tilespmem:s8], [sflag:$0x4] =	stream.indirect.gather [hbm4b:s14+s3], $0x80, s25, s3, $0xb8;
	v63 =	vld [tilespmem:$0x0]  }
0xe3: {  	_ =	swait.ge [sflag:s11], $0x2000  }
0xe4: {  	[sflag:s11] =	ssyncset.done $0x0  }
0xe5: {  	s23 =	simm.s32 $0x14480;
	[sflag:s11] =	ssyncadd.s32 $0xFFFFE000  }
0xe6: {  	[spmem:s12] =	stream.indirect.scatter.add.f32 [tilespmem:s9], [sflag:$0x7], $0x80, s23, s3, $0xb8;
	v63 =	vld [tilespmem:$0x0]  }
0xe7: {  	_ =	swait.ge [sflag:s0], $0x2000  }
0xe8: {  	[sflag:s0] =	ssyncset.done $0x0  }
0xe9: {  	s24 =	simm.s32 $0x14800;
	[sflag:s0] =	ssyncadd.s32 $0xFFFFE000  }
0xea: {  	[tilespmem:s9], [sflag:$0x1] =	stream.indirect.gather [hbm4b:s14+s3], $0x80, s24, s3, $0xb8;
	v63 =	vld [tilespmem:$0x0]  }
0xeb: {  	_ =	swait.ge [sflag:s2], $0x2000  }
0xec: {  	[sflag:s2] =	ssyncset.done $0x0  }
0xed: {  	s25 =	simm.s32 $0x14580;
	[sflag:s2] =	ssyncadd.s32 $0xFFFFE000  }
0xee: {  	[spmem:s12] =	stream.indirect.scatter.add.f32 [tilespmem:s4], [sflag:$0x7], $0x80, s25, s3, $0xb8;
	v63 =	vld [tilespmem:$0x0]  }
0xef: {  	_ =	swait.ge [sflag:s0], $0x2000  }
0xf0: {  	[sflag:s0] =	ssyncset.done $0x0  }
0xf1: {  	s23 =	simm.s32 $0x14900;
	[sflag:s0] =	ssyncadd.s32 $0xFFFFE000  }
0xf2: {  	[tilespmem:s4], [sflag:$0x2] =	stream.indirect.gather [hbm4b:s14+s3], $0x80, s23, s3, $0xb8;
	v63 =	vld [tilespmem:$0x0]  }
0xf3: {  	_ =	swait.ge [sflag:s30], $0x2000  }
0xf4: {  	[sflag:s30] =	ssyncset.done $0x0  }
0xf5: {  	s24 =	simm.s32 $0x14680;
	[sflag:s30] =	ssyncadd.s32 $0xFFFFE000  }
0xf6: {  	[spmem:s12] =	stream.indirect.scatter.add.f32 [tilespmem:s6], [sflag:$0x7], $0x80, s24, s3, $0xb8;
	v63 =	vld [tilespmem:$0x0]  }
0xf7: {  	_ =	swait.ge [sflag:s0], $0x2000  }
0xf8: {  	[sflag:s0] =	ssyncset.done $0x0  }
0xf9: {  	s25 =	simm.s32 $0x14A00;
	[sflag:s0] =	ssyncadd.s32 $0xFFFFE000  }
0xfa: {  	[tilespmem:s6], [sflag:$0x3] =	stream.indirect.gather [hbm4b:s14+s3], $0x80, s25, s3, $0xb8;
	v63 =	vld [tilespmem:$0x0]  }
0xfb: {  	_ =	swait.ge [sflag:s19], $0x2000  }
0xfc: {  	[sflag:s19] =	ssyncset.done $0x0  }
0xfd: {  	s23 =	simm.s32 $0x14780;
	[sflag:s19] =	ssyncadd.s32 $0xFFFFE000  }
0xfe: {  	[spmem:s12] =	stream.indirect.scatter.add.f32 [tilespmem:s8], [sflag:$0x7], $0x80, s23, s3, $0xb8;
	v63 =	vld [tilespmem:$0x0]  }
0xff: {  	_ =	swait.ge [sflag:s0], $0x2000  }
0x100: {  	[sflag:s0] =	ssyncset.done $0x0  }
0x101: {  	s24 =	simm.s32 $0x14B00;
	[sflag:s0] =	ssyncadd.s32 $0xFFFFE000  }
0x102: {  	[tilespmem:s8], [sflag:$0x4] =	stream.indirect.gather [hbm4b:s14+s3], $0x80, s24, s3, $0xb8;
	v63 =	vld [tilespmem:$0x0]  }
0x103: {  	_ =	swait.ge [sflag:s11], $0x2000  }
0x104: {  	[sflag:s11] =	ssyncset.done $0x0  }
0x105: {  	s25 =	simm.s32 $0x14880;
	[sflag:s11] =	ssyncadd.s32 $0xFFFFE000  }
0x106: {  	[spmem:s12] =	stream.indirect.scatter.add.f32 [tilespmem:s9], [sflag:$0x7], $0x80, s25, s3, $0xb8;
	v63 =	vld [tilespmem:$0x0]  }
0x107: {  	_ =	swait.ge [sflag:s0], $0x2000  }
0x108: {  	[sflag:s0] =	ssyncset.done $0x0  }
0x109: {  	s23 =	simm.s32 $0x14C00;
	[sflag:s0] =	ssyncadd.s32 $0xFFFFE000  }
0x10a: {  	[tilespmem:s9], [sflag:$0x1] =	stream.indirect.gather [hbm4b:s14+s3], $0x80, s23, s3, $0xb8;
	v63 =	vld [tilespmem:$0x0]  }
0x10b: {  	_ =	swait.ge [sflag:s2], $0x2000  }
0x10c: {  	[sflag:s2] =	ssyncset.done $0x0  }
0x10d: {  	s24 =	simm.s32 $0x14980;
	[sflag:s2] =	ssyncadd.s32 $0xFFFFE000  }
0x10e: {  	[spmem:s12] =	stream.indirect.scatter.add.f32 [tilespmem:s4], [sflag:$0x7], $0x80, s24, s3, $0xb8;
	v63 =	vld [tilespmem:$0x0]  }
0x10f: {  	_ =	swait.ge [sflag:s0], $0x2000  }
0x110: {  	[sflag:s0] =	ssyncset.done $0x0  }
0x111: {  	s25 =	simm.s32 $0x14D00;
	[sflag:s0] =	ssyncadd.s32 $0xFFFFE000  }
0x112: {  	[tilespmem:s4], [sflag:$0x2] =	stream.indirect.gather [hbm4b:s14+s3], $0x80, s25, s3, $0xb8;
	v63 =	vld [tilespmem:$0x0]  }
0x113: {  	_ =	swait.ge [sflag:s30], $0x2000  }
0x114: {  	[sflag:s30] =	ssyncset.done $0x0  }
0x115: {  	s23 =	simm.s32 $0x14A80;
	[sflag:s30] =	ssyncadd.s32 $0xFFFFE000  }
0x116: {  	[spmem:s12] =	stream.indirect.scatter.add.f32 [tilespmem:s6], [sflag:$0x7], $0x80, s23, s3, $0xb8;
	v63 =	vld [tilespmem:$0x0]  }
0x117: {  	_ =	swait.ge [sflag:s0], $0x2000  }
0x118: {  	[sflag:s0] =	ssyncset.done $0x0  }
0x119: {  	s24 =	simm.s32 $0x14E00;
	[sflag:s0] =	ssyncadd.s32 $0xFFFFE000  }
0x11a: {  	[tilespmem:s6], [sflag:$0x3] =	stream.indirect.gather [hbm4b:s14+s3], $0x80, s24, s3, $0xb8;
	v63 =	vld [tilespmem:$0x0]  }
0x11b: {  	_ =	swait.ge [sflag:s19], $0x2000  }
0x11c: {  	[sflag:s19] =	ssyncset.done $0x0  }
0x11d: {  	s25 =	simm.s32 $0x14B80;
	[sflag:s19] =	ssyncadd.s32 $0xFFFFE000  }
0x11e: {  	[spmem:s12] =	stream.indirect.scatter.add.f32 [tilespmem:s8], [sflag:$0x7], $0x80, s25, s3, $0xb8;
	v63 =	vld [tilespmem:$0x0]  }
0x11f: {  	_ =	swait.ge [sflag:s0], $0x2000  }
0x120: {  	[sflag:s0] =	ssyncset.done $0x0  }
0x121: {  	s23 =	simm.s32 $0x14F00;
	[sflag:s0] =	ssyncadd.s32 $0xFFFFE000  }
0x122: {  	[tilespmem:s8], [sflag:$0x4] =	stream.indirect.gather [hbm4b:s14+s3], $0x80, s23, s3, $0xb8;
	v63 =	vld [tilespmem:$0x0]  }
0x123: {  	_ =	swait.ge [sflag:s11], $0x2000  }
0x124: {  	[sflag:s11] =	ssyncset.done $0x0  }
0x125: {  	s24 =	simm.s32 $0x14C80;
	[sflag:s11] =	ssyncadd.s32 $0xFFFFE000  }
0x126: {  	[spmem:s12] =	stream.indirect.scatter.add.f32 [tilespmem:s9], [sflag:$0x7], $0x80, s24, s3, $0xb8;
	v63 =	vld [tilespmem:$0x0]  }
0x127: {  	_ =	swait.ge [sflag:s0], $0x2000  }
0x128: {  	[sflag:s0] =	ssyncset.done $0x0  }
0x129: {  	s25 =	simm.s32 $0x15000;
	[sflag:s0] =	ssyncadd.s32 $0xFFFFE000  }
0x12a: {  	[tilespmem:s9], [sflag:$0x1] =	stream.indirect.gather [hbm4b:s14+s3], $0x80, s25, s3, $0xb8;
	v63 =	vld [tilespmem:$0x0]  }
0x12b: {  	_ =	swait.ge [sflag:s2], $0x2000  }
0x12c: {  	[sflag:s2] =	ssyncset.done $0x0  }
0x12d: {  	s23 =	simm.s32 $0x14D80;
	[sflag:s2] =	ssyncadd.s32 $0xFFFFE000  }
0x12e: {  	[spmem:s12] =	stream.indirect.scatter.add.f32 [tilespmem:s4], [sflag:$0x7], $0x80, s23, s3, $0xb8;
	v63 =	vld [tilespmem:$0x0]  }
0x12f: {  	_ =	swait.ge [sflag:s0], $0x2000  }
0x130: {  	[sflag:s0] =	ssyncset.done $0x0  }
0x131: {  	s24 =	simm.s32 $0x15100;
	[sflag:s0] =	ssyncadd.s32 $0xFFFFE000  }
0x132: {  	[tilespmem:s4], [sflag:$0x2] =	stream.indirect.gather [hbm4b:s14+s3], $0x80, s24, s3, $0xb8;
	v63 =	vld [tilespmem:$0x0]  }
0x133: {  	_ =	swait.ge [sflag:s30], $0x2000  }
0x134: {  	[sflag:s30] =	ssyncset.done $0x0  }
0x135: {  	s25 =	simm.s32 $0x14E80;
	[sflag:s30] =	ssyncadd.s32 $0xFFFFE000  }
0x136: {  	[spmem:s12] =	stream.indirect.scatter.add.f32 [tilespmem:s6], [sflag:$0x7], $0x80, s25, s3, $0xb8;
	v63 =	vld [tilespmem:$0x0]  }
0x137: {  	_ =	swait.ge [sflag:s0], $0x2000  }
0x138: {  	[sflag:s0] =	ssyncset.done $0x0  }
0x139: {  	s23 =	simm.s32 $0x15200;
	[sflag:s0] =	ssyncadd.s32 $0xFFFFE000  }
0x13a: {  	[tilespmem:s6], [sflag:$0x3] =	stream.indirect.gather [hbm4b:s14+s3], $0x80, s23, s3, $0xb8;
	v63 =	vld [tilespmem:$0x0]  }
0x13b: {  	_ =	swait.ge [sflag:s19], $0x2000  }
0x13c: {  	[sflag:s19] =	ssyncset.done $0x0  }
0x13d: {  	s24 =	simm.s32 $0x14F80;
	[sflag:s19] =	ssyncadd.s32 $0xFFFFE000  }
0x13e: {  	[spmem:s12] =	stream.indirect.scatter.add.f32 [tilespmem:s8], [sflag:$0x7], $0x80, s24, s3, $0xb8;
	v63 =	vld [tilespmem:$0x0]  }
0x13f: {  	_ =	swait.ge [sflag:s0], $0x2000  }
0x140: {  	[sflag:s0] =	ssyncset.done $0x0  }
0x141: {  	s25 =	simm.s32 $0x15300;
	[sflag:s0] =	ssyncadd.s32 $0xFFFFE000  }
0x142: {  	[tilespmem:s8], [sflag:$0x4] =	stream.indirect.gather [hbm4b:s14+s3], $0x80, s25, s3, $0xb8;
	v63 =	vld [tilespmem:$0x0]  }
0x143: {  	_ =	swait.ge [sflag:s11], $0x2000  }
0x144: {  	[sflag:s11] =	ssyncset.done $0x0  }
0x145: {  	s23 =	simm.s32 $0x15080;
	[sflag:s11] =	ssyncadd.s32 $0xFFFFE000  }
0x146: {  	[spmem:s12] =	stream.indirect.scatter.add.f32 [tilespmem:s9], [sflag:$0x7], $0x80, s23, s3, $0xb8;
	v63 =	vld [tilespmem:$0x0]  }
0x147: {  	_ =	swait.ge [sflag:s0], $0x2000  }
0x148: {  	[sflag:s0] =	ssyncset.done $0x0  }
0x149: {  	s24 =	simm.s32 $0x15400;
	[sflag:s0] =	ssyncadd.s32 $0xFFFFE000  }
0x14a: {  	[tilespmem:s9], [sflag:$0x1] =	stream.indirect.gather [hbm4b:s14+s3], $0x80, s24, s3, $0xb8;
	v63 =	vld [tilespmem:$0x0]  }
0x14b: {  	_ =	swait.ge [sflag:s2], $0x2000  }
0x14c: {  	[sflag:s2] =	ssyncset.done $0x0  }
0x14d: {  	s25 =	simm.s32 $0x15180;
	[sflag:s2] =	ssyncadd.s32 $0xFFFFE000  }
0x14e: {  	[spmem:s12] =	stream.indirect.scatter.add.f32 [tilespmem:s4], [sflag:$0x7], $0x80, s25, s3, $0xb8;
	v63 =	vld [tilespmem:$0x0]  }
0x14f: {  	_ =	swait.ge [sflag:s0], $0x2000  }
0x150: {  	[sflag:s0] =	ssyncset.done $0x0  }
0x151: {  	s23 =	simm.s32 $0x15500;
	[sflag:s0] =	ssyncadd.s32 $0xFFFFE000  }
0x152: {  	[tilespmem:s4], [sflag:$0x2] =	stream.indirect.gather [hbm4b:s14+s3], $0x80, s23, s3, $0xb8;
	v63 =	vld [tilespmem:$0x0]  }
0x153: {  	_ =	swait.ge [sflag:s30], $0x2000  }
0x154: {  	[sflag:s30] =	ssyncset.done $0x0  }
0x155: {  	s24 =	simm.s32 $0x15280;
	[sflag:s30] =	ssyncadd.s32 $0xFFFFE000  }
0x156: {  	[spmem:s12] =	stream.indirect.scatter.add.f32 [tilespmem:s6], [sflag:$0x7], $0x80, s24, s3, $0xb8;
	v63 =	vld [tilespmem:$0x0]  }
0x157: {  	_ =	swait.ge [sflag:s0], $0x2000  }
0x158: {  	[sflag:s0] =	ssyncset.done $0x0  }
0x159: {  	s25 =	simm.s32 $0x15600;
	[sflag:s0] =	ssyncadd.s32 $0xFFFFE000  }
0x15a: {  	[tilespmem:s6], [sflag:$0x3] =	stream.indirect.gather [hbm4b:s14+s3], $0x80, s25, s3, $0xb8;
	v63 =	vld [tilespmem:$0x0]  }
0x15b: {  	_ =	swait.ge [sflag:s19], $0x2000  }
0x15c: {  	[sflag:s19] =	ssyncset.done $0x0  }
0x15d: {  	s23 =	simm.s32 $0x15380;
	[sflag:s19] =	ssyncadd.s32 $0xFFFFE000  }
0x15e: {  	[spmem:s12] =	stream.indirect.scatter.add.f32 [tilespmem:s8], [sflag:$0x7], $0x80, s23, s3, $0xb8;
	v63 =	vld [tilespmem:$0x0]  }
0x15f: {  	_ =	swait.ge [sflag:s0], $0x2000  }
0x160: {  	[sflag:s0] =	ssyncset.done $0x0  }
0x161: {  	s24 =	simm.s32 $0x15700;
	[sflag:s0] =	ssyncadd.s32 $0xFFFFE000  }
0x162: {  	[tilespmem:s8], [sflag:$0x4] =	stream.indirect.gather [hbm4b:s14+s3], $0x80, s24, s3, $0xb8;
	v63 =	vld [tilespmem:$0x0]  }
0x163: {  	_ =	swait.ge [sflag:s11], $0x2000  }
0x164: {  	[sflag:s11] =	ssyncset.done $0x0  }
0x165: {  	s25 =	simm.s32 $0x15480;
	[sflag:s11] =	ssyncadd.s32 $0xFFFFE000  }
0x166: {  	[spmem:s12] =	stream.indirect.scatter.add.f32 [tilespmem:s9], [sflag:$0x7], $0x80, s25, s3, $0xb8;
	v63 =	vld [tilespmem:$0x0]  }
0x167: {  	_ =	swait.ge [sflag:s0], $0x2000  }
0x168: {  	[sflag:s0] =	ssyncset.done $0x0  }
0x169: {  	s23 =	simm.s32 $0x15800;
	[sflag:s0] =	ssyncadd.s32 $0xFFFFE000  }
0x16a: {  	[tilespmem:s9], [sflag:$0x1] =	stream.indirect.gather [hbm4b:s14+s3], $0x80, s23, s3, $0xb8;
	v63 =	vld [tilespmem:$0x0]  }
0x16b: {  	_ =	swait.ge [sflag:s2], $0x2000  }
0x16c: {  	[sflag:s2] =	ssyncset.done $0x0  }
0x16d: {  	s24 =	simm.s32 $0x15580;
	[sflag:s2] =	ssyncadd.s32 $0xFFFFE000  }
0x16e: {  	[spmem:s12] =	stream.indirect.scatter.add.f32 [tilespmem:s4], [sflag:$0x7], $0x80, s24, s3, $0xb8;
	v63 =	vld [tilespmem:$0x0]  }
0x16f: {  	_ =	swait.ge [sflag:s0], $0x2000  }
0x170: {  	[sflag:s0] =	ssyncset.done $0x0  }
0x171: {  	s25 =	simm.s32 $0x15900;
	[sflag:s0] =	ssyncadd.s32 $0xFFFFE000  }
0x172: {  	[tilespmem:s4], [sflag:$0x2] =	stream.indirect.gather [hbm4b:s14+s3], $0x80, s25, s3, $0xb8;
	v63 =	vld [tilespmem:$0x0]  }
0x173: {  	_ =	swait.ge [sflag:s30], $0x2000  }
0x174: {  	[sflag:s30] =	ssyncset.done $0x0  }
0x175: {  	s23 =	simm.s32 $0x15680;
	[sflag:s30] =	ssyncadd.s32 $0xFFFFE000  }
0x176: {  	[spmem:s12] =	stream.indirect.scatter.add.f32 [tilespmem:s6], [sflag:$0x7], $0x80, s23, s3, $0xb8;
	v63 =	vld [tilespmem:$0x0]  }
0x177: {  	_ =	swait.ge [sflag:s0], $0x2000  }
0x178: {  	[sflag:s0] =	ssyncset.done $0x0  }
0x179: {  	s24 =	simm.s32 $0x15A00;
	[sflag:s0] =	ssyncadd.s32 $0xFFFFE000  }
0x17a: {  	[tilespmem:s6], [sflag:$0x3] =	stream.indirect.gather [hbm4b:s14+s3], $0x80, s24, s3, $0xb8;
	v63 =	vld [tilespmem:$0x0]  }
0x17b: {  	_ =	swait.ge [sflag:s19], $0x2000  }
0x17c: {  	[sflag:s19] =	ssyncset.done $0x0  }
0x17d: {  	s25 =	simm.s32 $0x15780;
	[sflag:s19] =	ssyncadd.s32 $0xFFFFE000  }
0x17e: {  	[spmem:s12] =	stream.indirect.scatter.add.f32 [tilespmem:s8], [sflag:$0x7], $0x80, s25, s3, $0xb8;
	v63 =	vld [tilespmem:$0x0]  }
0x17f: {  	_ =	swait.ge [sflag:s0], $0x2000  }
0x180: {  	[sflag:s0] =	ssyncset.done $0x0  }
0x181: {  	s23 =	simm.s32 $0x15B00;
	[sflag:s0] =	ssyncadd.s32 $0xFFFFE000  }
0x182: {  	[tilespmem:s8], [sflag:$0x4] =	stream.indirect.gather [hbm4b:s14+s3], $0x80, s23, s3, $0xb8;
	v63 =	vld [tilespmem:$0x0]  }
0x183: {  	_ =	swait.ge [sflag:s11], $0x2000  }
0x184: {  	[sflag:s11] =	ssyncset.done $0x0  }
0x185: {  	s24 =	simm.s32 $0x15880;
	[sflag:s11] =	ssyncadd.s32 $0xFFFFE000  }
0x186: {  	[spmem:s12] =	stream.indirect.scatter.add.f32 [tilespmem:s9], [sflag:$0x7], $0x80, s24, s3, $0xb8;
	v63 =	vld [tilespmem:$0x0]  }
0x187: {  	_ =	swait.ge [sflag:s0], $0x2000  }
0x188: {  	[sflag:s0] =	ssyncset.done $0x0  }
0x189: {  	s25 =	simm.s32 $0x15C00;
	[sflag:s0] =	ssyncadd.s32 $0xFFFFE000  }
0x18a: {  	[tilespmem:s9], [sflag:$0x1] =	stream.indirect.gather [hbm4b:s14+s3], $0x80, s25, s3, $0xb8;
	v63 =	vld [tilespmem:$0x0]  }
0x18b: {  	_ =	swait.ge [sflag:s2], $0x2000  }
0x18c: {  	[sflag:s2] =	ssyncset.done $0x0  }
0x18d: {  	s23 =	simm.s32 $0x15980;
	[sflag:s2] =	ssyncadd.s32 $0xFFFFE000  }
0x18e: {  	[spmem:s12] =	stream.indirect.scatter.add.f32 [tilespmem:s4], [sflag:$0x7], $0x80, s23, s3, $0xb8;
	v63 =	vld [tilespmem:$0x0]  }
0x18f: {  	_ =	swait.ge [sflag:s0], $0x2000  }
0x190: {  	[sflag:s0] =	ssyncset.done $0x0  }
0x191: {  	s24 =	simm.s32 $0x15D00;
	[sflag:s0] =	ssyncadd.s32 $0xFFFFE000  }
0x192: {  	[tilespmem:s4], [sflag:$0x2] =	stream.indirect.gather [hbm4b:s14+s3], $0x80, s24, s3, $0xb8;
	v63 =	vld [tilespmem:$0x0]  }
0x193: {  	_ =	swait.ge [sflag:s30], $0x2000  }
0x194: {  	[sflag:s30] =	ssyncset.done $0x0  }
0x195: {  	s25 =	simm.s32 $0x15A80;
	[sflag:s30] =	ssyncadd.s32 $0xFFFFE000  }
0x196: {  	[spmem:s12] =	stream.indirect.scatter.add.f32 [tilespmem:s6], [sflag:$0x7], $0x80, s25, s3, $0xb8;
	v63 =	vld [tilespmem:$0x0]  }
0x197: {  	_ =	swait.ge [sflag:s0], $0x2000  }
0x198: {  	[sflag:s0] =	ssyncset.done $0x0  }
0x199: {  	s23 =	simm.s32 $0x15E00;
	[sflag:s0] =	ssyncadd.s32 $0xFFFFE000  }
0x19a: {  	[tilespmem:s6], [sflag:$0x3] =	stream.indirect.gather [hbm4b:s14+s3], $0x80, s23, s3, $0xb8;
	v63 =	vld [tilespmem:$0x0]  }
0x19b: {  	_ =	swait.ge [sflag:s19], $0x2000  }
0x19c: {  	[sflag:s19] =	ssyncset.done $0x0  }
0x19d: {  	s24 =	simm.s32 $0x15B80;
	[sflag:s19] =	ssyncadd.s32 $0xFFFFE000  }
0x19e: {  	[spmem:s12] =	stream.indirect.scatter.add.f32 [tilespmem:s8], [sflag:$0x7], $0x80, s24, s3, $0xb8;
	v63 =	vld [tilespmem:$0x0]  }
0x19f: {  	_ =	swait.ge [sflag:s0], $0x2000  }
0x1a0: {  	[sflag:s0] =	ssyncset.done $0x0  }
0x1a1: {  	s25 =	simm.s32 $0x15F00;
	[sflag:s0] =	ssyncadd.s32 $0xFFFFE000  }
0x1a2: {  	[tilespmem:s8], [sflag:$0x4] =	stream.indirect.gather [hbm4b:s14+s3], $0x80, s25, s3, $0xb8;
	v63 =	vld [tilespmem:$0x0]  }
0x1a3: {  	_ =	swait.ge [sflag:s11], $0x2000  }
0x1a4: {  	[sflag:s11] =	ssyncset.done $0x0  }
0x1a5: {  	s23 =	simm.s32 $0x15C80;
	[sflag:s11] =	ssyncadd.s32 $0xFFFFE000  }
0x1a6: {  	[spmem:s12] =	stream.indirect.scatter.add.f32 [tilespmem:s9], [sflag:$0x7], $0x80, s23, s3, $0xb8;
	v63 =	vld [tilespmem:$0x0]  }
0x1a7: {  	_ =	swait.ge [sflag:s0], $0x2000  }
0x1a8: {  	[sflag:s0] =	ssyncset.done $0x0  }
0x1a9: {  	[sflag:s0] =	ssyncadd.s32 $0xFFFFE000  }
0x1aa: {  	_ =	swait.ge [sflag:s26], $0x2000  }
0x1ab: {  	[sflag:s26] =	ssyncset.done $0x0  }
0x1ac: {  	[sflag:s26] =	ssyncadd.s32 $0xFFFFE000  }
0x1ad: {  	[tilespmem:s9], [sflag:$0x1] =	stream.indirect.gather [hbm4b:s14+s3], $0x80, s10, s3, $0xb8;
	v63 =	vld [tilespmem:$0x0]  }
0x1ae: {  	_ =	swait.ge [sflag:s2], $0x2000  }
0x1af: {  	[sflag:s2] =	ssyncset.done $0x0  }
0x1b0: {  	s24 =	simm.s32 $0x15D80;
	[sflag:s2] =	ssyncadd.s32 $0xFFFFE000  }
0x1b1: {  	[spmem:s12] =	stream.indirect.scatter.add.f32 [tilespmem:s4], [sflag:$0x7], $0x80, s24, s3, $0xb8;
	v63 =	vld [tilespmem:$0x0]  }
0x1b2: {  	_ =	swait.ge [sflag:s0], $0x2000  }
0x1b3: {  	[sflag:s0] =	ssyncset.done $0x0  }
0x1b4: {  	s25 =	simm.s32 $0x16100;
	[sflag:s0] =	ssyncadd.s32 $0xFFFFE000  }
0x1b5: {  	[tilespmem:s4], [sflag:$0x2] =	stream.indirect.gather [hbm4b:s14+s3], $0x80, s25, s3, $0xb8;
	v63 =	vld [tilespmem:$0x0]  }
0x1b6: {  	_ =	swait.ge [sflag:s30], $0x2000  }
0x1b7: {  	[sflag:s30] =	ssyncset.done $0x0  }
0x1b8: {  	s23 =	simm.s32 $0x15E80;
	[sflag:s30] =	ssyncadd.s32 $0xFFFFE000  }
0x1b9: {  	[spmem:s12] =	stream.indirect.scatter.add.f32 [tilespmem:s6], [sflag:$0x7], $0x80, s23, s3, $0xb8;
	v63 =	vld [tilespmem:$0x0]  }
0x1ba: {  	_ =	swait.ge [sflag:s0], $0x2000  }
0x1bb: {  	[sflag:s0] =	ssyncset.done $0x0  }
0x1bc: {  	s24 =	simm.s32 $0x16200;
	[sflag:s0] =	ssyncadd.s32 $0xFFFFE000  }
0x1bd: {  	[tilespmem:s6], [sflag:$0x3] =	stream.indirect.gather [hbm4b:s14+s3], $0x80, s24, s3, $0xb8;
	v63 =	vld [tilespmem:$0x0]  }
0x1be: {  	_ =	swait.ge [sflag:s19], $0x2000  }
0x1bf: {  	[sflag:s19] =	ssyncset.done $0x0  }
0x1c0: {  	s25 =	simm.s32 $0x15F80;
	[sflag:s19] =	ssyncadd.s32 $0xFFFFE000  }
0x1c1: {  	[spmem:s12] =	stream.indirect.scatter.add.f32 [tilespmem:s8], [sflag:$0x7], $0x80, s25, s3, $0xb8;
	v63 =	vld [tilespmem:$0x0]  }
0x1c2: {  	_ =	swait.ge [sflag:s0], $0x2000  }
0x1c3: {  	[sflag:s0] =	ssyncset.done $0x0  }
0x1c4: {  	p0 =	seq.s32 s22, $0x2000;
	s23 =	simm.s32 $0x16300;
	[sflag:s0] =	ssyncadd.s32 $0xFFFFE000  }
0x1c5: {  	[tilespmem:s8], [sflag:$0x4] =	stream.indirect.gather [hbm4b:s14+s3], $0x80, s23, s3, $0xb8;
	v63 =	vld [tilespmem:$0x0]  }
0x1c6: {  	s23 =	sshrl.u32 @!p0 s21, $0x3  }
0x1c7: {  	s25 =	simm.s32 @!p0 $0x0;
	s24 =	sadd.s32 @!p0 s15, s23;
	s23 =	simm.s32 @!p0 $0x14000  }
0x1c8: {  	[tilespmem:s23], [sflag:$0x5] =	stream.linear.gather @!p0 [hbm4b:s24+s25], $0x2000, $0x38;
	v63 =	vld [tilespmem:$0x0]  }
0x1c9: {  	_ =	swait.ge [sflag:s11], $0x2000  }
0x1ca: {  	[sflag:s11] =	ssyncset.done $0x0  }
0x1cb: {  	s24 =	simm.s32 $0x16080;
	[sflag:s11] =	ssyncadd.s32 $0xFFFFE000  }
0x1cc: {  	[spmem:s12] =	stream.indirect.scatter.add.f32 [tilespmem:s9], [sflag:$0x7], $0x80, s24, s3, $0xb8;
	v63 =	vld [tilespmem:$0x0]  }
0x1cd: {  	_ =	swait.ge [sflag:s0], $0x2000  }
0x1ce: {  	[sflag:s0] =	ssyncset.done $0x0  }
0x1cf: {  	s25 =	simm.s32 $0x16400;
	[sflag:s0] =	ssyncadd.s32 $0xFFFFE000  }
0x1d0: {  	[tilespmem:s9], [sflag:$0x1] =	stream.indirect.gather [hbm4b:s14+s3], $0x80, s25, s3, $0xb8;
	v63 =	vld [tilespmem:$0x0]  }
0x1d1: {  	_ =	swait.ge [sflag:s2], $0x2000  }
0x1d2: {  	[sflag:s2] =	ssyncset.done $0x0  }
0x1d3: {  	s24 =	simm.s32 $0x16180;
	[sflag:s2] =	ssyncadd.s32 $0xFFFFE000  }
0x1d4: {  	[spmem:s12] =	stream.indirect.scatter.add.f32 [tilespmem:s4], [sflag:$0x7], $0x80, s24, s3, $0xb8;
	v63 =	vld [tilespmem:$0x0]  }
0x1d5: {  	_ =	swait.ge [sflag:s0], $0x2000  }
0x1d6: {  	[sflag:s0] =	ssyncset.done $0x0  }
0x1d7: {  	s25 =	simm.s32 $0x16500;
	[sflag:s0] =	ssyncadd.s32 $0xFFFFE000  }
0x1d8: {  	[tilespmem:s4], [sflag:$0x2] =	stream.indirect.gather [hbm4b:s14+s3], $0x80, s25, s3, $0xb8;
	v63 =	vld [tilespmem:$0x0]  }
0x1d9: {  	_ =	swait.ge [sflag:s30], $0x2000  }
0x1da: {  	[sflag:s30] =	ssyncset.done $0x0  }
0x1db: {  	s24 =	simm.s32 $0x16280;
	[sflag:s30] =	ssyncadd.s32 $0xFFFFE000  }
0x1dc: {  	[spmem:s12] =	stream.indirect.scatter.add.f32 [tilespmem:s6], [sflag:$0x7], $0x80, s24, s3, $0xb8;
	v63 =	vld [tilespmem:$0x0]  }
0x1dd: {  	_ =	swait.ge [sflag:s0], $0x2000  }
0x1de: {  	[sflag:s0] =	ssyncset.done $0x0  }
0x1df: {  	s25 =	simm.s32 $0x16600;
	[sflag:s0] =	ssyncadd.s32 $0xFFFFE000  }
0x1e0: {  	[tilespmem:s6], [sflag:$0x3] =	stream.indirect.gather [hbm4b:s14+s3], $0x80, s25, s3, $0xb8;
	v63 =	vld [tilespmem:$0x0]  }
0x1e1: {  	_ =	swait.ge [sflag:s19], $0x2000  }
0x1e2: {  	[sflag:s19] =	ssyncset.done $0x0  }
0x1e3: {  	s24 =	simm.s32 $0x16380;
	[sflag:s19] =	ssyncadd.s32 $0xFFFFE000  }
0x1e4: {  	[spmem:s12] =	stream.indirect.scatter.add.f32 [tilespmem:s8], [sflag:$0x7], $0x80, s24, s3, $0xb8;
	v63 =	vld [tilespmem:$0x0]  }
0x1e5: {  	_ =	swait.ge [sflag:s0], $0x2000  }
0x1e6: {  	[sflag:s0] =	ssyncset.done $0x0  }
0x1e7: {  	s25 =	simm.s32 $0x16700;
	[sflag:s0] =	ssyncadd.s32 $0xFFFFE000  }
0x1e8: {  	[tilespmem:s8], [sflag:$0x4] =	stream.indirect.gather [hbm4b:s14+s3], $0x80, s25, s3, $0xb8;
	v63 =	vld [tilespmem:$0x0]  }
0x1e9: {  	_ =	swait.ge [sflag:s11], $0x2000  }
0x1ea: {  	[sflag:s11] =	ssyncset.done $0x0  }
0x1eb: {  	s24 =	simm.s32 $0x16480;
	[sflag:s11] =	ssyncadd.s32 $0xFFFFE000  }
0x1ec: {  	[spmem:s12] =	stream.indirect.scatter.add.f32 [tilespmem:s9], [sflag:$0x7], $0x80, s24, s3, $0xb8;
	v63 =	vld [tilespmem:$0x0]  }
0x1ed: {  	_ =	swait.ge [sflag:s0], $0x2000  }
0x1ee: {  	[sflag:s0] =	ssyncset.done $0x0  }
0x1ef: {  	s25 =	simm.s32 $0x16800;
	[sflag:s0] =	ssyncadd.s32 $0xFFFFE000  }
0x1f0: {  	[tilespmem:s9], [sflag:$0x1] =	stream.indirect.gather [hbm4b:s14+s3], $0x80, s25, s3, $0xb8;
	v63 =	vld [tilespmem:$0x0]  }
0x1f1: {  	_ =	swait.ge [sflag:s2], $0x2000  }
0x1f2: {  	[sflag:s2] =	ssyncset.done $0x0  }
0x1f3: {  	s24 =	simm.s32 $0x16580;
	[sflag:s2] =	ssyncadd.s32 $0xFFFFE000  }
0x1f4: {  	[spmem:s12] =	stream.indirect.scatter.add.f32 [tilespmem:s4], [sflag:$0x7], $0x80, s24, s3, $0xb8;
	v63 =	vld [tilespmem:$0x0]  }
0x1f5: {  	_ =	swait.ge [sflag:s0], $0x2000  }
0x1f6: {  	[sflag:s0] =	ssyncset.done $0x0  }
0x1f7: {  	s25 =	simm.s32 $0x16900;
	[sflag:s0] =	ssyncadd.s32 $0xFFFFE000  }
0x1f8: {  	[tilespmem:s4], [sflag:$0x2] =	stream.indirect.gather [hbm4b:s14+s3], $0x80, s25, s3, $0xb8;
	v63 =	vld [tilespmem:$0x0]  }
0x1f9: {  	_ =	swait.ge [sflag:s30], $0x2000  }
0x1fa: {  	[sflag:s30] =	ssyncset.done $0x0  }
0x1fb: {  	s24 =	simm.s32 $0x16680;
	[sflag:s30] =	ssyncadd.s32 $0xFFFFE000  }
0x1fc: {  	[spmem:s12] =	stream.indirect.scatter.add.f32 [tilespmem:s6], [sflag:$0x7], $0x80, s24, s3, $0xb8;
	v63 =	vld [tilespmem:$0x0]  }
0x1fd: {  	_ =	swait.ge [sflag:s0], $0x2000  }
0x1fe: {  	[sflag:s0] =	ssyncset.done $0x0  }
0x1ff: {  	s25 =	simm.s32 $0x16A00;
	[sflag:s0] =	ssyncadd.s32 $0xFFFFE000  }
0x200: {  	[tilespmem:s6], [sflag:$0x3] =	stream.indirect.gather [hbm4b:s14+s3], $0x80, s25, s3, $0xb8;
	v63 =	vld [tilespmem:$0x0]  }
0x201: {  	_ =	swait.ge [sflag:s19], $0x2000  }
0x202: {  	[sflag:s19] =	ssyncset.done $0x0  }
0x203: {  	s24 =	simm.s32 $0x16780;
	[sflag:s19] =	ssyncadd.s32 $0xFFFFE000  }
0x204: {  	[spmem:s12] =	stream.indirect.scatter.add.f32 [tilespmem:s8], [sflag:$0x7], $0x80, s24, s3, $0xb8;
	v63 =	vld [tilespmem:$0x0]  }
0x205: {  	_ =	swait.ge [sflag:s0], $0x2000  }
0x206: {  	[sflag:s0] =	ssyncset.done $0x0  }
0x207: {  	s25 =	simm.s32 $0x16B00;
	[sflag:s0] =	ssyncadd.s32 $0xFFFFE000  }
0x208: {  	[tilespmem:s8], [sflag:$0x4] =	stream.indirect.gather [hbm4b:s14+s3], $0x80, s25, s3, $0xb8;
	v63 =	vld [tilespmem:$0x0]  }
0x209: {  	_ =	swait.ge [sflag:s11], $0x2000  }
0x20a: {  	[sflag:s11] =	ssyncset.done $0x0  }
0x20b: {  	s24 =	simm.s32 $0x16880;
	[sflag:s11] =	ssyncadd.s32 $0xFFFFE000  }
0x20c: {  	[spmem:s12] =	stream.indirect.scatter.add.f32 [tilespmem:s9], [sflag:$0x7], $0x80, s24, s3, $0xb8;
	v63 =	vld [tilespmem:$0x0]  }
0x20d: {  	_ =	swait.ge [sflag:s0], $0x2000  }
0x20e: {  	[sflag:s0] =	ssyncset.done $0x0  }
0x20f: {  	s25 =	simm.s32 $0x16C00;
	[sflag:s0] =	ssyncadd.s32 $0xFFFFE000  }
0x210: {  	[tilespmem:s9], [sflag:$0x1] =	stream.indirect.gather [hbm4b:s14+s3], $0x80, s25, s3, $0xb8;
	v63 =	vld [tilespmem:$0x0]  }
0x211: {  	_ =	swait.ge [sflag:s2], $0x2000  }
0x212: {  	[sflag:s2] =	ssyncset.done $0x0  }
0x213: {  	s24 =	simm.s32 $0x16980;
	[sflag:s2] =	ssyncadd.s32 $0xFFFFE000  }
0x214: {  	[spmem:s12] =	stream.indirect.scatter.add.f32 [tilespmem:s4], [sflag:$0x7], $0x80, s24, s3, $0xb8;
	v63 =	vld [tilespmem:$0x0]  }
0x215: {  	_ =	swait.ge [sflag:s0], $0x2000  }
0x216: {  	[sflag:s0] =	ssyncset.done $0x0  }
0x217: {  	s25 =	simm.s32 $0x16D00;
	[sflag:s0] =	ssyncadd.s32 $0xFFFFE000  }
0x218: {  	[tilespmem:s4], [sflag:$0x2] =	stream.indirect.gather [hbm4b:s14+s3], $0x80, s25, s3, $0xb8;
	v63 =	vld [tilespmem:$0x0]  }
0x219: {  	_ =	swait.ge [sflag:s30], $0x2000  }
0x21a: {  	[sflag:s30] =	ssyncset.done $0x0  }
0x21b: {  	s24 =	simm.s32 $0x16A80;
	[sflag:s30] =	ssyncadd.s32 $0xFFFFE000  }
0x21c: {  	[spmem:s12] =	stream.indirect.scatter.add.f32 [tilespmem:s6], [sflag:$0x7], $0x80, s24, s3, $0xb8;
	v63 =	vld [tilespmem:$0x0]  }
0x21d: {  	_ =	swait.ge [sflag:s0], $0x2000  }
0x21e: {  	[sflag:s0] =	ssyncset.done $0x0  }
0x21f: {  	s25 =	simm.s32 $0x16E00;
	[sflag:s0] =	ssyncadd.s32 $0xFFFFE000  }
0x220: {  	[tilespmem:s6], [sflag:$0x3] =	stream.indirect.gather [hbm4b:s14+s3], $0x80, s25, s3, $0xb8;
	v63 =	vld [tilespmem:$0x0]  }
0x221: {  	_ =	swait.ge [sflag:s19], $0x2000  }
0x222: {  	[sflag:s19] =	ssyncset.done $0x0  }
0x223: {  	s24 =	simm.s32 $0x16B80;
	[sflag:s19] =	ssyncadd.s32 $0xFFFFE000  }
0x224: {  	[spmem:s12] =	stream.indirect.scatter.add.f32 [tilespmem:s8], [sflag:$0x7], $0x80, s24, s3, $0xb8;
	v63 =	vld [tilespmem:$0x0]  }
0x225: {  	_ =	swait.ge [sflag:s0], $0x2000  }
0x226: {  	[sflag:s0] =	ssyncset.done $0x0  }
0x227: {  	s25 =	simm.s32 $0x16F00;
	[sflag:s0] =	ssyncadd.s32 $0xFFFFE000  }
0x228: {  	[tilespmem:s8], [sflag:$0x4] =	stream.indirect.gather [hbm4b:s14+s3], $0x80, s25, s3, $0xb8;
	v63 =	vld [tilespmem:$0x0]  }
0x229: {  	_ =	swait.ge [sflag:s11], $0x2000  }
0x22a: {  	[sflag:s11] =	ssyncset.done $0x0  }
0x22b: {  	s24 =	simm.s32 $0x16C80;
	[sflag:s11] =	ssyncadd.s32 $0xFFFFE000  }
0x22c: {  	[spmem:s12] =	stream.indirect.scatter.add.f32 [tilespmem:s9], [sflag:$0x7], $0x80, s24, s3, $0xb8;
	v63 =	vld [tilespmem:$0x0]  }
0x22d: {  	_ =	swait.ge [sflag:s0], $0x2000  }
0x22e: {  	[sflag:s0] =	ssyncset.done $0x0  }
0x22f: {  	s25 =	simm.s32 $0x17000;
	[sflag:s0] =	ssyncadd.s32 $0xFFFFE000  }
0x230: {  	[tilespmem:s9], [sflag:$0x1] =	stream.indirect.gather [hbm4b:s14+s3], $0x80, s25, s3, $0xb8;
	v63 =	vld [tilespmem:$0x0]  }
0x231: {  	_ =	swait.ge [sflag:s2], $0x2000  }
0x232: {  	[sflag:s2] =	ssyncset.done $0x0  }
0x233: {  	s24 =	simm.s32 $0x16D80;
	[sflag:s2] =	ssyncadd.s32 $0xFFFFE000  }
0x234: {  	[spmem:s12] =	stream.indirect.scatter.add.f32 [tilespmem:s4], [sflag:$0x7], $0x80, s24, s3, $0xb8;
	v63 =	vld [tilespmem:$0x0]  }
0x235: {  	_ =	swait.ge [sflag:s0], $0x2000  }
0x236: {  	[sflag:s0] =	ssyncset.done $0x0  }
0x237: {  	s25 =	simm.s32 $0x17100;
	[sflag:s0] =	ssyncadd.s32 $0xFFFFE000  }
0x238: {  	[tilespmem:s4], [sflag:$0x2] =	stream.indirect.gather [hbm4b:s14+s3], $0x80, s25, s3, $0xb8;
	v63 =	vld [tilespmem:$0x0]  }
0x239: {  	_ =	swait.ge [sflag:s30], $0x2000  }
0x23a: {  	[sflag:s30] =	ssyncset.done $0x0  }
0x23b: {  	s24 =	simm.s32 $0x16E80;
	[sflag:s30] =	ssyncadd.s32 $0xFFFFE000  }
0x23c: {  	[spmem:s12] =	stream.indirect.scatter.add.f32 [tilespmem:s6], [sflag:$0x7], $0x80, s24, s3, $0xb8;
	v63 =	vld [tilespmem:$0x0]  }
0x23d: {  	_ =	swait.ge [sflag:s0], $0x2000  }
0x23e: {  	[sflag:s0] =	ssyncset.done $0x0  }
0x23f: {  	s25 =	simm.s32 $0x17200;
	[sflag:s0] =	ssyncadd.s32 $0xFFFFE000  }
0x240: {  	[tilespmem:s6], [sflag:$0x3] =	stream.indirect.gather [hbm4b:s14+s3], $0x80, s25, s3, $0xb8;
	v63 =	vld [tilespmem:$0x0]  }
0x241: {  	_ =	swait.ge [sflag:s19], $0x2000  }
0x242: {  	[sflag:s19] =	ssyncset.done $0x0  }
0x243: {  	s24 =	simm.s32 $0x16F80;
	[sflag:s19] =	ssyncadd.s32 $0xFFFFE000  }
0x244: {  	[spmem:s12] =	stream.indirect.scatter.add.f32 [tilespmem:s8], [sflag:$0x7], $0x80, s24, s3, $0xb8;
	v63 =	vld [tilespmem:$0x0]  }
0x245: {  	_ =	swait.ge [sflag:s0], $0x2000  }
0x246: {  	[sflag:s0] =	ssyncset.done $0x0  }
0x247: {  	s25 =	simm.s32 $0x17300;
	[sflag:s0] =	ssyncadd.s32 $0xFFFFE000  }
0x248: {  	[tilespmem:s8], [sflag:$0x4] =	stream.indirect.gather [hbm4b:s14+s3], $0x80, s25, s3, $0xb8;
	v63 =	vld [tilespmem:$0x0]  }
0x249: {  	_ =	swait.ge [sflag:s11], $0x2000  }
0x24a: {  	[sflag:s11] =	ssyncset.done $0x0  }
0x24b: {  	s24 =	simm.s32 $0x17080;
	[sflag:s11] =	ssyncadd.s32 $0xFFFFE000  }
0x24c: {  	[spmem:s12] =	stream.indirect.scatter.add.f32 [tilespmem:s9], [sflag:$0x7], $0x80, s24, s3, $0xb8;
	v63 =	vld [tilespmem:$0x0]  }
0x24d: {  	_ =	swait.ge [sflag:s0], $0x2000  }
0x24e: {  	[sflag:s0] =	ssyncset.done $0x0  }
0x24f: {  	s25 =	simm.s32 $0x17400;
	[sflag:s0] =	ssyncadd.s32 $0xFFFFE000  }
0x250: {  	[tilespmem:s9], [sflag:$0x1] =	stream.indirect.gather [hbm4b:s14+s3], $0x80, s25, s3, $0xb8;
	v63 =	vld [tilespmem:$0x0]  }
0x251: {  	_ =	swait.ge [sflag:s2], $0x2000  }
0x252: {  	[sflag:s2] =	ssyncset.done $0x0  }
0x253: {  	s24 =	simm.s32 $0x17180;
	[sflag:s2] =	ssyncadd.s32 $0xFFFFE000  }
0x254: {  	[spmem:s12] =	stream.indirect.scatter.add.f32 [tilespmem:s4], [sflag:$0x7], $0x80, s24, s3, $0xb8;
	v63 =	vld [tilespmem:$0x0]  }
0x255: {  	_ =	swait.ge [sflag:s0], $0x2000  }
0x256: {  	[sflag:s0] =	ssyncset.done $0x0  }
0x257: {  	s25 =	simm.s32 $0x17500;
	[sflag:s0] =	ssyncadd.s32 $0xFFFFE000  }
0x258: {  	[tilespmem:s4], [sflag:$0x2] =	stream.indirect.gather [hbm4b:s14+s3], $0x80, s25, s3, $0xb8;
	v63 =	vld [tilespmem:$0x0]  }
0x259: {  	_ =	swait.ge [sflag:s30], $0x2000  }
0x25a: {  	[sflag:s30] =	ssyncset.done $0x0  }
0x25b: {  	s24 =	simm.s32 $0x17280;
	[sflag:s30] =	ssyncadd.s32 $0xFFFFE000  }
0x25c: {  	[spmem:s12] =	stream.indirect.scatter.add.f32 [tilespmem:s6], [sflag:$0x7], $0x80, s24, s3, $0xb8;
	v63 =	vld [tilespmem:$0x0]  }
0x25d: {  	_ =	swait.ge [sflag:s0], $0x2000  }
0x25e: {  	[sflag:s0] =	ssyncset.done $0x0  }
0x25f: {  	s25 =	simm.s32 $0x17600;
	[sflag:s0] =	ssyncadd.s32 $0xFFFFE000  }
0x260: {  	[tilespmem:s6], [sflag:$0x3] =	stream.indirect.gather [hbm4b:s14+s3], $0x80, s25, s3, $0xb8;
	v63 =	vld [tilespmem:$0x0]  }
0x261: {  	_ =	swait.ge [sflag:s19], $0x2000  }
0x262: {  	[sflag:s19] =	ssyncset.done $0x0  }
0x263: {  	s24 =	simm.s32 $0x17380;
	[sflag:s19] =	ssyncadd.s32 $0xFFFFE000  }
0x264: {  	[spmem:s12] =	stream.indirect.scatter.add.f32 [tilespmem:s8], [sflag:$0x7], $0x80, s24, s3, $0xb8;
	v63 =	vld [tilespmem:$0x0]  }
0x265: {  	_ =	swait.ge [sflag:s0], $0x2000  }
0x266: {  	[sflag:s0] =	ssyncset.done $0x0  }
0x267: {  	s25 =	simm.s32 $0x17700;
	[sflag:s0] =	ssyncadd.s32 $0xFFFFE000  }
0x268: {  	[tilespmem:s8], [sflag:$0x4] =	stream.indirect.gather [hbm4b:s14+s3], $0x80, s25, s3, $0xb8;
	v63 =	vld [tilespmem:$0x0]  }
0x269: {  	_ =	swait.ge [sflag:s11], $0x2000  }
0x26a: {  	[sflag:s11] =	ssyncset.done $0x0  }
0x26b: {  	s24 =	simm.s32 $0x17480;
	[sflag:s11] =	ssyncadd.s32 $0xFFFFE000  }
0x26c: {  	[spmem:s12] =	stream.indirect.scatter.add.f32 [tilespmem:s9], [sflag:$0x7], $0x80, s24, s3, $0xb8;
	v63 =	vld [tilespmem:$0x0]  }
0x26d: {  	_ =	swait.ge [sflag:s0], $0x2000  }
0x26e: {  	[sflag:s0] =	ssyncset.done $0x0  }
0x26f: {  	s25 =	simm.s32 $0x17800;
	[sflag:s0] =	ssyncadd.s32 $0xFFFFE000  }
0x270: {  	[tilespmem:s9], [sflag:$0x1] =	stream.indirect.gather [hbm4b:s14+s3], $0x80, s25, s3, $0xb8;
	v63 =	vld [tilespmem:$0x0]  }
0x271: {  	_ =	swait.ge [sflag:s2], $0x2000  }
0x272: {  	[sflag:s2] =	ssyncset.done $0x0  }
0x273: {  	s24 =	simm.s32 $0x17580;
	[sflag:s2] =	ssyncadd.s32 $0xFFFFE000  }
0x274: {  	[spmem:s12] =	stream.indirect.scatter.add.f32 [tilespmem:s4], [sflag:$0x7], $0x80, s24, s3, $0xb8;
	v63 =	vld [tilespmem:$0x0]  }
0x275: {  	_ =	swait.ge [sflag:s0], $0x2000  }
0x276: {  	[sflag:s0] =	ssyncset.done $0x0  }
0x277: {  	s25 =	simm.s32 $0x17900;
	[sflag:s0] =	ssyncadd.s32 $0xFFFFE000  }
0x278: {  	[tilespmem:s4], [sflag:$0x2] =	stream.indirect.gather [hbm4b:s14+s3], $0x80, s25, s3, $0xb8;
	v63 =	vld [tilespmem:$0x0]  }
0x279: {  	_ =	swait.ge [sflag:s30], $0x2000  }
0x27a: {  	[sflag:s30] =	ssyncset.done $0x0  }
0x27b: {  	s24 =	simm.s32 $0x17680;
	[sflag:s30] =	ssyncadd.s32 $0xFFFFE000  }
0x27c: {  	[spmem:s12] =	stream.indirect.scatter.add.f32 [tilespmem:s6], [sflag:$0x7], $0x80, s24, s3, $0xb8;
	v63 =	vld [tilespmem:$0x0]  }
0x27d: {  	_ =	swait.ge [sflag:s0], $0x2000  }
0x27e: {  	[sflag:s0] =	ssyncset.done $0x0  }
0x27f: {  	s25 =	simm.s32 $0x17A00;
	[sflag:s0] =	ssyncadd.s32 $0xFFFFE000  }
0x280: {  	[tilespmem:s6], [sflag:$0x3] =	stream.indirect.gather [hbm4b:s14+s3], $0x80, s25, s3, $0xb8;
	v63 =	vld [tilespmem:$0x0]  }
0x281: {  	_ =	swait.ge [sflag:s19], $0x2000  }
0x282: {  	[sflag:s19] =	ssyncset.done $0x0  }
0x283: {  	s24 =	simm.s32 $0x17780;
	[sflag:s19] =	ssyncadd.s32 $0xFFFFE000  }
0x284: {  	[spmem:s12] =	stream.indirect.scatter.add.f32 [tilespmem:s8], [sflag:$0x7], $0x80, s24, s3, $0xb8;
	v63 =	vld [tilespmem:$0x0]  }
0x285: {  	_ =	swait.ge [sflag:s0], $0x2000  }
0x286: {  	[sflag:s0] =	ssyncset.done $0x0  }
0x287: {  	s25 =	simm.s32 $0x17B00;
	[sflag:s0] =	ssyncadd.s32 $0xFFFFE000  }
0x288: {  	[tilespmem:s8], [sflag:$0x4] =	stream.indirect.gather [hbm4b:s14+s3], $0x80, s25, s3, $0xb8;
	v63 =	vld [tilespmem:$0x0]  }
0x289: {  	_ =	swait.ge [sflag:s11], $0x2000  }
0x28a: {  	[sflag:s11] =	ssyncset.done $0x0  }
0x28b: {  	s24 =	simm.s32 $0x17880;
	[sflag:s11] =	ssyncadd.s32 $0xFFFFE000  }
0x28c: {  	[spmem:s12] =	stream.indirect.scatter.add.f32 [tilespmem:s9], [sflag:$0x7], $0x80, s24, s3, $0xb8;
	v63 =	vld [tilespmem:$0x0]  }
0x28d: {  	_ =	swait.ge [sflag:s0], $0x2000  }
0x28e: {  	[sflag:s0] =	ssyncset.done $0x0  }
0x28f: {  	s25 =	simm.s32 $0x17C00;
	[sflag:s0] =	ssyncadd.s32 $0xFFFFE000  }
0x290: {  	[tilespmem:s9], [sflag:$0x1] =	stream.indirect.gather [hbm4b:s14+s3], $0x80, s25, s3, $0xb8;
	v63 =	vld [tilespmem:$0x0]  }
0x291: {  	_ =	swait.ge [sflag:s2], $0x2000  }
0x292: {  	[sflag:s2] =	ssyncset.done $0x0  }
0x293: {  	s24 =	simm.s32 $0x17980;
	[sflag:s2] =	ssyncadd.s32 $0xFFFFE000  }
0x294: {  	[spmem:s12] =	stream.indirect.scatter.add.f32 [tilespmem:s4], [sflag:$0x7], $0x80, s24, s3, $0xb8;
	v63 =	vld [tilespmem:$0x0]  }
0x295: {  	_ =	swait.ge [sflag:s0], $0x2000  }
0x296: {  	[sflag:s0] =	ssyncset.done $0x0  }
0x297: {  	s25 =	simm.s32 $0x17D00;
	[sflag:s0] =	ssyncadd.s32 $0xFFFFE000  }
0x298: {  	[tilespmem:s4], [sflag:$0x2] =	stream.indirect.gather [hbm4b:s14+s3], $0x80, s25, s3, $0xb8;
	v63 =	vld [tilespmem:$0x0]  }
0x299: {  	_ =	swait.ge [sflag:s30], $0x2000  }
0x29a: {  	[sflag:s30] =	ssyncset.done $0x0  }
0x29b: {  	s24 =	simm.s32 $0x17A80;
	[sflag:s30] =	ssyncadd.s32 $0xFFFFE000  }
0x29c: {  	[spmem:s12] =	stream.indirect.scatter.add.f32 [tilespmem:s6], [sflag:$0x7], $0x80, s24, s3, $0xb8;
	v63 =	vld [tilespmem:$0x0]  }
0x29d: {  	_ =	swait.ge [sflag:s0], $0x2000  }
0x29e: {  	[sflag:s0] =	ssyncset.done $0x0  }
0x29f: {  	s25 =	simm.s32 $0x17E00;
	[sflag:s0] =	ssyncadd.s32 $0xFFFFE000  }
0x2a0: {  	[tilespmem:s6], [sflag:$0x3] =	stream.indirect.gather [hbm4b:s14+s3], $0x80, s25, s3, $0xb8;
	v63 =	vld [tilespmem:$0x0]  }
0x2a1: {  	_ =	swait.ge [sflag:s19], $0x2000  }
0x2a2: {  	[sflag:s19] =	ssyncset.done $0x0  }
0x2a3: {  	s24 =	simm.s32 $0x17B80;
	[sflag:s19] =	ssyncadd.s32 $0xFFFFE000  }
0x2a4: {  	[spmem:s12] =	stream.indirect.scatter.add.f32 [tilespmem:s8], [sflag:$0x7], $0x80, s24, s3, $0xb8;
	v63 =	vld [tilespmem:$0x0]  }
0x2a5: {  	_ =	swait.ge [sflag:s0], $0x2000  }
0x2a6: {  	[sflag:s0] =	ssyncset.done $0x0  }
0x2a7: {  	s25 =	simm.s32 $0x17F00;
	[sflag:s0] =	ssyncadd.s32 $0xFFFFE000  }
0x2a8: {  	[tilespmem:s8], [sflag:$0x4] =	stream.indirect.gather [hbm4b:s14+s3], $0x80, s25, s3, $0xb8;
	v63 =	vld [tilespmem:$0x0]  }
0x2a9: {  	_ =	swait.ge [sflag:s11], $0x2000  }
0x2aa: {  	[sflag:s11] =	ssyncset.done $0x0  }
0x2ab: {  	[sflag:s11] =	ssyncadd.s32 $0xFFFFE000  }
0x2ac: {  	[spmem:s12] =	stream.indirect.scatter.add.f32 [tilespmem:s9], [sflag:$0x7], $0x80, s17, s3, $0xb8;
	v63 =	vld [tilespmem:$0x0]  }
0x2ad: {  	_ =	swait.ge [sflag:s0], $0x2000  }
0x2ae: {  	[sflag:s0] =	ssyncset.done $0x0  }
0x2af: {  	s24 =	simm.s32 @p0 $0x2;
	[sflag:s0] =	ssyncadd.s32 $0xFFFFE000  }
0x2b0: {  	_ =	swait.ge @p0 [sflag:s24], $0x2000  }
0x2b1: {  	s5 =	simm.s32 @p0 $0x1A000;
	[sflag:s24] =	ssyncset.done @p0 $0x0  }
0x2b2: {  	s25 =	simm.s32 @p0 $0x17D80;
	[sflag:s24] =	ssyncadd.s32 @p0 $0xFFFFE000;
	s24 =	simm.s32 @p0 $0x40  }
0x2b3: {  	[spmem:s12] =	stream.indirect.scatter.add.f32 @p0 [tilespmem:s5], [sflag:$0x7], $0x80, s25, s24, $0xb8;
	v63 =	vld [tilespmem:$0x0]  }
0x2b4: {  	s5 =	simm.s32 @p0 $0x7  }
0x2b5: {  	_ =	swait.ge @p0 [sflag:s5], $0x2000  }
0x2b6: {  	[sflag:s5] =	ssyncset.done @p0 $0x0  }
0x2b7: {  	[sflag:s5] =	ssyncadd.s32 @p0 $0xFFFFE000;
	s5 =	simm.s32 @!p0 $0x5  }
0x2b8: {  	_ =	swait.ge @!p0 [sflag:s5], $0x2000  }
0x2b9: {  	[sflag:s5] =	ssyncset.done @!p0 $0x0  }
0x2ba: {  	s24 =	simm.s32 @!p0 $0x18000;
	[sflag:s5] =	ssyncadd.s32 @!p0 $0xFFFFE000;
	s5 =	simm.s32 @!p0 $0x40  }
0x2bb: {  	[tilespmem:s24], [sflag:$0x1] =	stream.indirect.gather @!p0 [hbm4b:s14+s5], $0x80, s23, s5, $0xb8;
	v63 =	vld [tilespmem:$0x0]  }
0x2bc: {  	s23 =	simm.s32 @!p0 $0x2  }
0x2bd: {  	_ =	swait.ge @!p0 [sflag:s23], $0x2000  }
0x2be: {  	[sflag:s23] =	ssyncset.done @!p0 $0x0  }
0x2bf: {  	s24 =	simm.s32 @!p0 $0x1A000;
	[sflag:s23] =	ssyncadd.s32 @!p0 $0xFFFFE000;
	s23 =	simm.s32 @!p0 $0x17D80  }
0x2c0: {  	[spmem:s12] =	stream.indirect.scatter.add.f32 @!p0 [tilespmem:s24], [sflag:$0x7], $0x80, s23, s5, $0xb8;
	v63 =	vld [tilespmem:$0x0]  }
0x2c1: {  	s23 =	simm.s32 @!p0 $0x7  }
0x2c2: {  	_ =	swait.ge @!p0 [sflag:s23], $0x2000  }
0x2c3: {  	[sflag:s23] =	ssyncset.done @!p0 $0x0  }
0x2c4: {  	[sflag:s23] =	ssyncadd.s32 @!p0 $0xFFFFE000;
	s23 =	simm.s32 @!p0 $0x14100  }
0x2c5: {  	[tilespmem:s24], [sflag:$0x2] =	stream.indirect.gather @!p0 [hbm4b:s14+s5], $0x80, s23, s5, $0xb8;
	v63 =	vld [tilespmem:$0x0]  }
0x2c6: {  	_ =	swait.ge [sflag:s30], $0x2000  }
0x2c7: {  	[sflag:s30] =	ssyncset.done $0x0  }
.Ltmp2:
0x2c8: {  	[sflag:s30] =	ssyncadd.s32 $0xFFFFE000;
	(pc) =	sbr.rel @p0 .LBB2_4-.Ltmp2, $4  }
0x2c9: {  	[spmem:s12] =	stream.indirect.scatter.add.f32 [tilespmem:s6], [sflag:$0x7], $0x80, s18, s3, $0xb8;
	v63 =	vld [tilespmem:$0x0]  }
0x2ca: {  	_ =	swait.ge [sflag:s0], $0x2000  }
0x2cb: {  	[sflag:s0] =	ssyncset.done $0x0  }
0x2cc: {  	[sflag:s0] =	ssyncadd.s32 $0xFFFFE000  }
0x2cd: {  	[tilespmem:s6], [sflag:$0x3] =	stream.indirect.gather [hbm4b:s14+s3], $0x80, s29, s3, $0xb8;
	v63 =	vld [tilespmem:$0x0]  }
0x2ce: {  	_ =	swait.ge [sflag:s19], $0x2000  }
0x2cf: {  	[sflag:s19] =	ssyncset.done $0x0  }
0x2d0: {  	[sflag:s19] =	ssyncadd.s32 $0xFFFFE000  }
0x2d1: {  	[spmem:s12] =	stream.indirect.scatter.add.f32 [tilespmem:s8], [sflag:$0x7], $0x80, s20, s3, $0xb8;
	v63 =	vld [tilespmem:$0x0]  }
.Ltmp3:
0x2d2: {  	_ = 	snop;
	(pc) =	sbr.rel .LBB2_2-.Ltmp3, $4  }
0x2d3: {  	_ =	swait.ge [sflag:s0], $0x2000  }
0x2d4: {  	[sflag:s0] =	ssyncset.done $0x0  }
0x2d5: {  	s22 =	sadd.s32 $0x800, s22;
	s21 =	sadd.s32 $0x4000, s21;
	[sflag:s0] =	ssyncadd.s32 $0xFFFFE000  }
0x2d6: {  	[tilespmem:s8], [sflag:$0x4] =	stream.indirect.gather [hbm4b:s14+s3], $0x80, s13, s3, $0xb8;
	v63 =	vld [tilespmem:$0x0]  }
.LBB2_5:
0x2d7: {  	_ =	sfence.sel $0x180000  }
0x2d8: {  	[bflag:$0x0] =	sbarrier.arrive $0xFFFF  }
0x2d9: {  	_ =	strace $0x9000004A  }
0x2da: {  	s0 =	stileid.u32;
	[bflag:$0x2] =	sbarrier.arrive $0xFFFF  }
0x2db: {  	p0 =	sne.s32 s0, $0x0;
	s0 =	rddreg [dreg:$0x2]  }
0x2dc: {  	s0 =	sadd.s32 @!p0 $0x100000, s0  }
0x2dd: {  	[sflag:s0] =	ssyncadd.tile.s32 @!p0 $0x1;
	_ =	shalt  }
.Lfunc_end2:
_tile_overlayer_lowered:
.L_overlay_start_2:
0x2de: {  	(tag) =	ssettag $0x2  }
0x2df: {  	s0 =	rddreg [dreg:$0x0];
	s2 =	stileid.u32  }
0x2e0: {  	s1 =	rddreg [dreg:$0x1];
	p0 =	sne.s32 s2, $0x0  }
0x2e1: {  	s3 =	rddreg [dreg:$0x2];
	[bflag:$0x3] =	sbarrier.arrive $0xFFFF;
	s2 =	simm.s32 @!p0 $0x1C07  }
0x2e2: {  	[timem:s3], [sflag:s2] =	dma.local @!p0 [hbm:s0], s1  }
0x2e3: {  	s0 =	simm.s32 @!p0 $0x7  }
0x2e4: {  	_ =	swait.ge @!p0 [sflag:s0], s1  }
0x2e5: {  	s1 =	ssub.s32 @!p0 $0x0, s1;
	[sflag:s0] =	ssyncset.done @!p0 $0x0  }
0x2e6: {  	[sflag:s0] =	ssyncadd.s32 @!p0 s1  }
0x2e7: {  	[bflag:$0x3] =	sbarrier.arrive $0xFFFF  }
0x2e8: {  	_ =	shalt  }

</sc_bundles>
